<compile_context>
chip_gen: v7x
topology: tpu7x:2x2x1
jax: 0.10.2.dev20260603
libtpu: 0.0.44.dev20260713+nightly
codegen_flags: <defaults>
</compile_context>

<pallas_src>
import functools

import jax
import jax.numpy as jnp
from jax import lax
from jax.experimental import pallas as pl
from jax.experimental.pallas import tpu as pltpu
from jax.experimental.pallas import tpu_sc as plsc

N = 10000
E = 320000
D = 128
CHUNK = 80
N_ACC = 10240
STRIPE = N_ACC // 16


def _proj_body(x_ref, w_ref, a_ref, h_ref, at_ref):
    h = jnp.dot(x_ref[...], w_ref[...], preferred_element_type=jnp.float32)
    h_ref[...] = h
    at_ref[...] = jnp.dot(h, a_ref[...], preferred_element_type=jnp.float32)


def _project(x, W, A):
    B = 1000
    return pl.pallas_call(
        _proj_body,
        grid=(N // B,),
        in_specs=[
            pl.BlockSpec((B, D), lambda i: (i, 0)),
            pl.BlockSpec((D, D), lambda i: (0, 0)),
            pl.BlockSpec((D, 16), lambda i: (0, 0)),
        ],
        out_specs=[
            pl.BlockSpec((B, D), lambda i: (i, 0)),
            pl.BlockSpec((B, 16), lambda i: (i, 0)),
        ],
        out_shape=[
            jax.ShapeDtypeStruct((N, D), jnp.float32),
            jax.ShapeDtypeStruct((N, 16), jnp.float32),
        ],
    )(x, W, A)


NCHUNK = E // 32 // CHUNK


def _sc_body(src_hbm, dst_hbm, at16_hbm, h_hbm,
             acc_out, s_out,
             srcv0, srcv1, dstv0, dstv1, sidx0, sidx1, ar0, ar1, br0, br1,
             rows0, rows1, wrows0, wrows1, wbuf, acc_sh, s_sh,
             isem, hsem, asem, bsem, ssem):
    c = lax.axis_index("c")
    s = lax.axis_index("s")
    wid = c * 16 + s
    ebase = wid * (E // 32)

    SRC = (srcv0, srcv1)
    DST = (dstv0, dstv1)
    SIDX = (sidx0, sidx1)
    AR = (ar0, ar1)
    BR = (br0, br1)
    ROWS = (rows0, rows1)
    WROWS = (wrows0, wrows1)

    zero16 = jnp.zeros((16,), jnp.float32)

    def _zrow(r, carry):
        for q in range(D // 16):
            rows0[r, pl.ds(q * 16, 16)] = zero16
        wrows0[r, :] = zero16
        return carry

    lax.fori_loop(0, CHUNK, _zrow, 0)

    base = s * STRIPE
    for t in range(STRIPE // CHUNK):
        pltpu.sync_copy(rows0, acc_sh.at[pl.ds(base + t * CHUNK, CHUNK)])
        pltpu.sync_copy(wrows0, s_sh.at[pl.ds(base + t * CHUNK, CHUNK)])
    plsc.subcore_barrier()

    lane = jnp.arange(16, dtype=jnp.int32)
    col0 = jnp.zeros((16,), jnp.int32)
    col1 = col0 + 1

    def issue_idx(j, bb):
        off = pl.multiple_of(ebase + j * CHUNK, CHUNK)
        pltpu.async_copy(src_hbm.at[pl.ds(off, CHUNK)], SRC[bb], isem.at[bb])
        pltpu.async_copy(dst_hbm.at[pl.ds(off, CHUNK)], DST[bb], isem.at[bb])

    def wait_idx(bb):
        pltpu.make_async_copy(src_hbm.at[pl.ds(0, CHUNK)], SRC[bb], isem.at[bb]).wait()
        pltpu.make_async_copy(dst_hbm.at[pl.ds(0, CHUNK)], DST[bb], isem.at[bb]).wait()

    def issue_gathers(bb):
        pltpu.async_copy(h_hbm.at[SRC[bb]], ROWS[bb], hsem.at[bb])
        pltpu.async_copy(at16_hbm.at[SRC[bb]], AR[bb], asem.at[bb])
        pltpu.async_copy(at16_hbm.at[DST[bb]], BR[bb], bsem.at[bb])

    def wait_gathers(bb):
        pltpu.make_async_copy(h_hbm.at[SRC[bb]], ROWS[bb], hsem.at[bb]).wait()
        pltpu.make_async_copy(at16_hbm.at[SRC[bb]], AR[bb], asem.at[bb]).wait()
        pltpu.make_async_copy(at16_hbm.at[DST[bb]], BR[bb], bsem.at[bb]).wait()

    def issue_scatter(bb):
        pltpu.async_copy(WROWS[bb], s_sh.at[SIDX[bb]], ssem.at[bb], add=True)
        pltpu.async_copy(ROWS[bb], acc_sh.at[SIDX[bb]], ssem.at[bb], add=True)

    def wait_scatter(bb):
        pltpu.make_async_copy(WROWS[bb], s_sh.at[SIDX[bb]], ssem.at[bb]).wait()
        pltpu.make_async_copy(ROWS[bb], acc_sh.at[SIDX[bb]], ssem.at[bb]).wait()

    def compute(bb):
        for i in range(CHUNK // 16):
            a16 = plsc.load_gather(AR[bb], [lane + i * 16, col0])
            b16 = plsc.load_gather(BR[bb], [lane + i * 16, col1])
            e = a16 + b16
            e = jnp.where(e >= 0.0, e, 0.2 * e)
            wv = jnp.exp(e)
            wbuf[pl.ds(i * 16, 16)] = wv
            plsc.store_scatter(WROWS[bb], [lane + i * 16, col0], wv)
            SIDX[bb][pl.ds(i * 16, 16)] = DST[bb][pl.ds(i * 16, 16)]

        rbuf = ROWS[bb]

        @plsc.parallel_loop(0, CHUNK, 1, unroll=4)
        def _scale(r):
            wr = wbuf[pl.ds(r, 16)][0]
            for q in range(D // 16):
                rbuf[r, pl.ds(q * 16, 16)] = rbuf[r, pl.ds(q * 16, 16)] * wr

    def step(j, bb, first=False, prefetch=True, idx=True):
        if prefetch:
            wait_idx(1 - bb)
            if not first:
                wait_scatter(1 - bb)
            issue_gathers(1 - bb)
        wait_gathers(bb)
        compute(bb)
        issue_scatter(bb)
        if idx:
            issue_idx(j + 2, bb)

    off0 = pl.multiple_of(ebase, CHUNK)
    pltpu.sync_copy(src_hbm.at[pl.ds(off0, CHUNK)], srcv0)
    pltpu.sync_copy(dst_hbm.at[pl.ds(off0, CHUNK)], dstv0)
    issue_gathers(0)
    issue_idx(jnp.int32(1), 1)

    step(jnp.int32(0), 0, first=True)

    def _pair_loop(k, carry):
        step(2 * k + 1, 1)
        step(2 * k + 2, 0)
        return carry

    lax.fori_loop(0, (NCHUNK - 3) // 2, _pair_loop, 0)
    step(jnp.int32(NCHUNK - 2), 1, idx=False)
    step(jnp.int32(NCHUNK - 1), 0, prefetch=False, idx=False)
    wait_scatter(1)
    wait_scatter(0)
    plsc.subcore_barrier()

    pltpu.sync_copy(acc_sh.at[pl.ds(base, STRIPE)], acc_out.at[c, pl.ds(base, STRIPE)])
    pltpu.sync_copy(s_sh.at[pl.ds(base, STRIPE)], s_out.at[c, pl.ds(base, STRIPE)])


def _sc_edge_pass(src1d, dst1d, at16, h):
    mesh = plsc.VectorSubcoreMesh(core_axis_name="c", subcore_axis_name="s")
    fn = functools.partial(
        pl.kernel,
        mesh=mesh,
        compiler_params=pltpu.CompilerParams(
            needs_layout_passes=False, use_tc_tiling_on_sc=False),
        out_type=[
            jax.ShapeDtypeStruct((2, N_ACC, D), jnp.float32),
            jax.ShapeDtypeStruct((2, N_ACC, 16), jnp.float32),
        ],
        scratch_types=[
            pltpu.VMEM((CHUNK,), jnp.int32),
            pltpu.VMEM((CHUNK,), jnp.int32),
            pltpu.VMEM((CHUNK,), jnp.int32),
            pltpu.VMEM((CHUNK,), jnp.int32),
            pltpu.VMEM((CHUNK,), jnp.int32),
            pltpu.VMEM((CHUNK,), jnp.int32),
            pltpu.VMEM((CHUNK, 16), jnp.float32),
            pltpu.VMEM((CHUNK, 16), jnp.float32),
            pltpu.VMEM((CHUNK, 16), jnp.float32),
            pltpu.VMEM((CHUNK, 16), jnp.float32),
            pltpu.VMEM((CHUNK, D), jnp.float32),
            pltpu.VMEM((CHUNK, D), jnp.float32),
            pltpu.VMEM((CHUNK, 16), jnp.float32),
            pltpu.VMEM((CHUNK, 16), jnp.float32),
            pltpu.VMEM((CHUNK + 16,), jnp.float32),
            pltpu.VMEM_SHARED((N_ACC, D), jnp.float32),
            pltpu.VMEM_SHARED((N_ACC, 16), jnp.float32),
            pltpu.SemaphoreType.DMA((2,)),
            pltpu.SemaphoreType.DMA((2,)),
            pltpu.SemaphoreType.DMA((2,)),
            pltpu.SemaphoreType.DMA((2,)),
            pltpu.SemaphoreType.DMA((2,)),
        ],
    )(_sc_body)
    return fn(src1d, dst1d, at16, h)


def _epi_body(acc_ref, s_ref, h_ref, at_ref, bias_ref, gamma_ref, beta_ref,
              out_ref):
    es = at_ref[:, 0:1] + at_ref[:, 1:2]
    es = jnp.where(es >= 0.0, es, 0.2 * es)
    ws = jnp.exp(es)
    stot = s_ref[0, :, 0:1] + s_ref[1, :, 0:1] + ws + 1e-16
    num = acc_ref[0] + acc_ref[1] + ws * h_ref[...]
    o = num / stot + bias_ref[...]
    mu = jnp.mean(o, axis=1, keepdims=True)
    d = o - mu
    var = jnp.mean(d * d, axis=1, keepdims=True)
    o = d * lax.rsqrt(var + 1e-5) * gamma_ref[...] + beta_ref[...]
    out_ref[...] = jnp.maximum(o, 0.0)


def _epilogue(acc2, s2, h, at16, bias, gamma, beta):
    B = 1000
    return pl.pallas_call(
        _epi_body,
        grid=(N // B,),
        in_specs=[
            pl.BlockSpec((2, B, D), lambda i: (0, i, 0)),
            pl.BlockSpec((2, B, 16), lambda i: (0, i, 0)),
            pl.BlockSpec((B, D), lambda i: (i, 0)),
            pl.BlockSpec((B, 16), lambda i: (i, 0)),
            pl.BlockSpec((1, D), lambda i: (0, 0)),
            pl.BlockSpec((1, D), lambda i: (0, 0)),
            pl.BlockSpec((1, D), lambda i: (0, 0)),
        ],
        out_specs=pl.BlockSpec((B, D), lambda i: (i, 0)),
        out_shape=jax.ShapeDtypeStruct((N, D), jnp.float32),
    )(acc2, s2, h, at16, bias, gamma, beta)


def kernel(x, edge_index, W, att_src, att_dst, bias, gamma, beta):
    ei = edge_index.astype(jnp.int32)
    src1d = ei[0]
    dst1d = ei[1]

    A = jnp.zeros((D, 16), jnp.float32)
    A = A.at[:, 0].set(att_src.reshape(-1))
    A = A.at[:, 1].set(att_dst.reshape(-1))

    h, at16 = _project(x, W, A)

    acc2, s2 = _sc_edge_pass(src1d, dst1d, at16, h)

    return _epilogue(acc2, s2, h, at16,
                     bias.reshape(1, D), gamma.reshape(1, D),
                     beta.reshape(1, D))

# --- scband reference (transcript-rebuilt; emitter-appended) ---
"""Pipeline reference for scband-gat-block-24730421690786 (READ-ONLY COPY).

The authoritative reference and input builder live on the scoring server;
editing this copy changes nothing except your own understanding.
"""

import jax, jax.numpy as jnp
import numpy as np

N = 10000
E = 320000
D_IN = 128
HEADS = 1
D_OUT = 128


def setup_inputs(seed: int = 0) -> dict:
    key = jax.random.key(seed)
    ks = jax.random.split(key, 8)
    x = jax.random.normal(ks[0], (N, D_IN), dtype=jnp.float32)
    edge_index = jax.random.randint(ks[1], (2, E), 0, N, dtype=jnp.int64)
    scale = 1.0 / np.sqrt(D_IN)
    W = jax.random.normal(ks[2], (D_IN, HEADS * D_OUT), dtype=jnp.float32) * scale
    att_src = jax.random.normal(ks[3], (1, HEADS, D_OUT), dtype=jnp.float32) * scale
    att_dst = jax.random.normal(ks[4], (1, HEADS, D_OUT), dtype=jnp.float32) * scale
    bias = jnp.zeros((HEADS * D_OUT,), dtype=jnp.float32)
    gamma = jnp.ones((HEADS * D_OUT,), dtype=jnp.float32)
    beta = jnp.zeros((HEADS * D_OUT,), dtype=jnp.float32)
    return {"x": x, "edge_index": edge_index, "W": W, "att_src": att_src, "att_dst": att_dst, "bias": bias, "gamma": gamma, "beta": beta}


def reference(x, edge_index, W, att_src, att_dst, bias, gamma, beta):
    n = x.shape[0]
    h_times_o = W.shape[1]
    heads = att_src.shape[1]
    d_out = h_times_o // heads
    # GATConv with add_self_loops=True (PyG default)
    loops = jnp.arange(n, dtype=edge_index.dtype)
    ei = jnp.concatenate([edge_index, jnp.stack([loops, loops])], axis=1)
    src, dst = ei[0], ei[1]
    h = (x @ W).reshape(n, heads, d_out)
    alpha_src = (h * att_src).sum(-1)  # [N, H]
    alpha_dst = (h * att_dst).sum(-1)  # [N, H]
    e = alpha_src[src] + alpha_dst[dst]  # [E', H]
    e = jax.nn.leaky_relu(e, negative_slope=0.2)
    # softmax over incoming edges per destination node
    m = jax.ops.segment_max(e, dst, num_segments=n)
    m = jnp.where(jnp.isneginf(m), 0.0, m)
    ex = jnp.exp(e - m[dst])
    s = jax.ops.segment_sum(ex, dst, num_segments=n)
    alpha = ex / (s[dst] + 1e-16)
    msg = h[src] * alpha[:, :, None]  # [E', H, O]
    out = jax.ops.segment_sum(msg, dst, num_segments=n).reshape(n, heads * d_out)
    out = out + bias
    # LayerNorm
    mu = out.mean(-1, keepdims=True)
    var = ((out - mu) ** 2).mean(-1, keepdims=True)
    out = (out - mu) / jnp.sqrt(var + 1e-5) * gamma + beta
    # activation
    out = jax.nn.relu(out)
    return out

if __name__ == "__main__":
    import jax
    _d = setup_inputs()
    print(jax.jit(kernel)(*tuple(_d.values())))

</pallas_src>

<mosaic_0001>
#map = affine_map<(d0, d1) -> (0)>
#map1 = affine_map<(d0, d1) -> (0, 0)>
#map2 = affine_map<(d0, d1) -> (0, 0, 0)>
module attributes {stable_mosaic.version = 14 : i64} {
  func.func @_sc_body(%arg0: i32, %arg1: i32, %arg2: memref<320000xi32, #tpu.memory_space<hbm>>, %arg3: memref<320000xi32, #tpu.memory_space<hbm>>, %arg4: memref<10000x16xf32, #tpu.memory_space<hbm>>, %arg5: memref<10000x128xf32, #tpu.memory_space<hbm>>, %arg6: memref<2x10240x128xf32, #tpu.memory_space<hbm>>, %arg7: memref<2x10240x16xf32, #tpu.memory_space<hbm>>, %arg8: memref<80xi32, #tpu.memory_space<vmem>>, %arg9: memref<80xi32, #tpu.memory_space<vmem>>, %arg10: memref<80xi32, #tpu.memory_space<vmem>>, %arg11: memref<80xi32, #tpu.memory_space<vmem>>, %arg12: memref<80xi32, #tpu.memory_space<vmem>>, %arg13: memref<80xi32, #tpu.memory_space<vmem>>, %arg14: memref<80x16xf32, #tpu.memory_space<vmem>>, %arg15: memref<80x16xf32, #tpu.memory_space<vmem>>, %arg16: memref<80x16xf32, #tpu.memory_space<vmem>>, %arg17: memref<80x16xf32, #tpu.memory_space<vmem>>, %arg18: memref<80x128xf32, #tpu.memory_space<vmem>>, %arg19: memref<80x128xf32, #tpu.memory_space<vmem>>, %arg20: memref<80x16xf32, #tpu.memory_space<vmem>>, %arg21: memref<80x16xf32, #tpu.memory_space<vmem>>, %arg22: memref<96xf32, #tpu.memory_space<vmem>>, %arg23: memref<10240x128xf32, #tpu.memory_space<vmem_shared>>, %arg24: memref<10240x16xf32, #tpu.memory_space<vmem_shared>>, %arg25: memref<2x!tpu.dma_semaphore, #tpu.memory_space<semaphore_mem>>, %arg26: memref<2x!tpu.dma_semaphore, #tpu.memory_space<semaphore_mem>>, %arg27: memref<2x!tpu.dma_semaphore, #tpu.memory_space<semaphore_mem>>, %arg28: memref<2x!tpu.dma_semaphore, #tpu.memory_space<semaphore_mem>>, %arg29: memref<2x!tpu.dma_semaphore, #tpu.memory_space<semaphore_mem>>) attributes {dimension_semantics = [#tpu.dimension_semantics<core_parallel>, #tpu.dimension_semantics<subcore_parallel>], iteration_bounds = array<i64: 2, 16>, scalar_prefetch = 0 : i64, scratch_operands = 22 : i64, tpu.core_type = #tpu.core_type<sc_vector_subcore>, window_params = [{transform_indices = #map}, {transform_indices = #map}, {transform_indices = #map1}, {transform_indices = #map1}, {transform_indices = #map2}, {transform_indices = #map2}]} {
    %mul3A = arith.constant 16 : i32
    %mul3A_0 = arith.muli %arg0, %mul3A : i32
    %add3A = arith.addi %mul3A_0, %arg1 : i32
    %mul3A_1 = arith.constant 10000 : i32
    %mul3A_2 = arith.muli %add3A, %mul3A_1 : i32
    %broadcast_in_dim3A = arith.constant 0.000000e+00 : f32
    %broadcast_in_dim3A_3 = vector.broadcast %broadcast_in_dim3A : f32 to vector<16xf32>
    %scan3A = arith.constant 0 : i32
    %scan3A_4 = arith.constant 0 : i32
    %scan3A_5 = arith.constant 80 : i32
    %scan3A_6 = arith.addi %scan3A_4, %scan3A_5 : i32
    %scan3A_7 = arith.constant 1 : i32
    scf.for %scan3A_685 = %scan3A_4 to %scan3A_6 step %scan3A_7  : i32 {
      %swap3A_686 = arith.index_cast %scan3A_685 : i32 to index
      %swap3A_687 = arith.constant 0 : index
      %swap3A_688 = tpu.vector_load %arg18[%swap3A_686, %swap3A_687] {strides = array<i32>} : memref<80x128xf32, #tpu.memory_space<vmem>>, vector<16xf32>,
      tpu.vector_store %arg18[%swap3A_686, %swap3A_687], %broadcast_in_dim3A_3 {strides = array<i32>} : memref<80x128xf32, #tpu.memory_space<vmem>>, vector<16xf32>,
      %swap3A_689 = arith.index_cast %scan3A_685 : i32 to index
      %swap3A_690 = arith.constant 16 : index
      %swap3A_691 = tpu.vector_load %arg18[%swap3A_689, %swap3A_690] {strides = array<i32>} : memref<80x128xf32, #tpu.memory_space<vmem>>, vector<16xf32>,
      tpu.vector_store %arg18[%swap3A_689, %swap3A_690], %broadcast_in_dim3A_3 {strides = array<i32>} : memref<80x128xf32, #tpu.memory_space<vmem>>, vector<16xf32>,
      %swap3A_692 = arith.index_cast %scan3A_685 : i32 to index
      %swap3A_693 = arith.constant 32 : index
      %swap3A_694 = tpu.vector_load %arg18[%swap3A_692, %swap3A_693] {strides = array<i32>} : memref<80x128xf32, #tpu.memory_space<vmem>>, vector<16xf32>,
      tpu.vector_store %arg18[%swap3A_692, %swap3A_693], %broadcast_in_dim3A_3 {strides = array<i32>} : memref<80x128xf32, #tpu.memory_space<vmem>>, vector<16xf32>,
      %swap3A_695 = arith.index_cast %scan3A_685 : i32 to index
      %swap3A_696 = arith.constant 48 : index
      %swap3A_697 = tpu.vector_load %arg18[%swap3A_695, %swap3A_696] {strides = array<i32>} : memref<80x128xf32, #tpu.memory_space<vmem>>, vector<16xf32>,
      tpu.vector_store %arg18[%swap3A_695, %swap3A_696], %broadcast_in_dim3A_3 {strides = array<i32>} : memref<80x128xf32, #tpu.memory_space<vmem>>, vector<16xf32>,
      %swap3A_698 = arith.index_cast %scan3A_685 : i32 to index
      %swap3A_699 = arith.constant 64 : index
      %swap3A_700 = tpu.vector_load %arg18[%swap3A_698, %swap3A_699] {strides = array<i32>} : memref<80x128xf32, #tpu.memory_space<vmem>>, vector<16xf32>,
      tpu.vector_store %arg18[%swap3A_698, %swap3A_699], %broadcast_in_dim3A_3 {strides = array<i32>} : memref<80x128xf32, #tpu.memory_space<vmem>>, vector<16xf32>,
      %swap3A_701 = arith.index_cast %scan3A_685 : i32 to index
      %swap3A_702 = arith.constant 80 : index
      %swap3A_703 = tpu.vector_load %arg18[%swap3A_701, %swap3A_702] {strides = array<i32>} : memref<80x128xf32, #tpu.memory_space<vmem>>, vector<16xf32>,
      tpu.vector_store %arg18[%swap3A_701, %swap3A_702], %broadcast_in_dim3A_3 {strides = array<i32>} : memref<80x128xf32, #tpu.memory_space<vmem>>, vector<16xf32>,
      %swap3A_704 = arith.index_cast %scan3A_685 : i32 to index
      %swap3A_705 = arith.constant 96 : index
      %swap3A_706 = tpu.vector_load %arg18[%swap3A_704, %swap3A_705] {strides = array<i32>} : memref<80x128xf32, #tpu.memory_space<vmem>>, vector<16xf32>,
      tpu.vector_store %arg18[%swap3A_704, %swap3A_705], %broadcast_in_dim3A_3 {strides = array<i32>} : memref<80x128xf32, #tpu.memory_space<vmem>>, vector<16xf32>,
      %swap3A_707 = arith.index_cast %scan3A_685 : i32 to index
      %swap3A_708 = arith.constant 112 : index
      %swap3A_709 = tpu.vector_load %arg18[%swap3A_707, %swap3A_708] {strides = array<i32>} : memref<80x128xf32, #tpu.memory_space<vmem>>, vector<16xf32>,
      tpu.vector_store %arg18[%swap3A_707, %swap3A_708], %broadcast_in_dim3A_3 {strides = array<i32>} : memref<80x128xf32, #tpu.memory_space<vmem>>, vector<16xf32>,
      %swap3A_710 = arith.index_cast %scan3A_685 : i32 to index
      %swap3A_711 = arith.constant 0 : index
      %swap3A_712 = tpu.vector_load %arg20[%swap3A_710, %swap3A_711] {strides = array<i32>} : memref<80x16xf32, #tpu.memory_space<vmem>>, vector<16xf32>,
      tpu.vector_store %arg20[%swap3A_710, %swap3A_711], %broadcast_in_dim3A_3 {strides = array<i32>} : memref<80x16xf32, #tpu.memory_space<vmem>>, vector<16xf32>,
    }
    %scan3A_8 = arith.constant 80 : i32
    %mul3A_9 = arith.constant 640 : i32
    %mul3A_10 = arith.muli %arg1, %mul3A_9 : i32
    %add3A_11 = arith.constant 0 : i32
    %add3A_12 = arith.addi %mul3A_10, %add3A_11 : i32
    "tpu.region"() ({
      %run_scoped3A = tpu.sem_alloc : memref<!tpu.dma_semaphore, #tpu.memory_space<semaphore_mem>>
      %dma_start3A_685 = arith.constant 0 : i32
      %dma_start3A_686 = tpu.memref_slice %arg23[%add3A_12, %dma_start3A_685] : memref<10240x128xf32, #tpu.memory_space<vmem_shared>> -> memref<80x128xf32, #tpu.memory_space<vmem_shared>>
      %dma_start3A_687 = arith.constant 0 : i32
      %dma_start3A_688 = tpu.memref_slice %arg23[%add3A_12, %dma_start3A_687] : memref<10240x128xf32, #tpu.memory_space<vmem_shared>> -> memref<80x128xf32, #tpu.memory_space<vmem_shared>>
      tpu.enqueue_dma source(%arg18 : memref<80x128xf32, #tpu.memory_space<vmem>>) target(%dma_start3A_688 : memref<80x128xf32, #tpu.memory_space<vmem_shared>>) target_semaphore(%run_scoped3A : memref<!tpu.dma_semaphore, #tpu.memory_space<semaphore_mem>>)
      %dma_wait3A_689 = arith.constant 0 : i32
      %dma_wait3A_690 = tpu.memref_slice %arg23[%add3A_12, %dma_wait3A_689] : memref<10240x128xf32, #tpu.memory_space<vmem_shared>> -> memref<80x128xf32, #tpu.memory_space<vmem_shared>>
      %dma_wait3A_691 = arith.constant 0 : i32
      %dma_wait3A_692 = tpu.memref_slice %arg23[%add3A_12, %dma_wait3A_691] : memref<10240x128xf32, #tpu.memory_space<vmem_shared>> -> memref<80x128xf32, #tpu.memory_space<vmem_shared>>
      tpu.wait_dma2 semaphore(%run_scoped3A : memref<!tpu.dma_semaphore, #tpu.memory_space<semaphore_mem>>) src(%arg18 : memref<80x128xf32, #tpu.memory_space<vmem>>) dst(%dma_wait3A_692 : memref<80x128xf32, #tpu.memory_space<vmem_shared>>)
      tpu.yield
    }) : () -> ()
    %add3A_13 = arith.constant 0 : i32
    %add3A_14 = arith.addi %mul3A_10, %add3A_13 : i32
    "tpu.region"() ({
      %run_scoped3A = tpu.sem_alloc : memref<!tpu.dma_semaphore, #tpu.memory_space<semaphore_mem>>
      %dma_start3A_685 = arith.constant 0 : i32
      %dma_start3A_686 = tpu.memref_slice %arg24[%add3A_14, %dma_start3A_685] : memref<10240x16xf32, #tpu.memory_space<vmem_shared>> -> memref<80x16xf32, #tpu.memory_space<vmem_shared>>
      %dma_start3A_687 = arith.constant 0 : i32
      %dma_start3A_688 = tpu.memref_slice %arg24[%add3A_14, %dma_start3A_687] : memref<10240x16xf32, #tpu.memory_space<vmem_shared>> -> memref<80x16xf32, #tpu.memory_space<vmem_shared>>
      tpu.enqueue_dma source(%arg20 : memref<80x16xf32, #tpu.memory_space<vmem>>) target(%dma_start3A_688 : memref<80x16xf32, #tpu.memory_space<vmem_shared>>) target_semaphore(%run_scoped3A : memref<!tpu.dma_semaphore, #tpu.memory_space<semaphore_mem>>)
      %dma_wait3A_689 = arith.constant 0 : i32
      %dma_wait3A_690 = tpu.memref_slice %arg24[%add3A_14, %dma_wait3A_689] : memref<10240x16xf32, #tpu.memory_space<vmem_shared>> -> memref<80x16xf32, #tpu.memory_space<vmem_shared>>
      %dma_wait3A_691 = arith.constant 0 : i32
      %dma_wait3A_692 = tpu.memref_slice %arg24[%add3A_14, %dma_wait3A_691] : memref<10240x16xf32, #tpu.memory_space<vmem_shared>> -> memref<80x16xf32, #tpu.memory_space<vmem_shared>>
      tpu.wait_dma2 semaphore(%run_scoped3A : memref<!tpu.dma_semaphore, #tpu.memory_space<semaphore_mem>>) src(%arg20 : memref<80x16xf32, #tpu.memory_space<vmem>>) dst(%dma_wait3A_692 : memref<80x16xf32, #tpu.memory_space<vmem_shared>>)
      tpu.yield
    }) : () -> ()
    %add3A_15 = arith.constant 80 : i32
    %add3A_16 = arith.addi %mul3A_10, %add3A_15 : i32
    "tpu.region"() ({
      %run_scoped3A = tpu.sem_alloc : memref<!tpu.dma_semaphore, #tpu.memory_space<semaphore_mem>>
      %dma_start3A_685 = arith.constant 0 : i32
      %dma_start3A_686 = tpu.memref_slice %arg23[%add3A_16, %dma_start3A_685] : memref<10240x128xf32, #tpu.memory_space<vmem_shared>> -> memref<80x128xf32, #tpu.memory_space<vmem_shared>>
      %dma_start3A_687 = arith.constant 0 : i32
      %dma_start3A_688 = tpu.memref_slice %arg23[%add3A_16, %dma_start3A_687] : memref<10240x128xf32, #tpu.memory_space<vmem_shared>> -> memref<80x128xf32, #tpu.memory_space<vmem_shared>>
      tpu.enqueue_dma source(%arg18 : memref<80x128xf32, #tpu.memory_space<vmem>>) target(%dma_start3A_688 : memref<80x128xf32, #tpu.memory_space<vmem_shared>>) target_semaphore(%run_scoped3A : memref<!tpu.dma_semaphore, #tpu.memory_space<semaphore_mem>>)
      %dma_wait3A_689 = arith.constant 0 : i32
      %dma_wait3A_690 = tpu.memref_slice %arg23[%add3A_16, %dma_wait3A_689] : memref<10240x128xf32, #tpu.memory_space<vmem_shared>> -> memref<80x128xf32, #tpu.memory_space<vmem_shared>>
      %dma_wait3A_691 = arith.constant 0 : i32
      %dma_wait3A_692 = tpu.memref_slice %arg23[%add3A_16, %dma_wait3A_691] : memref<10240x128xf32, #tpu.memory_space<vmem_shared>> -> memref<80x128xf32, #tpu.memory_space<vmem_shared>>
      tpu.wait_dma2 semaphore(%run_scoped3A : memref<!tpu.dma_semaphore, #tpu.memory_space<semaphore_mem>>) src(%arg18 : memref<80x128xf32, #tpu.memory_space<vmem>>) dst(%dma_wait3A_692 : memref<80x128xf32, #tpu.memory_space<vmem_shared>>)
      tpu.yield
    }) : () -> ()
    %add3A_17 = arith.constant 80 : i32
    %add3A_18 = arith.addi %mul3A_10, %add3A_17 : i32
    "tpu.region"() ({
      %run_scoped3A = tpu.sem_alloc : memref<!tpu.dma_semaphore, #tpu.memory_space<semaphore_mem>>
      %dma_start3A_685 = arith.constant 0 : i32
      %dma_start3A_686 = tpu.memref_slice %arg24[%add3A_18, %dma_start3A_685] : memref<10240x16xf32, #tpu.memory_space<vmem_shared>> -> memref<80x16xf32, #tpu.memory_space<vmem_shared>>
      %dma_start3A_687 = arith.constant 0 : i32
      %dma_start3A_688 = tpu.memref_slice %arg24[%add3A_18, %dma_start3A_687] : memref<10240x16xf32, #tpu.memory_space<vmem_shared>> -> memref<80x16xf32, #tpu.memory_space<vmem_shared>>
      tpu.enqueue_dma source(%arg20 : memref<80x16xf32, #tpu.memory_space<vmem>>) target(%dma_start3A_688 : memref<80x16xf32, #tpu.memory_space<vmem_shared>>) target_semaphore(%run_scoped3A : memref<!tpu.dma_semaphore, #tpu.memory_space<semaphore_mem>>)
      %dma_wait3A_689 = arith.constant 0 : i32
      %dma_wait3A_690 = tpu.memref_slice %arg24[%add3A_18, %dma_wait3A_689] : memref<10240x16xf32, #tpu.memory_space<vmem_shared>> -> memref<80x16xf32, #tpu.memory_space<vmem_shared>>
      %dma_wait3A_691 = arith.constant 0 : i32
      %dma_wait3A_692 = tpu.memref_slice %arg24[%add3A_18, %dma_wait3A_691] : memref<10240x16xf32, #tpu.memory_space<vmem_shared>> -> memref<80x16xf32, #tpu.memory_space<vmem_shared>>
      tpu.wait_dma2 semaphore(%run_scoped3A : memref<!tpu.dma_semaphore, #tpu.memory_space<semaphore_mem>>) src(%arg20 : memref<80x16xf32, #tpu.memory_space<vmem>>) dst(%dma_wait3A_692 : memref<80x16xf32, #tpu.memory_space<vmem_shared>>)
      tpu.yield
    }) : () -> ()
    %add3A_19 = arith.constant 160 : i32
    %add3A_20 = arith.addi %mul3A_10, %add3A_19 : i32
    "tpu.region"() ({
      %run_scoped3A = tpu.sem_alloc : memref<!tpu.dma_semaphore, #tpu.memory_space<semaphore_mem>>
      %dma_start3A_685 = arith.constant 0 : i32
      %dma_start3A_686 = tpu.memref_slice %arg23[%add3A_20, %dma_start3A_685] : memref<10240x128xf32, #tpu.memory_space<vmem_shared>> -> memref<80x128xf32, #tpu.memory_space<vmem_shared>>
      %dma_start3A_687 = arith.constant 0 : i32
      %dma_start3A_688 = tpu.memref_slice %arg23[%add3A_20, %dma_start3A_687] : memref<10240x128xf32, #tpu.memory_space<vmem_shared>> -> memref<80x128xf32, #tpu.memory_space<vmem_shared>>
      tpu.enqueue_dma source(%arg18 : memref<80x128xf32, #tpu.memory_space<vmem>>) target(%dma_start3A_688 : memref<80x128xf32, #tpu.memory_space<vmem_shared>>) target_semaphore(%run_scoped3A : memref<!tpu.dma_semaphore, #tpu.memory_space<semaphore_mem>>)
      %dma_wait3A_689 = arith.constant 0 : i32
      %dma_wait3A_690 = tpu.memref_slice %arg23[%add3A_20, %dma_wait3A_689] : memref<10240x128xf32, #tpu.memory_space<vmem_shared>> -> memref<80x128xf32, #tpu.memory_space<vmem_shared>>
      %dma_wait3A_691 = arith.constant 0 : i32
      %dma_wait3A_692 = tpu.memref_slice %arg23[%add3A_20, %dma_wait3A_691] : memref<10240x128xf32, #tpu.memory_space<vmem_shared>> -> memref<80x128xf32, #tpu.memory_space<vmem_shared>>
      tpu.wait_dma2 semaphore(%run_scoped3A : memref<!tpu.dma_semaphore, #tpu.memory_space<semaphore_mem>>) src(%arg18 : memref<80x128xf32, #tpu.memory_space<vmem>>) dst(%dma_wait3A_692 : memref<80x128xf32, #tpu.memory_space<vmem_shared>>)
      tpu.yield
    }) : () -> ()
    %add3A_21 = arith.constant 160 : i32
    %add3A_22 = arith.addi %mul3A_10, %add3A_21 : i32
    "tpu.region"() ({
      %run_scoped3A = tpu.sem_alloc : memref<!tpu.dma_semaphore, #tpu.memory_space<semaphore_mem>>
      %dma_start3A_685 = arith.constant 0 : i32
      %dma_start3A_686 = tpu.memref_slice %arg24[%add3A_22, %dma_start3A_685] : memref<10240x16xf32, #tpu.memory_space<vmem_shared>> -> memref<80x16xf32, #tpu.memory_space<vmem_shared>>
      %dma_start3A_687 = arith.constant 0 : i32
      %dma_start3A_688 = tpu.memref_slice %arg24[%add3A_22, %dma_start3A_687] : memref<10240x16xf32, #tpu.memory_space<vmem_shared>> -> memref<80x16xf32, #tpu.memory_space<vmem_shared>>
      tpu.enqueue_dma source(%arg20 : memref<80x16xf32, #tpu.memory_space<vmem>>) target(%dma_start3A_688 : memref<80x16xf32, #tpu.memory_space<vmem_shared>>) target_semaphore(%run_scoped3A : memref<!tpu.dma_semaphore, #tpu.memory_space<semaphore_mem>>)
      %dma_wait3A_689 = arith.constant 0 : i32
      %dma_wait3A_690 = tpu.memref_slice %arg24[%add3A_22, %dma_wait3A_689] : memref<10240x16xf32, #tpu.memory_space<vmem_shared>> -> memref<80x16xf32, #tpu.memory_space<vmem_shared>>
      %dma_wait3A_691 = arith.constant 0 : i32
      %dma_wait3A_692 = tpu.memref_slice %arg24[%add3A_22, %dma_wait3A_691] : memref<10240x16xf32, #tpu.memory_space<vmem_shared>> -> memref<80x16xf32, #tpu.memory_space<vmem_shared>>
      tpu.wait_dma2 semaphore(%run_scoped3A : memref<!tpu.dma_semaphore, #tpu.memory_space<semaphore_mem>>) src(%arg20 : memref<80x16xf32, #tpu.memory_space<vmem>>) dst(%dma_wait3A_692 : memref<80x16xf32, #tpu.memory_space<vmem_shared>>)
      tpu.yield
    }) : () -> ()
    %add3A_23 = arith.constant 240 : i32
    %add3A_24 = arith.addi %mul3A_10, %add3A_23 : i32
    "tpu.region"() ({
      %run_scoped3A = tpu.sem_alloc : memref<!tpu.dma_semaphore, #tpu.memory_space<semaphore_mem>>
      %dma_start3A_685 = arith.constant 0 : i32
      %dma_start3A_686 = tpu.memref_slice %arg23[%add3A_24, %dma_start3A_685] : memref<10240x128xf32, #tpu.memory_space<vmem_shared>> -> memref<80x128xf32, #tpu.memory_space<vmem_shared>>
      %dma_start3A_687 = arith.constant 0 : i32
      %dma_start3A_688 = tpu.memref_slice %arg23[%add3A_24, %dma_start3A_687] : memref<10240x128xf32, #tpu.memory_space<vmem_shared>> -> memref<80x128xf32, #tpu.memory_space<vmem_shared>>
      tpu.enqueue_dma source(%arg18 : memref<80x128xf32, #tpu.memory_space<vmem>>) target(%dma_start3A_688 : memref<80x128xf32, #tpu.memory_space<vmem_shared>>) target_semaphore(%run_scoped3A : memref<!tpu.dma_semaphore, #tpu.memory_space<semaphore_mem>>)
      %dma_wait3A_689 = arith.constant 0 : i32
      %dma_wait3A_690 = tpu.memref_slice %arg23[%add3A_24, %dma_wait3A_689] : memref<10240x128xf32, #tpu.memory_space<vmem_shared>> -> memref<80x128xf32, #tpu.memory_space<vmem_shared>>
      %dma_wait3A_691 = arith.constant 0 : i32
      %dma_wait3A_692 = tpu.memref_slice %arg23[%add3A_24, %dma_wait3A_691] : memref<10240x128xf32, #tpu.memory_space<vmem_shared>> -> memref<80x128xf32, #tpu.memory_space<vmem_shared>>
      tpu.wait_dma2 semaphore(%run_scoped3A : memref<!tpu.dma_semaphore, #tpu.memory_space<semaphore_mem>>) src(%arg18 : memref<80x128xf32, #tpu.memory_space<vmem>>) dst(%dma_wait3A_692 : memref<80x128xf32, #tpu.memory_space<vmem_shared>>)
      tpu.yield
    }) : () -> ()
    %add3A_25 = arith.constant 240 : i32
    %add3A_26 = arith.addi %mul3A_10, %add3A_25 : i32
    "tpu.region"() ({
      %run_scoped3A = tpu.sem_alloc : memref<!tpu.dma_semaphore, #tpu.memory_space<semaphore_mem>>
      %dma_start3A_685 = arith.constant 0 : i32
      %dma_start3A_686 = tpu.memref_slice %arg24[%add3A_26, %dma_start3A_685] : memref<10240x16xf32, #tpu.memory_space<vmem_shared>> -> memref<80x16xf32, #tpu.memory_space<vmem_shared>>
      %dma_start3A_687 = arith.constant 0 : i32
      %dma_start3A_688 = tpu.memref_slice %arg24[%add3A_26, %dma_start3A_687] : memref<10240x16xf32, #tpu.memory_space<vmem_shared>> -> memref<80x16xf32, #tpu.memory_space<vmem_shared>>
      tpu.enqueue_dma source(%arg20 : memref<80x16xf32, #tpu.memory_space<vmem>>) target(%dma_start3A_688 : memref<80x16xf32, #tpu.memory_space<vmem_shared>>) target_semaphore(%run_scoped3A : memref<!tpu.dma_semaphore, #tpu.memory_space<semaphore_mem>>)
      %dma_wait3A_689 = arith.constant 0 : i32
      %dma_wait3A_690 = tpu.memref_slice %arg24[%add3A_26, %dma_wait3A_689] : memref<10240x16xf32, #tpu.memory_space<vmem_shared>> -> memref<80x16xf32, #tpu.memory_space<vmem_shared>>
      %dma_wait3A_691 = arith.constant 0 : i32
      %dma_wait3A_692 = tpu.memref_slice %arg24[%add3A_26, %dma_wait3A_691] : memref<10240x16xf32, #tpu.memory_space<vmem_shared>> -> memref<80x16xf32, #tpu.memory_space<vmem_shared>>
      tpu.wait_dma2 semaphore(%run_scoped3A : memref<!tpu.dma_semaphore, #tpu.memory_space<semaphore_mem>>) src(%arg20 : memref<80x16xf32, #tpu.memory_space<vmem>>) dst(%dma_wait3A_692 : memref<80x16xf32, #tpu.memory_space<vmem_shared>>)
      tpu.yield
    }) : () -> ()
    %add3A_27 = arith.constant 320 : i32
    %add3A_28 = arith.addi %mul3A_10, %add3A_27 : i32
    "tpu.region"() ({
      %run_scoped3A = tpu.sem_alloc : memref<!tpu.dma_semaphore, #tpu.memory_space<semaphore_mem>>
      %dma_start3A_685 = arith.constant 0 : i32
      %dma_start3A_686 = tpu.memref_slice %arg23[%add3A_28, %dma_start3A_685] : memref<10240x128xf32, #tpu.memory_space<vmem_shared>> -> memref<80x128xf32, #tpu.memory_space<vmem_shared>>
      %dma_start3A_687 = arith.constant 0 : i32
      %dma_start3A_688 = tpu.memref_slice %arg23[%add3A_28, %dma_start3A_687] : memref<10240x128xf32, #tpu.memory_space<vmem_shared>> -> memref<80x128xf32, #tpu.memory_space<vmem_shared>>
      tpu.enqueue_dma source(%arg18 : memref<80x128xf32, #tpu.memory_space<vmem>>) target(%dma_start3A_688 : memref<80x128xf32, #tpu.memory_space<vmem_shared>>) target_semaphore(%run_scoped3A : memref<!tpu.dma_semaphore, #tpu.memory_space<semaphore_mem>>)
      %dma_wait3A_689 = arith.constant 0 : i32
      %dma_wait3A_690 = tpu.memref_slice %arg23[%add3A_28, %dma_wait3A_689] : memref<10240x128xf32, #tpu.memory_space<vmem_shared>> -> memref<80x128xf32, #tpu.memory_space<vmem_shared>>
      %dma_wait3A_691 = arith.constant 0 : i32
      %dma_wait3A_692 = tpu.memref_slice %arg23[%add3A_28, %dma_wait3A_691] : memref<10240x128xf32, #tpu.memory_space<vmem_shared>> -> memref<80x128xf32, #tpu.memory_space<vmem_shared>>
      tpu.wait_dma2 semaphore(%run_scoped3A : memref<!tpu.dma_semaphore, #tpu.memory_space<semaphore_mem>>) src(%arg18 : memref<80x128xf32, #tpu.memory_space<vmem>>) dst(%dma_wait3A_692 : memref<80x128xf32, #tpu.memory_space<vmem_shared>>)
      tpu.yield
    }) : () -> ()
    %add3A_29 = arith.constant 320 : i32
    %add3A_30 = arith.addi %mul3A_10, %add3A_29 : i32
    "tpu.region"() ({
      %run_scoped3A = tpu.sem_alloc : memref<!tpu.dma_semaphore, #tpu.memory_space<semaphore_mem>>
      %dma_start3A_685 = arith.constant 0 : i32
      %dma_start3A_686 = tpu.memref_slice %arg24[%add3A_30, %dma_start3A_685] : memref<10240x16xf32, #tpu.memory_space<vmem_shared>> -> memref<80x16xf32, #tpu.memory_space<vmem_shared>>
      %dma_start3A_687 = arith.constant 0 : i32
      %dma_start3A_688 = tpu.memref_slice %arg24[%add3A_30, %dma_start3A_687] : memref<10240x16xf32, #tpu.memory_space<vmem_shared>> -> memref<80x16xf32, #tpu.memory_space<vmem_shared>>
      tpu.enqueue_dma source(%arg20 : memref<80x16xf32, #tpu.memory_space<vmem>>) target(%dma_start3A_688 : memref<80x16xf32, #tpu.memory_space<vmem_shared>>) target_semaphore(%run_scoped3A : memref<!tpu.dma_semaphore, #tpu.memory_space<semaphore_mem>>)
      %dma_wait3A_689 = arith.constant 0 : i32
      %dma_wait3A_690 = tpu.memref_slice %arg24[%add3A_30, %dma_wait3A_689] : memref<10240x16xf32, #tpu.memory_space<vmem_shared>> -> memref<80x16xf32, #tpu.memory_space<vmem_shared>>
      %dma_wait3A_691 = arith.constant 0 : i32
      %dma_wait3A_692 = tpu.memref_slice %arg24[%add3A_30, %dma_wait3A_691] : memref<10240x16xf32, #tpu.memory_space<vmem_shared>> -> memref<80x16xf32, #tpu.memory_space<vmem_shared>>
      tpu.wait_dma2 semaphore(%run_scoped3A : memref<!tpu.dma_semaphore, #tpu.memory_space<semaphore_mem>>) src(%arg20 : memref<80x16xf32, #tpu.memory_space<vmem>>) dst(%dma_wait3A_692 : memref<80x16xf32, #tpu.memory_space<vmem_shared>>)
      tpu.yield
    }) : () -> ()
    %add3A_31 = arith.constant 400 : i32
    %add3A_32 = arith.addi %mul3A_10, %add3A_31 : i32
    "tpu.region"() ({
      %run_scoped3A = tpu.sem_alloc : memref<!tpu.dma_semaphore, #tpu.memory_space<semaphore_mem>>
      %dma_start3A_685 = arith.constant 0 : i32
      %dma_start3A_686 = tpu.memref_slice %arg23[%add3A_32, %dma_start3A_685] : memref<10240x128xf32, #tpu.memory_space<vmem_shared>> -> memref<80x128xf32, #tpu.memory_space<vmem_shared>>
      %dma_start3A_687 = arith.constant 0 : i32
      %dma_start3A_688 = tpu.memref_slice %arg23[%add3A_32, %dma_start3A_687] : memref<10240x128xf32, #tpu.memory_space<vmem_shared>> -> memref<80x128xf32, #tpu.memory_space<vmem_shared>>
      tpu.enqueue_dma source(%arg18 : memref<80x128xf32, #tpu.memory_space<vmem>>) target(%dma_start3A_688 : memref<80x128xf32, #tpu.memory_space<vmem_shared>>) target_semaphore(%run_scoped3A : memref<!tpu.dma_semaphore, #tpu.memory_space<semaphore_mem>>)
      %dma_wait3A_689 = arith.constant 0 : i32
      %dma_wait3A_690 = tpu.memref_slice %arg23[%add3A_32, %dma_wait3A_689] : memref<10240x128xf32, #tpu.memory_space<vmem_shared>> -> memref<80x128xf32, #tpu.memory_space<vmem_shared>>
      %dma_wait3A_691 = arith.constant 0 : i32
      %dma_wait3A_692 = tpu.memref_slice %arg23[%add3A_32, %dma_wait3A_691] : memref<10240x128xf32, #tpu.memory_space<vmem_shared>> -> memref<80x128xf32, #tpu.memory_space<vmem_shared>>
      tpu.wait_dma2 semaphore(%run_scoped3A : memref<!tpu.dma_semaphore, #tpu.memory_space<semaphore_mem>>) src(%arg18 : memref<80x128xf32, #tpu.memory_space<vmem>>) dst(%dma_wait3A_692 : memref<80x128xf32, #tpu.memory_space<vmem_shared>>)
      tpu.yield
    }) : () -> ()
    %add3A_33 = arith.constant 400 : i32
    %add3A_34 = arith.addi %mul3A_10, %add3A_33 : i32
    "tpu.region"() ({
      %run_scoped3A = tpu.sem_alloc : memref<!tpu.dma_semaphore, #tpu.memory_space<semaphore_mem>>
      %dma_start3A_685 = arith.constant 0 : i32
      %dma_start3A_686 = tpu.memref_slice %arg24[%add3A_34, %dma_start3A_685] : memref<10240x16xf32, #tpu.memory_space<vmem_shared>> -> memref<80x16xf32, #tpu.memory_space<vmem_shared>>
      %dma_start3A_687 = arith.constant 0 : i32
      %dma_start3A_688 = tpu.memref_slice %arg24[%add3A_34, %dma_start3A_687] : memref<10240x16xf32, #tpu.memory_space<vmem_shared>> -> memref<80x16xf32, #tpu.memory_space<vmem_shared>>
      tpu.enqueue_dma source(%arg20 : memref<80x16xf32, #tpu.memory_space<vmem>>) target(%dma_start3A_688 : memref<80x16xf32, #tpu.memory_space<vmem_shared>>) target_semaphore(%run_scoped3A : memref<!tpu.dma_semaphore, #tpu.memory_space<semaphore_mem>>)
      %dma_wait3A_689 = arith.constant 0 : i32
      %dma_wait3A_690 = tpu.memref_slice %arg24[%add3A_34, %dma_wait3A_689] : memref<10240x16xf32, #tpu.memory_space<vmem_shared>> -> memref<80x16xf32, #tpu.memory_space<vmem_shared>>
      %dma_wait3A_691 = arith.constant 0 : i32
      %dma_wait3A_692 = tpu.memref_slice %arg24[%add3A_34, %dma_wait3A_691] : memref<10240x16xf32, #tpu.memory_space<vmem_shared>> -> memref<80x16xf32, #tpu.memory_space<vmem_shared>>
      tpu.wait_dma2 semaphore(%run_scoped3A : memref<!tpu.dma_semaphore, #tpu.memory_space<semaphore_mem>>) src(%arg20 : memref<80x16xf32, #tpu.memory_space<vmem>>) dst(%dma_wait3A_692 : memref<80x16xf32, #tpu.memory_space<vmem_shared>>)
      tpu.yield
    }) : () -> ()
    %add3A_35 = arith.constant 480 : i32
    %add3A_36 = arith.addi %mul3A_10, %add3A_35 : i32
    "tpu.region"() ({
      %run_scoped3A = tpu.sem_alloc : memref<!tpu.dma_semaphore, #tpu.memory_space<semaphore_mem>>
      %dma_start3A_685 = arith.constant 0 : i32
      %dma_start3A_686 = tpu.memref_slice %arg23[%add3A_36, %dma_start3A_685] : memref<10240x128xf32, #tpu.memory_space<vmem_shared>> -> memref<80x128xf32, #tpu.memory_space<vmem_shared>>
      %dma_start3A_687 = arith.constant 0 : i32
      %dma_start3A_688 = tpu.memref_slice %arg23[%add3A_36, %dma_start3A_687] : memref<10240x128xf32, #tpu.memory_space<vmem_shared>> -> memref<80x128xf32, #tpu.memory_space<vmem_shared>>
      tpu.enqueue_dma source(%arg18 : memref<80x128xf32, #tpu.memory_space<vmem>>) target(%dma_start3A_688 : memref<80x128xf32, #tpu.memory_space<vmem_shared>>) target_semaphore(%run_scoped3A : memref<!tpu.dma_semaphore, #tpu.memory_space<semaphore_mem>>)
      %dma_wait3A_689 = arith.constant 0 : i32
      %dma_wait3A_690 = tpu.memref_slice %arg23[%add3A_36, %dma_wait3A_689] : memref<10240x128xf32, #tpu.memory_space<vmem_shared>> -> memref<80x128xf32, #tpu.memory_space<vmem_shared>>
      %dma_wait3A_691 = arith.constant 0 : i32
      %dma_wait3A_692 = tpu.memref_slice %arg23[%add3A_36, %dma_wait3A_691] : memref<10240x128xf32, #tpu.memory_space<vmem_shared>> -> memref<80x128xf32, #tpu.memory_space<vmem_shared>>
      tpu.wait_dma2 semaphore(%run_scoped3A : memref<!tpu.dma_semaphore, #tpu.memory_space<semaphore_mem>>) src(%arg18 : memref<80x128xf32, #tpu.memory_space<vmem>>) dst(%dma_wait3A_692 : memref<80x128xf32, #tpu.memory_space<vmem_shared>>)
      tpu.yield
    }) : () -> ()
    %add3A_37 = arith.constant 480 : i32
    %add3A_38 = arith.addi %mul3A_10, %add3A_37 : i32
    "tpu.region"() ({
      %run_scoped3A = tpu.sem_alloc : memref<!tpu.dma_semaphore, #tpu.memory_space<semaphore_mem>>
      %dma_start3A_685 = arith.constant 0 : i32
      %dma_start3A_686 = tpu.memref_slice %arg24[%add3A_38, %dma_start3A_685] : memref<10240x16xf32, #tpu.memory_space<vmem_shared>> -> memref<80x16xf32, #tpu.memory_space<vmem_shared>>
      %dma_start3A_687 = arith.constant 0 : i32
      %dma_start3A_688 = tpu.memref_slice %arg24[%add3A_38, %dma_start3A_687] : memref<10240x16xf32, #tpu.memory_space<vmem_shared>> -> memref<80x16xf32, #tpu.memory_space<vmem_shared>>
      tpu.enqueue_dma source(%arg20 : memref<80x16xf32, #tpu.memory_space<vmem>>) target(%dma_start3A_688 : memref<80x16xf32, #tpu.memory_space<vmem_shared>>) target_semaphore(%run_scoped3A : memref<!tpu.dma_semaphore, #tpu.memory_space<semaphore_mem>>)
      %dma_wait3A_689 = arith.constant 0 : i32
      %dma_wait3A_690 = tpu.memref_slice %arg24[%add3A_38, %dma_wait3A_689] : memref<10240x16xf32, #tpu.memory_space<vmem_shared>> -> memref<80x16xf32, #tpu.memory_space<vmem_shared>>
      %dma_wait3A_691 = arith.constant 0 : i32
      %dma_wait3A_692 = tpu.memref_slice %arg24[%add3A_38, %dma_wait3A_691] : memref<10240x16xf32, #tpu.memory_space<vmem_shared>> -> memref<80x16xf32, #tpu.memory_space<vmem_shared>>
      tpu.wait_dma2 semaphore(%run_scoped3A : memref<!tpu.dma_semaphore, #tpu.memory_space<semaphore_mem>>) src(%arg20 : memref<80x16xf32, #tpu.memory_space<vmem>>) dst(%dma_wait3A_692 : memref<80x16xf32, #tpu.memory_space<vmem_shared>>)
      tpu.yield
    }) : () -> ()
    %add3A_39 = arith.constant 560 : i32
    %add3A_40 = arith.addi %mul3A_10, %add3A_39 : i32
    "tpu.region"() ({
      %run_scoped3A = tpu.sem_alloc : memref<!tpu.dma_semaphore, #tpu.memory_space<semaphore_mem>>
      %dma_start3A_685 = arith.constant 0 : i32
      %dma_start3A_686 = tpu.memref_slice %arg23[%add3A_40, %dma_start3A_685] : memref<10240x128xf32, #tpu.memory_space<vmem_shared>> -> memref<80x128xf32, #tpu.memory_space<vmem_shared>>
      %dma_start3A_687 = arith.constant 0 : i32
      %dma_start3A_688 = tpu.memref_slice %arg23[%add3A_40, %dma_start3A_687] : memref<10240x128xf32, #tpu.memory_space<vmem_shared>> -> memref<80x128xf32, #tpu.memory_space<vmem_shared>>
      tpu.enqueue_dma source(%arg18 : memref<80x128xf32, #tpu.memory_space<vmem>>) target(%dma_start3A_688 : memref<80x128xf32, #tpu.memory_space<vmem_shared>>) target_semaphore(%run_scoped3A : memref<!tpu.dma_semaphore, #tpu.memory_space<semaphore_mem>>)
      %dma_wait3A_689 = arith.constant 0 : i32
      %dma_wait3A_690 = tpu.memref_slice %arg23[%add3A_40, %dma_wait3A_689] : memref<10240x128xf32, #tpu.memory_space<vmem_shared>> -> memref<80x128xf32, #tpu.memory_space<vmem_shared>>
      %dma_wait3A_691 = arith.constant 0 : i32
      %dma_wait3A_692 = tpu.memref_slice %arg23[%add3A_40, %dma_wait3A_691] : memref<10240x128xf32, #tpu.memory_space<vmem_shared>> -> memref<80x128xf32, #tpu.memory_space<vmem_shared>>
      tpu.wait_dma2 semaphore(%run_scoped3A : memref<!tpu.dma_semaphore, #tpu.memory_space<semaphore_mem>>) src(%arg18 : memref<80x128xf32, #tpu.memory_space<vmem>>) dst(%dma_wait3A_692 : memref<80x128xf32, #tpu.memory_space<vmem_shared>>)
      tpu.yield
    }) : () -> ()
    %add3A_41 = arith.constant 560 : i32
    %add3A_42 = arith.addi %mul3A_10, %add3A_41 : i32
    "tpu.region"() ({
      %run_scoped3A = tpu.sem_alloc : memref<!tpu.dma_semaphore, #tpu.memory_space<semaphore_mem>>
      %dma_start3A_685 = arith.constant 0 : i32
      %dma_start3A_686 = tpu.memref_slice %arg24[%add3A_42, %dma_start3A_685] : memref<10240x16xf32, #tpu.memory_space<vmem_shared>> -> memref<80x16xf32, #tpu.memory_space<vmem_shared>>
      %dma_start3A_687 = arith.constant 0 : i32
      %dma_start3A_688 = tpu.memref_slice %arg24[%add3A_42, %dma_start3A_687] : memref<10240x16xf32, #tpu.memory_space<vmem_shared>> -> memref<80x16xf32, #tpu.memory_space<vmem_shared>>
      tpu.enqueue_dma source(%arg20 : memref<80x16xf32, #tpu.memory_space<vmem>>) target(%dma_start3A_688 : memref<80x16xf32, #tpu.memory_space<vmem_shared>>) target_semaphore(%run_scoped3A : memref<!tpu.dma_semaphore, #tpu.memory_space<semaphore_mem>>)
      %dma_wait3A_689 = arith.constant 0 : i32
      %dma_wait3A_690 = tpu.memref_slice %arg24[%add3A_42, %dma_wait3A_689] : memref<10240x16xf32, #tpu.memory_space<vmem_shared>> -> memref<80x16xf32, #tpu.memory_space<vmem_shared>>
      %dma_wait3A_691 = arith.constant 0 : i32
      %dma_wait3A_692 = tpu.memref_slice %arg24[%add3A_42, %dma_wait3A_691] : memref<10240x16xf32, #tpu.memory_space<vmem_shared>> -> memref<80x16xf32, #tpu.memory_space<vmem_shared>>
      tpu.wait_dma2 semaphore(%run_scoped3A : memref<!tpu.dma_semaphore, #tpu.memory_space<semaphore_mem>>) src(%arg20 : memref<80x16xf32, #tpu.memory_space<vmem>>) dst(%dma_wait3A_692 : memref<80x16xf32, #tpu.memory_space<vmem_shared>>)
      tpu.yield
    }) : () -> ()
    %barrier3A = arith.constant 0 : index
    tpu.barrier barrier_id(%barrier3A)
    %iota3A = tpu.iota {dimensions = array<i32: 0>} : vector<16xi32>
    %broadcast_in_dim3A_43 = arith.constant 0 : i32
    %broadcast_in_dim3A_44 = vector.broadcast %broadcast_in_dim3A_43 : i32 to vector<16xi32>
    %add3A_45 = arith.constant 1 : i32
    %add3A_46 = vector.broadcast %add3A_45 : i32 to vector<16xi32>
    %add3A_47 = arith.addi %broadcast_in_dim3A_44, %add3A_46 : vector<16xi32>
    %multiple_of3A = tpu.assume_multiple %mul3A_2, 80 : i32
    "tpu.region"() ({
      %run_scoped3A = tpu.sem_alloc : memref<!tpu.dma_semaphore, #tpu.memory_space<semaphore_mem>>
      %dma_start3A_685 = tpu.memref_slice %arg2[%multiple_of3A] : memref<320000xi32, #tpu.memory_space<hbm>> -> memref<80xi32, #tpu.memory_space<hbm>>
      %dma_start3A_686 = tpu.memref_slice %arg2[%multiple_of3A] : memref<320000xi32, #tpu.memory_space<hbm>> -> memref<80xi32, #tpu.memory_space<hbm>>
      tpu.enqueue_dma source(%dma_start3A_686 : memref<80xi32, #tpu.memory_space<hbm>>) target(%arg8 : memref<80xi32, #tpu.memory_space<vmem>>) target_semaphore(%run_scoped3A : memref<!tpu.dma_semaphore, #tpu.memory_space<semaphore_mem>>)
      %dma_wait3A_687 = tpu.memref_slice %arg2[%multiple_of3A] : memref<320000xi32, #tpu.memory_space<hbm>> -> memref<80xi32, #tpu.memory_space<hbm>>
      %dma_wait3A_688 = tpu.memref_slice %arg2[%multiple_of3A] : memref<320000xi32, #tpu.memory_space<hbm>> -> memref<80xi32, #tpu.memory_space<hbm>>
      tpu.wait_dma2 semaphore(%run_scoped3A : memref<!tpu.dma_semaphore, #tpu.memory_space<semaphore_mem>>) src(%dma_wait3A_688 : memref<80xi32, #tpu.memory_space<hbm>>) dst(%arg8 : memref<80xi32, #tpu.memory_space<vmem>>)
      tpu.yield
    }) : () -> ()
    "tpu.region"() ({
      %run_scoped3A = tpu.sem_alloc : memref<!tpu.dma_semaphore, #tpu.memory_space<semaphore_mem>>
      %dma_start3A_685 = tpu.memref_slice %arg3[%multiple_of3A] : memref<320000xi32, #tpu.memory_space<hbm>> -> memref<80xi32, #tpu.memory_space<hbm>>
      %dma_start3A_686 = tpu.memref_slice %arg3[%multiple_of3A] : memref<320000xi32, #tpu.memory_space<hbm>> -> memref<80xi32, #tpu.memory_space<hbm>>
      tpu.enqueue_dma source(%dma_start3A_686 : memref<80xi32, #tpu.memory_space<hbm>>) target(%arg10 : memref<80xi32, #tpu.memory_space<vmem>>) target_semaphore(%run_scoped3A : memref<!tpu.dma_semaphore, #tpu.memory_space<semaphore_mem>>)
      %dma_wait3A_687 = tpu.memref_slice %arg3[%multiple_of3A] : memref<320000xi32, #tpu.memory_space<hbm>> -> memref<80xi32, #tpu.memory_space<hbm>>
      %dma_wait3A_688 = tpu.memref_slice %arg3[%multiple_of3A] : memref<320000xi32, #tpu.memory_space<hbm>> -> memref<80xi32, #tpu.memory_space<hbm>>
      tpu.wait_dma2 semaphore(%run_scoped3A : memref<!tpu.dma_semaphore, #tpu.memory_space<semaphore_mem>>) src(%dma_wait3A_688 : memref<80xi32, #tpu.memory_space<hbm>>) dst(%arg10 : memref<80xi32, #tpu.memory_space<vmem>>)
      tpu.yield
    }) : () -> ()
    %dma_start3A = arith.constant 0 : i32
    %dma_start3A_48 = arith.constant 0 : i32
    %dma_start3A_49 = arith.constant 0 : i32
    %dma_start3A_50 = tpu.memref_slice %arg5[%dma_start3A_48, %dma_start3A_49] : memref<10000x128xf32, #tpu.memory_space<hbm>> -> memref<10000x128xf32, #tpu.memory_space<hbm>>
    %dma_start3A_51 = tpu.memref_slice %arg26[%dma_start3A] : memref<2x!tpu.dma_semaphore, #tpu.memory_space<semaphore_mem>> -> memref<1x!tpu.dma_semaphore, #tpu.memory_space<semaphore_mem>>
    %dma_start3A_52 = tpu.memref_squeeze %dma_start3A_51 : memref<1x!tpu.dma_semaphore, #tpu.memory_space<semaphore_mem>> -> memref<!tpu.dma_semaphore, #tpu.memory_space<semaphore_mem>>
    tpu.enqueue_indirect_dma source(%dma_start3A_50 : memref<10000x128xf32, #tpu.memory_space<hbm>>) target(%arg18 : memref<80x128xf32, #tpu.memory_space<vmem>>) offsets(%arg8 : memref<80xi32, #tpu.memory_space<vmem>>) semaphore(%dma_start3A_52 : memref<!tpu.dma_semaphore, #tpu.memory_space<semaphore_mem>>)
    %dma_start3A_53 = arith.constant 0 : i32
    %dma_start3A_54 = arith.constant 0 : i32
    %dma_start3A_55 = arith.constant 0 : i32
    %dma_start3A_56 = tpu.memref_slice %arg4[%dma_start3A_54, %dma_start3A_55] : memref<10000x16xf32, #tpu.memory_space<hbm>> -> memref<10000x16xf32, #tpu.memory_space<hbm>>
    %dma_start3A_57 = tpu.memref_slice %arg27[%dma_start3A_53] : memref<2x!tpu.dma_semaphore, #tpu.memory_space<semaphore_mem>> -> memref<1x!tpu.dma_semaphore, #tpu.memory_space<semaphore_mem>>
    %dma_start3A_58 = tpu.memref_squeeze %dma_start3A_57 : memref<1x!tpu.dma_semaphore, #tpu.memory_space<semaphore_mem>> -> memref<!tpu.dma_semaphore, #tpu.memory_space<semaphore_mem>>
    tpu.enqueue_indirect_dma source(%dma_start3A_56 : memref<10000x16xf32, #tpu.memory_space<hbm>>) target(%arg14 : memref<80x16xf32, #tpu.memory_space<vmem>>) offsets(%arg8 : memref<80xi32, #tpu.memory_space<vmem>>) semaphore(%dma_start3A_58 : memref<!tpu.dma_semaphore, #tpu.memory_space<semaphore_mem>>)
    %dma_start3A_59 = arith.constant 0 : i32
    %dma_start3A_60 = arith.constant 0 : i32
    %dma_start3A_61 = arith.constant 0 : i32
    %dma_start3A_62 = tpu.memref_slice %arg4[%dma_start3A_60, %dma_start3A_61] : memref<10000x16xf32, #tpu.memory_space<hbm>> -> memref<10000x16xf32, #tpu.memory_space<hbm>>
    %dma_start3A_63 = tpu.memref_slice %arg28[%dma_start3A_59] : memref<2x!tpu.dma_semaphore, #tpu.memory_space<semaphore_mem>> -> memref<1x!tpu.dma_semaphore, #tpu.memory_space<semaphore_mem>>
    %dma_start3A_64 = tpu.memref_squeeze %dma_start3A_63 : memref<1x!tpu.dma_semaphore, #tpu.memory_space<semaphore_mem>> -> memref<!tpu.dma_semaphore, #tpu.memory_space<semaphore_mem>>
    tpu.enqueue_indirect_dma source(%dma_start3A_62 : memref<10000x16xf32, #tpu.memory_space<hbm>>) target(%arg16 : memref<80x16xf32, #tpu.memory_space<vmem>>) offsets(%arg10 : memref<80xi32, #tpu.memory_space<vmem>>) semaphore(%dma_start3A_64 : memref<!tpu.dma_semaphore, #tpu.memory_space<semaphore_mem>>)
    %mul3A_65 = arith.constant 1 : i32
    %mul3A_66 = arith.constant 80 : i32
    %mul3A_67 = arith.muli %mul3A_65, %mul3A_66 : i32
    %add3A_68 = arith.addi %mul3A_2, %mul3A_67 : i32
    %multiple_of3A_69 = tpu.assume_multiple %add3A_68, 80 : i32
    %dma_start3A_70 = arith.constant 1 : i32
    %dma_start3A_71 = tpu.memref_slice %arg2[%multiple_of3A_69] : memref<320000xi32, #tpu.memory_space<hbm>> -> memref<80xi32, #tpu.memory_space<hbm>>
    %dma_start3A_72 = tpu.memref_slice %arg25[%dma_start3A_70] : memref<2x!tpu.dma_semaphore, #tpu.memory_space<semaphore_mem>> -> memref<1x!tpu.dma_semaphore, #tpu.memory_space<semaphore_mem>>
    %dma_start3A_73 = tpu.memref_squeeze %dma_start3A_72 : memref<1x!tpu.dma_semaphore, #tpu.memory_space<semaphore_mem>> -> memref<!tpu.dma_semaphore, #tpu.memory_space<semaphore_mem>>
    %dma_start3A_74 = tpu.memref_slice %arg2[%multiple_of3A_69] : memref<320000xi32, #tpu.memory_space<hbm>> -> memref<80xi32, #tpu.memory_space<hbm>>
    tpu.enqueue_dma source(%dma_start3A_74 : memref<80xi32, #tpu.memory_space<hbm>>) target(%arg9 : memref<80xi32, #tpu.memory_space<vmem>>) target_semaphore(%dma_start3A_73 : memref<!tpu.dma_semaphore, #tpu.memory_space<semaphore_mem>>)
    %dma_start3A_75 = arith.constant 1 : i32
    %dma_start3A_76 = tpu.memref_slice %arg3[%multiple_of3A_69] : memref<320000xi32, #tpu.memory_space<hbm>> -> memref<80xi32, #tpu.memory_space<hbm>>
    %dma_start3A_77 = tpu.memref_slice %arg25[%dma_start3A_75] : memref<2x!tpu.dma_semaphore, #tpu.memory_space<semaphore_mem>> -> memref<1x!tpu.dma_semaphore, #tpu.memory_space<semaphore_mem>>
    %dma_start3A_78 = tpu.memref_squeeze %dma_start3A_77 : memref<1x!tpu.dma_semaphore, #tpu.memory_space<semaphore_mem>> -> memref<!tpu.dma_semaphore, #tpu.memory_space<semaphore_mem>>
    %dma_start3A_79 = tpu.memref_slice %arg3[%multiple_of3A_69] : memref<320000xi32, #tpu.memory_space<hbm>> -> memref<80xi32, #tpu.memory_space<hbm>>
    tpu.enqueue_dma source(%dma_start3A_79 : memref<80xi32, #tpu.memory_space<hbm>>) target(%arg11 : memref<80xi32, #tpu.memory_space<vmem>>) target_semaphore(%dma_start3A_78 : memref<!tpu.dma_semaphore, #tpu.memory_space<semaphore_mem>>)
    %dma_wait3A = arith.constant 1 : i32
    %dma_wait3A_80 = arith.constant 0 : i32
    %dma_wait3A_81 = tpu.memref_slice %arg2[%dma_wait3A_80] : memref<320000xi32, #tpu.memory_space<hbm>> -> memref<80xi32, #tpu.memory_space<hbm>>
    %dma_wait3A_82 = tpu.memref_slice %arg25[%dma_wait3A] : memref<2x!tpu.dma_semaphore, #tpu.memory_space<semaphore_mem>> -> memref<1x!tpu.dma_semaphore, #tpu.memory_space<semaphore_mem>>
    %dma_wait3A_83 = tpu.memref_squeeze %dma_wait3A_82 : memref<1x!tpu.dma_semaphore, #tpu.memory_space<semaphore_mem>> -> memref<!tpu.dma_semaphore, #tpu.memory_space<semaphore_mem>>
    %dma_wait3A_84 = arith.constant 0 : i32
    %dma_wait3A_85 = tpu.memref_slice %arg2[%dma_wait3A_84] : memref<320000xi32, #tpu.memory_space<hbm>> -> memref<80xi32, #tpu.memory_space<hbm>>
    tpu.wait_dma2 semaphore(%dma_wait3A_83 : memref<!tpu.dma_semaphore, #tpu.memory_space<semaphore_mem>>) src(%dma_wait3A_85 : memref<80xi32, #tpu.memory_space<hbm>>) dst(%arg9 : memref<80xi32, #tpu.memory_space<vmem>>)
    %dma_wait3A_86 = arith.constant 1 : i32
    %dma_wait3A_87 = arith.constant 0 : i32
    %dma_wait3A_88 = tpu.memref_slice %arg3[%dma_wait3A_87] : memref<320000xi32, #tpu.memory_space<hbm>> -> memref<80xi32, #tpu.memory_space<hbm>>
    %dma_wait3A_89 = tpu.memref_slice %arg25[%dma_wait3A_86] : memref<2x!tpu.dma_semaphore, #tpu.memory_space<semaphore_mem>> -> memref<1x!tpu.dma_semaphore, #tpu.memory_space<semaphore_mem>>
    %dma_wait3A_90 = tpu.memref_squeeze %dma_wait3A_89 : memref<1x!tpu.dma_semaphore, #tpu.memory_space<semaphore_mem>> -> memref<!tpu.dma_semaphore, #tpu.memory_space<semaphore_mem>>
    %dma_wait3A_91 = arith.constant 0 : i32
    %dma_wait3A_92 = tpu.memref_slice %arg3[%dma_wait3A_91] : memref<320000xi32, #tpu.memory_space<hbm>> -> memref<80xi32, #tpu.memory_space<hbm>>
    tpu.wait_dma2 semaphore(%dma_wait3A_90 : memref<!tpu.dma_semaphore, #tpu.memory_space<semaphore_mem>>) src(%dma_wait3A_92 : memref<80xi32, #tpu.memory_space<hbm>>) dst(%arg11 : memref<80xi32, #tpu.memory_space<vmem>>)
    %dma_start3A_93 = arith.constant 1 : i32
    %dma_start3A_94 = arith.constant 0 : i32
    %dma_start3A_95 = arith.constant 0 : i32
    %dma_start3A_96 = tpu.memref_slice %arg5[%dma_start3A_94, %dma_start3A_95] : memref<10000x128xf32, #tpu.memory_space<hbm>> -> memref<10000x128xf32, #tpu.memory_space<hbm>>
    %dma_start3A_97 = tpu.memref_slice %arg26[%dma_start3A_93] : memref<2x!tpu.dma_semaphore, #tpu.memory_space<semaphore_mem>> -> memref<1x!tpu.dma_semaphore, #tpu.memory_space<semaphore_mem>>
    %dma_start3A_98 = tpu.memref_squeeze %dma_start3A_97 : memref<1x!tpu.dma_semaphore, #tpu.memory_space<semaphore_mem>> -> memref<!tpu.dma_semaphore, #tpu.memory_space<semaphore_mem>>
    tpu.enqueue_indirect_dma source(%dma_start3A_96 : memref<10000x128xf32, #tpu.memory_space<hbm>>) target(%arg19 : memref<80x128xf32, #tpu.memory_space<vmem>>) offsets(%arg9 : memref<80xi32, #tpu.memory_space<vmem>>) semaphore(%dma_start3A_98 : memref<!tpu.dma_semaphore, #tpu.memory_space<semaphore_mem>>)
    %dma_start3A_99 = arith.constant 1 : i32
    %dma_start3A_100 = arith.constant 0 : i32
    %dma_start3A_101 = arith.constant 0 : i32
    %dma_start3A_102 = tpu.memref_slice %arg4[%dma_start3A_100, %dma_start3A_101] : memref<10000x16xf32, #tpu.memory_space<hbm>> -> memref<10000x16xf32, #tpu.memory_space<hbm>>
    %dma_start3A_103 = tpu.memref_slice %arg27[%dma_start3A_99] : memref<2x!tpu.dma_semaphore, #tpu.memory_space<semaphore_mem>> -> memref<1x!tpu.dma_semaphore, #tpu.memory_space<semaphore_mem>>
    %dma_start3A_104 = tpu.memref_squeeze %dma_start3A_103 : memref<1x!tpu.dma_semaphore, #tpu.memory_space<semaphore_mem>> -> memref<!tpu.dma_semaphore, #tpu.memory_space<semaphore_mem>>
    tpu.enqueue_indirect_dma source(%dma_start3A_102 : memref<10000x16xf32, #tpu.memory_space<hbm>>) target(%arg15 : memref<80x16xf32, #tpu.memory_space<vmem>>) offsets(%arg9 : memref<80xi32, #tpu.memory_space<vmem>>) semaphore(%dma_start3A_104 : memref<!tpu.dma_semaphore, #tpu.memory_space<semaphore_mem>>)
    %dma_start3A_105 = arith.constant 1 : i32
    %dma_start3A_106 = arith.constant 0 : i32
    %dma_start3A_107 = arith.constant 0 : i32
    %dma_start3A_108 = tpu.memref_slice %arg4[%dma_start3A_106, %dma_start3A_107] : memref<10000x16xf32, #tpu.memory_space<hbm>> -> memref<10000x16xf32, #tpu.memory_space<hbm>>
    %dma_start3A_109 = tpu.memref_slice %arg28[%dma_start3A_105] : memref<2x!tpu.dma_semaphore, #tpu.memory_space<semaphore_mem>> -> memref<1x!tpu.dma_semaphore, #tpu.memory_space<semaphore_mem>>
    %dma_start3A_110 = tpu.memref_squeeze %dma_start3A_109 : memref<1x!tpu.dma_semaphore, #tpu.memory_space<semaphore_mem>> -> memref<!tpu.dma_semaphore, #tpu.memory_space<semaphore_mem>>
    tpu.enqueue_indirect_dma source(%dma_start3A_108 : memref<10000x16xf32, #tpu.memory_space<hbm>>) target(%arg17 : memref<80x16xf32, #tpu.memory_space<vmem>>) offsets(%arg11 : memref<80xi32, #tpu.memory_space<vmem>>) semaphore(%dma_start3A_110 : memref<!tpu.dma_semaphore, #tpu.memory_space<semaphore_mem>>)
    %dma_wait3A_111 = arith.constant 0 : i32
    %dma_wait3A_112 = arith.constant 0 : i32
    %dma_wait3A_113 = arith.constant 0 : i32
    %dma_wait3A_114 = tpu.memref_slice %arg5[%dma_wait3A_112, %dma_wait3A_113] : memref<10000x128xf32, #tpu.memory_space<hbm>> -> memref<10000x128xf32, #tpu.memory_space<hbm>>
    %dma_wait3A_115 = tpu.memref_slice %arg26[%dma_wait3A_111] : memref<2x!tpu.dma_semaphore, #tpu.memory_space<semaphore_mem>> -> memref<1x!tpu.dma_semaphore, #tpu.memory_space<semaphore_mem>>
    %dma_wait3A_116 = tpu.memref_squeeze %dma_wait3A_115 : memref<1x!tpu.dma_semaphore, #tpu.memory_space<semaphore_mem>> -> memref<!tpu.dma_semaphore, #tpu.memory_space<semaphore_mem>>
    tpu.wait_indirect_dma semaphore(%dma_wait3A_116 : memref<!tpu.dma_semaphore, #tpu.memory_space<semaphore_mem>>) src(%dma_wait3A_114 : memref<10000x128xf32, #tpu.memory_space<hbm>>) dst(%arg18 : memref<80x128xf32, #tpu.memory_space<vmem>>)
    %dma_wait3A_117 = arith.constant 0 : i32
    %dma_wait3A_118 = arith.constant 0 : i32
    %dma_wait3A_119 = arith.constant 0 : i32
    %dma_wait3A_120 = tpu.memref_slice %arg4[%dma_wait3A_118, %dma_wait3A_119] : memref<10000x16xf32, #tpu.memory_space<hbm>> -> memref<10000x16xf32, #tpu.memory_space<hbm>>
    %dma_wait3A_121 = tpu.memref_slice %arg27[%dma_wait3A_117] : memref<2x!tpu.dma_semaphore, #tpu.memory_space<semaphore_mem>> -> memref<1x!tpu.dma_semaphore, #tpu.memory_space<semaphore_mem>>
    %dma_wait3A_122 = tpu.memref_squeeze %dma_wait3A_121 : memref<1x!tpu.dma_semaphore, #tpu.memory_space<semaphore_mem>> -> memref<!tpu.dma_semaphore, #tpu.memory_space<semaphore_mem>>
    tpu.wait_indirect_dma semaphore(%dma_wait3A_122 : memref<!tpu.dma_semaphore, #tpu.memory_space<semaphore_mem>>) src(%dma_wait3A_120 : memref<10000x16xf32, #tpu.memory_space<hbm>>) dst(%arg14 : memref<80x16xf32, #tpu.memory_space<vmem>>)
    %dma_wait3A_123 = arith.constant 0 : i32
    %dma_wait3A_124 = arith.constant 0 : i32
    %dma_wait3A_125 = arith.constant 0 : i32
    %dma_wait3A_126 = tpu.memref_slice %arg4[%dma_wait3A_124, %dma_wait3A_125] : memref<10000x16xf32, #tpu.memory_space<hbm>> -> memref<10000x16xf32, #tpu.memory_space<hbm>>
    %dma_wait3A_127 = tpu.memref_slice %arg28[%dma_wait3A_123] : memref<2x!tpu.dma_semaphore, #tpu.memory_space<semaphore_mem>> -> memref<1x!tpu.dma_semaphore, #tpu.memory_space<semaphore_mem>>
    %dma_wait3A_128 = tpu.memref_squeeze %dma_wait3A_127 : memref<1x!tpu.dma_semaphore, #tpu.memory_space<semaphore_mem>> -> memref<!tpu.dma_semaphore, #tpu.memory_space<semaphore_mem>>
    tpu.wait_indirect_dma semaphore(%dma_wait3A_128 : memref<!tpu.dma_semaphore, #tpu.memory_space<semaphore_mem>>) src(%dma_wait3A_126 : memref<10000x16xf32, #tpu.memory_space<hbm>>) dst(%arg16 : memref<80x16xf32, #tpu.memory_space<vmem>>)
    %add3A_129 = arith.constant 0 : i32
    %add3A_130 = vector.broadcast %add3A_129 : i32 to vector<16xi32>
    %add3A_131 = arith.addi %iota3A, %add3A_130 : vector<16xi32>
    %gather3A = tpu.vector_load_idx %arg14[%add3A_131, %broadcast_in_dim3A_44] : memref<80x16xf32, #tpu.memory_space<vmem>>[vector<16xi32>, vector<16xi32>], vector<16xf32>,
    %add3A_132 = arith.constant 0 : i32
    %add3A_133 = vector.broadcast %add3A_132 : i32 to vector<16xi32>
    %add3A_134 = arith.addi %iota3A, %add3A_133 : vector<16xi32>
    %gather3A_135 = tpu.vector_load_idx %arg16[%add3A_134, %add3A_47] : memref<80x16xf32, #tpu.memory_space<vmem>>[vector<16xi32>, vector<16xi32>], vector<16xf32>,
    %add3A_136 = arith.addf %gather3A, %gather3A_135 : vector<16xf32>
    %ge3A = arith.constant 0.000000e+00 : f32
    %ge3A_137 = vector.broadcast %ge3A : f32 to vector<16xf32>
    %ge3A_138 = arith.cmpf oge, %add3A_136, %ge3A_137 : vector<16xf32>
    %mul3A_139 = arith.constant 2.000000e-01 : f32
    %mul3A_140 = vector.broadcast %mul3A_139 : f32 to vector<16xf32>
    %mul3A_141 = arith.mulf %mul3A_140, %add3A_136 : vector<16xf32>
    %select_n3A = arith.select %ge3A_138, %add3A_136, %mul3A_141 : vector<16xi1>, vector<16xf32>
    %exp3A = math.exp %select_n3A : vector<16xf32>
    %swap3A = arith.constant 0 : index
    %swap3A_142 = tpu.vector_load %arg22[%swap3A] {strides = array<i32>} : memref<96xf32, #tpu.memory_space<vmem>>, vector<16xf32>,
    tpu.vector_store %arg22[%swap3A], %exp3A {strides = array<i32>} : memref<96xf32, #tpu.memory_space<vmem>>, vector<16xf32>,
    %add3A_143 = arith.constant 0 : i32
    %add3A_144 = vector.broadcast %add3A_143 : i32 to vector<16xi32>
    %add3A_145 = arith.addi %iota3A, %add3A_144 : vector<16xi32>
    tpu.vector_store_idx %arg20[%add3A_145, %broadcast_in_dim3A_44], %exp3A : memref<80x16xf32, #tpu.memory_space<vmem>>[vector<16xi32>, vector<16xi32>], vector<16xf32>,
    %get3A = arith.constant 0 : index
    %get3A_146 = tpu.vector_load %arg10[%get3A] {strides = array<i32>} : memref<80xi32, #tpu.memory_space<vmem>>, vector<16xi32>,
    %swap3A_147 = arith.constant 0 : index
    %swap3A_148 = tpu.vector_load %arg12[%swap3A_147] {strides = array<i32>} : memref<80xi32, #tpu.memory_space<vmem>>, vector<16xi32>,
    tpu.vector_store %arg12[%swap3A_147], %get3A_146 {strides = array<i32>} : memref<80xi32, #tpu.memory_space<vmem>>, vector<16xi32>,
    %add3A_149 = arith.constant 16 : i32
    %add3A_150 = vector.broadcast %add3A_149 : i32 to vector<16xi32>
    %add3A_151 = arith.addi %iota3A, %add3A_150 : vector<16xi32>
    %gather3A_152 = tpu.vector_load_idx %arg14[%add3A_151, %broadcast_in_dim3A_44] : memref<80x16xf32, #tpu.memory_space<vmem>>[vector<16xi32>, vector<16xi32>], vector<16xf32>,
    %add3A_153 = arith.constant 16 : i32
    %add3A_154 = vector.broadcast %add3A_153 : i32 to vector<16xi32>
    %add3A_155 = arith.addi %iota3A, %add3A_154 : vector<16xi32>
    %gather3A_156 = tpu.vector_load_idx %arg16[%add3A_155, %add3A_47] : memref<80x16xf32, #tpu.memory_space<vmem>>[vector<16xi32>, vector<16xi32>], vector<16xf32>,
    %add3A_157 = arith.addf %gather3A_152, %gather3A_156 : vector<16xf32>
    %ge3A_158 = arith.constant 0.000000e+00 : f32
    %ge3A_159 = vector.broadcast %ge3A_158 : f32 to vector<16xf32>
    %ge3A_160 = arith.cmpf oge, %add3A_157, %ge3A_159 : vector<16xf32>
    %mul3A_161 = arith.constant 2.000000e-01 : f32
    %mul3A_162 = vector.broadcast %mul3A_161 : f32 to vector<16xf32>
    %mul3A_163 = arith.mulf %mul3A_162, %add3A_157 : vector<16xf32>
    %select_n3A_164 = arith.select %ge3A_160, %add3A_157, %mul3A_163 : vector<16xi1>, vector<16xf32>
    %exp3A_165 = math.exp %select_n3A_164 : vector<16xf32>
    %swap3A_166 = arith.constant 16 : index
    %swap3A_167 = tpu.vector_load %arg22[%swap3A_166] {strides = array<i32>} : memref<96xf32, #tpu.memory_space<vmem>>, vector<16xf32>,
    tpu.vector_store %arg22[%swap3A_166], %exp3A_165 {strides = array<i32>} : memref<96xf32, #tpu.memory_space<vmem>>, vector<16xf32>,
    %add3A_168 = arith.constant 16 : i32
    %add3A_169 = vector.broadcast %add3A_168 : i32 to vector<16xi32>
    %add3A_170 = arith.addi %iota3A, %add3A_169 : vector<16xi32>
    tpu.vector_store_idx %arg20[%add3A_170, %broadcast_in_dim3A_44], %exp3A_165 : memref<80x16xf32, #tpu.memory_space<vmem>>[vector<16xi32>, vector<16xi32>], vector<16xf32>,
    %get3A_171 = arith.constant 16 : index
    %get3A_172 = tpu.vector_load %arg10[%get3A_171] {strides = array<i32>} : memref<80xi32, #tpu.memory_space<vmem>>, vector<16xi32>,
    %swap3A_173 = arith.constant 16 : index
    %swap3A_174 = tpu.vector_load %arg12[%swap3A_173] {strides = array<i32>} : memref<80xi32, #tpu.memory_space<vmem>>, vector<16xi32>,
    tpu.vector_store %arg12[%swap3A_173], %get3A_172 {strides = array<i32>} : memref<80xi32, #tpu.memory_space<vmem>>, vector<16xi32>,
    %add3A_175 = arith.constant 32 : i32
    %add3A_176 = vector.broadcast %add3A_175 : i32 to vector<16xi32>
    %add3A_177 = arith.addi %iota3A, %add3A_176 : vector<16xi32>
    %gather3A_178 = tpu.vector_load_idx %arg14[%add3A_177, %broadcast_in_dim3A_44] : memref<80x16xf32, #tpu.memory_space<vmem>>[vector<16xi32>, vector<16xi32>], vector<16xf32>,
    %add3A_179 = arith.constant 32 : i32
    %add3A_180 = vector.broadcast %add3A_179 : i32 to vector<16xi32>
    %add3A_181 = arith.addi %iota3A, %add3A_180 : vector<16xi32>
    %gather3A_182 = tpu.vector_load_idx %arg16[%add3A_181, %add3A_47] : memref<80x16xf32, #tpu.memory_space<vmem>>[vector<16xi32>, vector<16xi32>], vector<16xf32>,
    %add3A_183 = arith.addf %gather3A_178, %gather3A_182 : vector<16xf32>
    %ge3A_184 = arith.constant 0.000000e+00 : f32
    %ge3A_185 = vector.broadcast %ge3A_184 : f32 to vector<16xf32>
    %ge3A_186 = arith.cmpf oge, %add3A_183, %ge3A_185 : vector<16xf32>
    %mul3A_187 = arith.constant 2.000000e-01 : f32
    %mul3A_188 = vector.broadcast %mul3A_187 : f32 to vector<16xf32>
    %mul3A_189 = arith.mulf %mul3A_188, %add3A_183 : vector<16xf32>
    %select_n3A_190 = arith.select %ge3A_186, %add3A_183, %mul3A_189 : vector<16xi1>, vector<16xf32>
    %exp3A_191 = math.exp %select_n3A_190 : vector<16xf32>
    %swap3A_192 = arith.constant 32 : index
    %swap3A_193 = tpu.vector_load %arg22[%swap3A_192] {strides = array<i32>} : memref<96xf32, #tpu.memory_space<vmem>>, vector<16xf32>,
    tpu.vector_store %arg22[%swap3A_192], %exp3A_191 {strides = array<i32>} : memref<96xf32, #tpu.memory_space<vmem>>, vector<16xf32>,
    %add3A_194 = arith.constant 32 : i32
    %add3A_195 = vector.broadcast %add3A_194 : i32 to vector<16xi32>
    %add3A_196 = arith.addi %iota3A, %add3A_195 : vector<16xi32>
    tpu.vector_store_idx %arg20[%add3A_196, %broadcast_in_dim3A_44], %exp3A_191 : memref<80x16xf32, #tpu.memory_space<vmem>>[vector<16xi32>, vector<16xi32>], vector<16xf32>,
    %get3A_197 = arith.constant 32 : index
    %get3A_198 = tpu.vector_load %arg10[%get3A_197] {strides = array<i32>} : memref<80xi32, #tpu.memory_space<vmem>>, vector<16xi32>,
    %swap3A_199 = arith.constant 32 : index
    %swap3A_200 = tpu.vector_load %arg12[%swap3A_199] {strides = array<i32>} : memref<80xi32, #tpu.memory_space<vmem>>, vector<16xi32>,
    tpu.vector_store %arg12[%swap3A_199], %get3A_198 {strides = array<i32>} : memref<80xi32, #tpu.memory_space<vmem>>, vector<16xi32>,
    %add3A_201 = arith.constant 48 : i32
    %add3A_202 = vector.broadcast %add3A_201 : i32 to vector<16xi32>
    %add3A_203 = arith.addi %iota3A, %add3A_202 : vector<16xi32>
    %gather3A_204 = tpu.vector_load_idx %arg14[%add3A_203, %broadcast_in_dim3A_44] : memref<80x16xf32, #tpu.memory_space<vmem>>[vector<16xi32>, vector<16xi32>], vector<16xf32>,
    %add3A_205 = arith.constant 48 : i32
    %add3A_206 = vector.broadcast %add3A_205 : i32 to vector<16xi32>
    %add3A_207 = arith.addi %iota3A, %add3A_206 : vector<16xi32>
    %gather3A_208 = tpu.vector_load_idx %arg16[%add3A_207, %add3A_47] : memref<80x16xf32, #tpu.memory_space<vmem>>[vector<16xi32>, vector<16xi32>], vector<16xf32>,
    %add3A_209 = arith.addf %gather3A_204, %gather3A_208 : vector<16xf32>
    %ge3A_210 = arith.constant 0.000000e+00 : f32
    %ge3A_211 = vector.broadcast %ge3A_210 : f32 to vector<16xf32>
    %ge3A_212 = arith.cmpf oge, %add3A_209, %ge3A_211 : vector<16xf32>
    %mul3A_213 = arith.constant 2.000000e-01 : f32
    %mul3A_214 = vector.broadcast %mul3A_213 : f32 to vector<16xf32>
    %mul3A_215 = arith.mulf %mul3A_214, %add3A_209 : vector<16xf32>
    %select_n3A_216 = arith.select %ge3A_212, %add3A_209, %mul3A_215 : vector<16xi1>, vector<16xf32>
    %exp3A_217 = math.exp %select_n3A_216 : vector<16xf32>
    %swap3A_218 = arith.constant 48 : index
    %swap3A_219 = tpu.vector_load %arg22[%swap3A_218] {strides = array<i32>} : memref<96xf32, #tpu.memory_space<vmem>>, vector<16xf32>,
    tpu.vector_store %arg22[%swap3A_218], %exp3A_217 {strides = array<i32>} : memref<96xf32, #tpu.memory_space<vmem>>, vector<16xf32>,
    %add3A_220 = arith.constant 48 : i32
    %add3A_221 = vector.broadcast %add3A_220 : i32 to vector<16xi32>
    %add3A_222 = arith.addi %iota3A, %add3A_221 : vector<16xi32>
    tpu.vector_store_idx %arg20[%add3A_222, %broadcast_in_dim3A_44], %exp3A_217 : memref<80x16xf32, #tpu.memory_space<vmem>>[vector<16xi32>, vector<16xi32>], vector<16xf32>,
    %get3A_223 = arith.constant 48 : index
    %get3A_224 = tpu.vector_load %arg10[%get3A_223] {strides = array<i32>} : memref<80xi32, #tpu.memory_space<vmem>>, vector<16xi32>,
    %swap3A_225 = arith.constant 48 : index
    %swap3A_226 = tpu.vector_load %arg12[%swap3A_225] {strides = array<i32>} : memref<80xi32, #tpu.memory_space<vmem>>, vector<16xi32>,
    tpu.vector_store %arg12[%swap3A_225], %get3A_224 {strides = array<i32>} : memref<80xi32, #tpu.memory_space<vmem>>, vector<16xi32>,
    %add3A_227 = arith.constant 64 : i32
    %add3A_228 = vector.broadcast %add3A_227 : i32 to vector<16xi32>
    %add3A_229 = arith.addi %iota3A, %add3A_228 : vector<16xi32>
    %gather3A_230 = tpu.vector_load_idx %arg14[%add3A_229, %broadcast_in_dim3A_44] : memref<80x16xf32, #tpu.memory_space<vmem>>[vector<16xi32>, vector<16xi32>], vector<16xf32>,
    %add3A_231 = arith.constant 64 : i32
    %add3A_232 = vector.broadcast %add3A_231 : i32 to vector<16xi32>
    %add3A_233 = arith.addi %iota3A, %add3A_232 : vector<16xi32>
    %gather3A_234 = tpu.vector_load_idx %arg16[%add3A_233, %add3A_47] : memref<80x16xf32, #tpu.memory_space<vmem>>[vector<16xi32>, vector<16xi32>], vector<16xf32>,
    %add3A_235 = arith.addf %gather3A_230, %gather3A_234 : vector<16xf32>
    %ge3A_236 = arith.constant 0.000000e+00 : f32
    %ge3A_237 = vector.broadcast %ge3A_236 : f32 to vector<16xf32>
    %ge3A_238 = arith.cmpf oge, %add3A_235, %ge3A_237 : vector<16xf32>
    %mul3A_239 = arith.constant 2.000000e-01 : f32
    %mul3A_240 = vector.broadcast %mul3A_239 : f32 to vector<16xf32>
    %mul3A_241 = arith.mulf %mul3A_240, %add3A_235 : vector<16xf32>
    %select_n3A_242 = arith.select %ge3A_238, %add3A_235, %mul3A_241 : vector<16xi1>, vector<16xf32>
    %exp3A_243 = math.exp %select_n3A_242 : vector<16xf32>
    %swap3A_244 = arith.constant 64 : index
    %swap3A_245 = tpu.vector_load %arg22[%swap3A_244] {strides = array<i32>} : memref<96xf32, #tpu.memory_space<vmem>>, vector<16xf32>,
    tpu.vector_store %arg22[%swap3A_244], %exp3A_243 {strides = array<i32>} : memref<96xf32, #tpu.memory_space<vmem>>, vector<16xf32>,
    %add3A_246 = arith.constant 64 : i32
    %add3A_247 = vector.broadcast %add3A_246 : i32 to vector<16xi32>
    %add3A_248 = arith.addi %iota3A, %add3A_247 : vector<16xi32>
    tpu.vector_store_idx %arg20[%add3A_248, %broadcast_in_dim3A_44], %exp3A_243 : memref<80x16xf32, #tpu.memory_space<vmem>>[vector<16xi32>, vector<16xi32>], vector<16xf32>,
    %get3A_249 = arith.constant 64 : index
    %get3A_250 = tpu.vector_load %arg10[%get3A_249] {strides = array<i32>} : memref<80xi32, #tpu.memory_space<vmem>>, vector<16xi32>,
    %swap3A_251 = arith.constant 64 : index
    %swap3A_252 = tpu.vector_load %arg12[%swap3A_251] {strides = array<i32>} : memref<80xi32, #tpu.memory_space<vmem>>, vector<16xi32>,
    tpu.vector_store %arg12[%swap3A_251], %get3A_250 {strides = array<i32>} : memref<80xi32, #tpu.memory_space<vmem>>, vector<16xi32>,
    %parallel_loop3A = arith.constant 0 : i32
    %parallel_loop3A_253 = arith.constant 80 : i32
    %parallel_loop3A_254 = arith.constant 1 : i32
    scf.for %parallel_loop3A_685 = %parallel_loop3A to %parallel_loop3A_253 step %parallel_loop3A_254  : i32 {
      %parallel_loop3A_686 = arith.index_cast %parallel_loop3A_685 : i32 to index
      %parallel_loop3A_687 = tpu.vector_load %arg22[%parallel_loop3A_686] {strides = array<i32>} : memref<96xf32, #tpu.memory_space<vmem>>, vector<16xf32>,
      %parallel_loop3A_688 = vector.extract_strided_slice %parallel_loop3A_687 {offsets = [0], sizes = [1], strides = [1]} : vector<16xf32> to vector<1xf32>
      %parallel_loop3A_689 = vector.extract %parallel_loop3A_688[0] : f32 from vector<1xf32>
      %parallel_loop3A_690 = arith.index_cast %parallel_loop3A_685 : i32 to index
      %parallel_loop3A_691 = arith.constant 0 : index
      %parallel_loop3A_692 = tpu.vector_load %arg18[%parallel_loop3A_690, %parallel_loop3A_691] {strides = array<i32>} : memref<80x128xf32, #tpu.memory_space<vmem>>, vector<16xf32>,
      %parallel_loop3A_693 = vector.broadcast %parallel_loop3A_689 : f32 to vector<16xf32>
      %parallel_loop3A_694 = arith.mulf %parallel_loop3A_692, %parallel_loop3A_693 : vector<16xf32>
      %parallel_loop3A_695 = arith.index_cast %parallel_loop3A_685 : i32 to index
      %parallel_loop3A_696 = arith.constant 0 : index
      %parallel_loop3A_697 = tpu.vector_load %arg18[%parallel_loop3A_695, %parallel_loop3A_696] {strides = array<i32>} : memref<80x128xf32, #tpu.memory_space<vmem>>, vector<16xf32>,
      tpu.vector_store %arg18[%parallel_loop3A_695, %parallel_loop3A_696], %parallel_loop3A_694 {strides = array<i32>} : memref<80x128xf32, #tpu.memory_space<vmem>>, vector<16xf32>,
      %parallel_loop3A_698 = arith.index_cast %parallel_loop3A_685 : i32 to index
      %parallel_loop3A_699 = arith.constant 16 : index
      %parallel_loop3A_700 = tpu.vector_load %arg18[%parallel_loop3A_698, %parallel_loop3A_699] {strides = array<i32>} : memref<80x128xf32, #tpu.memory_space<vmem>>, vector<16xf32>,
      %parallel_loop3A_701 = vector.broadcast %parallel_loop3A_689 : f32 to vector<16xf32>
      %parallel_loop3A_702 = arith.mulf %parallel_loop3A_700, %parallel_loop3A_701 : vector<16xf32>
      %parallel_loop3A_703 = arith.index_cast %parallel_loop3A_685 : i32 to index
      %parallel_loop3A_704 = arith.constant 16 : index
      %parallel_loop3A_705 = tpu.vector_load %arg18[%parallel_loop3A_703, %parallel_loop3A_704] {strides = array<i32>} : memref<80x128xf32, #tpu.memory_space<vmem>>, vector<16xf32>,
      tpu.vector_store %arg18[%parallel_loop3A_703, %parallel_loop3A_704], %parallel_loop3A_702 {strides = array<i32>} : memref<80x128xf32, #tpu.memory_space<vmem>>, vector<16xf32>,
      %parallel_loop3A_706 = arith.index_cast %parallel_loop3A_685 : i32 to index
      %parallel_loop3A_707 = arith.constant 32 : index
      %parallel_loop3A_708 = tpu.vector_load %arg18[%parallel_loop3A_706, %parallel_loop3A_707] {strides = array<i32>} : memref<80x128xf32, #tpu.memory_space<vmem>>, vector<16xf32>,
      %parallel_loop3A_709 = vector.broadcast %parallel_loop3A_689 : f32 to vector<16xf32>
      %parallel_loop3A_710 = arith.mulf %parallel_loop3A_708, %parallel_loop3A_709 : vector<16xf32>
      %parallel_loop3A_711 = arith.index_cast %parallel_loop3A_685 : i32 to index
      %parallel_loop3A_712 = arith.constant 32 : index
      %parallel_loop3A_713 = tpu.vector_load %arg18[%parallel_loop3A_711, %parallel_loop3A_712] {strides = array<i32>} : memref<80x128xf32, #tpu.memory_space<vmem>>, vector<16xf32>,
      tpu.vector_store %arg18[%parallel_loop3A_711, %parallel_loop3A_712], %parallel_loop3A_710 {strides = array<i32>} : memref<80x128xf32, #tpu.memory_space<vmem>>, vector<16xf32>,
      %parallel_loop3A_714 = arith.index_cast %parallel_loop3A_685 : i32 to index
      %parallel_loop3A_715 = arith.constant 48 : index
      %parallel_loop3A_716 = tpu.vector_load %arg18[%parallel_loop3A_714, %parallel_loop3A_715] {strides = array<i32>} : memref<80x128xf32, #tpu.memory_space<vmem>>, vector<16xf32>,
      %parallel_loop3A_717 = vector.broadcast %parallel_loop3A_689 : f32 to vector<16xf32>
      %parallel_loop3A_718 = arith.mulf %parallel_loop3A_716, %parallel_loop3A_717 : vector<16xf32>
      %parallel_loop3A_719 = arith.index_cast %parallel_loop3A_685 : i32 to index
      %parallel_loop3A_720 = arith.constant 48 : index
      %parallel_loop3A_721 = tpu.vector_load %arg18[%parallel_loop3A_719, %parallel_loop3A_720] {strides = array<i32>} : memref<80x128xf32, #tpu.memory_space<vmem>>, vector<16xf32>,
      tpu.vector_store %arg18[%parallel_loop3A_719, %parallel_loop3A_720], %parallel_loop3A_718 {strides = array<i32>} : memref<80x128xf32, #tpu.memory_space<vmem>>, vector<16xf32>,
      %parallel_loop3A_722 = arith.index_cast %parallel_loop3A_685 : i32 to index
      %parallel_loop3A_723 = arith.constant 64 : index
      %parallel_loop3A_724 = tpu.vector_load %arg18[%parallel_loop3A_722, %parallel_loop3A_723] {strides = array<i32>} : memref<80x128xf32, #tpu.memory_space<vmem>>, vector<16xf32>,
      %parallel_loop3A_725 = vector.broadcast %parallel_loop3A_689 : f32 to vector<16xf32>
      %parallel_loop3A_726 = arith.mulf %parallel_loop3A_724, %parallel_loop3A_725 : vector<16xf32>
      %parallel_loop3A_727 = arith.index_cast %parallel_loop3A_685 : i32 to index
      %parallel_loop3A_728 = arith.constant 64 : index
      %parallel_loop3A_729 = tpu.vector_load %arg18[%parallel_loop3A_727, %parallel_loop3A_728] {strides = array<i32>} : memref<80x128xf32, #tpu.memory_space<vmem>>, vector<16xf32>,
      tpu.vector_store %arg18[%parallel_loop3A_727, %parallel_loop3A_728], %parallel_loop3A_726 {strides = array<i32>} : memref<80x128xf32, #tpu.memory_space<vmem>>, vector<16xf32>,
      %parallel_loop3A_730 = arith.index_cast %parallel_loop3A_685 : i32 to index
      %parallel_loop3A_731 = arith.constant 80 : index
      %parallel_loop3A_732 = tpu.vector_load %arg18[%parallel_loop3A_730, %parallel_loop3A_731] {strides = array<i32>} : memref<80x128xf32, #tpu.memory_space<vmem>>, vector<16xf32>,
      %parallel_loop3A_733 = vector.broadcast %parallel_loop3A_689 : f32 to vector<16xf32>
      %parallel_loop3A_734 = arith.mulf %parallel_loop3A_732, %parallel_loop3A_733 : vector<16xf32>
      %parallel_loop3A_735 = arith.index_cast %parallel_loop3A_685 : i32 to index
      %parallel_loop3A_736 = arith.constant 80 : index
      %parallel_loop3A_737 = tpu.vector_load %arg18[%parallel_loop3A_735, %parallel_loop3A_736] {strides = array<i32>} : memref<80x128xf32, #tpu.memory_space<vmem>>, vector<16xf32>,
      tpu.vector_store %arg18[%parallel_loop3A_735, %parallel_loop3A_736], %parallel_loop3A_734 {strides = array<i32>} : memref<80x128xf32, #tpu.memory_space<vmem>>, vector<16xf32>,
      %parallel_loop3A_738 = arith.index_cast %parallel_loop3A_685 : i32 to index
      %parallel_loop3A_739 = arith.constant 96 : index
      %parallel_loop3A_740 = tpu.vector_load %arg18[%parallel_loop3A_738, %parallel_loop3A_739] {strides = array<i32>} : memref<80x128xf32, #tpu.memory_space<vmem>>, vector<16xf32>,
      %parallel_loop3A_741 = vector.broadcast %parallel_loop3A_689 : f32 to vector<16xf32>
      %parallel_loop3A_742 = arith.mulf %parallel_loop3A_740, %parallel_loop3A_741 : vector<16xf32>
      %parallel_loop3A_743 = arith.index_cast %parallel_loop3A_685 : i32 to index
      %parallel_loop3A_744 = arith.constant 96 : index
      %parallel_loop3A_745 = tpu.vector_load %arg18[%parallel_loop3A_743, %parallel_loop3A_744] {strides = array<i32>} : memref<80x128xf32, #tpu.memory_space<vmem>>, vector<16xf32>,
      tpu.vector_store %arg18[%parallel_loop3A_743, %parallel_loop3A_744], %parallel_loop3A_742 {strides = array<i32>} : memref<80x128xf32, #tpu.memory_space<vmem>>, vector<16xf32>,
      %parallel_loop3A_746 = arith.index_cast %parallel_loop3A_685 : i32 to index
      %parallel_loop3A_747 = arith.constant 112 : index
      %parallel_loop3A_748 = tpu.vector_load %arg18[%parallel_loop3A_746, %parallel_loop3A_747] {strides = array<i32>} : memref<80x128xf32, #tpu.memory_space<vmem>>, vector<16xf32>,
      %parallel_loop3A_749 = vector.broadcast %parallel_loop3A_689 : f32 to vector<16xf32>
      %parallel_loop3A_750 = arith.mulf %parallel_loop3A_748, %parallel_loop3A_749 : vector<16xf32>
      %parallel_loop3A_751 = arith.index_cast %parallel_loop3A_685 : i32 to index
      %parallel_loop3A_752 = arith.constant 112 : index
      %parallel_loop3A_753 = tpu.vector_load %arg18[%parallel_loop3A_751, %parallel_loop3A_752] {strides = array<i32>} : memref<80x128xf32, #tpu.memory_space<vmem>>, vector<16xf32>,
      tpu.vector_store %arg18[%parallel_loop3A_751, %parallel_loop3A_752], %parallel_loop3A_750 {strides = array<i32>} : memref<80x128xf32, #tpu.memory_space<vmem>>, vector<16xf32>,
    } {sc.loop_unroll_factor = 4 : i64, sc.parallel_access}
    %dma_start3A_255 = arith.constant 0 : i32
    %dma_start3A_256 = arith.constant 0 : i32
    %dma_start3A_257 = arith.constant 0 : i32
    %dma_start3A_258 = tpu.memref_slice %arg24[%dma_start3A_256, %dma_start3A_257] : memref<10240x16xf32, #tpu.memory_space<vmem_shared>> -> memref<10240x16xf32, #tpu.memory_space<vmem_shared>>
    %dma_start3A_259 = tpu.memref_slice %arg29[%dma_start3A_255] : memref<2x!tpu.dma_semaphore, #tpu.memory_space<semaphore_mem>> -> memref<1x!tpu.dma_semaphore, #tpu.memory_space<semaphore_mem>>
    %dma_start3A_260 = tpu.memref_squeeze %dma_start3A_259 : memref<1x!tpu.dma_semaphore, #tpu.memory_space<semaphore_mem>> -> memref<!tpu.dma_semaphore, #tpu.memory_space<semaphore_mem>>
    tpu.enqueue_indirect_dma source(%arg20 : memref<80x16xf32, #tpu.memory_space<vmem>>) target(%dma_start3A_258 : memref<10240x16xf32, #tpu.memory_space<vmem_shared>>) offsets(%arg12 : memref<80xi32, #tpu.memory_space<vmem>>) semaphore(%dma_start3A_260 : memref<!tpu.dma_semaphore, #tpu.memory_space<semaphore_mem>>) {add = true}
    %dma_start3A_261 = arith.constant 0 : i32
    %dma_start3A_262 = arith.constant 0 : i32
    %dma_start3A_263 = arith.constant 0 : i32
    %dma_start3A_264 = tpu.memref_slice %arg23[%dma_start3A_262, %dma_start3A_263] : memref<10240x128xf32, #tpu.memory_space<vmem_shared>> -> memref<10240x128xf32, #tpu.memory_space<vmem_shared>>
    %dma_start3A_265 = tpu.memref_slice %arg29[%dma_start3A_261] : memref<2x!tpu.dma_semaphore, #tpu.memory_space<semaphore_mem>> -> memref<1x!tpu.dma_semaphore, #tpu.memory_space<semaphore_mem>>
    %dma_start3A_266 = tpu.memref_squeeze %dma_start3A_265 : memref<1x!tpu.dma_semaphore, #tpu.memory_space<semaphore_mem>> -> memref<!tpu.dma_semaphore, #tpu.memory_space<semaphore_mem>>
    tpu.enqueue_indirect_dma source(%arg18 : memref<80x128xf32, #tpu.memory_space<vmem>>) target(%dma_start3A_264 : memref<10240x128xf32, #tpu.memory_space<vmem_shared>>) offsets(%arg12 : memref<80xi32, #tpu.memory_space<vmem>>) semaphore(%dma_start3A_266 : memref<!tpu.dma_semaphore, #tpu.memory_space<semaphore_mem>>) {add = true}
    %add3A_267 = arith.constant 0 : i32
    %add3A_268 = arith.constant 2 : i32
    %add3A_269 = arith.addi %add3A_267, %add3A_268 : i32
    %mul3A_270 = arith.constant 80 : i32
    %mul3A_271 = arith.muli %add3A_269, %mul3A_270 : i32
    %add3A_272 = arith.addi %mul3A_2, %mul3A_271 : i32
    %multiple_of3A_273 = tpu.assume_multiple %add3A_272, 80 : i32
    %dma_start3A_274 = arith.constant 0 : i32
    %dma_start3A_275 = tpu.memref_slice %arg2[%multiple_of3A_273] : memref<320000xi32, #tpu.memory_space<hbm>> -> memref<80xi32, #tpu.memory_space<hbm>>
    %dma_start3A_276 = tpu.memref_slice %arg25[%dma_start3A_274] : memref<2x!tpu.dma_semaphore, #tpu.memory_space<semaphore_mem>> -> memref<1x!tpu.dma_semaphore, #tpu.memory_space<semaphore_mem>>
    %dma_start3A_277 = tpu.memref_squeeze %dma_start3A_276 : memref<1x!tpu.dma_semaphore, #tpu.memory_space<semaphore_mem>> -> memref<!tpu.dma_semaphore, #tpu.memory_space<semaphore_mem>>
    %dma_start3A_278 = tpu.memref_slice %arg2[%multiple_of3A_273] : memref<320000xi32, #tpu.memory_space<hbm>> -> memref<80xi32, #tpu.memory_space<hbm>>
    tpu.enqueue_dma source(%dma_start3A_278 : memref<80xi32, #tpu.memory_space<hbm>>) target(%arg8 : memref<80xi32, #tpu.memory_space<vmem>>) target_semaphore(%dma_start3A_277 : memref<!tpu.dma_semaphore, #tpu.memory_space<semaphore_mem>>)
    %dma_start3A_279 = arith.constant 0 : i32
    %dma_start3A_280 = tpu.memref_slice %arg3[%multiple_of3A_273] : memref<320000xi32, #tpu.memory_space<hbm>> -> memref<80xi32, #tpu.memory_space<hbm>>
    %dma_start3A_281 = tpu.memref_slice %arg25[%dma_start3A_279] : memref<2x!tpu.dma_semaphore, #tpu.memory_space<semaphore_mem>> -> memref<1x!tpu.dma_semaphore, #tpu.memory_space<semaphore_mem>>
    %dma_start3A_282 = tpu.memref_squeeze %dma_start3A_281 : memref<1x!tpu.dma_semaphore, #tpu.memory_space<semaphore_mem>> -> memref<!tpu.dma_semaphore, #tpu.memory_space<semaphore_mem>>
    %dma_start3A_283 = tpu.memref_slice %arg3[%multiple_of3A_273] : memref<320000xi32, #tpu.memory_space<hbm>> -> memref<80xi32, #tpu.memory_space<hbm>>
    tpu.enqueue_dma source(%dma_start3A_283 : memref<80xi32, #tpu.memory_space<hbm>>) target(%arg10 : memref<80xi32, #tpu.memory_space<vmem>>) target_semaphore(%dma_start3A_282 : memref<!tpu.dma_semaphore, #tpu.memory_space<semaphore_mem>>)
    %scan3A_284 = arith.constant 0 : i32
    %scan3A_285 = arith.constant 0 : i32
    %scan3A_286 = arith.constant 61 : i32
    %scan3A_287 = arith.addi %scan3A_285, %scan3A_286 : i32
    %scan3A_288 = arith.constant 1 : i32
    scf.for %scan3A_685 = %scan3A_285 to %scan3A_287 step %scan3A_288  : i32 {
      %mul3A_686 = arith.constant 2 : i32
      %mul3A_687 = arith.muli %mul3A_686, %scan3A_685 : i32
      %add3A_688 = arith.constant 1 : i32
      %add3A_689 = arith.addi %mul3A_687, %add3A_688 : i32
      %dma_wait3A_690 = arith.constant 0 : i32
      %dma_wait3A_691 = arith.constant 0 : i32
      %dma_wait3A_692 = tpu.memref_slice %arg2[%dma_wait3A_691] : memref<320000xi32, #tpu.memory_space<hbm>> -> memref<80xi32, #tpu.memory_space<hbm>>
      %dma_wait3A_693 = tpu.memref_slice %arg25[%dma_wait3A_690] : memref<2x!tpu.dma_semaphore, #tpu.memory_space<semaphore_mem>> -> memref<1x!tpu.dma_semaphore, #tpu.memory_space<semaphore_mem>>
      %dma_wait3A_694 = tpu.memref_squeeze %dma_wait3A_693 : memref<1x!tpu.dma_semaphore, #tpu.memory_space<semaphore_mem>> -> memref<!tpu.dma_semaphore, #tpu.memory_space<semaphore_mem>>
      %dma_wait3A_695 = arith.constant 0 : i32
      %dma_wait3A_696 = tpu.memref_slice %arg2[%dma_wait3A_695] : memref<320000xi32, #tpu.memory_space<hbm>> -> memref<80xi32, #tpu.memory_space<hbm>>
      tpu.wait_dma2 semaphore(%dma_wait3A_694 : memref<!tpu.dma_semaphore, #tpu.memory_space<semaphore_mem>>) src(%dma_wait3A_696 : memref<80xi32, #tpu.memory_space<hbm>>) dst(%arg8 : memref<80xi32, #tpu.memory_space<vmem>>)
      %dma_wait3A_697 = arith.constant 0 : i32
      %dma_wait3A_698 = arith.constant 0 : i32
      %dma_wait3A_699 = tpu.memref_slice %arg3[%dma_wait3A_698] : memref<320000xi32, #tpu.memory_space<hbm>> -> memref<80xi32, #tpu.memory_space<hbm>>
      %dma_wait3A_700 = tpu.memref_slice %arg25[%dma_wait3A_697] : memref<2x!tpu.dma_semaphore, #tpu.memory_space<semaphore_mem>> -> memref<1x!tpu.dma_semaphore, #tpu.memory_space<semaphore_mem>>
      %dma_wait3A_701 = tpu.memref_squeeze %dma_wait3A_700 : memref<1x!tpu.dma_semaphore, #tpu.memory_space<semaphore_mem>> -> memref<!tpu.dma_semaphore, #tpu.memory_space<semaphore_mem>>
      %dma_wait3A_702 = arith.constant 0 : i32
      %dma_wait3A_703 = tpu.memref_slice %arg3[%dma_wait3A_702] : memref<320000xi32, #tpu.memory_space<hbm>> -> memref<80xi32, #tpu.memory_space<hbm>>
      tpu.wait_dma2 semaphore(%dma_wait3A_701 : memref<!tpu.dma_semaphore, #tpu.memory_space<semaphore_mem>>) src(%dma_wait3A_703 : memref<80xi32, #tpu.memory_space<hbm>>) dst(%arg10 : memref<80xi32, #tpu.memory_space<vmem>>)
      %dma_wait3A_704 = arith.constant 0 : i32
      %dma_wait3A_705 = arith.constant 0 : i32
      %dma_wait3A_706 = arith.constant 0 : i32
      %dma_wait3A_707 = tpu.memref_slice %arg24[%dma_wait3A_705, %dma_wait3A_706] : memref<10240x16xf32, #tpu.memory_space<vmem_shared>> -> memref<10240x16xf32, #tpu.memory_space<vmem_shared>>
      %dma_wait3A_708 = tpu.memref_slice %arg29[%dma_wait3A_704] : memref<2x!tpu.dma_semaphore, #tpu.memory_space<semaphore_mem>> -> memref<1x!tpu.dma_semaphore, #tpu.memory_space<semaphore_mem>>
      %dma_wait3A_709 = tpu.memref_squeeze %dma_wait3A_708 : memref<1x!tpu.dma_semaphore, #tpu.memory_space<semaphore_mem>> -> memref<!tpu.dma_semaphore, #tpu.memory_space<semaphore_mem>>
      tpu.wait_indirect_dma semaphore(%dma_wait3A_709 : memref<!tpu.dma_semaphore, #tpu.memory_space<semaphore_mem>>) src(%arg20 : memref<80x16xf32, #tpu.memory_space<vmem>>) dst(%dma_wait3A_707 : memref<10240x16xf32, #tpu.memory_space<vmem_shared>>)
      %dma_wait3A_710 = arith.constant 0 : i32
      %dma_wait3A_711 = arith.constant 0 : i32
      %dma_wait3A_712 = arith.constant 0 : i32
      %dma_wait3A_713 = tpu.memref_slice %arg23[%dma_wait3A_711, %dma_wait3A_712] : memref<10240x128xf32, #tpu.memory_space<vmem_shared>> -> memref<10240x128xf32, #tpu.memory_space<vmem_shared>>
      %dma_wait3A_714 = tpu.memref_slice %arg29[%dma_wait3A_710] : memref<2x!tpu.dma_semaphore, #tpu.memory_space<semaphore_mem>> -> memref<1x!tpu.dma_semaphore, #tpu.memory_space<semaphore_mem>>
      %dma_wait3A_715 = tpu.memref_squeeze %dma_wait3A_714 : memref<1x!tpu.dma_semaphore, #tpu.memory_space<semaphore_mem>> -> memref<!tpu.dma_semaphore, #tpu.memory_space<semaphore_mem>>
      tpu.wait_indirect_dma semaphore(%dma_wait3A_715 : memref<!tpu.dma_semaphore, #tpu.memory_space<semaphore_mem>>) src(%arg18 : memref<80x128xf32, #tpu.memory_space<vmem>>) dst(%dma_wait3A_713 : memref<10240x128xf32, #tpu.memory_space<vmem_shared>>)
      %dma_start3A_716 = arith.constant 0 : i32
      %dma_start3A_717 = arith.constant 0 : i32
      %dma_start3A_718 = arith.constant 0 : i32
      %dma_start3A_719 = tpu.memref_slice %arg5[%dma_start3A_717, %dma_start3A_718] : memref<10000x128xf32, #tpu.memory_space<hbm>> -> memref<10000x128xf32, #tpu.memory_space<hbm>>
      %dma_start3A_720 = tpu.memref_slice %arg26[%dma_start3A_716] : memref<2x!tpu.dma_semaphore, #tpu.memory_space<semaphore_mem>> -> memref<1x!tpu.dma_semaphore, #tpu.memory_space<semaphore_mem>>
      %dma_start3A_721 = tpu.memref_squeeze %dma_start3A_720 : memref<1x!tpu.dma_semaphore, #tpu.memory_space<semaphore_mem>> -> memref<!tpu.dma_semaphore, #tpu.memory_space<semaphore_mem>>
      tpu.enqueue_indirect_dma source(%dma_start3A_719 : memref<10000x128xf32, #tpu.memory_space<hbm>>) target(%arg18 : memref<80x128xf32, #tpu.memory_space<vmem>>) offsets(%arg8 : memref<80xi32, #tpu.memory_space<vmem>>) semaphore(%dma_start3A_721 : memref<!tpu.dma_semaphore, #tpu.memory_space<semaphore_mem>>)
      %dma_start3A_722 = arith.constant 0 : i32
      %dma_start3A_723 = arith.constant 0 : i32
      %dma_start3A_724 = arith.constant 0 : i32
      %dma_start3A_725 = tpu.memref_slice %arg4[%dma_start3A_723, %dma_start3A_724] : memref<10000x16xf32, #tpu.memory_space<hbm>> -> memref<10000x16xf32, #tpu.memory_space<hbm>>
      %dma_start3A_726 = tpu.memref_slice %arg27[%dma_start3A_722] : memref<2x!tpu.dma_semaphore, #tpu.memory_space<semaphore_mem>> -> memref<1x!tpu.dma_semaphore, #tpu.memory_space<semaphore_mem>>
      %dma_start3A_727 = tpu.memref_squeeze %dma_start3A_726 : memref<1x!tpu.dma_semaphore, #tpu.memory_space<semaphore_mem>> -> memref<!tpu.dma_semaphore, #tpu.memory_space<semaphore_mem>>
      tpu.enqueue_indirect_dma source(%dma_start3A_725 : memref<10000x16xf32, #tpu.memory_space<hbm>>) target(%arg14 : memref<80x16xf32, #tpu.memory_space<vmem>>) offsets(%arg8 : memref<80xi32, #tpu.memory_space<vmem>>) semaphore(%dma_start3A_727 : memref<!tpu.dma_semaphore, #tpu.memory_space<semaphore_mem>>)
      %dma_start3A_728 = arith.constant 0 : i32
      %dma_start3A_729 = arith.constant 0 : i32
      %dma_start3A_730 = arith.constant 0 : i32
      %dma_start3A_731 = tpu.memref_slice %arg4[%dma_start3A_729, %dma_start3A_730] : memref<10000x16xf32, #tpu.memory_space<hbm>> -> memref<10000x16xf32, #tpu.memory_space<hbm>>
      %dma_start3A_732 = tpu.memref_slice %arg28[%dma_start3A_728] : memref<2x!tpu.dma_semaphore, #tpu.memory_space<semaphore_mem>> -> memref<1x!tpu.dma_semaphore, #tpu.memory_space<semaphore_mem>>
      %dma_start3A_733 = tpu.memref_squeeze %dma_start3A_732 : memref<1x!tpu.dma_semaphore, #tpu.memory_space<semaphore_mem>> -> memref<!tpu.dma_semaphore, #tpu.memory_space<semaphore_mem>>
      tpu.enqueue_indirect_dma source(%dma_start3A_731 : memref<10000x16xf32, #tpu.memory_space<hbm>>) target(%arg16 : memref<80x16xf32, #tpu.memory_space<vmem>>) offsets(%arg10 : memref<80xi32, #tpu.memory_space<vmem>>) semaphore(%dma_start3A_733 : memref<!tpu.dma_semaphore, #tpu.memory_space<semaphore_mem>>)
      %dma_wait3A_734 = arith.constant 1 : i32
      %dma_wait3A_735 = arith.constant 0 : i32
      %dma_wait3A_736 = arith.constant 0 : i32
      %dma_wait3A_737 = tpu.memref_slice %arg5[%dma_wait3A_735, %dma_wait3A_736] : memref<10000x128xf32, #tpu.memory_space<hbm>> -> memref<10000x128xf32, #tpu.memory_space<hbm>>
      %dma_wait3A_738 = tpu.memref_slice %arg26[%dma_wait3A_734] : memref<2x!tpu.dma_semaphore, #tpu.memory_space<semaphore_mem>> -> memref<1x!tpu.dma_semaphore, #tpu.memory_space<semaphore_mem>>
      %dma_wait3A_739 = tpu.memref_squeeze %dma_wait3A_738 : memref<1x!tpu.dma_semaphore, #tpu.memory_space<semaphore_mem>> -> memref<!tpu.dma_semaphore, #tpu.memory_space<semaphore_mem>>
      tpu.wait_indirect_dma semaphore(%dma_wait3A_739 : memref<!tpu.dma_semaphore, #tpu.memory_space<semaphore_mem>>) src(%dma_wait3A_737 : memref<10000x128xf32, #tpu.memory_space<hbm>>) dst(%arg19 : memref<80x128xf32, #tpu.memory_space<vmem>>)
      %dma_wait3A_740 = arith.constant 1 : i32
      %dma_wait3A_741 = arith.constant 0 : i32
      %dma_wait3A_742 = arith.constant 0 : i32
      %dma_wait3A_743 = tpu.memref_slice %arg4[%dma_wait3A_741, %dma_wait3A_742] : memref<10000x16xf32, #tpu.memory_space<hbm>> -> memref<10000x16xf32, #tpu.memory_space<hbm>>
      %dma_wait3A_744 = tpu.memref_slice %arg27[%dma_wait3A_740] : memref<2x!tpu.dma_semaphore, #tpu.memory_space<semaphore_mem>> -> memref<1x!tpu.dma_semaphore, #tpu.memory_space<semaphore_mem>>
      %dma_wait3A_745 = tpu.memref_squeeze %dma_wait3A_744 : memref<1x!tpu.dma_semaphore, #tpu.memory_space<semaphore_mem>> -> memref<!tpu.dma_semaphore, #tpu.memory_space<semaphore_mem>>
      tpu.wait_indirect_dma semaphore(%dma_wait3A_745 : memref<!tpu.dma_semaphore, #tpu.memory_space<semaphore_mem>>) src(%dma_wait3A_743 : memref<10000x16xf32, #tpu.memory_space<hbm>>) dst(%arg15 : memref<80x16xf32, #tpu.memory_space<vmem>>)
      %dma_wait3A_746 = arith.constant 1 : i32
      %dma_wait3A_747 = arith.constant 0 : i32
      %dma_wait3A_748 = arith.constant 0 : i32
      %dma_wait3A_749 = tpu.memref_slice %arg4[%dma_wait3A_747, %dma_wait3A_748] : memref<10000x16xf32, #tpu.memory_space<hbm>> -> memref<10000x16xf32, #tpu.memory_space<hbm>>
      %dma_wait3A_750 = tpu.memref_slice %arg28[%dma_wait3A_746] : memref<2x!tpu.dma_semaphore, #tpu.memory_space<semaphore_mem>> -> memref<1x!tpu.dma_semaphore, #tpu.memory_space<semaphore_mem>>
      %dma_wait3A_751 = tpu.memref_squeeze %dma_wait3A_750 : memref<1x!tpu.dma_semaphore, #tpu.memory_space<semaphore_mem>> -> memref<!tpu.dma_semaphore, #tpu.memory_space<semaphore_mem>>
      tpu.wait_indirect_dma semaphore(%dma_wait3A_751 : memref<!tpu.dma_semaphore, #tpu.memory_space<semaphore_mem>>) src(%dma_wait3A_749 : memref<10000x16xf32, #tpu.memory_space<hbm>>) dst(%arg17 : memref<80x16xf32, #tpu.memory_space<vmem>>)
      %add3A_752 = arith.constant 0 : i32
      %add3A_753 = vector.broadcast %add3A_752 : i32 to vector<16xi32>
      %add3A_754 = arith.addi %iota3A, %add3A_753 : vector<16xi32>
      %gather3A_755 = tpu.vector_load_idx %arg15[%add3A_754, %broadcast_in_dim3A_44] : memref<80x16xf32, #tpu.memory_space<vmem>>[vector<16xi32>, vector<16xi32>], vector<16xf32>,
      %add3A_756 = arith.constant 0 : i32
      %add3A_757 = vector.broadcast %add3A_756 : i32 to vector<16xi32>
      %add3A_758 = arith.addi %iota3A, %add3A_757 : vector<16xi32>
      %gather3A_759 = tpu.vector_load_idx %arg17[%add3A_758, %add3A_47] : memref<80x16xf32, #tpu.memory_space<vmem>>[vector<16xi32>, vector<16xi32>], vector<16xf32>,
      %add3A_760 = arith.addf %gather3A_755, %gather3A_759 : vector<16xf32>
      %ge3A_761 = arith.constant 0.000000e+00 : f32
      %ge3A_762 = vector.broadcast %ge3A_761 : f32 to vector<16xf32>
      %ge3A_763 = arith.cmpf oge, %add3A_760, %ge3A_762 : vector<16xf32>
      %mul3A_764 = arith.constant 2.000000e-01 : f32
      %mul3A_765 = vector.broadcast %mul3A_764 : f32 to vector<16xf32>
      %mul3A_766 = arith.mulf %mul3A_765, %add3A_760 : vector<16xf32>
      %select_n3A_767 = arith.select %ge3A_763, %add3A_760, %mul3A_766 : vector<16xi1>, vector<16xf32>
      %exp3A_768 = math.exp %select_n3A_767 : vector<16xf32>
      %swap3A_769 = arith.constant 0 : index
      %swap3A_770 = tpu.vector_load %arg22[%swap3A_769] {strides = array<i32>} : memref<96xf32, #tpu.memory_space<vmem>>, vector<16xf32>,
      tpu.vector_store %arg22[%swap3A_769], %exp3A_768 {strides = array<i32>} : memref<96xf32, #tpu.memory_space<vmem>>, vector<16xf32>,
      %add3A_771 = arith.constant 0 : i32
      %add3A_772 = vector.broadcast %add3A_771 : i32 to vector<16xi32>
      %add3A_773 = arith.addi %iota3A, %add3A_772 : vector<16xi32>
      tpu.vector_store_idx %arg21[%add3A_773, %broadcast_in_dim3A_44], %exp3A_768 : memref<80x16xf32, #tpu.memory_space<vmem>>[vector<16xi32>, vector<16xi32>], vector<16xf32>,
      %get3A_774 = arith.constant 0 : index
      %get3A_775 = tpu.vector_load %arg11[%get3A_774] {strides = array<i32>} : memref<80xi32, #tpu.memory_space<vmem>>, vector<16xi32>,
      %swap3A_776 = arith.constant 0 : index
      %swap3A_777 = tpu.vector_load %arg13[%swap3A_776] {strides = array<i32>} : memref<80xi32, #tpu.memory_space<vmem>>, vector<16xi32>,
      tpu.vector_store %arg13[%swap3A_776], %get3A_775 {strides = array<i32>} : memref<80xi32, #tpu.memory_space<vmem>>, vector<16xi32>,
      %add3A_778 = arith.constant 16 : i32
      %add3A_779 = vector.broadcast %add3A_778 : i32 to vector<16xi32>
      %add3A_780 = arith.addi %iota3A, %add3A_779 : vector<16xi32>
      %gather3A_781 = tpu.vector_load_idx %arg15[%add3A_780, %broadcast_in_dim3A_44] : memref<80x16xf32, #tpu.memory_space<vmem>>[vector<16xi32>, vector<16xi32>], vector<16xf32>,
      %add3A_782 = arith.constant 16 : i32
      %add3A_783 = vector.broadcast %add3A_782 : i32 to vector<16xi32>
      %add3A_784 = arith.addi %iota3A, %add3A_783 : vector<16xi32>
      %gather3A_785 = tpu.vector_load_idx %arg17[%add3A_784, %add3A_47] : memref<80x16xf32, #tpu.memory_space<vmem>>[vector<16xi32>, vector<16xi32>], vector<16xf32>,
      %add3A_786 = arith.addf %gather3A_781, %gather3A_785 : vector<16xf32>
      %ge3A_787 = arith.constant 0.000000e+00 : f32
      %ge3A_788 = vector.broadcast %ge3A_787 : f32 to vector<16xf32>
      %ge3A_789 = arith.cmpf oge, %add3A_786, %ge3A_788 : vector<16xf32>
      %mul3A_790 = arith.constant 2.000000e-01 : f32
      %mul3A_791 = vector.broadcast %mul3A_790 : f32 to vector<16xf32>
      %mul3A_792 = arith.mulf %mul3A_791, %add3A_786 : vector<16xf32>
      %select_n3A_793 = arith.select %ge3A_789, %add3A_786, %mul3A_792 : vector<16xi1>, vector<16xf32>
      %exp3A_794 = math.exp %select_n3A_793 : vector<16xf32>
      %swap3A_795 = arith.constant 16 : index
      %swap3A_796 = tpu.vector_load %arg22[%swap3A_795] {strides = array<i32>} : memref<96xf32, #tpu.memory_space<vmem>>, vector<16xf32>,
      tpu.vector_store %arg22[%swap3A_795], %exp3A_794 {strides = array<i32>} : memref<96xf32, #tpu.memory_space<vmem>>, vector<16xf32>,
      %add3A_797 = arith.constant 16 : i32
      %add3A_798 = vector.broadcast %add3A_797 : i32 to vector<16xi32>
      %add3A_799 = arith.addi %iota3A, %add3A_798 : vector<16xi32>
      tpu.vector_store_idx %arg21[%add3A_799, %broadcast_in_dim3A_44], %exp3A_794 : memref<80x16xf32, #tpu.memory_space<vmem>>[vector<16xi32>, vector<16xi32>], vector<16xf32>,
      %get3A_800 = arith.constant 16 : index
      %get3A_801 = tpu.vector_load %arg11[%get3A_800] {strides = array<i32>} : memref<80xi32, #tpu.memory_space<vmem>>, vector<16xi32>,
      %swap3A_802 = arith.constant 16 : index
      %swap3A_803 = tpu.vector_load %arg13[%swap3A_802] {strides = array<i32>} : memref<80xi32, #tpu.memory_space<vmem>>, vector<16xi32>,
      tpu.vector_store %arg13[%swap3A_802], %get3A_801 {strides = array<i32>} : memref<80xi32, #tpu.memory_space<vmem>>, vector<16xi32>,
      %add3A_804 = arith.constant 32 : i32
      %add3A_805 = vector.broadcast %add3A_804 : i32 to vector<16xi32>
      %add3A_806 = arith.addi %iota3A, %add3A_805 : vector<16xi32>
      %gather3A_807 = tpu.vector_load_idx %arg15[%add3A_806, %broadcast_in_dim3A_44] : memref<80x16xf32, #tpu.memory_space<vmem>>[vector<16xi32>, vector<16xi32>], vector<16xf32>,
      %add3A_808 = arith.constant 32 : i32
      %add3A_809 = vector.broadcast %add3A_808 : i32 to vector<16xi32>
      %add3A_810 = arith.addi %iota3A, %add3A_809 : vector<16xi32>
      %gather3A_811 = tpu.vector_load_idx %arg17[%add3A_810, %add3A_47] : memref<80x16xf32, #tpu.memory_space<vmem>>[vector<16xi32>, vector<16xi32>], vector<16xf32>,
      %add3A_812 = arith.addf %gather3A_807, %gather3A_811 : vector<16xf32>
      %ge3A_813 = arith.constant 0.000000e+00 : f32
      %ge3A_814 = vector.broadcast %ge3A_813 : f32 to vector<16xf32>
      %ge3A_815 = arith.cmpf oge, %add3A_812, %ge3A_814 : vector<16xf32>
      %mul3A_816 = arith.constant 2.000000e-01 : f32
      %mul3A_817 = vector.broadcast %mul3A_816 : f32 to vector<16xf32>
      %mul3A_818 = arith.mulf %mul3A_817, %add3A_812 : vector<16xf32>
      %select_n3A_819 = arith.select %ge3A_815, %add3A_812, %mul3A_818 : vector<16xi1>, vector<16xf32>
      %exp3A_820 = math.exp %select_n3A_819 : vector<16xf32>
      %swap3A_821 = arith.constant 32 : index
      %swap3A_822 = tpu.vector_load %arg22[%swap3A_821] {strides = array<i32>} : memref<96xf32, #tpu.memory_space<vmem>>, vector<16xf32>,
      tpu.vector_store %arg22[%swap3A_821], %exp3A_820 {strides = array<i32>} : memref<96xf32, #tpu.memory_space<vmem>>, vector<16xf32>,
      %add3A_823 = arith.constant 32 : i32
      %add3A_824 = vector.broadcast %add3A_823 : i32 to vector<16xi32>
      %add3A_825 = arith.addi %iota3A, %add3A_824 : vector<16xi32>
      tpu.vector_store_idx %arg21[%add3A_825, %broadcast_in_dim3A_44], %exp3A_820 : memref<80x16xf32, #tpu.memory_space<vmem>>[vector<16xi32>, vector<16xi32>], vector<16xf32>,
      %get3A_826 = arith.constant 32 : index
      %get3A_827 = tpu.vector_load %arg11[%get3A_826] {strides = array<i32>} : memref<80xi32, #tpu.memory_space<vmem>>, vector<16xi32>,
      %swap3A_828 = arith.constant 32 : index
      %swap3A_829 = tpu.vector_load %arg13[%swap3A_828] {strides = array<i32>} : memref<80xi32, #tpu.memory_space<vmem>>, vector<16xi32>,
      tpu.vector_store %arg13[%swap3A_828], %get3A_827 {strides = array<i32>} : memref<80xi32, #tpu.memory_space<vmem>>, vector<16xi32>,
      %add3A_830 = arith.constant 48 : i32
      %add3A_831 = vector.broadcast %add3A_830 : i32 to vector<16xi32>
      %add3A_832 = arith.addi %iota3A, %add3A_831 : vector<16xi32>
      %gather3A_833 = tpu.vector_load_idx %arg15[%add3A_832, %broadcast_in_dim3A_44] : memref<80x16xf32, #tpu.memory_space<vmem>>[vector<16xi32>, vector<16xi32>], vector<16xf32>,
      %add3A_834 = arith.constant 48 : i32
      %add3A_835 = vector.broadcast %add3A_834 : i32 to vector<16xi32>
      %add3A_836 = arith.addi %iota3A, %add3A_835 : vector<16xi32>
      %gather3A_837 = tpu.vector_load_idx %arg17[%add3A_836, %add3A_47] : memref<80x16xf32, #tpu.memory_space<vmem>>[vector<16xi32>, vector<16xi32>], vector<16xf32>,
      %add3A_838 = arith.addf %gather3A_833, %gather3A_837 : vector<16xf32>
      %ge3A_839 = arith.constant 0.000000e+00 : f32
      %ge3A_840 = vector.broadcast %ge3A_839 : f32 to vector<16xf32>
      %ge3A_841 = arith.cmpf oge, %add3A_838, %ge3A_840 : vector<16xf32>
      %mul3A_842 = arith.constant 2.000000e-01 : f32
      %mul3A_843 = vector.broadcast %mul3A_842 : f32 to vector<16xf32>
      %mul3A_844 = arith.mulf %mul3A_843, %add3A_838 : vector<16xf32>
      %select_n3A_845 = arith.select %ge3A_841, %add3A_838, %mul3A_844 : vector<16xi1>, vector<16xf32>
      %exp3A_846 = math.exp %select_n3A_845 : vector<16xf32>
      %swap3A_847 = arith.constant 48 : index
      %swap3A_848 = tpu.vector_load %arg22[%swap3A_847] {strides = array<i32>} : memref<96xf32, #tpu.memory_space<vmem>>, vector<16xf32>,
      tpu.vector_store %arg22[%swap3A_847], %exp3A_846 {strides = array<i32>} : memref<96xf32, #tpu.memory_space<vmem>>, vector<16xf32>,
      %add3A_849 = arith.constant 48 : i32
      %add3A_850 = vector.broadcast %add3A_849 : i32 to vector<16xi32>
      %add3A_851 = arith.addi %iota3A, %add3A_850 : vector<16xi32>
      tpu.vector_store_idx %arg21[%add3A_851, %broadcast_in_dim3A_44], %exp3A_846 : memref<80x16xf32, #tpu.memory_space<vmem>>[vector<16xi32>, vector<16xi32>], vector<16xf32>,
      %get3A_852 = arith.constant 48 : index
      %get3A_853 = tpu.vector_load %arg11[%get3A_852] {strides = array<i32>} : memref<80xi32, #tpu.memory_space<vmem>>, vector<16xi32>,
      %swap3A_854 = arith.constant 48 : index
      %swap3A_855 = tpu.vector_load %arg13[%swap3A_854] {strides = array<i32>} : memref<80xi32, #tpu.memory_space<vmem>>, vector<16xi32>,
      tpu.vector_store %arg13[%swap3A_854], %get3A_853 {strides = array<i32>} : memref<80xi32, #tpu.memory_space<vmem>>, vector<16xi32>,
      %add3A_856 = arith.constant 64 : i32
      %add3A_857 = vector.broadcast %add3A_856 : i32 to vector<16xi32>
      %add3A_858 = arith.addi %iota3A, %add3A_857 : vector<16xi32>
      %gather3A_859 = tpu.vector_load_idx %arg15[%add3A_858, %broadcast_in_dim3A_44] : memref<80x16xf32, #tpu.memory_space<vmem>>[vector<16xi32>, vector<16xi32>], vector<16xf32>,
      %add3A_860 = arith.constant 64 : i32
      %add3A_861 = vector.broadcast %add3A_860 : i32 to vector<16xi32>
      %add3A_862 = arith.addi %iota3A, %add3A_861 : vector<16xi32>
      %gather3A_863 = tpu.vector_load_idx %arg17[%add3A_862, %add3A_47] : memref<80x16xf32, #tpu.memory_space<vmem>>[vector<16xi32>, vector<16xi32>], vector<16xf32>,
      %add3A_864 = arith.addf %gather3A_859, %gather3A_863 : vector<16xf32>
      %ge3A_865 = arith.constant 0.000000e+00 : f32
      %ge3A_866 = vector.broadcast %ge3A_865 : f32 to vector<16xf32>
      %ge3A_867 = arith.cmpf oge, %add3A_864, %ge3A_866 : vector<16xf32>
      %mul3A_868 = arith.constant 2.000000e-01 : f32
      %mul3A_869 = vector.broadcast %mul3A_868 : f32 to vector<16xf32>
      %mul3A_870 = arith.mulf %mul3A_869, %add3A_864 : vector<16xf32>
      %select_n3A_871 = arith.select %ge3A_867, %add3A_864, %mul3A_870 : vector<16xi1>, vector<16xf32>
      %exp3A_872 = math.exp %select_n3A_871 : vector<16xf32>
      %swap3A_873 = arith.constant 64 : index
      %swap3A_874 = tpu.vector_load %arg22[%swap3A_873] {strides = array<i32>} : memref<96xf32, #tpu.memory_space<vmem>>, vector<16xf32>,
      tpu.vector_store %arg22[%swap3A_873], %exp3A_872 {strides = array<i32>} : memref<96xf32, #tpu.memory_space<vmem>>, vector<16xf32>,
      %add3A_875 = arith.constant 64 : i32
      %add3A_876 = vector.broadcast %add3A_875 : i32 to vector<16xi32>
      %add3A_877 = arith.addi %iota3A, %add3A_876 : vector<16xi32>
      tpu.vector_store_idx %arg21[%add3A_877, %broadcast_in_dim3A_44], %exp3A_872 : memref<80x16xf32, #tpu.memory_space<vmem>>[vector<16xi32>, vector<16xi32>], vector<16xf32>,
      %get3A_878 = arith.constant 64 : index
      %get3A_879 = tpu.vector_load %arg11[%get3A_878] {strides = array<i32>} : memref<80xi32, #tpu.memory_space<vmem>>, vector<16xi32>,
      %swap3A_880 = arith.constant 64 : index
      %swap3A_881 = tpu.vector_load %arg13[%swap3A_880] {strides = array<i32>} : memref<80xi32, #tpu.memory_space<vmem>>, vector<16xi32>,
      tpu.vector_store %arg13[%swap3A_880], %get3A_879 {strides = array<i32>} : memref<80xi32, #tpu.memory_space<vmem>>, vector<16xi32>,
      %parallel_loop3A_882 = arith.constant 0 : i32
      %parallel_loop3A_883 = arith.constant 80 : i32
      %parallel_loop3A_884 = arith.constant 1 : i32
      scf.for %parallel_loop3A_1140 = %parallel_loop3A_882 to %parallel_loop3A_883 step %parallel_loop3A_884  : i32 {
        %parallel_loop3A_1141 = arith.index_cast %parallel_loop3A_1140 : i32 to index
        %parallel_loop3A_1142 = tpu.vector_load %arg22[%parallel_loop3A_1141] {strides = array<i32>} : memref<96xf32, #tpu.memory_space<vmem>>, vector<16xf32>,
        %parallel_loop3A_1143 = vector.extract_strided_slice %parallel_loop3A_1142 {offsets = [0], sizes = [1], strides = [1]} : vector<16xf32> to vector<1xf32>
        %parallel_loop3A_1144 = vector.extract %parallel_loop3A_1143[0] : f32 from vector<1xf32>
        %parallel_loop3A_1145 = arith.index_cast %parallel_loop3A_1140 : i32 to index
        %parallel_loop3A_1146 = arith.constant 0 : index
        %parallel_loop3A_1147 = tpu.vector_load %arg19[%parallel_loop3A_1145, %parallel_loop3A_1146] {strides = array<i32>} : memref<80x128xf32, #tpu.memory_space<vmem>>, vector<16xf32>,
        %parallel_loop3A_1148 = vector.broadcast %parallel_loop3A_1144 : f32 to vector<16xf32>
        %parallel_loop3A_1149 = arith.mulf %parallel_loop3A_1147, %parallel_loop3A_1148 : vector<16xf32>
        %parallel_loop3A_1150 = arith.index_cast %parallel_loop3A_1140 : i32 to index
        %parallel_loop3A_1151 = arith.constant 0 : index
        %parallel_loop3A_1152 = tpu.vector_load %arg19[%parallel_loop3A_1150, %parallel_loop3A_1151] {strides = array<i32>} : memref<80x128xf32, #tpu.memory_space<vmem>>, vector<16xf32>,
        tpu.vector_store %arg19[%parallel_loop3A_1150, %parallel_loop3A_1151], %parallel_loop3A_1149 {strides = array<i32>} : memref<80x128xf32, #tpu.memory_space<vmem>>, vector<16xf32>,
        %parallel_loop3A_1153 = arith.index_cast %parallel_loop3A_1140 : i32 to index
        %parallel_loop3A_1154 = arith.constant 16 : index
        %parallel_loop3A_1155 = tpu.vector_load %arg19[%parallel_loop3A_1153, %parallel_loop3A_1154] {strides = array<i32>} : memref<80x128xf32, #tpu.memory_space<vmem>>, vector<16xf32>,
        %parallel_loop3A_1156 = vector.broadcast %parallel_loop3A_1144 : f32 to vector<16xf32>
        %parallel_loop3A_1157 = arith.mulf %parallel_loop3A_1155, %parallel_loop3A_1156 : vector<16xf32>
        %parallel_loop3A_1158 = arith.index_cast %parallel_loop3A_1140 : i32 to index
        %parallel_loop3A_1159 = arith.constant 16 : index
        %parallel_loop3A_1160 = tpu.vector_load %arg19[%parallel_loop3A_1158, %parallel_loop3A_1159] {strides = array<i32>} : memref<80x128xf32, #tpu.memory_space<vmem>>, vector<16xf32>,
        tpu.vector_store %arg19[%parallel_loop3A_1158, %parallel_loop3A_1159], %parallel_loop3A_1157 {strides = array<i32>} : memref<80x128xf32, #tpu.memory_space<vmem>>, vector<16xf32>,
        %parallel_loop3A_1161 = arith.index_cast %parallel_loop3A_1140 : i32 to index
        %parallel_loop3A_1162 = arith.constant 32 : index
        %parallel_loop3A_1163 = tpu.vector_load %arg19[%parallel_loop3A_1161, %parallel_loop3A_1162] {strides = array<i32>} : memref<80x128xf32, #tpu.memory_space<vmem>>, vector<16xf32>,
        %parallel_loop3A_1164 = vector.broadcast %parallel_loop3A_1144 : f32 to vector<16xf32>
        %parallel_loop3A_1165 = arith.mulf %parallel_loop3A_1163, %parallel_loop3A_1164 : vector<16xf32>
        %parallel_loop3A_1166 = arith.index_cast %parallel_loop3A_1140 : i32 to index
        %parallel_loop3A_1167 = arith.constant 32 : index
        %parallel_loop3A_1168 = tpu.vector_load %arg19[%parallel_loop3A_1166, %parallel_loop3A_1167] {strides = array<i32>} : memref<80x128xf32, #tpu.memory_space<vmem>>, vector<16xf32>,
        tpu.vector_store %arg19[%parallel_loop3A_1166, %parallel_loop3A_1167], %parallel_loop3A_1165 {strides = array<i32>} : memref<80x128xf32, #tpu.memory_space<vmem>>, vector<16xf32>,
        %parallel_loop3A_1169 = arith.index_cast %parallel_loop3A_1140 : i32 to index
        %parallel_loop3A_1170 = arith.constant 48 : index
        %parallel_loop3A_1171 = tpu.vector_load %arg19[%parallel_loop3A_1169, %parallel_loop3A_1170] {strides = array<i32>} : memref<80x128xf32, #tpu.memory_space<vmem>>, vector<16xf32>,
        %parallel_loop3A_1172 = vector.broadcast %parallel_loop3A_1144 : f32 to vector<16xf32>
        %parallel_loop3A_1173 = arith.mulf %parallel_loop3A_1171, %parallel_loop3A_1172 : vector<16xf32>
        %parallel_loop3A_1174 = arith.index_cast %parallel_loop3A_1140 : i32 to index
        %parallel_loop3A_1175 = arith.constant 48 : index
        %parallel_loop3A_1176 = tpu.vector_load %arg19[%parallel_loop3A_1174, %parallel_loop3A_1175] {strides = array<i32>} : memref<80x128xf32, #tpu.memory_space<vmem>>, vector<16xf32>,
        tpu.vector_store %arg19[%parallel_loop3A_1174, %parallel_loop3A_1175], %parallel_loop3A_1173 {strides = array<i32>} : memref<80x128xf32, #tpu.memory_space<vmem>>, vector<16xf32>,
        %parallel_loop3A_1177 = arith.index_cast %parallel_loop3A_1140 : i32 to index
        %parallel_loop3A_1178 = arith.constant 64 : index
        %parallel_loop3A_1179 = tpu.vector_load %arg19[%parallel_loop3A_1177, %parallel_loop3A_1178] {strides = array<i32>} : memref<80x128xf32, #tpu.memory_space<vmem>>, vector<16xf32>,
        %parallel_loop3A_1180 = vector.broadcast %parallel_loop3A_1144 : f32 to vector<16xf32>
        %parallel_loop3A_1181 = arith.mulf %parallel_loop3A_1179, %parallel_loop3A_1180 : vector<16xf32>
        %parallel_loop3A_1182 = arith.index_cast %parallel_loop3A_1140 : i32 to index
        %parallel_loop3A_1183 = arith.constant 64 : index
        %parallel_loop3A_1184 = tpu.vector_load %arg19[%parallel_loop3A_1182, %parallel_loop3A_1183] {strides = array<i32>} : memref<80x128xf32, #tpu.memory_space<vmem>>, vector<16xf32>,
        tpu.vector_store %arg19[%parallel_loop3A_1182, %parallel_loop3A_1183], %parallel_loop3A_1181 {strides = array<i32>} : memref<80x128xf32, #tpu.memory_space<vmem>>, vector<16xf32>,
        %parallel_loop3A_1185 = arith.index_cast %parallel_loop3A_1140 : i32 to index
        %parallel_loop3A_1186 = arith.constant 80 : index
        %parallel_loop3A_1187 = tpu.vector_load %arg19[%parallel_loop3A_1185, %parallel_loop3A_1186] {strides = array<i32>} : memref<80x128xf32, #tpu.memory_space<vmem>>, vector<16xf32>,
        %parallel_loop3A_1188 = vector.broadcast %parallel_loop3A_1144 : f32 to vector<16xf32>
        %parallel_loop3A_1189 = arith.mulf %parallel_loop3A_1187, %parallel_loop3A_1188 : vector<16xf32>
        %parallel_loop3A_1190 = arith.index_cast %parallel_loop3A_1140 : i32 to index
        %parallel_loop3A_1191 = arith.constant 80 : index
        %parallel_loop3A_1192 = tpu.vector_load %arg19[%parallel_loop3A_1190, %parallel_loop3A_1191] {strides = array<i32>} : memref<80x128xf32, #tpu.memory_space<vmem>>, vector<16xf32>,
        tpu.vector_store %arg19[%parallel_loop3A_1190, %parallel_loop3A_1191], %parallel_loop3A_1189 {strides = array<i32>} : memref<80x128xf32, #tpu.memory_space<vmem>>, vector<16xf32>,
        %parallel_loop3A_1193 = arith.index_cast %parallel_loop3A_1140 : i32 to index
        %parallel_loop3A_1194 = arith.constant 96 : index
        %parallel_loop3A_1195 = tpu.vector_load %arg19[%parallel_loop3A_1193, %parallel_loop3A_1194] {strides = array<i32>} : memref<80x128xf32, #tpu.memory_space<vmem>>, vector<16xf32>,
        %parallel_loop3A_1196 = vector.broadcast %parallel_loop3A_1144 : f32 to vector<16xf32>
        %parallel_loop3A_1197 = arith.mulf %parallel_loop3A_1195, %parallel_loop3A_1196 : vector<16xf32>
        %parallel_loop3A_1198 = arith.index_cast %parallel_loop3A_1140 : i32 to index
        %parallel_loop3A_1199 = arith.constant 96 : index
        %parallel_loop3A_1200 = tpu.vector_load %arg19[%parallel_loop3A_1198, %parallel_loop3A_1199] {strides = array<i32>} : memref<80x128xf32, #tpu.memory_space<vmem>>, vector<16xf32>,
        tpu.vector_store %arg19[%parallel_loop3A_1198, %parallel_loop3A_1199], %parallel_loop3A_1197 {strides = array<i32>} : memref<80x128xf32, #tpu.memory_space<vmem>>, vector<16xf32>,
        %parallel_loop3A_1201 = arith.index_cast %parallel_loop3A_1140 : i32 to index
        %parallel_loop3A_1202 = arith.constant 112 : index
        %parallel_loop3A_1203 = tpu.vector_load %arg19[%parallel_loop3A_1201, %parallel_loop3A_1202] {strides = array<i32>} : memref<80x128xf32, #tpu.memory_space<vmem>>, vector<16xf32>,
        %parallel_loop3A_1204 = vector.broadcast %parallel_loop3A_1144 : f32 to vector<16xf32>
        %parallel_loop3A_1205 = arith.mulf %parallel_loop3A_1203, %parallel_loop3A_1204 : vector<16xf32>
        %parallel_loop3A_1206 = arith.index_cast %parallel_loop3A_1140 : i32 to index
        %parallel_loop3A_1207 = arith.constant 112 : index
        %parallel_loop3A_1208 = tpu.vector_load %arg19[%parallel_loop3A_1206, %parallel_loop3A_1207] {strides = array<i32>} : memref<80x128xf32, #tpu.memory_space<vmem>>, vector<16xf32>,
        tpu.vector_store %arg19[%parallel_loop3A_1206, %parallel_loop3A_1207], %parallel_loop3A_1205 {strides = array<i32>} : memref<80x128xf32, #tpu.memory_space<vmem>>, vector<16xf32>,
      } {sc.loop_unroll_factor = 4 : i64, sc.parallel_access}
      %dma_start3A_885 = arith.constant 1 : i32
      %dma_start3A_886 = arith.constant 0 : i32
      %dma_start3A_887 = arith.constant 0 : i32
      %dma_start3A_888 = tpu.memref_slice %arg24[%dma_start3A_886, %dma_start3A_887] : memref<10240x16xf32, #tpu.memory_space<vmem_shared>> -> memref<10240x16xf32, #tpu.memory_space<vmem_shared>>
      %dma_start3A_889 = tpu.memref_slice %arg29[%dma_start3A_885] : memref<2x!tpu.dma_semaphore, #tpu.memory_space<semaphore_mem>> -> memref<1x!tpu.dma_semaphore, #tpu.memory_space<semaphore_mem>>
      %dma_start3A_890 = tpu.memref_squeeze %dma_start3A_889 : memref<1x!tpu.dma_semaphore, #tpu.memory_space<semaphore_mem>> -> memref<!tpu.dma_semaphore, #tpu.memory_space<semaphore_mem>>
      tpu.enqueue_indirect_dma source(%arg21 : memref<80x16xf32, #tpu.memory_space<vmem>>) target(%dma_start3A_888 : memref<10240x16xf32, #tpu.memory_space<vmem_shared>>) offsets(%arg13 : memref<80xi32, #tpu.memory_space<vmem>>) semaphore(%dma_start3A_890 : memref<!tpu.dma_semaphore, #tpu.memory_space<semaphore_mem>>) {add = true}
      %dma_start3A_891 = arith.constant 1 : i32
      %dma_start3A_892 = arith.constant 0 : i32
      %dma_start3A_893 = arith.constant 0 : i32
      %dma_start3A_894 = tpu.memref_slice %arg23[%dma_start3A_892, %dma_start3A_893] : memref<10240x128xf32, #tpu.memory_space<vmem_shared>> -> memref<10240x128xf32, #tpu.memory_space<vmem_shared>>
      %dma_start3A_895 = tpu.memref_slice %arg29[%dma_start3A_891] : memref<2x!tpu.dma_semaphore, #tpu.memory_space<semaphore_mem>> -> memref<1x!tpu.dma_semaphore, #tpu.memory_space<semaphore_mem>>
      %dma_start3A_896 = tpu.memref_squeeze %dma_start3A_895 : memref<1x!tpu.dma_semaphore, #tpu.memory_space<semaphore_mem>> -> memref<!tpu.dma_semaphore, #tpu.memory_space<semaphore_mem>>
      tpu.enqueue_indirect_dma source(%arg19 : memref<80x128xf32, #tpu.memory_space<vmem>>) target(%dma_start3A_894 : memref<10240x128xf32, #tpu.memory_space<vmem_shared>>) offsets(%arg13 : memref<80xi32, #tpu.memory_space<vmem>>) semaphore(%dma_start3A_896 : memref<!tpu.dma_semaphore, #tpu.memory_space<semaphore_mem>>) {add = true}
      %add3A_897 = arith.constant 2 : i32
      %add3A_898 = arith.addi %add3A_689, %add3A_897 : i32
      %mul3A_899 = arith.constant 80 : i32
      %mul3A_900 = arith.muli %add3A_898, %mul3A_899 : i32
      %add3A_901 = arith.addi %mul3A_2, %mul3A_900 : i32
      %multiple_of3A_902 = tpu.assume_multiple %add3A_901, 80 : i32
      %dma_start3A_903 = arith.constant 1 : i32
      %dma_start3A_904 = tpu.memref_slice %arg2[%multiple_of3A_902] : memref<320000xi32, #tpu.memory_space<hbm>> -> memref<80xi32, #tpu.memory_space<hbm>>
      %dma_start3A_905 = tpu.memref_slice %arg25[%dma_start3A_903] : memref<2x!tpu.dma_semaphore, #tpu.memory_space<semaphore_mem>> -> memref<1x!tpu.dma_semaphore, #tpu.memory_space<semaphore_mem>>
      %dma_start3A_906 = tpu.memref_squeeze %dma_start3A_905 : memref<1x!tpu.dma_semaphore, #tpu.memory_space<semaphore_mem>> -> memref<!tpu.dma_semaphore, #tpu.memory_space<semaphore_mem>>
      %dma_start3A_907 = tpu.memref_slice %arg2[%multiple_of3A_902] : memref<320000xi32, #tpu.memory_space<hbm>> -> memref<80xi32, #tpu.memory_space<hbm>>
      tpu.enqueue_dma source(%dma_start3A_907 : memref<80xi32, #tpu.memory_space<hbm>>) target(%arg9 : memref<80xi32, #tpu.memory_space<vmem>>) target_semaphore(%dma_start3A_906 : memref<!tpu.dma_semaphore, #tpu.memory_space<semaphore_mem>>)
      %dma_start3A_908 = arith.constant 1 : i32
      %dma_start3A_909 = tpu.memref_slice %arg3[%multiple_of3A_902] : memref<320000xi32, #tpu.memory_space<hbm>> -> memref<80xi32, #tpu.memory_space<hbm>>
      %dma_start3A_910 = tpu.memref_slice %arg25[%dma_start3A_908] : memref<2x!tpu.dma_semaphore, #tpu.memory_space<semaphore_mem>> -> memref<1x!tpu.dma_semaphore, #tpu.memory_space<semaphore_mem>>
      %dma_start3A_911 = tpu.memref_squeeze %dma_start3A_910 : memref<1x!tpu.dma_semaphore, #tpu.memory_space<semaphore_mem>> -> memref<!tpu.dma_semaphore, #tpu.memory_space<semaphore_mem>>
      %dma_start3A_912 = tpu.memref_slice %arg3[%multiple_of3A_902] : memref<320000xi32, #tpu.memory_space<hbm>> -> memref<80xi32, #tpu.memory_space<hbm>>
      tpu.enqueue_dma source(%dma_start3A_912 : memref<80xi32, #tpu.memory_space<hbm>>) target(%arg11 : memref<80xi32, #tpu.memory_space<vmem>>) target_semaphore(%dma_start3A_911 : memref<!tpu.dma_semaphore, #tpu.memory_space<semaphore_mem>>)
      %mul3A_913 = arith.constant 2 : i32
      %mul3A_914 = arith.muli %mul3A_913, %scan3A_685 : i32
      %add3A_915 = arith.constant 2 : i32
      %add3A_916 = arith.addi %mul3A_914, %add3A_915 : i32
      %dma_wait3A_917 = arith.constant 1 : i32
      %dma_wait3A_918 = arith.constant 0 : i32
      %dma_wait3A_919 = tpu.memref_slice %arg2[%dma_wait3A_918] : memref<320000xi32, #tpu.memory_space<hbm>> -> memref<80xi32, #tpu.memory_space<hbm>>
      %dma_wait3A_920 = tpu.memref_slice %arg25[%dma_wait3A_917] : memref<2x!tpu.dma_semaphore, #tpu.memory_space<semaphore_mem>> -> memref<1x!tpu.dma_semaphore, #tpu.memory_space<semaphore_mem>>
      %dma_wait3A_921 = tpu.memref_squeeze %dma_wait3A_920 : memref<1x!tpu.dma_semaphore, #tpu.memory_space<semaphore_mem>> -> memref<!tpu.dma_semaphore, #tpu.memory_space<semaphore_mem>>
      %dma_wait3A_922 = arith.constant 0 : i32
      %dma_wait3A_923 = tpu.memref_slice %arg2[%dma_wait3A_922] : memref<320000xi32, #tpu.memory_space<hbm>> -> memref<80xi32, #tpu.memory_space<hbm>>
      tpu.wait_dma2 semaphore(%dma_wait3A_921 : memref<!tpu.dma_semaphore, #tpu.memory_space<semaphore_mem>>) src(%dma_wait3A_923 : memref<80xi32, #tpu.memory_space<hbm>>) dst(%arg9 : memref<80xi32, #tpu.memory_space<vmem>>)
      %dma_wait3A_924 = arith.constant 1 : i32
      %dma_wait3A_925 = arith.constant 0 : i32
      %dma_wait3A_926 = tpu.memref_slice %arg3[%dma_wait3A_925] : memref<320000xi32, #tpu.memory_space<hbm>> -> memref<80xi32, #tpu.memory_space<hbm>>
      %dma_wait3A_927 = tpu.memref_slice %arg25[%dma_wait3A_924] : memref<2x!tpu.dma_semaphore, #tpu.memory_space<semaphore_mem>> -> memref<1x!tpu.dma_semaphore, #tpu.memory_space<semaphore_mem>>
      %dma_wait3A_928 = tpu.memref_squeeze %dma_wait3A_927 : memref<1x!tpu.dma_semaphore, #tpu.memory_space<semaphore_mem>> -> memref<!tpu.dma_semaphore, #tpu.memory_space<semaphore_mem>>
      %dma_wait3A_929 = arith.constant 0 : i32
      %dma_wait3A_930 = tpu.memref_slice %arg3[%dma_wait3A_929] : memref<320000xi32, #tpu.memory_space<hbm>> -> memref<80xi32, #tpu.memory_space<hbm>>
      tpu.wait_dma2 semaphore(%dma_wait3A_928 : memref<!tpu.dma_semaphore, #tpu.memory_space<semaphore_mem>>) src(%dma_wait3A_930 : memref<80xi32, #tpu.memory_space<hbm>>) dst(%arg11 : memref<80xi32, #tpu.memory_space<vmem>>)
      %dma_wait3A_931 = arith.constant 1 : i32
      %dma_wait3A_932 = arith.constant 0 : i32
      %dma_wait3A_933 = arith.constant 0 : i32
      %dma_wait3A_934 = tpu.memref_slice %arg24[%dma_wait3A_932, %dma_wait3A_933] : memref<10240x16xf32, #tpu.memory_space<vmem_shared>> -> memref<10240x16xf32, #tpu.memory_space<vmem_shared>>
      %dma_wait3A_935 = tpu.memref_slice %arg29[%dma_wait3A_931] : memref<2x!tpu.dma_semaphore, #tpu.memory_space<semaphore_mem>> -> memref<1x!tpu.dma_semaphore, #tpu.memory_space<semaphore_mem>>
      %dma_wait3A_936 = tpu.memref_squeeze %dma_wait3A_935 : memref<1x!tpu.dma_semaphore, #tpu.memory_space<semaphore_mem>> -> memref<!tpu.dma_semaphore, #tpu.memory_space<semaphore_mem>>
      tpu.wait_indirect_dma semaphore(%dma_wait3A_936 : memref<!tpu.dma_semaphore, #tpu.memory_space<semaphore_mem>>) src(%arg21 : memref<80x16xf32, #tpu.memory_space<vmem>>) dst(%dma_wait3A_934 : memref<10240x16xf32, #tpu.memory_space<vmem_shared>>)
      %dma_wait3A_937 = arith.constant 1 : i32
      %dma_wait3A_938 = arith.constant 0 : i32
      %dma_wait3A_939 = arith.constant 0 : i32
      %dma_wait3A_940 = tpu.memref_slice %arg23[%dma_wait3A_938, %dma_wait3A_939] : memref<10240x128xf32, #tpu.memory_space<vmem_shared>> -> memref<10240x128xf32, #tpu.memory_space<vmem_shared>>
      %dma_wait3A_941 = tpu.memref_slice %arg29[%dma_wait3A_937] : memref<2x!tpu.dma_semaphore, #tpu.memory_space<semaphore_mem>> -> memref<1x!tpu.dma_semaphore, #tpu.memory_space<semaphore_mem>>
      %dma_wait3A_942 = tpu.memref_squeeze %dma_wait3A_941 : memref<1x!tpu.dma_semaphore, #tpu.memory_space<semaphore_mem>> -> memref<!tpu.dma_semaphore, #tpu.memory_space<semaphore_mem>>
      tpu.wait_indirect_dma semaphore(%dma_wait3A_942 : memref<!tpu.dma_semaphore, #tpu.memory_space<semaphore_mem>>) src(%arg19 : memref<80x128xf32, #tpu.memory_space<vmem>>) dst(%dma_wait3A_940 : memref<10240x128xf32, #tpu.memory_space<vmem_shared>>)
      %dma_start3A_943 = arith.constant 1 : i32
      %dma_start3A_944 = arith.constant 0 : i32
      %dma_start3A_945 = arith.constant 0 : i32
      %dma_start3A_946 = tpu.memref_slice %arg5[%dma_start3A_944, %dma_start3A_945] : memref<10000x128xf32, #tpu.memory_space<hbm>> -> memref<10000x128xf32, #tpu.memory_space<hbm>>
      %dma_start3A_947 = tpu.memref_slice %arg26[%dma_start3A_943] : memref<2x!tpu.dma_semaphore, #tpu.memory_space<semaphore_mem>> -> memref<1x!tpu.dma_semaphore, #tpu.memory_space<semaphore_mem>>
      %dma_start3A_948 = tpu.memref_squeeze %dma_start3A_947 : memref<1x!tpu.dma_semaphore, #tpu.memory_space<semaphore_mem>> -> memref<!tpu.dma_semaphore, #tpu.memory_space<semaphore_mem>>
      tpu.enqueue_indirect_dma source(%dma_start3A_946 : memref<10000x128xf32, #tpu.memory_space<hbm>>) target(%arg19 : memref<80x128xf32, #tpu.memory_space<vmem>>) offsets(%arg9 : memref<80xi32, #tpu.memory_space<vmem>>) semaphore(%dma_start3A_948 : memref<!tpu.dma_semaphore, #tpu.memory_space<semaphore_mem>>)
      %dma_start3A_949 = arith.constant 1 : i32
      %dma_start3A_950 = arith.constant 0 : i32
      %dma_start3A_951 = arith.constant 0 : i32
      %dma_start3A_952 = tpu.memref_slice %arg4[%dma_start3A_950, %dma_start3A_951] : memref<10000x16xf32, #tpu.memory_space<hbm>> -> memref<10000x16xf32, #tpu.memory_space<hbm>>
      %dma_start3A_953 = tpu.memref_slice %arg27[%dma_start3A_949] : memref<2x!tpu.dma_semaphore, #tpu.memory_space<semaphore_mem>> -> memref<1x!tpu.dma_semaphore, #tpu.memory_space<semaphore_mem>>
      %dma_start3A_954 = tpu.memref_squeeze %dma_start3A_953 : memref<1x!tpu.dma_semaphore, #tpu.memory_space<semaphore_mem>> -> memref<!tpu.dma_semaphore, #tpu.memory_space<semaphore_mem>>
      tpu.enqueue_indirect_dma source(%dma_start3A_952 : memref<10000x16xf32, #tpu.memory_space<hbm>>) target(%arg15 : memref<80x16xf32, #tpu.memory_space<vmem>>) offsets(%arg9 : memref<80xi32, #tpu.memory_space<vmem>>) semaphore(%dma_start3A_954 : memref<!tpu.dma_semaphore, #tpu.memory_space<semaphore_mem>>)
      %dma_start3A_955 = arith.constant 1 : i32
      %dma_start3A_956 = arith.constant 0 : i32
      %dma_start3A_957 = arith.constant 0 : i32
      %dma_start3A_958 = tpu.memref_slice %arg4[%dma_start3A_956, %dma_start3A_957] : memref<10000x16xf32, #tpu.memory_space<hbm>> -> memref<10000x16xf32, #tpu.memory_space<hbm>>
      %dma_start3A_959 = tpu.memref_slice %arg28[%dma_start3A_955] : memref<2x!tpu.dma_semaphore, #tpu.memory_space<semaphore_mem>> -> memref<1x!tpu.dma_semaphore, #tpu.memory_space<semaphore_mem>>
      %dma_start3A_960 = tpu.memref_squeeze %dma_start3A_959 : memref<1x!tpu.dma_semaphore, #tpu.memory_space<semaphore_mem>> -> memref<!tpu.dma_semaphore, #tpu.memory_space<semaphore_mem>>
      tpu.enqueue_indirect_dma source(%dma_start3A_958 : memref<10000x16xf32, #tpu.memory_space<hbm>>) target(%arg17 : memref<80x16xf32, #tpu.memory_space<vmem>>) offsets(%arg11 : memref<80xi32, #tpu.memory_space<vmem>>) semaphore(%dma_start3A_960 : memref<!tpu.dma_semaphore, #tpu.memory_space<semaphore_mem>>)
      %dma_wait3A_961 = arith.constant 0 : i32
      %dma_wait3A_962 = arith.constant 0 : i32
      %dma_wait3A_963 = arith.constant 0 : i32
      %dma_wait3A_964 = tpu.memref_slice %arg5[%dma_wait3A_962, %dma_wait3A_963] : memref<10000x128xf32, #tpu.memory_space<hbm>> -> memref<10000x128xf32, #tpu.memory_space<hbm>>
      %dma_wait3A_965 = tpu.memref_slice %arg26[%dma_wait3A_961] : memref<2x!tpu.dma_semaphore, #tpu.memory_space<semaphore_mem>> -> memref<1x!tpu.dma_semaphore, #tpu.memory_space<semaphore_mem>>
      %dma_wait3A_966 = tpu.memref_squeeze %dma_wait3A_965 : memref<1x!tpu.dma_semaphore, #tpu.memory_space<semaphore_mem>> -> memref<!tpu.dma_semaphore, #tpu.memory_space<semaphore_mem>>
      tpu.wait_indirect_dma semaphore(%dma_wait3A_966 : memref<!tpu.dma_semaphore, #tpu.memory_space<semaphore_mem>>) src(%dma_wait3A_964 : memref<10000x128xf32, #tpu.memory_space<hbm>>) dst(%arg18 : memref<80x128xf32, #tpu.memory_space<vmem>>)
      %dma_wait3A_967 = arith.constant 0 : i32
      %dma_wait3A_968 = arith.constant 0 : i32
      %dma_wait3A_969 = arith.constant 0 : i32
      %dma_wait3A_970 = tpu.memref_slice %arg4[%dma_wait3A_968, %dma_wait3A_969] : memref<10000x16xf32, #tpu.memory_space<hbm>> -> memref<10000x16xf32, #tpu.memory_space<hbm>>
      %dma_wait3A_971 = tpu.memref_slice %arg27[%dma_wait3A_967] : memref<2x!tpu.dma_semaphore, #tpu.memory_space<semaphore_mem>> -> memref<1x!tpu.dma_semaphore, #tpu.memory_space<semaphore_mem>>
      %dma_wait3A_972 = tpu.memref_squeeze %dma_wait3A_971 : memref<1x!tpu.dma_semaphore, #tpu.memory_space<semaphore_mem>> -> memref<!tpu.dma_semaphore, #tpu.memory_space<semaphore_mem>>
      tpu.wait_indirect_dma semaphore(%dma_wait3A_972 : memref<!tpu.dma_semaphore, #tpu.memory_space<semaphore_mem>>) src(%dma_wait3A_970 : memref<10000x16xf32, #tpu.memory_space<hbm>>) dst(%arg14 : memref<80x16xf32, #tpu.memory_space<vmem>>)
      %dma_wait3A_973 = arith.constant 0 : i32
      %dma_wait3A_974 = arith.constant 0 : i32
      %dma_wait3A_975 = arith.constant 0 : i32
      %dma_wait3A_976 = tpu.memref_slice %arg4[%dma_wait3A_974, %dma_wait3A_975] : memref<10000x16xf32, #tpu.memory_space<hbm>> -> memref<10000x16xf32, #tpu.memory_space<hbm>>
      %dma_wait3A_977 = tpu.memref_slice %arg28[%dma_wait3A_973] : memref<2x!tpu.dma_semaphore, #tpu.memory_space<semaphore_mem>> -> memref<1x!tpu.dma_semaphore, #tpu.memory_space<semaphore_mem>>
      %dma_wait3A_978 = tpu.memref_squeeze %dma_wait3A_977 : memref<1x!tpu.dma_semaphore, #tpu.memory_space<semaphore_mem>> -> memref<!tpu.dma_semaphore, #tpu.memory_space<semaphore_mem>>
      tpu.wait_indirect_dma semaphore(%dma_wait3A_978 : memref<!tpu.dma_semaphore, #tpu.memory_space<semaphore_mem>>) src(%dma_wait3A_976 : memref<10000x16xf32, #tpu.memory_space<hbm>>) dst(%arg16 : memref<80x16xf32, #tpu.memory_space<vmem>>)
      %add3A_979 = arith.constant 0 : i32
      %add3A_980 = vector.broadcast %add3A_979 : i32 to vector<16xi32>
      %add3A_981 = arith.addi %iota3A, %add3A_980 : vector<16xi32>
      %gather3A_982 = tpu.vector_load_idx %arg14[%add3A_981, %broadcast_in_dim3A_44] : memref<80x16xf32, #tpu.memory_space<vmem>>[vector<16xi32>, vector<16xi32>], vector<16xf32>,
      %add3A_983 = arith.constant 0 : i32
      %add3A_984 = vector.broadcast %add3A_983 : i32 to vector<16xi32>
      %add3A_985 = arith.addi %iota3A, %add3A_984 : vector<16xi32>
      %gather3A_986 = tpu.vector_load_idx %arg16[%add3A_985, %add3A_47] : memref<80x16xf32, #tpu.memory_space<vmem>>[vector<16xi32>, vector<16xi32>], vector<16xf32>,
      %add3A_987 = arith.addf %gather3A_982, %gather3A_986 : vector<16xf32>
      %ge3A_988 = arith.constant 0.000000e+00 : f32
      %ge3A_989 = vector.broadcast %ge3A_988 : f32 to vector<16xf32>
      %ge3A_990 = arith.cmpf oge, %add3A_987, %ge3A_989 : vector<16xf32>
      %mul3A_991 = arith.constant 2.000000e-01 : f32
      %mul3A_992 = vector.broadcast %mul3A_991 : f32 to vector<16xf32>
      %mul3A_993 = arith.mulf %mul3A_992, %add3A_987 : vector<16xf32>
      %select_n3A_994 = arith.select %ge3A_990, %add3A_987, %mul3A_993 : vector<16xi1>, vector<16xf32>
      %exp3A_995 = math.exp %select_n3A_994 : vector<16xf32>
      %swap3A_996 = arith.constant 0 : index
      %swap3A_997 = tpu.vector_load %arg22[%swap3A_996] {strides = array<i32>} : memref<96xf32, #tpu.memory_space<vmem>>, vector<16xf32>,
      tpu.vector_store %arg22[%swap3A_996], %exp3A_995 {strides = array<i32>} : memref<96xf32, #tpu.memory_space<vmem>>, vector<16xf32>,
      %add3A_998 = arith.constant 0 : i32
      %add3A_999 = vector.broadcast %add3A_998 : i32 to vector<16xi32>
      %add3A_1000 = arith.addi %iota3A, %add3A_999 : vector<16xi32>
      tpu.vector_store_idx %arg20[%add3A_1000, %broadcast_in_dim3A_44], %exp3A_995 : memref<80x16xf32, #tpu.memory_space<vmem>>[vector<16xi32>, vector<16xi32>], vector<16xf32>,
      %get3A_1001 = arith.constant 0 : index
      %get3A_1002 = tpu.vector_load %arg10[%get3A_1001] {strides = array<i32>} : memref<80xi32, #tpu.memory_space<vmem>>, vector<16xi32>,
      %swap3A_1003 = arith.constant 0 : index
      %swap3A_1004 = tpu.vector_load %arg12[%swap3A_1003] {strides = array<i32>} : memref<80xi32, #tpu.memory_space<vmem>>, vector<16xi32>,
      tpu.vector_store %arg12[%swap3A_1003], %get3A_1002 {strides = array<i32>} : memref<80xi32, #tpu.memory_space<vmem>>, vector<16xi32>,
      %add3A_1005 = arith.constant 16 : i32
      %add3A_1006 = vector.broadcast %add3A_1005 : i32 to vector<16xi32>
      %add3A_1007 = arith.addi %iota3A, %add3A_1006 : vector<16xi32>
      %gather3A_1008 = tpu.vector_load_idx %arg14[%add3A_1007, %broadcast_in_dim3A_44] : memref<80x16xf32, #tpu.memory_space<vmem>>[vector<16xi32>, vector<16xi32>], vector<16xf32>,
      %add3A_1009 = arith.constant 16 : i32
      %add3A_1010 = vector.broadcast %add3A_1009 : i32 to vector<16xi32>
      %add3A_1011 = arith.addi %iota3A, %add3A_1010 : vector<16xi32>
      %gather3A_1012 = tpu.vector_load_idx %arg16[%add3A_1011, %add3A_47] : memref<80x16xf32, #tpu.memory_space<vmem>>[vector<16xi32>, vector<16xi32>], vector<16xf32>,
      %add3A_1013 = arith.addf %gather3A_1008, %gather3A_1012 : vector<16xf32>
      %ge3A_1014 = arith.constant 0.000000e+00 : f32
      %ge3A_1015 = vector.broadcast %ge3A_1014 : f32 to vector<16xf32>
      %ge3A_1016 = arith.cmpf oge, %add3A_1013, %ge3A_1015 : vector<16xf32>
      %mul3A_1017 = arith.constant 2.000000e-01 : f32
      %mul3A_1018 = vector.broadcast %mul3A_1017 : f32 to vector<16xf32>
      %mul3A_1019 = arith.mulf %mul3A_1018, %add3A_1013 : vector<16xf32>
      %select_n3A_1020 = arith.select %ge3A_1016, %add3A_1013, %mul3A_1019 : vector<16xi1>, vector<16xf32>
      %exp3A_1021 = math.exp %select_n3A_1020 : vector<16xf32>
      %swap3A_1022 = arith.constant 16 : index
      %swap3A_1023 = tpu.vector_load %arg22[%swap3A_1022] {strides = array<i32>} : memref<96xf32, #tpu.memory_space<vmem>>, vector<16xf32>,
      tpu.vector_store %arg22[%swap3A_1022], %exp3A_1021 {strides = array<i32>} : memref<96xf32, #tpu.memory_space<vmem>>, vector<16xf32>,
      %add3A_1024 = arith.constant 16 : i32
      %add3A_1025 = vector.broadcast %add3A_1024 : i32 to vector<16xi32>
      %add3A_1026 = arith.addi %iota3A, %add3A_1025 : vector<16xi32>
      tpu.vector_store_idx %arg20[%add3A_1026, %broadcast_in_dim3A_44], %exp3A_1021 : memref<80x16xf32, #tpu.memory_space<vmem>>[vector<16xi32>, vector<16xi32>], vector<16xf32>,
      %get3A_1027 = arith.constant 16 : index
      %get3A_1028 = tpu.vector_load %arg10[%get3A_1027] {strides = array<i32>} : memref<80xi32, #tpu.memory_space<vmem>>, vector<16xi32>,
      %swap3A_1029 = arith.constant 16 : index
      %swap3A_1030 = tpu.vector_load %arg12[%swap3A_1029] {strides = array<i32>} : memref<80xi32, #tpu.memory_space<vmem>>, vector<16xi32>,
      tpu.vector_store %arg12[%swap3A_1029], %get3A_1028 {strides = array<i32>} : memref<80xi32, #tpu.memory_space<vmem>>, vector<16xi32>,
      %add3A_1031 = arith.constant 32 : i32
      %add3A_1032 = vector.broadcast %add3A_1031 : i32 to vector<16xi32>
      %add3A_1033 = arith.addi %iota3A, %add3A_1032 : vector<16xi32>
      %gather3A_1034 = tpu.vector_load_idx %arg14[%add3A_1033, %broadcast_in_dim3A_44] : memref<80x16xf32, #tpu.memory_space<vmem>>[vector<16xi32>, vector<16xi32>], vector<16xf32>,
      %add3A_1035 = arith.constant 32 : i32
      %add3A_1036 = vector.broadcast %add3A_1035 : i32 to vector<16xi32>
      %add3A_1037 = arith.addi %iota3A, %add3A_1036 : vector<16xi32>
      %gather3A_1038 = tpu.vector_load_idx %arg16[%add3A_1037, %add3A_47] : memref<80x16xf32, #tpu.memory_space<vmem>>[vector<16xi32>, vector<16xi32>], vector<16xf32>,
      %add3A_1039 = arith.addf %gather3A_1034, %gather3A_1038 : vector<16xf32>
      %ge3A_1040 = arith.constant 0.000000e+00 : f32
      %ge3A_1041 = vector.broadcast %ge3A_1040 : f32 to vector<16xf32>
      %ge3A_1042 = arith.cmpf oge, %add3A_1039, %ge3A_1041 : vector<16xf32>
      %mul3A_1043 = arith.constant 2.000000e-01 : f32
      %mul3A_1044 = vector.broadcast %mul3A_1043 : f32 to vector<16xf32>
      %mul3A_1045 = arith.mulf %mul3A_1044, %add3A_1039 : vector<16xf32>
      %select_n3A_1046 = arith.select %ge3A_1042, %add3A_1039, %mul3A_1045 : vector<16xi1>, vector<16xf32>
      %exp3A_1047 = math.exp %select_n3A_1046 : vector<16xf32>
      %swap3A_1048 = arith.constant 32 : index
      %swap3A_1049 = tpu.vector_load %arg22[%swap3A_1048] {strides = array<i32>} : memref<96xf32, #tpu.memory_space<vmem>>, vector<16xf32>,
      tpu.vector_store %arg22[%swap3A_1048], %exp3A_1047 {strides = array<i32>} : memref<96xf32, #tpu.memory_space<vmem>>, vector<16xf32>,
      %add3A_1050 = arith.constant 32 : i32
      %add3A_1051 = vector.broadcast %add3A_1050 : i32 to vector<16xi32>
      %add3A_1052 = arith.addi %iota3A, %add3A_1051 : vector<16xi32>
      tpu.vector_store_idx %arg20[%add3A_1052, %broadcast_in_dim3A_44], %exp3A_1047 : memref<80x16xf32, #tpu.memory_space<vmem>>[vector<16xi32>, vector<16xi32>], vector<16xf32>,
      %get3A_1053 = arith.constant 32 : index
      %get3A_1054 = tpu.vector_load %arg10[%get3A_1053] {strides = array<i32>} : memref<80xi32, #tpu.memory_space<vmem>>, vector<16xi32>,
      %swap3A_1055 = arith.constant 32 : index
      %swap3A_1056 = tpu.vector_load %arg12[%swap3A_1055] {strides = array<i32>} : memref<80xi32, #tpu.memory_space<vmem>>, vector<16xi32>,
      tpu.vector_store %arg12[%swap3A_1055], %get3A_1054 {strides = array<i32>} : memref<80xi32, #tpu.memory_space<vmem>>, vector<16xi32>,
      %add3A_1057 = arith.constant 48 : i32
      %add3A_1058 = vector.broadcast %add3A_1057 : i32 to vector<16xi32>
      %add3A_1059 = arith.addi %iota3A, %add3A_1058 : vector<16xi32>
      %gather3A_1060 = tpu.vector_load_idx %arg14[%add3A_1059, %broadcast_in_dim3A_44] : memref<80x16xf32, #tpu.memory_space<vmem>>[vector<16xi32>, vector<16xi32>], vector<16xf32>,
      %add3A_1061 = arith.constant 48 : i32
      %add3A_1062 = vector.broadcast %add3A_1061 : i32 to vector<16xi32>
      %add3A_1063 = arith.addi %iota3A, %add3A_1062 : vector<16xi32>
      %gather3A_1064 = tpu.vector_load_idx %arg16[%add3A_1063, %add3A_47] : memref<80x16xf32, #tpu.memory_space<vmem>>[vector<16xi32>, vector<16xi32>], vector<16xf32>,
      %add3A_1065 = arith.addf %gather3A_1060, %gather3A_1064 : vector<16xf32>
      %ge3A_1066 = arith.constant 0.000000e+00 : f32
      %ge3A_1067 = vector.broadcast %ge3A_1066 : f32 to vector<16xf32>
      %ge3A_1068 = arith.cmpf oge, %add3A_1065, %ge3A_1067 : vector<16xf32>
      %mul3A_1069 = arith.constant 2.000000e-01 : f32
      %mul3A_1070 = vector.broadcast %mul3A_1069 : f32 to vector<16xf32>
      %mul3A_1071 = arith.mulf %mul3A_1070, %add3A_1065 : vector<16xf32>
      %select_n3A_1072 = arith.select %ge3A_1068, %add3A_1065, %mul3A_1071 : vector<16xi1>, vector<16xf32>
      %exp3A_1073 = math.exp %select_n3A_1072 : vector<16xf32>
      %swap3A_1074 = arith.constant 48 : index
      %swap3A_1075 = tpu.vector_load %arg22[%swap3A_1074] {strides = array<i32>} : memref<96xf32, #tpu.memory_space<vmem>>, vector<16xf32>,
      tpu.vector_store %arg22[%swap3A_1074], %exp3A_1073 {strides = array<i32>} : memref<96xf32, #tpu.memory_space<vmem>>, vector<16xf32>,
      %add3A_1076 = arith.constant 48 : i32
      %add3A_1077 = vector.broadcast %add3A_1076 : i32 to vector<16xi32>
      %add3A_1078 = arith.addi %iota3A, %add3A_1077 : vector<16xi32>
      tpu.vector_store_idx %arg20[%add3A_1078, %broadcast_in_dim3A_44], %exp3A_1073 : memref<80x16xf32, #tpu.memory_space<vmem>>[vector<16xi32>, vector<16xi32>], vector<16xf32>,
      %get3A_1079 = arith.constant 48 : index
      %get3A_1080 = tpu.vector_load %arg10[%get3A_1079] {strides = array<i32>} : memref<80xi32, #tpu.memory_space<vmem>>, vector<16xi32>,
      %swap3A_1081 = arith.constant 48 : index
      %swap3A_1082 = tpu.vector_load %arg12[%swap3A_1081] {strides = array<i32>} : memref<80xi32, #tpu.memory_space<vmem>>, vector<16xi32>,
      tpu.vector_store %arg12[%swap3A_1081], %get3A_1080 {strides = array<i32>} : memref<80xi32, #tpu.memory_space<vmem>>, vector<16xi32>,
      %add3A_1083 = arith.constant 64 : i32
      %add3A_1084 = vector.broadcast %add3A_1083 : i32 to vector<16xi32>
      %add3A_1085 = arith.addi %iota3A, %add3A_1084 : vector<16xi32>
      %gather3A_1086 = tpu.vector_load_idx %arg14[%add3A_1085, %broadcast_in_dim3A_44] : memref<80x16xf32, #tpu.memory_space<vmem>>[vector<16xi32>, vector<16xi32>], vector<16xf32>,
      %add3A_1087 = arith.constant 64 : i32
      %add3A_1088 = vector.broadcast %add3A_1087 : i32 to vector<16xi32>
      %add3A_1089 = arith.addi %iota3A, %add3A_1088 : vector<16xi32>
      %gather3A_1090 = tpu.vector_load_idx %arg16[%add3A_1089, %add3A_47] : memref<80x16xf32, #tpu.memory_space<vmem>>[vector<16xi32>, vector<16xi32>], vector<16xf32>,
      %add3A_1091 = arith.addf %gather3A_1086, %gather3A_1090 : vector<16xf32>
      %ge3A_1092 = arith.constant 0.000000e+00 : f32
      %ge3A_1093 = vector.broadcast %ge3A_1092 : f32 to vector<16xf32>
      %ge3A_1094 = arith.cmpf oge, %add3A_1091, %ge3A_1093 : vector<16xf32>
      %mul3A_1095 = arith.constant 2.000000e-01 : f32
      %mul3A_1096 = vector.broadcast %mul3A_1095 : f32 to vector<16xf32>
      %mul3A_1097 = arith.mulf %mul3A_1096, %add3A_1091 : vector<16xf32>
      %select_n3A_1098 = arith.select %ge3A_1094, %add3A_1091, %mul3A_1097 : vector<16xi1>, vector<16xf32>
      %exp3A_1099 = math.exp %select_n3A_1098 : vector<16xf32>
      %swap3A_1100 = arith.constant 64 : index
      %swap3A_1101 = tpu.vector_load %arg22[%swap3A_1100] {strides = array<i32>} : memref<96xf32, #tpu.memory_space<vmem>>, vector<16xf32>,
      tpu.vector_store %arg22[%swap3A_1100], %exp3A_1099 {strides = array<i32>} : memref<96xf32, #tpu.memory_space<vmem>>, vector<16xf32>,
      %add3A_1102 = arith.constant 64 : i32
      %add3A_1103 = vector.broadcast %add3A_1102 : i32 to vector<16xi32>
      %add3A_1104 = arith.addi %iota3A, %add3A_1103 : vector<16xi32>
      tpu.vector_store_idx %arg20[%add3A_1104, %broadcast_in_dim3A_44], %exp3A_1099 : memref<80x16xf32, #tpu.memory_space<vmem>>[vector<16xi32>, vector<16xi32>], vector<16xf32>,
      %get3A_1105 = arith.constant 64 : index
      %get3A_1106 = tpu.vector_load %arg10[%get3A_1105] {strides = array<i32>} : memref<80xi32, #tpu.memory_space<vmem>>, vector<16xi32>,
      %swap3A_1107 = arith.constant 64 : index
      %swap3A_1108 = tpu.vector_load %arg12[%swap3A_1107] {strides = array<i32>} : memref<80xi32, #tpu.memory_space<vmem>>, vector<16xi32>,
      tpu.vector_store %arg12[%swap3A_1107], %get3A_1106 {strides = array<i32>} : memref<80xi32, #tpu.memory_space<vmem>>, vector<16xi32>,
      %parallel_loop3A_1109 = arith.constant 0 : i32
      %parallel_loop3A_1110 = arith.constant 80 : i32
      %parallel_loop3A_1111 = arith.constant 1 : i32
      scf.for %parallel_loop3A_1140 = %parallel_loop3A_1109 to %parallel_loop3A_1110 step %parallel_loop3A_1111  : i32 {
        %parallel_loop3A_1141 = arith.index_cast %parallel_loop3A_1140 : i32 to index
        %parallel_loop3A_1142 = tpu.vector_load %arg22[%parallel_loop3A_1141] {strides = array<i32>} : memref<96xf32, #tpu.memory_space<vmem>>, vector<16xf32>,
        %parallel_loop3A_1143 = vector.extract_strided_slice %parallel_loop3A_1142 {offsets = [0], sizes = [1], strides = [1]} : vector<16xf32> to vector<1xf32>
        %parallel_loop3A_1144 = vector.extract %parallel_loop3A_1143[0] : f32 from vector<1xf32>
        %parallel_loop3A_1145 = arith.index_cast %parallel_loop3A_1140 : i32 to index
        %parallel_loop3A_1146 = arith.constant 0 : index
        %parallel_loop3A_1147 = tpu.vector_load %arg18[%parallel_loop3A_1145, %parallel_loop3A_1146] {strides = array<i32>} : memref<80x128xf32, #tpu.memory_space<vmem>>, vector<16xf32>,
        %parallel_loop3A_1148 = vector.broadcast %parallel_loop3A_1144 : f32 to vector<16xf32>
        %parallel_loop3A_1149 = arith.mulf %parallel_loop3A_1147, %parallel_loop3A_1148 : vector<16xf32>
        %parallel_loop3A_1150 = arith.index_cast %parallel_loop3A_1140 : i32 to index
        %parallel_loop3A_1151 = arith.constant 0 : index
        %parallel_loop3A_1152 = tpu.vector_load %arg18[%parallel_loop3A_1150, %parallel_loop3A_1151] {strides = array<i32>} : memref<80x128xf32, #tpu.memory_space<vmem>>, vector<16xf32>,
        tpu.vector_store %arg18[%parallel_loop3A_1150, %parallel_loop3A_1151], %parallel_loop3A_1149 {strides = array<i32>} : memref<80x128xf32, #tpu.memory_space<vmem>>, vector<16xf32>,
        %parallel_loop3A_1153 = arith.index_cast %parallel_loop3A_1140 : i32 to index
        %parallel_loop3A_1154 = arith.constant 16 : index
        %parallel_loop3A_1155 = tpu.vector_load %arg18[%parallel_loop3A_1153, %parallel_loop3A_1154] {strides = array<i32>} : memref<80x128xf32, #tpu.memory_space<vmem>>, vector<16xf32>,
        %parallel_loop3A_1156 = vector.broadcast %parallel_loop3A_1144 : f32 to vector<16xf32>
        %parallel_loop3A_1157 = arith.mulf %parallel_loop3A_1155, %parallel_loop3A_1156 : vector<16xf32>
        %parallel_loop3A_1158 = arith.index_cast %parallel_loop3A_1140 : i32 to index
        %parallel_loop3A_1159 = arith.constant 16 : index
        %parallel_loop3A_1160 = tpu.vector_load %arg18[%parallel_loop3A_1158, %parallel_loop3A_1159] {strides = array<i32>} : memref<80x128xf32, #tpu.memory_space<vmem>>, vector<16xf32>,
        tpu.vector_store %arg18[%parallel_loop3A_1158, %parallel_loop3A_1159], %parallel_loop3A_1157 {strides = array<i32>} : memref<80x128xf32, #tpu.memory_space<vmem>>, vector<16xf32>,
        %parallel_loop3A_1161 = arith.index_cast %parallel_loop3A_1140 : i32 to index
        %parallel_loop3A_1162 = arith.constant 32 : index
        %parallel_loop3A_1163 = tpu.vector_load %arg18[%parallel_loop3A_1161, %parallel_loop3A_1162] {strides = array<i32>} : memref<80x128xf32, #tpu.memory_space<vmem>>, vector<16xf32>,
        %parallel_loop3A_1164 = vector.broadcast %parallel_loop3A_1144 : f32 to vector<16xf32>
        %parallel_loop3A_1165 = arith.mulf %parallel_loop3A_1163, %parallel_loop3A_1164 : vector<16xf32>
        %parallel_loop3A_1166 = arith.index_cast %parallel_loop3A_1140 : i32 to index
        %parallel_loop3A_1167 = arith.constant 32 : index
        %parallel_loop3A_1168 = tpu.vector_load %arg18[%parallel_loop3A_1166, %parallel_loop3A_1167] {strides = array<i32>} : memref<80x128xf32, #tpu.memory_space<vmem>>, vector<16xf32>,
        tpu.vector_store %arg18[%parallel_loop3A_1166, %parallel_loop3A_1167], %parallel_loop3A_1165 {strides = array<i32>} : memref<80x128xf32, #tpu.memory_space<vmem>>, vector<16xf32>,
        %parallel_loop3A_1169 = arith.index_cast %parallel_loop3A_1140 : i32 to index
        %parallel_loop3A_1170 = arith.constant 48 : index
        %parallel_loop3A_1171 = tpu.vector_load %arg18[%parallel_loop3A_1169, %parallel_loop3A_1170] {strides = array<i32>} : memref<80x128xf32, #tpu.memory_space<vmem>>, vector<16xf32>,
        %parallel_loop3A_1172 = vector.broadcast %parallel_loop3A_1144 : f32 to vector<16xf32>
        %parallel_loop3A_1173 = arith.mulf %parallel_loop3A_1171, %parallel_loop3A_1172 : vector<16xf32>
        %parallel_loop3A_1174 = arith.index_cast %parallel_loop3A_1140 : i32 to index
        %parallel_loop3A_1175 = arith.constant 48 : index
        %parallel_loop3A_1176 = tpu.vector_load %arg18[%parallel_loop3A_1174, %parallel_loop3A_1175] {strides = array<i32>} : memref<80x128xf32, #tpu.memory_space<vmem>>, vector<16xf32>,
        tpu.vector_store %arg18[%parallel_loop3A_1174, %parallel_loop3A_1175], %parallel_loop3A_1173 {strides = array<i32>} : memref<80x128xf32, #tpu.memory_space<vmem>>, vector<16xf32>,
        %parallel_loop3A_1177 = arith.index_cast %parallel_loop3A_1140 : i32 to index
        %parallel_loop3A_1178 = arith.constant 64 : index
        %parallel_loop3A_1179 = tpu.vector_load %arg18[%parallel_loop3A_1177, %parallel_loop3A_1178] {strides = array<i32>} : memref<80x128xf32, #tpu.memory_space<vmem>>, vector<16xf32>,
        %parallel_loop3A_1180 = vector.broadcast %parallel_loop3A_1144 : f32 to vector<16xf32>
        %parallel_loop3A_1181 = arith.mulf %parallel_loop3A_1179, %parallel_loop3A_1180 : vector<16xf32>
        %parallel_loop3A_1182 = arith.index_cast %parallel_loop3A_1140 : i32 to index
        %parallel_loop3A_1183 = arith.constant 64 : index
        %parallel_loop3A_1184 = tpu.vector_load %arg18[%parallel_loop3A_1182, %parallel_loop3A_1183] {strides = array<i32>} : memref<80x128xf32, #tpu.memory_space<vmem>>, vector<16xf32>,
        tpu.vector_store %arg18[%parallel_loop3A_1182, %parallel_loop3A_1183], %parallel_loop3A_1181 {strides = array<i32>} : memref<80x128xf32, #tpu.memory_space<vmem>>, vector<16xf32>,
        %parallel_loop3A_1185 = arith.index_cast %parallel_loop3A_1140 : i32 to index
        %parallel_loop3A_1186 = arith.constant 80 : index
        %parallel_loop3A_1187 = tpu.vector_load %arg18[%parallel_loop3A_1185, %parallel_loop3A_1186] {strides = array<i32>} : memref<80x128xf32, #tpu.memory_space<vmem>>, vector<16xf32>,
        %parallel_loop3A_1188 = vector.broadcast %parallel_loop3A_1144 : f32 to vector<16xf32>
        %parallel_loop3A_1189 = arith.mulf %parallel_loop3A_1187, %parallel_loop3A_1188 : vector<16xf32>
        %parallel_loop3A_1190 = arith.index_cast %parallel_loop3A_1140 : i32 to index
        %parallel_loop3A_1191 = arith.constant 80 : index
        %parallel_loop3A_1192 = tpu.vector_load %arg18[%parallel_loop3A_1190, %parallel_loop3A_1191] {strides = array<i32>} : memref<80x128xf32, #tpu.memory_space<vmem>>, vector<16xf32>,
        tpu.vector_store %arg18[%parallel_loop3A_1190, %parallel_loop3A_1191], %parallel_loop3A_1189 {strides = array<i32>} : memref<80x128xf32, #tpu.memory_space<vmem>>, vector<16xf32>,
        %parallel_loop3A_1193 = arith.index_cast %parallel_loop3A_1140 : i32 to index
        %parallel_loop3A_1194 = arith.constant 96 : index
        %parallel_loop3A_1195 = tpu.vector_load %arg18[%parallel_loop3A_1193, %parallel_loop3A_1194] {strides = array<i32>} : memref<80x128xf32, #tpu.memory_space<vmem>>, vector<16xf32>,
        %parallel_loop3A_1196 = vector.broadcast %parallel_loop3A_1144 : f32 to vector<16xf32>
        %parallel_loop3A_1197 = arith.mulf %parallel_loop3A_1195, %parallel_loop3A_1196 : vector<16xf32>
        %parallel_loop3A_1198 = arith.index_cast %parallel_loop3A_1140 : i32 to index
        %parallel_loop3A_1199 = arith.constant 96 : index
        %parallel_loop3A_1200 = tpu.vector_load %arg18[%parallel_loop3A_1198, %parallel_loop3A_1199] {strides = array<i32>} : memref<80x128xf32, #tpu.memory_space<vmem>>, vector<16xf32>,
        tpu.vector_store %arg18[%parallel_loop3A_1198, %parallel_loop3A_1199], %parallel_loop3A_1197 {strides = array<i32>} : memref<80x128xf32, #tpu.memory_space<vmem>>, vector<16xf32>,
        %parallel_loop3A_1201 = arith.index_cast %parallel_loop3A_1140 : i32 to index
        %parallel_loop3A_1202 = arith.constant 112 : index
        %parallel_loop3A_1203 = tpu.vector_load %arg18[%parallel_loop3A_1201, %parallel_loop3A_1202] {strides = array<i32>} : memref<80x128xf32, #tpu.memory_space<vmem>>, vector<16xf32>,
        %parallel_loop3A_1204 = vector.broadcast %parallel_loop3A_1144 : f32 to vector<16xf32>
        %parallel_loop3A_1205 = arith.mulf %parallel_loop3A_1203, %parallel_loop3A_1204 : vector<16xf32>
        %parallel_loop3A_1206 = arith.index_cast %parallel_loop3A_1140 : i32 to index
        %parallel_loop3A_1207 = arith.constant 112 : index
        %parallel_loop3A_1208 = tpu.vector_load %arg18[%parallel_loop3A_1206, %parallel_loop3A_1207] {strides = array<i32>} : memref<80x128xf32, #tpu.memory_space<vmem>>, vector<16xf32>,
        tpu.vector_store %arg18[%parallel_loop3A_1206, %parallel_loop3A_1207], %parallel_loop3A_1205 {strides = array<i32>} : memref<80x128xf32, #tpu.memory_space<vmem>>, vector<16xf32>,
      } {sc.loop_unroll_factor = 4 : i64, sc.parallel_access}
      %dma_start3A_1112 = arith.constant 0 : i32
      %dma_start3A_1113 = arith.constant 0 : i32
      %dma_start3A_1114 = arith.constant 0 : i32
      %dma_start3A_1115 = tpu.memref_slice %arg24[%dma_start3A_1113, %dma_start3A_1114] : memref<10240x16xf32, #tpu.memory_space<vmem_shared>> -> memref<10240x16xf32, #tpu.memory_space<vmem_shared>>
      %dma_start3A_1116 = tpu.memref_slice %arg29[%dma_start3A_1112] : memref<2x!tpu.dma_semaphore, #tpu.memory_space<semaphore_mem>> -> memref<1x!tpu.dma_semaphore, #tpu.memory_space<semaphore_mem>>
      %dma_start3A_1117 = tpu.memref_squeeze %dma_start3A_1116 : memref<1x!tpu.dma_semaphore, #tpu.memory_space<semaphore_mem>> -> memref<!tpu.dma_semaphore, #tpu.memory_space<semaphore_mem>>
      tpu.enqueue_indirect_dma source(%arg20 : memref<80x16xf32, #tpu.memory_space<vmem>>) target(%dma_start3A_1115 : memref<10240x16xf32, #tpu.memory_space<vmem_shared>>) offsets(%arg12 : memref<80xi32, #tpu.memory_space<vmem>>) semaphore(%dma_start3A_1117 : memref<!tpu.dma_semaphore, #tpu.memory_space<semaphore_mem>>) {add = true}
      %dma_start3A_1118 = arith.constant 0 : i32
      %dma_start3A_1119 = arith.constant 0 : i32
      %dma_start3A_1120 = arith.constant 0 : i32
      %dma_start3A_1121 = tpu.memref_slice %arg23[%dma_start3A_1119, %dma_start3A_1120] : memref<10240x128xf32, #tpu.memory_space<vmem_shared>> -> memref<10240x128xf32, #tpu.memory_space<vmem_shared>>
      %dma_start3A_1122 = tpu.memref_slice %arg29[%dma_start3A_1118] : memref<2x!tpu.dma_semaphore, #tpu.memory_space<semaphore_mem>> -> memref<1x!tpu.dma_semaphore, #tpu.memory_space<semaphore_mem>>
      %dma_start3A_1123 = tpu.memref_squeeze %dma_start3A_1122 : memref<1x!tpu.dma_semaphore, #tpu.memory_space<semaphore_mem>> -> memref<!tpu.dma_semaphore, #tpu.memory_space<semaphore_mem>>
      tpu.enqueue_indirect_dma source(%arg18 : memref<80x128xf32, #tpu.memory_space<vmem>>) target(%dma_start3A_1121 : memref<10240x128xf32, #tpu.memory_space<vmem_shared>>) offsets(%arg12 : memref<80xi32, #tpu.memory_space<vmem>>) semaphore(%dma_start3A_1123 : memref<!tpu.dma_semaphore, #tpu.memory_space<semaphore_mem>>) {add = true}
      %add3A_1124 = arith.constant 2 : i32
      %add3A_1125 = arith.addi %add3A_916, %add3A_1124 : i32
      %mul3A_1126 = arith.constant 80 : i32
      %mul3A_1127 = arith.muli %add3A_1125, %mul3A_1126 : i32
      %add3A_1128 = arith.addi %mul3A_2, %mul3A_1127 : i32
      %multiple_of3A_1129 = tpu.assume_multiple %add3A_1128, 80 : i32
      %dma_start3A_1130 = arith.constant 0 : i32
      %dma_start3A_1131 = tpu.memref_slice %arg2[%multiple_of3A_1129] : memref<320000xi32, #tpu.memory_space<hbm>> -> memref<80xi32, #tpu.memory_space<hbm>>
      %dma_start3A_1132 = tpu.memref_slice %arg25[%dma_start3A_1130] : memref<2x!tpu.dma_semaphore, #tpu.memory_space<semaphore_mem>> -> memref<1x!tpu.dma_semaphore, #tpu.memory_space<semaphore_mem>>
      %dma_start3A_1133 = tpu.memref_squeeze %dma_start3A_1132 : memref<1x!tpu.dma_semaphore, #tpu.memory_space<semaphore_mem>> -> memref<!tpu.dma_semaphore, #tpu.memory_space<semaphore_mem>>
      %dma_start3A_1134 = tpu.memref_slice %arg2[%multiple_of3A_1129] : memref<320000xi32, #tpu.memory_space<hbm>> -> memref<80xi32, #tpu.memory_space<hbm>>
      tpu.enqueue_dma source(%dma_start3A_1134 : memref<80xi32, #tpu.memory_space<hbm>>) target(%arg8 : memref<80xi32, #tpu.memory_space<vmem>>) target_semaphore(%dma_start3A_1133 : memref<!tpu.dma_semaphore, #tpu.memory_space<semaphore_mem>>)
      %dma_start3A_1135 = arith.constant 0 : i32
      %dma_start3A_1136 = tpu.memref_slice %arg3[%multiple_of3A_1129] : memref<320000xi32, #tpu.memory_space<hbm>> -> memref<80xi32, #tpu.memory_space<hbm>>
      %dma_start3A_1137 = tpu.memref_slice %arg25[%dma_start3A_1135] : memref<2x!tpu.dma_semaphore, #tpu.memory_space<semaphore_mem>> -> memref<1x!tpu.dma_semaphore, #tpu.memory_space<semaphore_mem>>
      %dma_start3A_1138 = tpu.memref_squeeze %dma_start3A_1137 : memref<1x!tpu.dma_semaphore, #tpu.memory_space<semaphore_mem>> -> memref<!tpu.dma_semaphore, #tpu.memory_space<semaphore_mem>>
      %dma_start3A_1139 = tpu.memref_slice %arg3[%multiple_of3A_1129] : memref<320000xi32, #tpu.memory_space<hbm>> -> memref<80xi32, #tpu.memory_space<hbm>>
      tpu.enqueue_dma source(%dma_start3A_1139 : memref<80xi32, #tpu.memory_space<hbm>>) target(%arg10 : memref<80xi32, #tpu.memory_space<vmem>>) target_semaphore(%dma_start3A_1138 : memref<!tpu.dma_semaphore, #tpu.memory_space<semaphore_mem>>)
    }
    %scan3A_289 = arith.constant 61 : i32
    %dma_wait3A_290 = arith.constant 0 : i32
    %dma_wait3A_291 = arith.constant 0 : i32
    %dma_wait3A_292 = tpu.memref_slice %arg2[%dma_wait3A_291] : memref<320000xi32, #tpu.memory_space<hbm>> -> memref<80xi32, #tpu.memory_space<hbm>>
    %dma_wait3A_293 = tpu.memref_slice %arg25[%dma_wait3A_290] : memref<2x!tpu.dma_semaphore, #tpu.memory_space<semaphore_mem>> -> memref<1x!tpu.dma_semaphore, #tpu.memory_space<semaphore_mem>>
    %dma_wait3A_294 = tpu.memref_squeeze %dma_wait3A_293 : memref<1x!tpu.dma_semaphore, #tpu.memory_space<semaphore_mem>> -> memref<!tpu.dma_semaphore, #tpu.memory_space<semaphore_mem>>
    %dma_wait3A_295 = arith.constant 0 : i32
    %dma_wait3A_296 = tpu.memref_slice %arg2[%dma_wait3A_295] : memref<320000xi32, #tpu.memory_space<hbm>> -> memref<80xi32, #tpu.memory_space<hbm>>
    tpu.wait_dma2 semaphore(%dma_wait3A_294 : memref<!tpu.dma_semaphore, #tpu.memory_space<semaphore_mem>>) src(%dma_wait3A_296 : memref<80xi32, #tpu.memory_space<hbm>>) dst(%arg8 : memref<80xi32, #tpu.memory_space<vmem>>)
    %dma_wait3A_297 = arith.constant 0 : i32
    %dma_wait3A_298 = arith.constant 0 : i32
    %dma_wait3A_299 = tpu.memref_slice %arg3[%dma_wait3A_298] : memref<320000xi32, #tpu.memory_space<hbm>> -> memref<80xi32, #tpu.memory_space<hbm>>
    %dma_wait3A_300 = tpu.memref_slice %arg25[%dma_wait3A_297] : memref<2x!tpu.dma_semaphore, #tpu.memory_space<semaphore_mem>> -> memref<1x!tpu.dma_semaphore, #tpu.memory_space<semaphore_mem>>
    %dma_wait3A_301 = tpu.memref_squeeze %dma_wait3A_300 : memref<1x!tpu.dma_semaphore, #tpu.memory_space<semaphore_mem>> -> memref<!tpu.dma_semaphore, #tpu.memory_space<semaphore_mem>>
    %dma_wait3A_302 = arith.constant 0 : i32
    %dma_wait3A_303 = tpu.memref_slice %arg3[%dma_wait3A_302] : memref<320000xi32, #tpu.memory_space<hbm>> -> memref<80xi32, #tpu.memory_space<hbm>>
    tpu.wait_dma2 semaphore(%dma_wait3A_301 : memref<!tpu.dma_semaphore, #tpu.memory_space<semaphore_mem>>) src(%dma_wait3A_303 : memref<80xi32, #tpu.memory_space<hbm>>) dst(%arg10 : memref<80xi32, #tpu.memory_space<vmem>>)
    %dma_wait3A_304 = arith.constant 0 : i32
    %dma_wait3A_305 = arith.constant 0 : i32
    %dma_wait3A_306 = arith.constant 0 : i32
    %dma_wait3A_307 = tpu.memref_slice %arg24[%dma_wait3A_305, %dma_wait3A_306] : memref<10240x16xf32, #tpu.memory_space<vmem_shared>> -> memref<10240x16xf32, #tpu.memory_space<vmem_shared>>
    %dma_wait3A_308 = tpu.memref_slice %arg29[%dma_wait3A_304] : memref<2x!tpu.dma_semaphore, #tpu.memory_space<semaphore_mem>> -> memref<1x!tpu.dma_semaphore, #tpu.memory_space<semaphore_mem>>
    %dma_wait3A_309 = tpu.memref_squeeze %dma_wait3A_308 : memref<1x!tpu.dma_semaphore, #tpu.memory_space<semaphore_mem>> -> memref<!tpu.dma_semaphore, #tpu.memory_space<semaphore_mem>>
    tpu.wait_indirect_dma semaphore(%dma_wait3A_309 : memref<!tpu.dma_semaphore, #tpu.memory_space<semaphore_mem>>) src(%arg20 : memref<80x16xf32, #tpu.memory_space<vmem>>) dst(%dma_wait3A_307 : memref<10240x16xf32, #tpu.memory_space<vmem_shared>>)
    %dma_wait3A_310 = arith.constant 0 : i32
    %dma_wait3A_311 = arith.constant 0 : i32
    %dma_wait3A_312 = arith.constant 0 : i32
    %dma_wait3A_313 = tpu.memref_slice %arg23[%dma_wait3A_311, %dma_wait3A_312] : memref<10240x128xf32, #tpu.memory_space<vmem_shared>> -> memref<10240x128xf32, #tpu.memory_space<vmem_shared>>
    %dma_wait3A_314 = tpu.memref_slice %arg29[%dma_wait3A_310] : memref<2x!tpu.dma_semaphore, #tpu.memory_space<semaphore_mem>> -> memref<1x!tpu.dma_semaphore, #tpu.memory_space<semaphore_mem>>
    %dma_wait3A_315 = tpu.memref_squeeze %dma_wait3A_314 : memref<1x!tpu.dma_semaphore, #tpu.memory_space<semaphore_mem>> -> memref<!tpu.dma_semaphore, #tpu.memory_space<semaphore_mem>>
    tpu.wait_indirect_dma semaphore(%dma_wait3A_315 : memref<!tpu.dma_semaphore, #tpu.memory_space<semaphore_mem>>) src(%arg18 : memref<80x128xf32, #tpu.memory_space<vmem>>) dst(%dma_wait3A_313 : memref<10240x128xf32, #tpu.memory_space<vmem_shared>>)
    %dma_start3A_316 = arith.constant 0 : i32
    %dma_start3A_317 = arith.constant 0 : i32
    %dma_start3A_318 = arith.constant 0 : i32
    %dma_start3A_319 = tpu.memref_slice %arg5[%dma_start3A_317, %dma_start3A_318] : memref<10000x128xf32, #tpu.memory_space<hbm>> -> memref<10000x128xf32, #tpu.memory_space<hbm>>
    %dma_start3A_320 = tpu.memref_slice %arg26[%dma_start3A_316] : memref<2x!tpu.dma_semaphore, #tpu.memory_space<semaphore_mem>> -> memref<1x!tpu.dma_semaphore, #tpu.memory_space<semaphore_mem>>
    %dma_start3A_321 = tpu.memref_squeeze %dma_start3A_320 : memref<1x!tpu.dma_semaphore, #tpu.memory_space<semaphore_mem>> -> memref<!tpu.dma_semaphore, #tpu.memory_space<semaphore_mem>>
    tpu.enqueue_indirect_dma source(%dma_start3A_319 : memref<10000x128xf32, #tpu.memory_space<hbm>>) target(%arg18 : memref<80x128xf32, #tpu.memory_space<vmem>>) offsets(%arg8 : memref<80xi32, #tpu.memory_space<vmem>>) semaphore(%dma_start3A_321 : memref<!tpu.dma_semaphore, #tpu.memory_space<semaphore_mem>>)
    %dma_start3A_322 = arith.constant 0 : i32
    %dma_start3A_323 = arith.constant 0 : i32
    %dma_start3A_324 = arith.constant 0 : i32
    %dma_start3A_325 = tpu.memref_slice %arg4[%dma_start3A_323, %dma_start3A_324] : memref<10000x16xf32, #tpu.memory_space<hbm>> -> memref<10000x16xf32, #tpu.memory_space<hbm>>
    %dma_start3A_326 = tpu.memref_slice %arg27[%dma_start3A_322] : memref<2x!tpu.dma_semaphore, #tpu.memory_space<semaphore_mem>> -> memref<1x!tpu.dma_semaphore, #tpu.memory_space<semaphore_mem>>
    %dma_start3A_327 = tpu.memref_squeeze %dma_start3A_326 : memref<1x!tpu.dma_semaphore, #tpu.memory_space<semaphore_mem>> -> memref<!tpu.dma_semaphore, #tpu.memory_space<semaphore_mem>>
    tpu.enqueue_indirect_dma source(%dma_start3A_325 : memref<10000x16xf32, #tpu.memory_space<hbm>>) target(%arg14 : memref<80x16xf32, #tpu.memory_space<vmem>>) offsets(%arg8 : memref<80xi32, #tpu.memory_space<vmem>>) semaphore(%dma_start3A_327 : memref<!tpu.dma_semaphore, #tpu.memory_space<semaphore_mem>>)
    %dma_start3A_328 = arith.constant 0 : i32
    %dma_start3A_329 = arith.constant 0 : i32
    %dma_start3A_330 = arith.constant 0 : i32
    %dma_start3A_331 = tpu.memref_slice %arg4[%dma_start3A_329, %dma_start3A_330] : memref<10000x16xf32, #tpu.memory_space<hbm>> -> memref<10000x16xf32, #tpu.memory_space<hbm>>
    %dma_start3A_332 = tpu.memref_slice %arg28[%dma_start3A_328] : memref<2x!tpu.dma_semaphore, #tpu.memory_space<semaphore_mem>> -> memref<1x!tpu.dma_semaphore, #tpu.memory_space<semaphore_mem>>
    %dma_start3A_333 = tpu.memref_squeeze %dma_start3A_332 : memref<1x!tpu.dma_semaphore, #tpu.memory_space<semaphore_mem>> -> memref<!tpu.dma_semaphore, #tpu.memory_space<semaphore_mem>>
    tpu.enqueue_indirect_dma source(%dma_start3A_331 : memref<10000x16xf32, #tpu.memory_space<hbm>>) target(%arg16 : memref<80x16xf32, #tpu.memory_space<vmem>>) offsets(%arg10 : memref<80xi32, #tpu.memory_space<vmem>>) semaphore(%dma_start3A_333 : memref<!tpu.dma_semaphore, #tpu.memory_space<semaphore_mem>>)
    %dma_wait3A_334 = arith.constant 1 : i32
    %dma_wait3A_335 = arith.constant 0 : i32
    %dma_wait3A_336 = arith.constant 0 : i32
    %dma_wait3A_337 = tpu.memref_slice %arg5[%dma_wait3A_335, %dma_wait3A_336] : memref<10000x128xf32, #tpu.memory_space<hbm>> -> memref<10000x128xf32, #tpu.memory_space<hbm>>
    %dma_wait3A_338 = tpu.memref_slice %arg26[%dma_wait3A_334] : memref<2x!tpu.dma_semaphore, #tpu.memory_space<semaphore_mem>> -> memref<1x!tpu.dma_semaphore, #tpu.memory_space<semaphore_mem>>
    %dma_wait3A_339 = tpu.memref_squeeze %dma_wait3A_338 : memref<1x!tpu.dma_semaphore, #tpu.memory_space<semaphore_mem>> -> memref<!tpu.dma_semaphore, #tpu.memory_space<semaphore_mem>>
    tpu.wait_indirect_dma semaphore(%dma_wait3A_339 : memref<!tpu.dma_semaphore, #tpu.memory_space<semaphore_mem>>) src(%dma_wait3A_337 : memref<10000x128xf32, #tpu.memory_space<hbm>>) dst(%arg19 : memref<80x128xf32, #tpu.memory_space<vmem>>)
    %dma_wait3A_340 = arith.constant 1 : i32
    %dma_wait3A_341 = arith.constant 0 : i32
    %dma_wait3A_342 = arith.constant 0 : i32
    %dma_wait3A_343 = tpu.memref_slice %arg4[%dma_wait3A_341, %dma_wait3A_342] : memref<10000x16xf32, #tpu.memory_space<hbm>> -> memref<10000x16xf32, #tpu.memory_space<hbm>>
    %dma_wait3A_344 = tpu.memref_slice %arg27[%dma_wait3A_340] : memref<2x!tpu.dma_semaphore, #tpu.memory_space<semaphore_mem>> -> memref<1x!tpu.dma_semaphore, #tpu.memory_space<semaphore_mem>>
    %dma_wait3A_345 = tpu.memref_squeeze %dma_wait3A_344 : memref<1x!tpu.dma_semaphore, #tpu.memory_space<semaphore_mem>> -> memref<!tpu.dma_semaphore, #tpu.memory_space<semaphore_mem>>
    tpu.wait_indirect_dma semaphore(%dma_wait3A_345 : memref<!tpu.dma_semaphore, #tpu.memory_space<semaphore_mem>>) src(%dma_wait3A_343 : memref<10000x16xf32, #tpu.memory_space<hbm>>) dst(%arg15 : memref<80x16xf32, #tpu.memory_space<vmem>>)
    %dma_wait3A_346 = arith.constant 1 : i32
    %dma_wait3A_347 = arith.constant 0 : i32
    %dma_wait3A_348 = arith.constant 0 : i32
    %dma_wait3A_349 = tpu.memref_slice %arg4[%dma_wait3A_347, %dma_wait3A_348] : memref<10000x16xf32, #tpu.memory_space<hbm>> -> memref<10000x16xf32, #tpu.memory_space<hbm>>
    %dma_wait3A_350 = tpu.memref_slice %arg28[%dma_wait3A_346] : memref<2x!tpu.dma_semaphore, #tpu.memory_space<semaphore_mem>> -> memref<1x!tpu.dma_semaphore, #tpu.memory_space<semaphore_mem>>
    %dma_wait3A_351 = tpu.memref_squeeze %dma_wait3A_350 : memref<1x!tpu.dma_semaphore, #tpu.memory_space<semaphore_mem>> -> memref<!tpu.dma_semaphore, #tpu.memory_space<semaphore_mem>>
    tpu.wait_indirect_dma semaphore(%dma_wait3A_351 : memref<!tpu.dma_semaphore, #tpu.memory_space<semaphore_mem>>) src(%dma_wait3A_349 : memref<10000x16xf32, #tpu.memory_space<hbm>>) dst(%arg17 : memref<80x16xf32, #tpu.memory_space<vmem>>)
    %add3A_352 = arith.constant 0 : i32
    %add3A_353 = vector.broadcast %add3A_352 : i32 to vector<16xi32>
    %add3A_354 = arith.addi %iota3A, %add3A_353 : vector<16xi32>
    %gather3A_355 = tpu.vector_load_idx %arg15[%add3A_354, %broadcast_in_dim3A_44] : memref<80x16xf32, #tpu.memory_space<vmem>>[vector<16xi32>, vector<16xi32>], vector<16xf32>,
    %add3A_356 = arith.constant 0 : i32
    %add3A_357 = vector.broadcast %add3A_356 : i32 to vector<16xi32>
    %add3A_358 = arith.addi %iota3A, %add3A_357 : vector<16xi32>
    %gather3A_359 = tpu.vector_load_idx %arg17[%add3A_358, %add3A_47] : memref<80x16xf32, #tpu.memory_space<vmem>>[vector<16xi32>, vector<16xi32>], vector<16xf32>,
    %add3A_360 = arith.addf %gather3A_355, %gather3A_359 : vector<16xf32>
    %ge3A_361 = arith.constant 0.000000e+00 : f32
    %ge3A_362 = vector.broadcast %ge3A_361 : f32 to vector<16xf32>
    %ge3A_363 = arith.cmpf oge, %add3A_360, %ge3A_362 : vector<16xf32>
    %mul3A_364 = arith.constant 2.000000e-01 : f32
    %mul3A_365 = vector.broadcast %mul3A_364 : f32 to vector<16xf32>
    %mul3A_366 = arith.mulf %mul3A_365, %add3A_360 : vector<16xf32>
    %select_n3A_367 = arith.select %ge3A_363, %add3A_360, %mul3A_366 : vector<16xi1>, vector<16xf32>
    %exp3A_368 = math.exp %select_n3A_367 : vector<16xf32>
    %swap3A_369 = arith.constant 0 : index
    %swap3A_370 = tpu.vector_load %arg22[%swap3A_369] {strides = array<i32>} : memref<96xf32, #tpu.memory_space<vmem>>, vector<16xf32>,
    tpu.vector_store %arg22[%swap3A_369], %exp3A_368 {strides = array<i32>} : memref<96xf32, #tpu.memory_space<vmem>>, vector<16xf32>,
    %add3A_371 = arith.constant 0 : i32
    %add3A_372 = vector.broadcast %add3A_371 : i32 to vector<16xi32>
    %add3A_373 = arith.addi %iota3A, %add3A_372 : vector<16xi32>
    tpu.vector_store_idx %arg21[%add3A_373, %broadcast_in_dim3A_44], %exp3A_368 : memref<80x16xf32, #tpu.memory_space<vmem>>[vector<16xi32>, vector<16xi32>], vector<16xf32>,
    %get3A_374 = arith.constant 0 : index
    %get3A_375 = tpu.vector_load %arg11[%get3A_374] {strides = array<i32>} : memref<80xi32, #tpu.memory_space<vmem>>, vector<16xi32>,
    %swap3A_376 = arith.constant 0 : index
    %swap3A_377 = tpu.vector_load %arg13[%swap3A_376] {strides = array<i32>} : memref<80xi32, #tpu.memory_space<vmem>>, vector<16xi32>,
    tpu.vector_store %arg13[%swap3A_376], %get3A_375 {strides = array<i32>} : memref<80xi32, #tpu.memory_space<vmem>>, vector<16xi32>,
    %add3A_378 = arith.constant 16 : i32
    %add3A_379 = vector.broadcast %add3A_378 : i32 to vector<16xi32>
    %add3A_380 = arith.addi %iota3A, %add3A_379 : vector<16xi32>
    %gather3A_381 = tpu.vector_load_idx %arg15[%add3A_380, %broadcast_in_dim3A_44] : memref<80x16xf32, #tpu.memory_space<vmem>>[vector<16xi32>, vector<16xi32>], vector<16xf32>,
    %add3A_382 = arith.constant 16 : i32
    %add3A_383 = vector.broadcast %add3A_382 : i32 to vector<16xi32>
    %add3A_384 = arith.addi %iota3A, %add3A_383 : vector<16xi32>
    %gather3A_385 = tpu.vector_load_idx %arg17[%add3A_384, %add3A_47] : memref<80x16xf32, #tpu.memory_space<vmem>>[vector<16xi32>, vector<16xi32>], vector<16xf32>,
    %add3A_386 = arith.addf %gather3A_381, %gather3A_385 : vector<16xf32>
    %ge3A_387 = arith.constant 0.000000e+00 : f32
    %ge3A_388 = vector.broadcast %ge3A_387 : f32 to vector<16xf32>
    %ge3A_389 = arith.cmpf oge, %add3A_386, %ge3A_388 : vector<16xf32>
    %mul3A_390 = arith.constant 2.000000e-01 : f32
    %mul3A_391 = vector.broadcast %mul3A_390 : f32 to vector<16xf32>
    %mul3A_392 = arith.mulf %mul3A_391, %add3A_386 : vector<16xf32>
    %select_n3A_393 = arith.select %ge3A_389, %add3A_386, %mul3A_392 : vector<16xi1>, vector<16xf32>
    %exp3A_394 = math.exp %select_n3A_393 : vector<16xf32>
    %swap3A_395 = arith.constant 16 : index
    %swap3A_396 = tpu.vector_load %arg22[%swap3A_395] {strides = array<i32>} : memref<96xf32, #tpu.memory_space<vmem>>, vector<16xf32>,
    tpu.vector_store %arg22[%swap3A_395], %exp3A_394 {strides = array<i32>} : memref<96xf32, #tpu.memory_space<vmem>>, vector<16xf32>,
    %add3A_397 = arith.constant 16 : i32
    %add3A_398 = vector.broadcast %add3A_397 : i32 to vector<16xi32>
    %add3A_399 = arith.addi %iota3A, %add3A_398 : vector<16xi32>
    tpu.vector_store_idx %arg21[%add3A_399, %broadcast_in_dim3A_44], %exp3A_394 : memref<80x16xf32, #tpu.memory_space<vmem>>[vector<16xi32>, vector<16xi32>], vector<16xf32>,
    %get3A_400 = arith.constant 16 : index
    %get3A_401 = tpu.vector_load %arg11[%get3A_400] {strides = array<i32>} : memref<80xi32, #tpu.memory_space<vmem>>, vector<16xi32>,
    %swap3A_402 = arith.constant 16 : index
    %swap3A_403 = tpu.vector_load %arg13[%swap3A_402] {strides = array<i32>} : memref<80xi32, #tpu.memory_space<vmem>>, vector<16xi32>,
    tpu.vector_store %arg13[%swap3A_402], %get3A_401 {strides = array<i32>} : memref<80xi32, #tpu.memory_space<vmem>>, vector<16xi32>,
    %add3A_404 = arith.constant 32 : i32
    %add3A_405 = vector.broadcast %add3A_404 : i32 to vector<16xi32>
    %add3A_406 = arith.addi %iota3A, %add3A_405 : vector<16xi32>
    %gather3A_407 = tpu.vector_load_idx %arg15[%add3A_406, %broadcast_in_dim3A_44] : memref<80x16xf32, #tpu.memory_space<vmem>>[vector<16xi32>, vector<16xi32>], vector<16xf32>,
    %add3A_408 = arith.constant 32 : i32
    %add3A_409 = vector.broadcast %add3A_408 : i32 to vector<16xi32>
    %add3A_410 = arith.addi %iota3A, %add3A_409 : vector<16xi32>
    %gather3A_411 = tpu.vector_load_idx %arg17[%add3A_410, %add3A_47] : memref<80x16xf32, #tpu.memory_space<vmem>>[vector<16xi32>, vector<16xi32>], vector<16xf32>,
    %add3A_412 = arith.addf %gather3A_407, %gather3A_411 : vector<16xf32>
    %ge3A_413 = arith.constant 0.000000e+00 : f32
    %ge3A_414 = vector.broadcast %ge3A_413 : f32 to vector<16xf32>
    %ge3A_415 = arith.cmpf oge, %add3A_412, %ge3A_414 : vector<16xf32>
    %mul3A_416 = arith.constant 2.000000e-01 : f32
    %mul3A_417 = vector.broadcast %mul3A_416 : f32 to vector<16xf32>
    %mul3A_418 = arith.mulf %mul3A_417, %add3A_412 : vector<16xf32>
    %select_n3A_419 = arith.select %ge3A_415, %add3A_412, %mul3A_418 : vector<16xi1>, vector<16xf32>
    %exp3A_420 = math.exp %select_n3A_419 : vector<16xf32>
    %swap3A_421 = arith.constant 32 : index
    %swap3A_422 = tpu.vector_load %arg22[%swap3A_421] {strides = array<i32>} : memref<96xf32, #tpu.memory_space<vmem>>, vector<16xf32>,
    tpu.vector_store %arg22[%swap3A_421], %exp3A_420 {strides = array<i32>} : memref<96xf32, #tpu.memory_space<vmem>>, vector<16xf32>,
    %add3A_423 = arith.constant 32 : i32
    %add3A_424 = vector.broadcast %add3A_423 : i32 to vector<16xi32>
    %add3A_425 = arith.addi %iota3A, %add3A_424 : vector<16xi32>
    tpu.vector_store_idx %arg21[%add3A_425, %broadcast_in_dim3A_44], %exp3A_420 : memref<80x16xf32, #tpu.memory_space<vmem>>[vector<16xi32>, vector<16xi32>], vector<16xf32>,
    %get3A_426 = arith.constant 32 : index
    %get3A_427 = tpu.vector_load %arg11[%get3A_426] {strides = array<i32>} : memref<80xi32, #tpu.memory_space<vmem>>, vector<16xi32>,
    %swap3A_428 = arith.constant 32 : index
    %swap3A_429 = tpu.vector_load %arg13[%swap3A_428] {strides = array<i32>} : memref<80xi32, #tpu.memory_space<vmem>>, vector<16xi32>,
    tpu.vector_store %arg13[%swap3A_428], %get3A_427 {strides = array<i32>} : memref<80xi32, #tpu.memory_space<vmem>>, vector<16xi32>,
    %add3A_430 = arith.constant 48 : i32
    %add3A_431 = vector.broadcast %add3A_430 : i32 to vector<16xi32>
    %add3A_432 = arith.addi %iota3A, %add3A_431 : vector<16xi32>
    %gather3A_433 = tpu.vector_load_idx %arg15[%add3A_432, %broadcast_in_dim3A_44] : memref<80x16xf32, #tpu.memory_space<vmem>>[vector<16xi32>, vector<16xi32>], vector<16xf32>,
    %add3A_434 = arith.constant 48 : i32
    %add3A_435 = vector.broadcast %add3A_434 : i32 to vector<16xi32>
    %add3A_436 = arith.addi %iota3A, %add3A_435 : vector<16xi32>
    %gather3A_437 = tpu.vector_load_idx %arg17[%add3A_436, %add3A_47] : memref<80x16xf32, #tpu.memory_space<vmem>>[vector<16xi32>, vector<16xi32>], vector<16xf32>,
    %add3A_438 = arith.addf %gather3A_433, %gather3A_437 : vector<16xf32>
    %ge3A_439 = arith.constant 0.000000e+00 : f32
    %ge3A_440 = vector.broadcast %ge3A_439 : f32 to vector<16xf32>
    %ge3A_441 = arith.cmpf oge, %add3A_438, %ge3A_440 : vector<16xf32>
    %mul3A_442 = arith.constant 2.000000e-01 : f32
    %mul3A_443 = vector.broadcast %mul3A_442 : f32 to vector<16xf32>
    %mul3A_444 = arith.mulf %mul3A_443, %add3A_438 : vector<16xf32>
    %select_n3A_445 = arith.select %ge3A_441, %add3A_438, %mul3A_444 : vector<16xi1>, vector<16xf32>
    %exp3A_446 = math.exp %select_n3A_445 : vector<16xf32>
    %swap3A_447 = arith.constant 48 : index
    %swap3A_448 = tpu.vector_load %arg22[%swap3A_447] {strides = array<i32>} : memref<96xf32, #tpu.memory_space<vmem>>, vector<16xf32>,
    tpu.vector_store %arg22[%swap3A_447], %exp3A_446 {strides = array<i32>} : memref<96xf32, #tpu.memory_space<vmem>>, vector<16xf32>,
    %add3A_449 = arith.constant 48 : i32
    %add3A_450 = vector.broadcast %add3A_449 : i32 to vector<16xi32>
    %add3A_451 = arith.addi %iota3A, %add3A_450 : vector<16xi32>
    tpu.vector_store_idx %arg21[%add3A_451, %broadcast_in_dim3A_44], %exp3A_446 : memref<80x16xf32, #tpu.memory_space<vmem>>[vector<16xi32>, vector<16xi32>], vector<16xf32>,
    %get3A_452 = arith.constant 48 : index
    %get3A_453 = tpu.vector_load %arg11[%get3A_452] {strides = array<i32>} : memref<80xi32, #tpu.memory_space<vmem>>, vector<16xi32>,
    %swap3A_454 = arith.constant 48 : index
    %swap3A_455 = tpu.vector_load %arg13[%swap3A_454] {strides = array<i32>} : memref<80xi32, #tpu.memory_space<vmem>>, vector<16xi32>,
    tpu.vector_store %arg13[%swap3A_454], %get3A_453 {strides = array<i32>} : memref<80xi32, #tpu.memory_space<vmem>>, vector<16xi32>,
    %add3A_456 = arith.constant 64 : i32
    %add3A_457 = vector.broadcast %add3A_456 : i32 to vector<16xi32>
    %add3A_458 = arith.addi %iota3A, %add3A_457 : vector<16xi32>
    %gather3A_459 = tpu.vector_load_idx %arg15[%add3A_458, %broadcast_in_dim3A_44] : memref<80x16xf32, #tpu.memory_space<vmem>>[vector<16xi32>, vector<16xi32>], vector<16xf32>,
    %add3A_460 = arith.constant 64 : i32
    %add3A_461 = vector.broadcast %add3A_460 : i32 to vector<16xi32>
    %add3A_462 = arith.addi %iota3A, %add3A_461 : vector<16xi32>
    %gather3A_463 = tpu.vector_load_idx %arg17[%add3A_462, %add3A_47] : memref<80x16xf32, #tpu.memory_space<vmem>>[vector<16xi32>, vector<16xi32>], vector<16xf32>,
    %add3A_464 = arith.addf %gather3A_459, %gather3A_463 : vector<16xf32>
    %ge3A_465 = arith.constant 0.000000e+00 : f32
    %ge3A_466 = vector.broadcast %ge3A_465 : f32 to vector<16xf32>
    %ge3A_467 = arith.cmpf oge, %add3A_464, %ge3A_466 : vector<16xf32>
    %mul3A_468 = arith.constant 2.000000e-01 : f32
    %mul3A_469 = vector.broadcast %mul3A_468 : f32 to vector<16xf32>
    %mul3A_470 = arith.mulf %mul3A_469, %add3A_464 : vector<16xf32>
    %select_n3A_471 = arith.select %ge3A_467, %add3A_464, %mul3A_470 : vector<16xi1>, vector<16xf32>
    %exp3A_472 = math.exp %select_n3A_471 : vector<16xf32>
    %swap3A_473 = arith.constant 64 : index
    %swap3A_474 = tpu.vector_load %arg22[%swap3A_473] {strides = array<i32>} : memref<96xf32, #tpu.memory_space<vmem>>, vector<16xf32>,
    tpu.vector_store %arg22[%swap3A_473], %exp3A_472 {strides = array<i32>} : memref<96xf32, #tpu.memory_space<vmem>>, vector<16xf32>,
    %add3A_475 = arith.constant 64 : i32
    %add3A_476 = vector.broadcast %add3A_475 : i32 to vector<16xi32>
    %add3A_477 = arith.addi %iota3A, %add3A_476 : vector<16xi32>
    tpu.vector_store_idx %arg21[%add3A_477, %broadcast_in_dim3A_44], %exp3A_472 : memref<80x16xf32, #tpu.memory_space<vmem>>[vector<16xi32>, vector<16xi32>], vector<16xf32>,
    %get3A_478 = arith.constant 64 : index
    %get3A_479 = tpu.vector_load %arg11[%get3A_478] {strides = array<i32>} : memref<80xi32, #tpu.memory_space<vmem>>, vector<16xi32>,
    %swap3A_480 = arith.constant 64 : index
    %swap3A_481 = tpu.vector_load %arg13[%swap3A_480] {strides = array<i32>} : memref<80xi32, #tpu.memory_space<vmem>>, vector<16xi32>,
    tpu.vector_store %arg13[%swap3A_480], %get3A_479 {strides = array<i32>} : memref<80xi32, #tpu.memory_space<vmem>>, vector<16xi32>,
    %parallel_loop3A_482 = arith.constant 0 : i32
    %parallel_loop3A_483 = arith.constant 80 : i32
    %parallel_loop3A_484 = arith.constant 1 : i32
    scf.for %parallel_loop3A_685 = %parallel_loop3A_482 to %parallel_loop3A_483 step %parallel_loop3A_484  : i32 {
      %parallel_loop3A_686 = arith.index_cast %parallel_loop3A_685 : i32 to index
      %parallel_loop3A_687 = tpu.vector_load %arg22[%parallel_loop3A_686] {strides = array<i32>} : memref<96xf32, #tpu.memory_space<vmem>>, vector<16xf32>,
      %parallel_loop3A_688 = vector.extract_strided_slice %parallel_loop3A_687 {offsets = [0], sizes = [1], strides = [1]} : vector<16xf32> to vector<1xf32>
      %parallel_loop3A_689 = vector.extract %parallel_loop3A_688[0] : f32 from vector<1xf32>
      %parallel_loop3A_690 = arith.index_cast %parallel_loop3A_685 : i32 to index
      %parallel_loop3A_691 = arith.constant 0 : index
      %parallel_loop3A_692 = tpu.vector_load %arg19[%parallel_loop3A_690, %parallel_loop3A_691] {strides = array<i32>} : memref<80x128xf32, #tpu.memory_space<vmem>>, vector<16xf32>,
      %parallel_loop3A_693 = vector.broadcast %parallel_loop3A_689 : f32 to vector<16xf32>
      %parallel_loop3A_694 = arith.mulf %parallel_loop3A_692, %parallel_loop3A_693 : vector<16xf32>
      %parallel_loop3A_695 = arith.index_cast %parallel_loop3A_685 : i32 to index
      %parallel_loop3A_696 = arith.constant 0 : index
      %parallel_loop3A_697 = tpu.vector_load %arg19[%parallel_loop3A_695, %parallel_loop3A_696] {strides = array<i32>} : memref<80x128xf32, #tpu.memory_space<vmem>>, vector<16xf32>,
      tpu.vector_store %arg19[%parallel_loop3A_695, %parallel_loop3A_696], %parallel_loop3A_694 {strides = array<i32>} : memref<80x128xf32, #tpu.memory_space<vmem>>, vector<16xf32>,
      %parallel_loop3A_698 = arith.index_cast %parallel_loop3A_685 : i32 to index
      %parallel_loop3A_699 = arith.constant 16 : index
      %parallel_loop3A_700 = tpu.vector_load %arg19[%parallel_loop3A_698, %parallel_loop3A_699] {strides = array<i32>} : memref<80x128xf32, #tpu.memory_space<vmem>>, vector<16xf32>,
      %parallel_loop3A_701 = vector.broadcast %parallel_loop3A_689 : f32 to vector<16xf32>
      %parallel_loop3A_702 = arith.mulf %parallel_loop3A_700, %parallel_loop3A_701 : vector<16xf32>
      %parallel_loop3A_703 = arith.index_cast %parallel_loop3A_685 : i32 to index
      %parallel_loop3A_704 = arith.constant 16 : index
      %parallel_loop3A_705 = tpu.vector_load %arg19[%parallel_loop3A_703, %parallel_loop3A_704] {strides = array<i32>} : memref<80x128xf32, #tpu.memory_space<vmem>>, vector<16xf32>,
      tpu.vector_store %arg19[%parallel_loop3A_703, %parallel_loop3A_704], %parallel_loop3A_702 {strides = array<i32>} : memref<80x128xf32, #tpu.memory_space<vmem>>, vector<16xf32>,
      %parallel_loop3A_706 = arith.index_cast %parallel_loop3A_685 : i32 to index
      %parallel_loop3A_707 = arith.constant 32 : index
      %parallel_loop3A_708 = tpu.vector_load %arg19[%parallel_loop3A_706, %parallel_loop3A_707] {strides = array<i32>} : memref<80x128xf32, #tpu.memory_space<vmem>>, vector<16xf32>,
      %parallel_loop3A_709 = vector.broadcast %parallel_loop3A_689 : f32 to vector<16xf32>
      %parallel_loop3A_710 = arith.mulf %parallel_loop3A_708, %parallel_loop3A_709 : vector<16xf32>
      %parallel_loop3A_711 = arith.index_cast %parallel_loop3A_685 : i32 to index
      %parallel_loop3A_712 = arith.constant 32 : index
      %parallel_loop3A_713 = tpu.vector_load %arg19[%parallel_loop3A_711, %parallel_loop3A_712] {strides = array<i32>} : memref<80x128xf32, #tpu.memory_space<vmem>>, vector<16xf32>,
      tpu.vector_store %arg19[%parallel_loop3A_711, %parallel_loop3A_712], %parallel_loop3A_710 {strides = array<i32>} : memref<80x128xf32, #tpu.memory_space<vmem>>, vector<16xf32>,
      %parallel_loop3A_714 = arith.index_cast %parallel_loop3A_685 : i32 to index
      %parallel_loop3A_715 = arith.constant 48 : index
      %parallel_loop3A_716 = tpu.vector_load %arg19[%parallel_loop3A_714, %parallel_loop3A_715] {strides = array<i32>} : memref<80x128xf32, #tpu.memory_space<vmem>>, vector<16xf32>,
      %parallel_loop3A_717 = vector.broadcast %parallel_loop3A_689 : f32 to vector<16xf32>
      %parallel_loop3A_718 = arith.mulf %parallel_loop3A_716, %parallel_loop3A_717 : vector<16xf32>
      %parallel_loop3A_719 = arith.index_cast %parallel_loop3A_685 : i32 to index
      %parallel_loop3A_720 = arith.constant 48 : index
      %parallel_loop3A_721 = tpu.vector_load %arg19[%parallel_loop3A_719, %parallel_loop3A_720] {strides = array<i32>} : memref<80x128xf32, #tpu.memory_space<vmem>>, vector<16xf32>,
      tpu.vector_store %arg19[%parallel_loop3A_719, %parallel_loop3A_720], %parallel_loop3A_718 {strides = array<i32>} : memref<80x128xf32, #tpu.memory_space<vmem>>, vector<16xf32>,
      %parallel_loop3A_722 = arith.index_cast %parallel_loop3A_685 : i32 to index
      %parallel_loop3A_723 = arith.constant 64 : index
      %parallel_loop3A_724 = tpu.vector_load %arg19[%parallel_loop3A_722, %parallel_loop3A_723] {strides = array<i32>} : memref<80x128xf32, #tpu.memory_space<vmem>>, vector<16xf32>,
      %parallel_loop3A_725 = vector.broadcast %parallel_loop3A_689 : f32 to vector<16xf32>
      %parallel_loop3A_726 = arith.mulf %parallel_loop3A_724, %parallel_loop3A_725 : vector<16xf32>
      %parallel_loop3A_727 = arith.index_cast %parallel_loop3A_685 : i32 to index
      %parallel_loop3A_728 = arith.constant 64 : index
      %parallel_loop3A_729 = tpu.vector_load %arg19[%parallel_loop3A_727, %parallel_loop3A_728] {strides = array<i32>} : memref<80x128xf32, #tpu.memory_space<vmem>>, vector<16xf32>,
      tpu.vector_store %arg19[%parallel_loop3A_727, %parallel_loop3A_728], %parallel_loop3A_726 {strides = array<i32>} : memref<80x128xf32, #tpu.memory_space<vmem>>, vector<16xf32>,
      %parallel_loop3A_730 = arith.index_cast %parallel_loop3A_685 : i32 to index
      %parallel_loop3A_731 = arith.constant 80 : index
      %parallel_loop3A_732 = tpu.vector_load %arg19[%parallel_loop3A_730, %parallel_loop3A_731] {strides = array<i32>} : memref<80x128xf32, #tpu.memory_space<vmem>>, vector<16xf32>,
      %parallel_loop3A_733 = vector.broadcast %parallel_loop3A_689 : f32 to vector<16xf32>
      %parallel_loop3A_734 = arith.mulf %parallel_loop3A_732, %parallel_loop3A_733 : vector<16xf32>
      %parallel_loop3A_735 = arith.index_cast %parallel_loop3A_685 : i32 to index
      %parallel_loop3A_736 = arith.constant 80 : index
      %parallel_loop3A_737 = tpu.vector_load %arg19[%parallel_loop3A_735, %parallel_loop3A_736] {strides = array<i32>} : memref<80x128xf32, #tpu.memory_space<vmem>>, vector<16xf32>,
      tpu.vector_store %arg19[%parallel_loop3A_735, %parallel_loop3A_736], %parallel_loop3A_734 {strides = array<i32>} : memref<80x128xf32, #tpu.memory_space<vmem>>, vector<16xf32>,
      %parallel_loop3A_738 = arith.index_cast %parallel_loop3A_685 : i32 to index
      %parallel_loop3A_739 = arith.constant 96 : index
      %parallel_loop3A_740 = tpu.vector_load %arg19[%parallel_loop3A_738, %parallel_loop3A_739] {strides = array<i32>} : memref<80x128xf32, #tpu.memory_space<vmem>>, vector<16xf32>,
      %parallel_loop3A_741 = vector.broadcast %parallel_loop3A_689 : f32 to vector<16xf32>
      %parallel_loop3A_742 = arith.mulf %parallel_loop3A_740, %parallel_loop3A_741 : vector<16xf32>
      %parallel_loop3A_743 = arith.index_cast %parallel_loop3A_685 : i32 to index
      %parallel_loop3A_744 = arith.constant 96 : index
      %parallel_loop3A_745 = tpu.vector_load %arg19[%parallel_loop3A_743, %parallel_loop3A_744] {strides = array<i32>} : memref<80x128xf32, #tpu.memory_space<vmem>>, vector<16xf32>,
      tpu.vector_store %arg19[%parallel_loop3A_743, %parallel_loop3A_744], %parallel_loop3A_742 {strides = array<i32>} : memref<80x128xf32, #tpu.memory_space<vmem>>, vector<16xf32>,
      %parallel_loop3A_746 = arith.index_cast %parallel_loop3A_685 : i32 to index
      %parallel_loop3A_747 = arith.constant 112 : index
      %parallel_loop3A_748 = tpu.vector_load %arg19[%parallel_loop3A_746, %parallel_loop3A_747] {strides = array<i32>} : memref<80x128xf32, #tpu.memory_space<vmem>>, vector<16xf32>,
      %parallel_loop3A_749 = vector.broadcast %parallel_loop3A_689 : f32 to vector<16xf32>
      %parallel_loop3A_750 = arith.mulf %parallel_loop3A_748, %parallel_loop3A_749 : vector<16xf32>
      %parallel_loop3A_751 = arith.index_cast %parallel_loop3A_685 : i32 to index
      %parallel_loop3A_752 = arith.constant 112 : index
      %parallel_loop3A_753 = tpu.vector_load %arg19[%parallel_loop3A_751, %parallel_loop3A_752] {strides = array<i32>} : memref<80x128xf32, #tpu.memory_space<vmem>>, vector<16xf32>,
      tpu.vector_store %arg19[%parallel_loop3A_751, %parallel_loop3A_752], %parallel_loop3A_750 {strides = array<i32>} : memref<80x128xf32, #tpu.memory_space<vmem>>, vector<16xf32>,
    } {sc.loop_unroll_factor = 4 : i64, sc.parallel_access}
    %dma_start3A_485 = arith.constant 1 : i32
    %dma_start3A_486 = arith.constant 0 : i32
    %dma_start3A_487 = arith.constant 0 : i32
    %dma_start3A_488 = tpu.memref_slice %arg24[%dma_start3A_486, %dma_start3A_487] : memref<10240x16xf32, #tpu.memory_space<vmem_shared>> -> memref<10240x16xf32, #tpu.memory_space<vmem_shared>>
    %dma_start3A_489 = tpu.memref_slice %arg29[%dma_start3A_485] : memref<2x!tpu.dma_semaphore, #tpu.memory_space<semaphore_mem>> -> memref<1x!tpu.dma_semaphore, #tpu.memory_space<semaphore_mem>>
    %dma_start3A_490 = tpu.memref_squeeze %dma_start3A_489 : memref<1x!tpu.dma_semaphore, #tpu.memory_space<semaphore_mem>> -> memref<!tpu.dma_semaphore, #tpu.memory_space<semaphore_mem>>
    tpu.enqueue_indirect_dma source(%arg21 : memref<80x16xf32, #tpu.memory_space<vmem>>) target(%dma_start3A_488 : memref<10240x16xf32, #tpu.memory_space<vmem_shared>>) offsets(%arg13 : memref<80xi32, #tpu.memory_space<vmem>>) semaphore(%dma_start3A_490 : memref<!tpu.dma_semaphore, #tpu.memory_space<semaphore_mem>>) {add = true}
    %dma_start3A_491 = arith.constant 1 : i32
    %dma_start3A_492 = arith.constant 0 : i32
    %dma_start3A_493 = arith.constant 0 : i32
    %dma_start3A_494 = tpu.memref_slice %arg23[%dma_start3A_492, %dma_start3A_493] : memref<10240x128xf32, #tpu.memory_space<vmem_shared>> -> memref<10240x128xf32, #tpu.memory_space<vmem_shared>>
    %dma_start3A_495 = tpu.memref_slice %arg29[%dma_start3A_491] : memref<2x!tpu.dma_semaphore, #tpu.memory_space<semaphore_mem>> -> memref<1x!tpu.dma_semaphore, #tpu.memory_space<semaphore_mem>>
    %dma_start3A_496 = tpu.memref_squeeze %dma_start3A_495 : memref<1x!tpu.dma_semaphore, #tpu.memory_space<semaphore_mem>> -> memref<!tpu.dma_semaphore, #tpu.memory_space<semaphore_mem>>
    tpu.enqueue_indirect_dma source(%arg19 : memref<80x128xf32, #tpu.memory_space<vmem>>) target(%dma_start3A_494 : memref<10240x128xf32, #tpu.memory_space<vmem_shared>>) offsets(%arg13 : memref<80xi32, #tpu.memory_space<vmem>>) semaphore(%dma_start3A_496 : memref<!tpu.dma_semaphore, #tpu.memory_space<semaphore_mem>>) {add = true}
    %dma_wait3A_497 = arith.constant 0 : i32
    %dma_wait3A_498 = arith.constant 0 : i32
    %dma_wait3A_499 = arith.constant 0 : i32
    %dma_wait3A_500 = tpu.memref_slice %arg5[%dma_wait3A_498, %dma_wait3A_499] : memref<10000x128xf32, #tpu.memory_space<hbm>> -> memref<10000x128xf32, #tpu.memory_space<hbm>>
    %dma_wait3A_501 = tpu.memref_slice %arg26[%dma_wait3A_497] : memref<2x!tpu.dma_semaphore, #tpu.memory_space<semaphore_mem>> -> memref<1x!tpu.dma_semaphore, #tpu.memory_space<semaphore_mem>>
    %dma_wait3A_502 = tpu.memref_squeeze %dma_wait3A_501 : memref<1x!tpu.dma_semaphore, #tpu.memory_space<semaphore_mem>> -> memref<!tpu.dma_semaphore, #tpu.memory_space<semaphore_mem>>
    tpu.wait_indirect_dma semaphore(%dma_wait3A_502 : memref<!tpu.dma_semaphore, #tpu.memory_space<semaphore_mem>>) src(%dma_wait3A_500 : memref<10000x128xf32, #tpu.memory_space<hbm>>) dst(%arg18 : memref<80x128xf32, #tpu.memory_space<vmem>>)
    %dma_wait3A_503 = arith.constant 0 : i32
    %dma_wait3A_504 = arith.constant 0 : i32
    %dma_wait3A_505 = arith.constant 0 : i32
    %dma_wait3A_506 = tpu.memref_slice %arg4[%dma_wait3A_504, %dma_wait3A_505] : memref<10000x16xf32, #tpu.memory_space<hbm>> -> memref<10000x16xf32, #tpu.memory_space<hbm>>
    %dma_wait3A_507 = tpu.memref_slice %arg27[%dma_wait3A_503] : memref<2x!tpu.dma_semaphore, #tpu.memory_space<semaphore_mem>> -> memref<1x!tpu.dma_semaphore, #tpu.memory_space<semaphore_mem>>
    %dma_wait3A_508 = tpu.memref_squeeze %dma_wait3A_507 : memref<1x!tpu.dma_semaphore, #tpu.memory_space<semaphore_mem>> -> memref<!tpu.dma_semaphore, #tpu.memory_space<semaphore_mem>>
    tpu.wait_indirect_dma semaphore(%dma_wait3A_508 : memref<!tpu.dma_semaphore, #tpu.memory_space<semaphore_mem>>) src(%dma_wait3A_506 : memref<10000x16xf32, #tpu.memory_space<hbm>>) dst(%arg14 : memref<80x16xf32, #tpu.memory_space<vmem>>)
    %dma_wait3A_509 = arith.constant 0 : i32
    %dma_wait3A_510 = arith.constant 0 : i32
    %dma_wait3A_511 = arith.constant 0 : i32
    %dma_wait3A_512 = tpu.memref_slice %arg4[%dma_wait3A_510, %dma_wait3A_511] : memref<10000x16xf32, #tpu.memory_space<hbm>> -> memref<10000x16xf32, #tpu.memory_space<hbm>>
    %dma_wait3A_513 = tpu.memref_slice %arg28[%dma_wait3A_509] : memref<2x!tpu.dma_semaphore, #tpu.memory_space<semaphore_mem>> -> memref<1x!tpu.dma_semaphore, #tpu.memory_space<semaphore_mem>>
    %dma_wait3A_514 = tpu.memref_squeeze %dma_wait3A_513 : memref<1x!tpu.dma_semaphore, #tpu.memory_space<semaphore_mem>> -> memref<!tpu.dma_semaphore, #tpu.memory_space<semaphore_mem>>
    tpu.wait_indirect_dma semaphore(%dma_wait3A_514 : memref<!tpu.dma_semaphore, #tpu.memory_space<semaphore_mem>>) src(%dma_wait3A_512 : memref<10000x16xf32, #tpu.memory_space<hbm>>) dst(%arg16 : memref<80x16xf32, #tpu.memory_space<vmem>>)
    %add3A_515 = arith.constant 0 : i32
    %add3A_516 = vector.broadcast %add3A_515 : i32 to vector<16xi32>
    %add3A_517 = arith.addi %iota3A, %add3A_516 : vector<16xi32>
    %gather3A_518 = tpu.vector_load_idx %arg14[%add3A_517, %broadcast_in_dim3A_44] : memref<80x16xf32, #tpu.memory_space<vmem>>[vector<16xi32>, vector<16xi32>], vector<16xf32>,
    %add3A_519 = arith.constant 0 : i32
    %add3A_520 = vector.broadcast %add3A_519 : i32 to vector<16xi32>
    %add3A_521 = arith.addi %iota3A, %add3A_520 : vector<16xi32>
    %gather3A_522 = tpu.vector_load_idx %arg16[%add3A_521, %add3A_47] : memref<80x16xf32, #tpu.memory_space<vmem>>[vector<16xi32>, vector<16xi32>], vector<16xf32>,
    %add3A_523 = arith.addf %gather3A_518, %gather3A_522 : vector<16xf32>
    %ge3A_524 = arith.constant 0.000000e+00 : f32
    %ge3A_525 = vector.broadcast %ge3A_524 : f32 to vector<16xf32>
    %ge3A_526 = arith.cmpf oge, %add3A_523, %ge3A_525 : vector<16xf32>
    %mul3A_527 = arith.constant 2.000000e-01 : f32
    %mul3A_528 = vector.broadcast %mul3A_527 : f32 to vector<16xf32>
    %mul3A_529 = arith.mulf %mul3A_528, %add3A_523 : vector<16xf32>
    %select_n3A_530 = arith.select %ge3A_526, %add3A_523, %mul3A_529 : vector<16xi1>, vector<16xf32>
    %exp3A_531 = math.exp %select_n3A_530 : vector<16xf32>
    %swap3A_532 = arith.constant 0 : index
    %swap3A_533 = tpu.vector_load %arg22[%swap3A_532] {strides = array<i32>} : memref<96xf32, #tpu.memory_space<vmem>>, vector<16xf32>,
    tpu.vector_store %arg22[%swap3A_532], %exp3A_531 {strides = array<i32>} : memref<96xf32, #tpu.memory_space<vmem>>, vector<16xf32>,
    %add3A_534 = arith.constant 0 : i32
    %add3A_535 = vector.broadcast %add3A_534 : i32 to vector<16xi32>
    %add3A_536 = arith.addi %iota3A, %add3A_535 : vector<16xi32>
    tpu.vector_store_idx %arg20[%add3A_536, %broadcast_in_dim3A_44], %exp3A_531 : memref<80x16xf32, #tpu.memory_space<vmem>>[vector<16xi32>, vector<16xi32>], vector<16xf32>,
    %get3A_537 = arith.constant 0 : index
    %get3A_538 = tpu.vector_load %arg10[%get3A_537] {strides = array<i32>} : memref<80xi32, #tpu.memory_space<vmem>>, vector<16xi32>,
    %swap3A_539 = arith.constant 0 : index
    %swap3A_540 = tpu.vector_load %arg12[%swap3A_539] {strides = array<i32>} : memref<80xi32, #tpu.memory_space<vmem>>, vector<16xi32>,
    tpu.vector_store %arg12[%swap3A_539], %get3A_538 {strides = array<i32>} : memref<80xi32, #tpu.memory_space<vmem>>, vector<16xi32>,
    %add3A_541 = arith.constant 16 : i32
    %add3A_542 = vector.broadcast %add3A_541 : i32 to vector<16xi32>
    %add3A_543 = arith.addi %iota3A, %add3A_542 : vector<16xi32>
    %gather3A_544 = tpu.vector_load_idx %arg14[%add3A_543, %broadcast_in_dim3A_44] : memref<80x16xf32, #tpu.memory_space<vmem>>[vector<16xi32>, vector<16xi32>], vector<16xf32>,
    %add3A_545 = arith.constant 16 : i32
    %add3A_546 = vector.broadcast %add3A_545 : i32 to vector<16xi32>
    %add3A_547 = arith.addi %iota3A, %add3A_546 : vector<16xi32>
    %gather3A_548 = tpu.vector_load_idx %arg16[%add3A_547, %add3A_47] : memref<80x16xf32, #tpu.memory_space<vmem>>[vector<16xi32>, vector<16xi32>], vector<16xf32>,
    %add3A_549 = arith.addf %gather3A_544, %gather3A_548 : vector<16xf32>
    %ge3A_550 = arith.constant 0.000000e+00 : f32
    %ge3A_551 = vector.broadcast %ge3A_550 : f32 to vector<16xf32>
    %ge3A_552 = arith.cmpf oge, %add3A_549, %ge3A_551 : vector<16xf32>
    %mul3A_553 = arith.constant 2.000000e-01 : f32
    %mul3A_554 = vector.broadcast %mul3A_553 : f32 to vector<16xf32>
    %mul3A_555 = arith.mulf %mul3A_554, %add3A_549 : vector<16xf32>
    %select_n3A_556 = arith.select %ge3A_552, %add3A_549, %mul3A_555 : vector<16xi1>, vector<16xf32>
    %exp3A_557 = math.exp %select_n3A_556 : vector<16xf32>
    %swap3A_558 = arith.constant 16 : index
    %swap3A_559 = tpu.vector_load %arg22[%swap3A_558] {strides = array<i32>} : memref<96xf32, #tpu.memory_space<vmem>>, vector<16xf32>,
    tpu.vector_store %arg22[%swap3A_558], %exp3A_557 {strides = array<i32>} : memref<96xf32, #tpu.memory_space<vmem>>, vector<16xf32>,
    %add3A_560 = arith.constant 16 : i32
    %add3A_561 = vector.broadcast %add3A_560 : i32 to vector<16xi32>
    %add3A_562 = arith.addi %iota3A, %add3A_561 : vector<16xi32>
    tpu.vector_store_idx %arg20[%add3A_562, %broadcast_in_dim3A_44], %exp3A_557 : memref<80x16xf32, #tpu.memory_space<vmem>>[vector<16xi32>, vector<16xi32>], vector<16xf32>,
    %get3A_563 = arith.constant 16 : index
    %get3A_564 = tpu.vector_load %arg10[%get3A_563] {strides = array<i32>} : memref<80xi32, #tpu.memory_space<vmem>>, vector<16xi32>,
    %swap3A_565 = arith.constant 16 : index
    %swap3A_566 = tpu.vector_load %arg12[%swap3A_565] {strides = array<i32>} : memref<80xi32, #tpu.memory_space<vmem>>, vector<16xi32>,
    tpu.vector_store %arg12[%swap3A_565], %get3A_564 {strides = array<i32>} : memref<80xi32, #tpu.memory_space<vmem>>, vector<16xi32>,
    %add3A_567 = arith.constant 32 : i32
    %add3A_568 = vector.broadcast %add3A_567 : i32 to vector<16xi32>
    %add3A_569 = arith.addi %iota3A, %add3A_568 : vector<16xi32>
    %gather3A_570 = tpu.vector_load_idx %arg14[%add3A_569, %broadcast_in_dim3A_44] : memref<80x16xf32, #tpu.memory_space<vmem>>[vector<16xi32>, vector<16xi32>], vector<16xf32>,
    %add3A_571 = arith.constant 32 : i32
    %add3A_572 = vector.broadcast %add3A_571 : i32 to vector<16xi32>
    %add3A_573 = arith.addi %iota3A, %add3A_572 : vector<16xi32>
    %gather3A_574 = tpu.vector_load_idx %arg16[%add3A_573, %add3A_47] : memref<80x16xf32, #tpu.memory_space<vmem>>[vector<16xi32>, vector<16xi32>], vector<16xf32>,
    %add3A_575 = arith.addf %gather3A_570, %gather3A_574 : vector<16xf32>
    %ge3A_576 = arith.constant 0.000000e+00 : f32
    %ge3A_577 = vector.broadcast %ge3A_576 : f32 to vector<16xf32>
    %ge3A_578 = arith.cmpf oge, %add3A_575, %ge3A_577 : vector<16xf32>
    %mul3A_579 = arith.constant 2.000000e-01 : f32
    %mul3A_580 = vector.broadcast %mul3A_579 : f32 to vector<16xf32>
    %mul3A_581 = arith.mulf %mul3A_580, %add3A_575 : vector<16xf32>
    %select_n3A_582 = arith.select %ge3A_578, %add3A_575, %mul3A_581 : vector<16xi1>, vector<16xf32>
    %exp3A_583 = math.exp %select_n3A_582 : vector<16xf32>
    %swap3A_584 = arith.constant 32 : index
    %swap3A_585 = tpu.vector_load %arg22[%swap3A_584] {strides = array<i32>} : memref<96xf32, #tpu.memory_space<vmem>>, vector<16xf32>,
    tpu.vector_store %arg22[%swap3A_584], %exp3A_583 {strides = array<i32>} : memref<96xf32, #tpu.memory_space<vmem>>, vector<16xf32>,
    %add3A_586 = arith.constant 32 : i32
    %add3A_587 = vector.broadcast %add3A_586 : i32 to vector<16xi32>
    %add3A_588 = arith.addi %iota3A, %add3A_587 : vector<16xi32>
    tpu.vector_store_idx %arg20[%add3A_588, %broadcast_in_dim3A_44], %exp3A_583 : memref<80x16xf32, #tpu.memory_space<vmem>>[vector<16xi32>, vector<16xi32>], vector<16xf32>,
    %get3A_589 = arith.constant 32 : index
    %get3A_590 = tpu.vector_load %arg10[%get3A_589] {strides = array<i32>} : memref<80xi32, #tpu.memory_space<vmem>>, vector<16xi32>,
    %swap3A_591 = arith.constant 32 : index
    %swap3A_592 = tpu.vector_load %arg12[%swap3A_591] {strides = array<i32>} : memref<80xi32, #tpu.memory_space<vmem>>, vector<16xi32>,
    tpu.vector_store %arg12[%swap3A_591], %get3A_590 {strides = array<i32>} : memref<80xi32, #tpu.memory_space<vmem>>, vector<16xi32>,
    %add3A_593 = arith.constant 48 : i32
    %add3A_594 = vector.broadcast %add3A_593 : i32 to vector<16xi32>
    %add3A_595 = arith.addi %iota3A, %add3A_594 : vector<16xi32>
    %gather3A_596 = tpu.vector_load_idx %arg14[%add3A_595, %broadcast_in_dim3A_44] : memref<80x16xf32, #tpu.memory_space<vmem>>[vector<16xi32>, vector<16xi32>], vector<16xf32>,
    %add3A_597 = arith.constant 48 : i32
    %add3A_598 = vector.broadcast %add3A_597 : i32 to vector<16xi32>
    %add3A_599 = arith.addi %iota3A, %add3A_598 : vector<16xi32>
    %gather3A_600 = tpu.vector_load_idx %arg16[%add3A_599, %add3A_47] : memref<80x16xf32, #tpu.memory_space<vmem>>[vector<16xi32>, vector<16xi32>], vector<16xf32>,
    %add3A_601 = arith.addf %gather3A_596, %gather3A_600 : vector<16xf32>
    %ge3A_602 = arith.constant 0.000000e+00 : f32
    %ge3A_603 = vector.broadcast %ge3A_602 : f32 to vector<16xf32>
    %ge3A_604 = arith.cmpf oge, %add3A_601, %ge3A_603 : vector<16xf32>
    %mul3A_605 = arith.constant 2.000000e-01 : f32
    %mul3A_606 = vector.broadcast %mul3A_605 : f32 to vector<16xf32>
    %mul3A_607 = arith.mulf %mul3A_606, %add3A_601 : vector<16xf32>
    %select_n3A_608 = arith.select %ge3A_604, %add3A_601, %mul3A_607 : vector<16xi1>, vector<16xf32>
    %exp3A_609 = math.exp %select_n3A_608 : vector<16xf32>
    %swap3A_610 = arith.constant 48 : index
    %swap3A_611 = tpu.vector_load %arg22[%swap3A_610] {strides = array<i32>} : memref<96xf32, #tpu.memory_space<vmem>>, vector<16xf32>,
    tpu.vector_store %arg22[%swap3A_610], %exp3A_609 {strides = array<i32>} : memref<96xf32, #tpu.memory_space<vmem>>, vector<16xf32>,
    %add3A_612 = arith.constant 48 : i32
    %add3A_613 = vector.broadcast %add3A_612 : i32 to vector<16xi32>
    %add3A_614 = arith.addi %iota3A, %add3A_613 : vector<16xi32>
    tpu.vector_store_idx %arg20[%add3A_614, %broadcast_in_dim3A_44], %exp3A_609 : memref<80x16xf32, #tpu.memory_space<vmem>>[vector<16xi32>, vector<16xi32>], vector<16xf32>,
    %get3A_615 = arith.constant 48 : index
    %get3A_616 = tpu.vector_load %arg10[%get3A_615] {strides = array<i32>} : memref<80xi32, #tpu.memory_space<vmem>>, vector<16xi32>,
    %swap3A_617 = arith.constant 48 : index
    %swap3A_618 = tpu.vector_load %arg12[%swap3A_617] {strides = array<i32>} : memref<80xi32, #tpu.memory_space<vmem>>, vector<16xi32>,
    tpu.vector_store %arg12[%swap3A_617], %get3A_616 {strides = array<i32>} : memref<80xi32, #tpu.memory_space<vmem>>, vector<16xi32>,
    %add3A_619 = arith.constant 64 : i32
    %add3A_620 = vector.broadcast %add3A_619 : i32 to vector<16xi32>
    %add3A_621 = arith.addi %iota3A, %add3A_620 : vector<16xi32>
    %gather3A_622 = tpu.vector_load_idx %arg14[%add3A_621, %broadcast_in_dim3A_44] : memref<80x16xf32, #tpu.memory_space<vmem>>[vector<16xi32>, vector<16xi32>], vector<16xf32>,
    %add3A_623 = arith.constant 64 : i32
    %add3A_624 = vector.broadcast %add3A_623 : i32 to vector<16xi32>
    %add3A_625 = arith.addi %iota3A, %add3A_624 : vector<16xi32>
    %gather3A_626 = tpu.vector_load_idx %arg16[%add3A_625, %add3A_47] : memref<80x16xf32, #tpu.memory_space<vmem>>[vector<16xi32>, vector<16xi32>], vector<16xf32>,
    %add3A_627 = arith.addf %gather3A_622, %gather3A_626 : vector<16xf32>
    %ge3A_628 = arith.constant 0.000000e+00 : f32
    %ge3A_629 = vector.broadcast %ge3A_628 : f32 to vector<16xf32>
    %ge3A_630 = arith.cmpf oge, %add3A_627, %ge3A_629 : vector<16xf32>
    %mul3A_631 = arith.constant 2.000000e-01 : f32
    %mul3A_632 = vector.broadcast %mul3A_631 : f32 to vector<16xf32>
    %mul3A_633 = arith.mulf %mul3A_632, %add3A_627 : vector<16xf32>
    %select_n3A_634 = arith.select %ge3A_630, %add3A_627, %mul3A_633 : vector<16xi1>, vector<16xf32>
    %exp3A_635 = math.exp %select_n3A_634 : vector<16xf32>
    %swap3A_636 = arith.constant 64 : index
    %swap3A_637 = tpu.vector_load %arg22[%swap3A_636] {strides = array<i32>} : memref<96xf32, #tpu.memory_space<vmem>>, vector<16xf32>,
    tpu.vector_store %arg22[%swap3A_636], %exp3A_635 {strides = array<i32>} : memref<96xf32, #tpu.memory_space<vmem>>, vector<16xf32>,
    %add3A_638 = arith.constant 64 : i32
    %add3A_639 = vector.broadcast %add3A_638 : i32 to vector<16xi32>
    %add3A_640 = arith.addi %iota3A, %add3A_639 : vector<16xi32>
    tpu.vector_store_idx %arg20[%add3A_640, %broadcast_in_dim3A_44], %exp3A_635 : memref<80x16xf32, #tpu.memory_space<vmem>>[vector<16xi32>, vector<16xi32>], vector<16xf32>,
    %get3A_641 = arith.constant 64 : index
    %get3A_642 = tpu.vector_load %arg10[%get3A_641] {strides = array<i32>} : memref<80xi32, #tpu.memory_space<vmem>>, vector<16xi32>,
    %swap3A_643 = arith.constant 64 : index
    %swap3A_644 = tpu.vector_load %arg12[%swap3A_643] {strides = array<i32>} : memref<80xi32, #tpu.memory_space<vmem>>, vector<16xi32>,
    tpu.vector_store %arg12[%swap3A_643], %get3A_642 {strides = array<i32>} : memref<80xi32, #tpu.memory_space<vmem>>, vector<16xi32>,
    %parallel_loop3A_645 = arith.constant 0 : i32
    %parallel_loop3A_646 = arith.constant 80 : i32
    %parallel_loop3A_647 = arith.constant 1 : i32
    scf.for %parallel_loop3A_685 = %parallel_loop3A_645 to %parallel_loop3A_646 step %parallel_loop3A_647  : i32 {
      %parallel_loop3A_686 = arith.index_cast %parallel_loop3A_685 : i32 to index
      %parallel_loop3A_687 = tpu.vector_load %arg22[%parallel_loop3A_686] {strides = array<i32>} : memref<96xf32, #tpu.memory_space<vmem>>, vector<16xf32>,
      %parallel_loop3A_688 = vector.extract_strided_slice %parallel_loop3A_687 {offsets = [0], sizes = [1], strides = [1]} : vector<16xf32> to vector<1xf32>
      %parallel_loop3A_689 = vector.extract %parallel_loop3A_688[0] : f32 from vector<1xf32>
      %parallel_loop3A_690 = arith.index_cast %parallel_loop3A_685 : i32 to index
      %parallel_loop3A_691 = arith.constant 0 : index
      %parallel_loop3A_692 = tpu.vector_load %arg18[%parallel_loop3A_690, %parallel_loop3A_691] {strides = array<i32>} : memref<80x128xf32, #tpu.memory_space<vmem>>, vector<16xf32>,
      %parallel_loop3A_693 = vector.broadcast %parallel_loop3A_689 : f32 to vector<16xf32>
      %parallel_loop3A_694 = arith.mulf %parallel_loop3A_692, %parallel_loop3A_693 : vector<16xf32>
      %parallel_loop3A_695 = arith.index_cast %parallel_loop3A_685 : i32 to index
      %parallel_loop3A_696 = arith.constant 0 : index
      %parallel_loop3A_697 = tpu.vector_load %arg18[%parallel_loop3A_695, %parallel_loop3A_696] {strides = array<i32>} : memref<80x128xf32, #tpu.memory_space<vmem>>, vector<16xf32>,
      tpu.vector_store %arg18[%parallel_loop3A_695, %parallel_loop3A_696], %parallel_loop3A_694 {strides = array<i32>} : memref<80x128xf32, #tpu.memory_space<vmem>>, vector<16xf32>,
      %parallel_loop3A_698 = arith.index_cast %parallel_loop3A_685 : i32 to index
      %parallel_loop3A_699 = arith.constant 16 : index
      %parallel_loop3A_700 = tpu.vector_load %arg18[%parallel_loop3A_698, %parallel_loop3A_699] {strides = array<i32>} : memref<80x128xf32, #tpu.memory_space<vmem>>, vector<16xf32>,
      %parallel_loop3A_701 = vector.broadcast %parallel_loop3A_689 : f32 to vector<16xf32>
      %parallel_loop3A_702 = arith.mulf %parallel_loop3A_700, %parallel_loop3A_701 : vector<16xf32>
      %parallel_loop3A_703 = arith.index_cast %parallel_loop3A_685 : i32 to index
      %parallel_loop3A_704 = arith.constant 16 : index
      %parallel_loop3A_705 = tpu.vector_load %arg18[%parallel_loop3A_703, %parallel_loop3A_704] {strides = array<i32>} : memref<80x128xf32, #tpu.memory_space<vmem>>, vector<16xf32>,
      tpu.vector_store %arg18[%parallel_loop3A_703, %parallel_loop3A_704], %parallel_loop3A_702 {strides = array<i32>} : memref<80x128xf32, #tpu.memory_space<vmem>>, vector<16xf32>,
      %parallel_loop3A_706 = arith.index_cast %parallel_loop3A_685 : i32 to index
      %parallel_loop3A_707 = arith.constant 32 : index
      %parallel_loop3A_708 = tpu.vector_load %arg18[%parallel_loop3A_706, %parallel_loop3A_707] {strides = array<i32>} : memref<80x128xf32, #tpu.memory_space<vmem>>, vector<16xf32>,
      %parallel_loop3A_709 = vector.broadcast %parallel_loop3A_689 : f32 to vector<16xf32>
      %parallel_loop3A_710 = arith.mulf %parallel_loop3A_708, %parallel_loop3A_709 : vector<16xf32>
      %parallel_loop3A_711 = arith.index_cast %parallel_loop3A_685 : i32 to index
      %parallel_loop3A_712 = arith.constant 32 : index
      %parallel_loop3A_713 = tpu.vector_load %arg18[%parallel_loop3A_711, %parallel_loop3A_712] {strides = array<i32>} : memref<80x128xf32, #tpu.memory_space<vmem>>, vector<16xf32>,
      tpu.vector_store %arg18[%parallel_loop3A_711, %parallel_loop3A_712], %parallel_loop3A_710 {strides = array<i32>} : memref<80x128xf32, #tpu.memory_space<vmem>>, vector<16xf32>,
      %parallel_loop3A_714 = arith.index_cast %parallel_loop3A_685 : i32 to index
      %parallel_loop3A_715 = arith.constant 48 : index
      %parallel_loop3A_716 = tpu.vector_load %arg18[%parallel_loop3A_714, %parallel_loop3A_715] {strides = array<i32>} : memref<80x128xf32, #tpu.memory_space<vmem>>, vector<16xf32>,
      %parallel_loop3A_717 = vector.broadcast %parallel_loop3A_689 : f32 to vector<16xf32>
      %parallel_loop3A_718 = arith.mulf %parallel_loop3A_716, %parallel_loop3A_717 : vector<16xf32>
      %parallel_loop3A_719 = arith.index_cast %parallel_loop3A_685 : i32 to index
      %parallel_loop3A_720 = arith.constant 48 : index
      %parallel_loop3A_721 = tpu.vector_load %arg18[%parallel_loop3A_719, %parallel_loop3A_720] {strides = array<i32>} : memref<80x128xf32, #tpu.memory_space<vmem>>, vector<16xf32>,
      tpu.vector_store %arg18[%parallel_loop3A_719, %parallel_loop3A_720], %parallel_loop3A_718 {strides = array<i32>} : memref<80x128xf32, #tpu.memory_space<vmem>>, vector<16xf32>,
      %parallel_loop3A_722 = arith.index_cast %parallel_loop3A_685 : i32 to index
      %parallel_loop3A_723 = arith.constant 64 : index
      %parallel_loop3A_724 = tpu.vector_load %arg18[%parallel_loop3A_722, %parallel_loop3A_723] {strides = array<i32>} : memref<80x128xf32, #tpu.memory_space<vmem>>, vector<16xf32>,
      %parallel_loop3A_725 = vector.broadcast %parallel_loop3A_689 : f32 to vector<16xf32>
      %parallel_loop3A_726 = arith.mulf %parallel_loop3A_724, %parallel_loop3A_725 : vector<16xf32>
      %parallel_loop3A_727 = arith.index_cast %parallel_loop3A_685 : i32 to index
      %parallel_loop3A_728 = arith.constant 64 : index
      %parallel_loop3A_729 = tpu.vector_load %arg18[%parallel_loop3A_727, %parallel_loop3A_728] {strides = array<i32>} : memref<80x128xf32, #tpu.memory_space<vmem>>, vector<16xf32>,
      tpu.vector_store %arg18[%parallel_loop3A_727, %parallel_loop3A_728], %parallel_loop3A_726 {strides = array<i32>} : memref<80x128xf32, #tpu.memory_space<vmem>>, vector<16xf32>,
      %parallel_loop3A_730 = arith.index_cast %parallel_loop3A_685 : i32 to index
      %parallel_loop3A_731 = arith.constant 80 : index
      %parallel_loop3A_732 = tpu.vector_load %arg18[%parallel_loop3A_730, %parallel_loop3A_731] {strides = array<i32>} : memref<80x128xf32, #tpu.memory_space<vmem>>, vector<16xf32>,
      %parallel_loop3A_733 = vector.broadcast %parallel_loop3A_689 : f32 to vector<16xf32>
      %parallel_loop3A_734 = arith.mulf %parallel_loop3A_732, %parallel_loop3A_733 : vector<16xf32>
      %parallel_loop3A_735 = arith.index_cast %parallel_loop3A_685 : i32 to index
      %parallel_loop3A_736 = arith.constant 80 : index
      %parallel_loop3A_737 = tpu.vector_load %arg18[%parallel_loop3A_735, %parallel_loop3A_736] {strides = array<i32>} : memref<80x128xf32, #tpu.memory_space<vmem>>, vector<16xf32>,
      tpu.vector_store %arg18[%parallel_loop3A_735, %parallel_loop3A_736], %parallel_loop3A_734 {strides = array<i32>} : memref<80x128xf32, #tpu.memory_space<vmem>>, vector<16xf32>,
      %parallel_loop3A_738 = arith.index_cast %parallel_loop3A_685 : i32 to index
      %parallel_loop3A_739 = arith.constant 96 : index
      %parallel_loop3A_740 = tpu.vector_load %arg18[%parallel_loop3A_738, %parallel_loop3A_739] {strides = array<i32>} : memref<80x128xf32, #tpu.memory_space<vmem>>, vector<16xf32>,
      %parallel_loop3A_741 = vector.broadcast %parallel_loop3A_689 : f32 to vector<16xf32>
      %parallel_loop3A_742 = arith.mulf %parallel_loop3A_740, %parallel_loop3A_741 : vector<16xf32>
      %parallel_loop3A_743 = arith.index_cast %parallel_loop3A_685 : i32 to index
      %parallel_loop3A_744 = arith.constant 96 : index
      %parallel_loop3A_745 = tpu.vector_load %arg18[%parallel_loop3A_743, %parallel_loop3A_744] {strides = array<i32>} : memref<80x128xf32, #tpu.memory_space<vmem>>, vector<16xf32>,
      tpu.vector_store %arg18[%parallel_loop3A_743, %parallel_loop3A_744], %parallel_loop3A_742 {strides = array<i32>} : memref<80x128xf32, #tpu.memory_space<vmem>>, vector<16xf32>,
      %parallel_loop3A_746 = arith.index_cast %parallel_loop3A_685 : i32 to index
      %parallel_loop3A_747 = arith.constant 112 : index
      %parallel_loop3A_748 = tpu.vector_load %arg18[%parallel_loop3A_746, %parallel_loop3A_747] {strides = array<i32>} : memref<80x128xf32, #tpu.memory_space<vmem>>, vector<16xf32>,
      %parallel_loop3A_749 = vector.broadcast %parallel_loop3A_689 : f32 to vector<16xf32>
      %parallel_loop3A_750 = arith.mulf %parallel_loop3A_748, %parallel_loop3A_749 : vector<16xf32>
      %parallel_loop3A_751 = arith.index_cast %parallel_loop3A_685 : i32 to index
      %parallel_loop3A_752 = arith.constant 112 : index
      %parallel_loop3A_753 = tpu.vector_load %arg18[%parallel_loop3A_751, %parallel_loop3A_752] {strides = array<i32>} : memref<80x128xf32, #tpu.memory_space<vmem>>, vector<16xf32>,
      tpu.vector_store %arg18[%parallel_loop3A_751, %parallel_loop3A_752], %parallel_loop3A_750 {strides = array<i32>} : memref<80x128xf32, #tpu.memory_space<vmem>>, vector<16xf32>,
    } {sc.loop_unroll_factor = 4 : i64, sc.parallel_access}
    %dma_start3A_648 = arith.constant 0 : i32
    %dma_start3A_649 = arith.constant 0 : i32
    %dma_start3A_650 = arith.constant 0 : i32
    %dma_start3A_651 = tpu.memref_slice %arg24[%dma_start3A_649, %dma_start3A_650] : memref<10240x16xf32, #tpu.memory_space<vmem_shared>> -> memref<10240x16xf32, #tpu.memory_space<vmem_shared>>
    %dma_start3A_652 = tpu.memref_slice %arg29[%dma_start3A_648] : memref<2x!tpu.dma_semaphore, #tpu.memory_space<semaphore_mem>> -> memref<1x!tpu.dma_semaphore, #tpu.memory_space<semaphore_mem>>
    %dma_start3A_653 = tpu.memref_squeeze %dma_start3A_652 : memref<1x!tpu.dma_semaphore, #tpu.memory_space<semaphore_mem>> -> memref<!tpu.dma_semaphore, #tpu.memory_space<semaphore_mem>>
    tpu.enqueue_indirect_dma source(%arg20 : memref<80x16xf32, #tpu.memory_space<vmem>>) target(%dma_start3A_651 : memref<10240x16xf32, #tpu.memory_space<vmem_shared>>) offsets(%arg12 : memref<80xi32, #tpu.memory_space<vmem>>) semaphore(%dma_start3A_653 : memref<!tpu.dma_semaphore, #tpu.memory_space<semaphore_mem>>) {add = true}
    %dma_start3A_654 = arith.constant 0 : i32
    %dma_start3A_655 = arith.constant 0 : i32
    %dma_start3A_656 = arith.constant 0 : i32
    %dma_start3A_657 = tpu.memref_slice %arg23[%dma_start3A_655, %dma_start3A_656] : memref<10240x128xf32, #tpu.memory_space<vmem_shared>> -> memref<10240x128xf32, #tpu.memory_space<vmem_shared>>
    %dma_start3A_658 = tpu.memref_slice %arg29[%dma_start3A_654] : memref<2x!tpu.dma_semaphore, #tpu.memory_space<semaphore_mem>> -> memref<1x!tpu.dma_semaphore, #tpu.memory_space<semaphore_mem>>
    %dma_start3A_659 = tpu.memref_squeeze %dma_start3A_658 : memref<1x!tpu.dma_semaphore, #tpu.memory_space<semaphore_mem>> -> memref<!tpu.dma_semaphore, #tpu.memory_space<semaphore_mem>>
    tpu.enqueue_indirect_dma source(%arg18 : memref<80x128xf32, #tpu.memory_space<vmem>>) target(%dma_start3A_657 : memref<10240x128xf32, #tpu.memory_space<vmem_shared>>) offsets(%arg12 : memref<80xi32, #tpu.memory_space<vmem>>) semaphore(%dma_start3A_659 : memref<!tpu.dma_semaphore, #tpu.memory_space<semaphore_mem>>) {add = true}
    %dma_wait3A_660 = arith.constant 1 : i32
    %dma_wait3A_661 = arith.constant 0 : i32
    %dma_wait3A_662 = arith.constant 0 : i32
    %dma_wait3A_663 = tpu.memref_slice %arg24[%dma_wait3A_661, %dma_wait3A_662] : memref<10240x16xf32, #tpu.memory_space<vmem_shared>> -> memref<10240x16xf32, #tpu.memory_space<vmem_shared>>
    %dma_wait3A_664 = tpu.memref_slice %arg29[%dma_wait3A_660] : memref<2x!tpu.dma_semaphore, #tpu.memory_space<semaphore_mem>> -> memref<1x!tpu.dma_semaphore, #tpu.memory_space<semaphore_mem>>
    %dma_wait3A_665 = tpu.memref_squeeze %dma_wait3A_664 : memref<1x!tpu.dma_semaphore, #tpu.memory_space<semaphore_mem>> -> memref<!tpu.dma_semaphore, #tpu.memory_space<semaphore_mem>>
    tpu.wait_indirect_dma semaphore(%dma_wait3A_665 : memref<!tpu.dma_semaphore, #tpu.memory_space<semaphore_mem>>) src(%arg21 : memref<80x16xf32, #tpu.memory_space<vmem>>) dst(%dma_wait3A_663 : memref<10240x16xf32, #tpu.memory_space<vmem_shared>>)
    %dma_wait3A_666 = arith.constant 1 : i32
    %dma_wait3A_667 = arith.constant 0 : i32
    %dma_wait3A_668 = arith.constant 0 : i32
    %dma_wait3A_669 = tpu.memref_slice %arg23[%dma_wait3A_667, %dma_wait3A_668] : memref<10240x128xf32, #tpu.memory_space<vmem_shared>> -> memref<10240x128xf32, #tpu.memory_space<vmem_shared>>
    %dma_wait3A_670 = tpu.memref_slice %arg29[%dma_wait3A_666] : memref<2x!tpu.dma_semaphore, #tpu.memory_space<semaphore_mem>> -> memref<1x!tpu.dma_semaphore, #tpu.memory_space<semaphore_mem>>
    %dma_wait3A_671 = tpu.memref_squeeze %dma_wait3A_670 : memref<1x!tpu.dma_semaphore, #tpu.memory_space<semaphore_mem>> -> memref<!tpu.dma_semaphore, #tpu.memory_space<semaphore_mem>>
    tpu.wait_indirect_dma semaphore(%dma_wait3A_671 : memref<!tpu.dma_semaphore, #tpu.memory_space<semaphore_mem>>) src(%arg19 : memref<80x128xf32, #tpu.memory_space<vmem>>) dst(%dma_wait3A_669 : memref<10240x128xf32, #tpu.memory_space<vmem_shared>>)
    %dma_wait3A_672 = arith.constant 0 : i32
    %dma_wait3A_673 = arith.constant 0 : i32
    %dma_wait3A_674 = arith.constant 0 : i32
    %dma_wait3A_675 = tpu.memref_slice %arg24[%dma_wait3A_673, %dma_wait3A_674] : memref<10240x16xf32, #tpu.memory_space<vmem_shared>> -> memref<10240x16xf32, #tpu.memory_space<vmem_shared>>
    %dma_wait3A_676 = tpu.memref_slice %arg29[%dma_wait3A_672] : memref<2x!tpu.dma_semaphore, #tpu.memory_space<semaphore_mem>> -> memref<1x!tpu.dma_semaphore, #tpu.memory_space<semaphore_mem>>
    %dma_wait3A_677 = tpu.memref_squeeze %dma_wait3A_676 : memref<1x!tpu.dma_semaphore, #tpu.memory_space<semaphore_mem>> -> memref<!tpu.dma_semaphore, #tpu.memory_space<semaphore_mem>>
    tpu.wait_indirect_dma semaphore(%dma_wait3A_677 : memref<!tpu.dma_semaphore, #tpu.memory_space<semaphore_mem>>) src(%arg20 : memref<80x16xf32, #tpu.memory_space<vmem>>) dst(%dma_wait3A_675 : memref<10240x16xf32, #tpu.memory_space<vmem_shared>>)
    %dma_wait3A_678 = arith.constant 0 : i32
    %dma_wait3A_679 = arith.constant 0 : i32
    %dma_wait3A_680 = arith.constant 0 : i32
    %dma_wait3A_681 = tpu.memref_slice %arg23[%dma_wait3A_679, %dma_wait3A_680] : memref<10240x128xf32, #tpu.memory_space<vmem_shared>> -> memref<10240x128xf32, #tpu.memory_space<vmem_shared>>
    %dma_wait3A_682 = tpu.memref_slice %arg29[%dma_wait3A_678] : memref<2x!tpu.dma_semaphore, #tpu.memory_space<semaphore_mem>> -> memref<1x!tpu.dma_semaphore, #tpu.memory_space<semaphore_mem>>
    %dma_wait3A_683 = tpu.memref_squeeze %dma_wait3A_682 : memref<1x!tpu.dma_semaphore, #tpu.memory_space<semaphore_mem>> -> memref<!tpu.dma_semaphore, #tpu.memory_space<semaphore_mem>>
    tpu.wait_indirect_dma semaphore(%dma_wait3A_683 : memref<!tpu.dma_semaphore, #tpu.memory_space<semaphore_mem>>) src(%arg18 : memref<80x128xf32, #tpu.memory_space<vmem>>) dst(%dma_wait3A_681 : memref<10240x128xf32, #tpu.memory_space<vmem_shared>>)
    %barrier3A_684 = arith.constant 0 : index
    tpu.barrier barrier_id(%barrier3A_684)
    "tpu.region"() ({
      %run_scoped3A = tpu.sem_alloc : memref<!tpu.dma_semaphore, #tpu.memory_space<semaphore_mem>>
      %dma_start3A_685 = arith.constant 0 : i32
      %dma_start3A_686 = tpu.memref_slice %arg6[%arg0, %mul3A_10, %dma_start3A_685] : memref<2x10240x128xf32, #tpu.memory_space<hbm>> -> memref<1x640x128xf32, #tpu.memory_space<hbm>>
      %dma_start3A_687 = tpu.memref_squeeze %dma_start3A_686 : memref<1x640x128xf32, #tpu.memory_space<hbm>> -> memref<640x128xf32, #tpu.memory_space<hbm>>
      %dma_start3A_688 = arith.constant 0 : i32
      %dma_start3A_689 = tpu.memref_slice %arg23[%mul3A_10, %dma_start3A_688] : memref<10240x128xf32, #tpu.memory_space<vmem_shared>> -> memref<640x128xf32, #tpu.memory_space<vmem_shared>>
      tpu.enqueue_dma source(%dma_start3A_689 : memref<640x128xf32, #tpu.memory_space<vmem_shared>>) target(%dma_start3A_687 : memref<640x128xf32, #tpu.memory_space<hbm>>) target_semaphore(%run_scoped3A : memref<!tpu.dma_semaphore, #tpu.memory_space<semaphore_mem>>)
      %dma_wait3A_690 = arith.constant 0 : i32
      %dma_wait3A_691 = tpu.memref_slice %arg6[%arg0, %mul3A_10, %dma_wait3A_690] : memref<2x10240x128xf32, #tpu.memory_space<hbm>> -> memref<1x640x128xf32, #tpu.memory_space<hbm>>
      %dma_wait3A_692 = tpu.memref_squeeze %dma_wait3A_691 : memref<1x640x128xf32, #tpu.memory_space<hbm>> -> memref<640x128xf32, #tpu.memory_space<hbm>>
      %dma_wait3A_693 = arith.constant 0 : i32
      %dma_wait3A_694 = tpu.memref_slice %arg23[%mul3A_10, %dma_wait3A_693] : memref<10240x128xf32, #tpu.memory_space<vmem_shared>> -> memref<640x128xf32, #tpu.memory_space<vmem_shared>>
      tpu.wait_dma2 semaphore(%run_scoped3A : memref<!tpu.dma_semaphore, #tpu.memory_space<semaphore_mem>>) src(%dma_wait3A_694 : memref<640x128xf32, #tpu.memory_space<vmem_shared>>) dst(%dma_wait3A_692 : memref<640x128xf32, #tpu.memory_space<hbm>>)
      tpu.yield
    }) : () -> ()
    "tpu.region"() ({
      %run_scoped3A = tpu.sem_alloc : memref<!tpu.dma_semaphore, #tpu.memory_space<semaphore_mem>>
      %dma_start3A_685 = arith.constant 0 : i32
      %dma_start3A_686 = tpu.memref_slice %arg7[%arg0, %mul3A_10, %dma_start3A_685] : memref<2x10240x16xf32, #tpu.memory_space<hbm>> -> memref<1x640x16xf32, #tpu.memory_space<hbm>>
      %dma_start3A_687 = tpu.memref_squeeze %dma_start3A_686 : memref<1x640x16xf32, #tpu.memory_space<hbm>> -> memref<640x16xf32, #tpu.memory_space<hbm>>
      %dma_start3A_688 = arith.constant 0 : i32
      %dma_start3A_689 = tpu.memref_slice %arg24[%mul3A_10, %dma_start3A_688] : memref<10240x16xf32, #tpu.memory_space<vmem_shared>> -> memref<640x16xf32, #tpu.memory_space<vmem_shared>>
      tpu.enqueue_dma source(%dma_start3A_689 : memref<640x16xf32, #tpu.memory_space<vmem_shared>>) target(%dma_start3A_687 : memref<640x16xf32, #tpu.memory_space<hbm>>) target_semaphore(%run_scoped3A : memref<!tpu.dma_semaphore, #tpu.memory_space<semaphore_mem>>)
      %dma_wait3A_690 = arith.constant 0 : i32
      %dma_wait3A_691 = tpu.memref_slice %arg7[%arg0, %mul3A_10, %dma_wait3A_690] : memref<2x10240x16xf32, #tpu.memory_space<hbm>> -> memref<1x640x16xf32, #tpu.memory_space<hbm>>
      %dma_wait3A_692 = tpu.memref_squeeze %dma_wait3A_691 : memref<1x640x16xf32, #tpu.memory_space<hbm>> -> memref<640x16xf32, #tpu.memory_space<hbm>>
      %dma_wait3A_693 = arith.constant 0 : i32
      %dma_wait3A_694 = tpu.memref_slice %arg24[%mul3A_10, %dma_wait3A_693] : memref<10240x16xf32, #tpu.memory_space<vmem_shared>> -> memref<640x16xf32, #tpu.memory_space<vmem_shared>>
      tpu.wait_dma2 semaphore(%run_scoped3A : memref<!tpu.dma_semaphore, #tpu.memory_space<semaphore_mem>>) src(%dma_wait3A_694 : memref<640x16xf32, #tpu.memory_space<vmem_shared>>) dst(%dma_wait3A_692 : memref<640x16xf32, #tpu.memory_space<hbm>>)
      tpu.yield
    }) : () -> ()
    return
  }
}

module attributes {stable_mosaic.version = 14 : i64} {
  func.func @_proj_body(%arg0: i32, %arg1: memref<1000x128xf32, #tpu.memory_space<vmem>>, %arg2: memref<128x128xf32, #tpu.memory_space<vmem>>, %arg3: memref<128x16xf32, #tpu.memory_space<vmem>>, %arg4: memref<1000x128xf32, #tpu.memory_space<vmem>>, %arg5: memref<1000x16xf32, #tpu.memory_space<vmem>>) attributes {dimension_semantics = [#tpu.dimension_semantics<arbitrary>], iteration_bounds = array<i64: 10>, scalar_prefetch = 0 : i64, scratch_operands = 0 : i64, tpu.core_type = #tpu.core_type<tc>, window_params = [{transform_indices = @transform_0, window_bounds = array<i64: 1000, 128>}, {pipeline_mode = #tpu.pipeline_mode<synchronous>, transform_indices = @transform_1, window_bounds = array<i64: 128, 128>}, {pipeline_mode = #tpu.pipeline_mode<synchronous>, transform_indices = @transform_2, window_bounds = array<i64: 128, 16>}, {transform_indices = @transform_3, window_bounds = array<i64: 1000, 128>}, {transform_indices = @transform_4, window_bounds = array<i64: 1000, 16>}]} {
    %get3A = arith.constant 0 : index
    %get3A_0 = arith.constant 0 : index
    %get3A_1 = vector.load %arg1[%get3A, %get3A_0] : memref<1000x128xf32, #tpu.memory_space<vmem>>, vector<1000x128xf32>
    %get3A_2 = arith.constant 0 : index
    %get3A_3 = arith.constant 0 : index
    %get3A_4 = vector.load %arg2[%get3A_2, %get3A_3] : memref<128x128xf32, #tpu.memory_space<vmem>>, vector<128x128xf32>
    %dot_general3A = arith.constant dense<0.000000e+00> : vector<1000x128xf32>
    %dot_general3A_5 = tpu.matmul %get3A_1, %get3A_4, %dot_general3A {dimension_numbers = #tpu.dot_dimension_numbers<[1], [0], [0], [1], [0, 0, 1, 1], [], []>, transpose_lhs_hint = false} : vector<1000x128xf32>, vector<128x128xf32>, vector<1000x128xf32> -> vector<1000x128xf32>
    %swap3A = arith.constant 0 : index
    %swap3A_6 = arith.constant 0 : index
    %swap3A_7 = vector.load %arg4[%swap3A, %swap3A_6] : memref<1000x128xf32, #tpu.memory_space<vmem>>, vector<1000x128xf32>
    tpu.vector_store %arg4[%swap3A, %swap3A_6], %dot_general3A_5 {strides = array<i32>} : memref<1000x128xf32, #tpu.memory_space<vmem>>, vector<1000x128xf32>,
    %get3A_8 = arith.constant 0 : index
    %get3A_9 = arith.constant 0 : index
    %get3A_10 = vector.load %arg3[%get3A_8, %get3A_9] : memref<128x16xf32, #tpu.memory_space<vmem>>, vector<128x16xf32>
    %dot_general3A_11 = arith.constant dense<0.000000e+00> : vector<1000x16xf32>
    %dot_general3A_12 = tpu.matmul %dot_general3A_5, %get3A_10, %dot_general3A_11 {dimension_numbers = #tpu.dot_dimension_numbers<[1], [0], [0], [1], [0, 0, 1, 1], [], []>, transpose_lhs_hint = false} : vector<1000x128xf32>, vector<128x16xf32>, vector<1000x16xf32> -> vector<1000x16xf32>
    %swap3A_13 = arith.constant 0 : index
    %swap3A_14 = arith.constant 0 : index
    %swap3A_15 = vector.load %arg5[%swap3A_13, %swap3A_14] : memref<1000x16xf32, #tpu.memory_space<vmem>>, vector<1000x16xf32>
    tpu.vector_store %arg5[%swap3A_13, %swap3A_14], %dot_general3A_12 {strides = array<i32>} : memref<1000x16xf32, #tpu.memory_space<vmem>>, vector<1000x16xf32>,
    return
  }
  func.func @transform_0(%arg0: i32) -> (i32, i32) {
    %c0_i32 = arith.constant 0 : i32
    %c0_i32_0 = arith.constant 0 : i32
    return %arg0, %c0_i32 : i32, i32
  }
  func.func @transform_1(%arg0: i32) -> (i32, i32) {
    %c0_i32 = arith.constant 0 : i32
    %c0_i32_0 = arith.constant 0 : i32
    %c0_i32_1 = arith.constant 0 : i32
    return %c0_i32, %c0_i32_0 : i32, i32
  }
  func.func @transform_2(%arg0: i32) -> (i32, i32) {
    %c0_i32 = arith.constant 0 : i32
    %c0_i32_0 = arith.constant 0 : i32
    %c0_i32_1 = arith.constant 0 : i32
    return %c0_i32, %c0_i32_0 : i32, i32
  }
  func.func @transform_3(%arg0: i32) -> (i32, i32) {
    %c0_i32 = arith.constant 0 : i32
    %c0_i32_0 = arith.constant 0 : i32
    return %arg0, %c0_i32 : i32, i32
  }
  func.func @transform_4(%arg0: i32) -> (i32, i32) {
    %c0_i32 = arith.constant 0 : i32
    %c0_i32_0 = arith.constant 0 : i32
    return %arg0, %c0_i32 : i32, i32
  }
}

module attributes {stable_mosaic.version = 14 : i64} {
  func.func @_epi_body(%arg0: i32, %arg1: memref<2x1000x128xf32, #tpu.memory_space<vmem>>, %arg2: memref<2x1000x16xf32, #tpu.memory_space<vmem>>, %arg3: memref<1000x128xf32, #tpu.memory_space<vmem>>, %arg4: memref<1000x16xf32, #tpu.memory_space<vmem>>, %arg5: memref<1x128xf32, #tpu.memory_space<vmem>>, %arg6: memref<1x128xf32, #tpu.memory_space<vmem>>, %arg7: memref<1x128xf32, #tpu.memory_space<vmem>>, %arg8: memref<1000x128xf32, #tpu.memory_space<vmem>>) attributes {dimension_semantics = [#tpu.dimension_semantics<arbitrary>], iteration_bounds = array<i64: 10>, scalar_prefetch = 0 : i64, scratch_operands = 0 : i64, tpu.core_type = #tpu.core_type<tc>, window_params = [{transform_indices = @transform_0, window_bounds = array<i64: 2, 1000, 128>}, {transform_indices = @transform_1, window_bounds = array<i64: 2, 1000, 16>}, {transform_indices = @transform_2, window_bounds = array<i64: 1000, 128>}, {transform_indices = @transform_3, window_bounds = array<i64: 1000, 16>}, {pipeline_mode = #tpu.pipeline_mode<synchronous>, transform_indices = @transform_4, window_bounds = array<i64: 1, 128>}, {pipeline_mode = #tpu.pipeline_mode<synchronous>, transform_indices = @transform_5, window_bounds = array<i64: 1, 128>}, {pipeline_mode = #tpu.pipeline_mode<synchronous>, transform_indices = @transform_6, window_bounds = array<i64: 1, 128>}, {transform_indices = @transform_7, window_bounds = array<i64: 1000, 128>}]} {
    %get3A = arith.constant 0 : index
    %get3A_0 = arith.constant 0 : index
    %get3A_1 = vector.load %arg4[%get3A, %get3A_0] : memref<1000x16xf32, #tpu.memory_space<vmem>>, vector<1000x1xf32>
    %get3A_2 = arith.constant 0 : index
    %get3A_3 = arith.constant 1 : index
    %get3A_4 = vector.load %arg4[%get3A_2, %get3A_3] : memref<1000x16xf32, #tpu.memory_space<vmem>>, vector<1000x1xf32>
    %add3A = arith.addf %get3A_1, %get3A_4 : vector<1000x1xf32>
    %ge3A = arith.constant 0.000000e+00 : f32
    %ge3A_5 = vector.broadcast %ge3A : f32 to vector<1000x1xf32>
    %ge3A_6 = arith.cmpf oge, %add3A, %ge3A_5 : vector<1000x1xf32>
    %mul3A = arith.constant 2.000000e-01 : f32
    %mul3A_7 = vector.broadcast %mul3A : f32 to vector<1000x1xf32>
    %mul3A_8 = arith.mulf %mul3A_7, %add3A : vector<1000x1xf32>
    %select_n3A = arith.select %ge3A_6, %add3A, %mul3A_8 : vector<1000x1xi1>, vector<1000x1xf32>
    %exp3A = math.exp %select_n3A : vector<1000x1xf32>
    %get3A_9 = arith.constant 0 : index
    %get3A_10 = arith.constant 0 : index
    %get3A_11 = arith.constant 0 : index
    %get3A_12 = vector.load %arg2[%get3A_9, %get3A_10, %get3A_11] : memref<2x1000x16xf32, #tpu.memory_space<vmem>>, vector<1x1000x1xf32>
    %get3A_13 = vector.shape_cast %get3A_12 : vector<1x1000x1xf32> to vector<1000x1xf32>
    %get3A_14 = arith.constant 1 : index
    %get3A_15 = arith.constant 0 : index
    %get3A_16 = arith.constant 0 : index
    %get3A_17 = vector.load %arg2[%get3A_14, %get3A_15, %get3A_16] : memref<2x1000x16xf32, #tpu.memory_space<vmem>>, vector<1x1000x1xf32>
    %get3A_18 = vector.shape_cast %get3A_17 : vector<1x1000x1xf32> to vector<1000x1xf32>
    %add3A_19 = arith.addf %get3A_13, %get3A_18 : vector<1000x1xf32>
    %add3A_20 = arith.addf %add3A_19, %exp3A : vector<1000x1xf32>
    %add3A_21 = arith.constant 1.000000e-16 : f32
    %add3A_22 = vector.broadcast %add3A_21 : f32 to vector<1000x1xf32>
    %add3A_23 = arith.addf %add3A_20, %add3A_22 : vector<1000x1xf32>
    %get3A_24 = arith.constant 0 : index
    %get3A_25 = arith.constant 0 : index
    %get3A_26 = arith.constant 0 : index
    %get3A_27 = vector.load %arg1[%get3A_24, %get3A_25, %get3A_26] : memref<2x1000x128xf32, #tpu.memory_space<vmem>>, vector<1x1000x128xf32>
    %get3A_28 = vector.shape_cast %get3A_27 : vector<1x1000x128xf32> to vector<1000x128xf32>
    %get3A_29 = arith.constant 1 : index
    %get3A_30 = arith.constant 0 : index
    %get3A_31 = arith.constant 0 : index
    %get3A_32 = vector.load %arg1[%get3A_29, %get3A_30, %get3A_31] : memref<2x1000x128xf32, #tpu.memory_space<vmem>>, vector<1x1000x128xf32>
    %get3A_33 = vector.shape_cast %get3A_32 : vector<1x1000x128xf32> to vector<1000x128xf32>
    %add3A_34 = arith.addf %get3A_28, %get3A_33 : vector<1000x128xf32>
    %get3A_35 = arith.constant 0 : index
    %get3A_36 = arith.constant 0 : index
    %get3A_37 = vector.load %arg3[%get3A_35, %get3A_36] : memref<1000x128xf32, #tpu.memory_space<vmem>>, vector<1000x128xf32>
    %mul3A_38 = vector.broadcast %exp3A : vector<1000x1xf32> to vector<1000x128xf32>
    %mul3A_39 = arith.mulf %mul3A_38, %get3A_37 : vector<1000x128xf32>
    %add3A_40 = arith.addf %add3A_34, %mul3A_39 : vector<1000x128xf32>
    %div3A = vector.broadcast %add3A_23 : vector<1000x1xf32> to vector<1000x128xf32>
    %div3A_41 = arith.divf %add3A_40, %div3A : vector<1000x128xf32>
    %get3A_42 = arith.constant 0 : index
    %get3A_43 = arith.constant 0 : index
    %get3A_44 = vector.load %arg5[%get3A_42, %get3A_43] : memref<1x128xf32, #tpu.memory_space<vmem>>, vector<1x128xf32>
    %add3A_45 = vector.broadcast %get3A_44 : vector<1x128xf32> to vector<1000x128xf32>
    %add3A_46 = arith.addf %div3A_41, %add3A_45 : vector<1000x128xf32>
    %reduce_sum3A = arith.constant dense<0.000000e+00> : vector<1000xf32>
    %reduce_sum3A_47 = vector.multi_reduction <add>, %add3A_46, %reduce_sum3A [1] : vector<1000x128xf32> to vector<1000xf32>
    %broadcast_in_dim3A = vector.shape_cast %reduce_sum3A_47 : vector<1000xf32> to vector<1000x1xf32>
    %div3A_48 = arith.constant 1.280000e+02 : f32
    %div3A_49 = vector.broadcast %div3A_48 : f32 to vector<1000x1xf32>
    %div3A_50 = arith.divf %broadcast_in_dim3A, %div3A_49 : vector<1000x1xf32>
    %sub3A = vector.broadcast %div3A_50 : vector<1000x1xf32> to vector<1000x128xf32>
    %sub3A_51 = arith.subf %add3A_46, %sub3A : vector<1000x128xf32>
    %mul3A_52 = arith.mulf %sub3A_51, %sub3A_51 : vector<1000x128xf32>
    %reduce_sum3A_53 = arith.constant dense<0.000000e+00> : vector<1000xf32>
    %reduce_sum3A_54 = vector.multi_reduction <add>, %mul3A_52, %reduce_sum3A_53 [1] : vector<1000x128xf32> to vector<1000xf32>
    %broadcast_in_dim3A_55 = vector.shape_cast %reduce_sum3A_54 : vector<1000xf32> to vector<1000x1xf32>
    %div3A_56 = arith.constant 1.280000e+02 : f32
    %div3A_57 = vector.broadcast %div3A_56 : f32 to vector<1000x1xf32>
    %div3A_58 = arith.divf %broadcast_in_dim3A_55, %div3A_57 : vector<1000x1xf32>
    %add3A_59 = arith.constant 9.99999974E-6 : f32
    %add3A_60 = vector.broadcast %add3A_59 : f32 to vector<1000x1xf32>
    %add3A_61 = arith.addf %div3A_58, %add3A_60 : vector<1000x1xf32>
    %rsqrt3A = math.rsqrt %add3A_61 : vector<1000x1xf32>
    %mul3A_62 = vector.broadcast %rsqrt3A : vector<1000x1xf32> to vector<1000x128xf32>
    %mul3A_63 = arith.mulf %sub3A_51, %mul3A_62 : vector<1000x128xf32>
    %get3A_64 = arith.constant 0 : index
    %get3A_65 = arith.constant 0 : index
    %get3A_66 = vector.load %arg6[%get3A_64, %get3A_65] : memref<1x128xf32, #tpu.memory_space<vmem>>, vector<1x128xf32>
    %mul3A_67 = vector.broadcast %get3A_66 : vector<1x128xf32> to vector<1000x128xf32>
    %mul3A_68 = arith.mulf %mul3A_63, %mul3A_67 : vector<1000x128xf32>
    %get3A_69 = arith.constant 0 : index
    %get3A_70 = arith.constant 0 : index
    %get3A_71 = vector.load %arg7[%get3A_69, %get3A_70] : memref<1x128xf32, #tpu.memory_space<vmem>>, vector<1x128xf32>
    %add3A_72 = vector.broadcast %get3A_71 : vector<1x128xf32> to vector<1000x128xf32>
    %add3A_73 = arith.addf %mul3A_68, %add3A_72 : vector<1000x128xf32>
    %max3A = arith.constant 0.000000e+00 : f32
    %max3A_74 = vector.broadcast %max3A : f32 to vector<1000x128xf32>
    %max3A_75 = arith.maximumf %add3A_73, %max3A_74 : vector<1000x128xf32>
    %swap3A = arith.constant 0 : index
    %swap3A_76 = arith.constant 0 : index
    %swap3A_77 = vector.load %arg8[%swap3A, %swap3A_76] : memref<1000x128xf32, #tpu.memory_space<vmem>>, vector<1000x128xf32>
    tpu.vector_store %arg8[%swap3A, %swap3A_76], %max3A_75 {strides = array<i32>} : memref<1000x128xf32, #tpu.memory_space<vmem>>, vector<1000x128xf32>,
    return
  }
  func.func @transform_0(%arg0: i32) -> (i32, i32, i32) {
    %c0_i32 = arith.constant 0 : i32
    %c0_i32_0 = arith.constant 0 : i32
    %c0_i32_1 = arith.constant 0 : i32
    return %c0_i32, %arg0, %c0_i32_0 : i32, i32, i32
  }
  func.func @transform_1(%arg0: i32) -> (i32, i32, i32) {
    %c0_i32 = arith.constant 0 : i32
    %c0_i32_0 = arith.constant 0 : i32
    %c0_i32_1 = arith.constant 0 : i32
    return %c0_i32, %arg0, %c0_i32_0 : i32, i32, i32
  }
  func.func @transform_2(%arg0: i32) -> (i32, i32) {
    %c0_i32 = arith.constant 0 : i32
    %c0_i32_0 = arith.constant 0 : i32
    return %arg0, %c0_i32 : i32, i32
  }
  func.func @transform_3(%arg0: i32) -> (i32, i32) {
    %c0_i32 = arith.constant 0 : i32
    %c0_i32_0 = arith.constant 0 : i32
    return %arg0, %c0_i32 : i32, i32
  }
  func.func @transform_4(%arg0: i32) -> (i32, i32) {
    %c0_i32 = arith.constant 0 : i32
    %c0_i32_0 = arith.constant 0 : i32
    %c0_i32_1 = arith.constant 0 : i32
    return %c0_i32, %c0_i32_0 : i32, i32
  }
  func.func @transform_5(%arg0: i32) -> (i32, i32) {
    %c0_i32 = arith.constant 0 : i32
    %c0_i32_0 = arith.constant 0 : i32
    %c0_i32_1 = arith.constant 0 : i32
    return %c0_i32, %c0_i32_0 : i32, i32
  }
  func.func @transform_6(%arg0: i32) -> (i32, i32) {
    %c0_i32 = arith.constant 0 : i32
    %c0_i32_0 = arith.constant 0 : i32
    %c0_i32_1 = arith.constant 0 : i32
    return %c0_i32, %c0_i32_0 : i32, i32
  }
  func.func @transform_7(%arg0: i32) -> (i32, i32) {
    %c0_i32 = arith.constant 0 : i32
    %c0_i32_0 = arith.constant 0 : i32
    return %arg0, %c0_i32 : i32, i32
  }
}

</mosaic_0001>

<sc_bundles>
// kernel: kernel.5.cloned.1.call-start
scs
__scs_entry_jumppad:
0x0: {  	(pc) =	sbr.rel $0x88, $3  }
0x1: {  	(tag) =	ssettag $0x0;
	lr =	simm.s32 $0x1  }
0x2: {  	[smem:$0x3F99] =	sst lr;
	_ =	strace $0xD0000000  }
0x3: {  	_ = 	snop  }
0x4: {  	_ = 	snop  }
0x5: {  	_ = 	snop  }
0x6: {  	_ = 	snop  }
0x7: {  	_ = 	snop  }
__scs_overlays_trampoline_lowered:
0x8: {  	[smem:$0x3FA8] =	sst s0  }
0x9: {  	[smem:$0x3FA9] =	sst s1  }
0xa: {  	[smem:$0x3FAA] =	sst s2  }
0xb: {  	[smem:$0x3FAB] =	sst s3  }
0xc: {  	[smem:$0x3FAC] =	sst s4  }
0xd: {  	[smem:$0x3FAD] =	sst s5  }
0xe: {  	[smem:$0x3FAE] =	sst s6  }
0xf: {  	[smem:$0x3FAF] =	sst s7  }
0x10: {  	[smem:$0x3FB0] =	sst s8  }
0x11: {  	[smem:$0x3FB1] =	sst s9;
	s0 =	simm.s32 @!p0 $0x0  }
0x12: {  	s1 =	sld [smem:$0x3F97];
	s0 =	simm.s32 @p0 $0x1  }
0x13: {  	[smem:$0x3FB2] =	sst s0;
	s0 =	simm.s32 @!p1 $0x0  }
0x14: {  	s2 =	sld [smem:$0x3F96];
	s0 =	simm.s32 @p1 $0x1  }
0x15: {  	[smem:$0x3FB3] =	sst s0;
	s0 =	simm.s32 @!p2 $0x0  }
0x16: {  	s3 =	sld [smem:$0x3FDB];
	s0 =	simm.s32 @p2 $0x1  }
0x17: {  	s4 =	simm.s32 $0x1BF5;
	[smem:$0x3FB5] =	sst s0  }
0x18: {  	s0 =	sld [smem:$0x3F98];
	_ =	swait.ge [sflag:s4], $0x0  }
0x19: {  	s7 =	sld [smem:$0x3F99]  }
0x1a: {  	s8 =	sadd.s32 $0xFFFFE003, lr  }
0x1b: {  	s9 =	sadd.s32 $0xFFFFFEF7, lr;
	s5 =	simm.s32 $0xFFFFFFFF;
	p2 =	slt.u32 s8, $0xFFFFF086  }
0x1c: {  	p1 =	slt.u32 s9, $0xF7A;
	s5 =	simm.s32 @!p2 $0x0  }
0x1d: {  	s5 =	simm.s32 @p1 $0x1;
	p0 =	seq.s32 s7, s2  }
0x1e: {  	s7 =	smul.u32 @!p0 $0xF7A, s2;
	p2 =	seq.s32 @!p0 s5, $0x0  }
0x1f: {  	s9 =	smul.u32 $0xF7A, s1;
	s8 =	simm.s32 @!p0 $0x1BF5;
	p2 =	por !p2, p0  }
0x20: {  	[sflag:s8] =	ssyncset.s32 @!p0 $0xFFFFF086;
	s6 =	sadd.s32 @!p0 s3, s7;
	s7 =	simm.s32 @!p0 $0x108  }
0x21: {  	s3 =	sadd.s32 s3, s9;
	s6 =	sadd.s32 @!p0 $0x88, s6;
	s7 =	simm.s32 @p2 $0x1082  }
0x22: {  	[simem:s7], [sflag:s8] =	dma.local @!p0 [hbm:s6], $0xF7A  }
0x23: {  	s9 =	sor.u32 $0xD0000000, s2;
	s6 =	simm.s32 $0x108;
	_ =	swait.ge @!p0 [sflag:s8], $0x0  }
0x24: {  	s3 =	sadd.s32 $0x88, s3;
	s6 =	simm.s32 @!p1 $0x1082;
	[sflag:s4] =	ssyncset.s32 $0xFFFFF086  }
0x25: {  	[simem:s6], [sflag:s4] =	dma.local [hbm:s3], $0xF7A  }
0x26: {  	[smem:$0x3F99] =	sst s1;
	(tag) =	ssettag s2;
	_ =	strace s9  }
0x27: {  	s1 =	sld [smem:$0x3FA9]  }
0x28: {  	s2 =	sld [smem:$0x3FAA]  }
0x29: {  	s4 =	sld [smem:$0x3FAC]  }
0x2a: {  	p0 =	seq.s32 s5, $0x0;
	s5 =	sld [smem:$0x3FAD]  }
0x2b: {  	s6 =	sld [smem:$0x3FAE]  }
0x2c: {  	s7 =	sld [smem:$0x3FAF]  }
0x2d: {  	s3 =	simm.s32 $0x108;
	s8 =	sld [smem:$0x3FB0]  }
0x2e: {  	s3 =	simm.s32 @!p0 $0x1082;
	s9 =	sld [smem:$0x3FB1]  }
0x2f: {  	lr =	sadd.s32 s0, s3;
	s0 =	sld [smem:$0x3FA8]  }
0x30: {  	s3 =	sld [smem:$0x3FAB]  }
0x31: {  	[smem:$0x3FB4] =	sst s10  }
0x32: {  	s10 =	sld [smem:$0x3FB2];
	_ =	sdelay $0x3  }
0x33: {  	p0 =	seq.s32 s10, $0x1;
	s10 =	sld [smem:$0x3FB4];
	_ =	sdelay $0x3  }
0x34: {  	[smem:$0x3FB4] =	sst s10  }
0x35: {  	s10 =	sld [smem:$0x3FB3];
	_ =	sdelay $0x3  }
0x36: {  	p1 =	seq.s32 s10, $0x1;
	s10 =	sld [smem:$0x3FB4];
	_ =	sdelay $0x3  }
0x37: {  	[smem:$0x3FB4] =	sst s10  }
0x38: {  	s10 =	sld [smem:$0x3FB5]  }
0x39: {  	_ = 	snop;
	(pc) =	sbr.ind lr, $3  }
0x3a: {  	_ = 	snop  }
0x3b: {  	_ = 	snop  }
0x3c: {  	p2 =	seq.s32 s10, $0x1;
	s10 =	sld [smem:$0x3FB4]  }
0x3d: {  	_ =	shalt  }
0x3e: {  	_ =	shalt  }
0x3f: {  	_ =	shalt  }
0x40: {  	_ =	shalt  }
0x41: {  	_ =	shalt  }
0x42: {  	_ =	shalt  }
0x43: {  	_ =	shalt  }
0x44: {  	_ =	shalt  }
0x45: {  	_ =	shalt  }
0x46: {  	_ =	shalt  }
0x47: {  	_ =	shalt  }
0x48: {  	_ =	shalt  }
0x49: {  	_ =	shalt  }
0x4a: {  	_ =	shalt  }
0x4b: {  	_ =	shalt  }
0x4c: {  	_ =	shalt  }
0x4d: {  	_ =	shalt  }
0x4e: {  	_ =	shalt  }
0x4f: {  	_ =	shalt  }
0x50: {  	_ =	shalt  }
0x51: {  	_ =	shalt  }
0x52: {  	_ =	shalt  }
0x53: {  	_ =	shalt  }
0x54: {  	_ =	shalt  }
0x55: {  	_ =	shalt  }
0x56: {  	_ =	shalt  }
0x57: {  	_ =	shalt  }
0x58: {  	_ =	shalt  }
0x59: {  	_ =	shalt  }
0x5a: {  	_ =	shalt  }
0x5b: {  	_ =	shalt  }
0x5c: {  	_ =	shalt  }
0x5d: {  	_ =	shalt  }
0x5e: {  	_ =	shalt  }
0x5f: {  	_ =	shalt  }
0x60: {  	_ =	shalt  }
0x61: {  	_ =	shalt  }
0x62: {  	_ =	shalt  }
0x63: {  	_ =	shalt  }
0x64: {  	_ =	shalt  }
0x65: {  	_ =	shalt  }
0x66: {  	_ =	shalt  }
0x67: {  	_ =	shalt  }
0x68: {  	_ =	shalt  }
0x69: {  	_ =	shalt  }
0x6a: {  	_ =	shalt  }
0x6b: {  	_ =	shalt  }
0x6c: {  	_ =	shalt  }
0x6d: {  	_ =	shalt  }
0x6e: {  	_ =	shalt  }
0x6f: {  	_ =	shalt  }
0x70: {  	_ =	shalt  }
0x71: {  	_ =	shalt  }
0x72: {  	_ =	shalt  }
0x73: {  	_ =	shalt  }
0x74: {  	_ =	shalt  }
0x75: {  	_ =	shalt  }
0x76: {  	_ =	shalt  }
0x77: {  	_ =	shalt  }
0x78: {  	_ =	shalt  }
0x79: {  	_ =	shalt  }
0x7a: {  	_ =	shalt  }
0x7b: {  	_ =	shalt  }
0x7c: {  	_ =	shalt  }
0x7d: {  	_ =	shalt  }
0x7e: {  	_ =	shalt  }
0x7f: {  	_ =	shalt  }
0x80: {  	_ =	shalt  }
0x81: {  	_ =	shalt  }
0x82: {  	_ =	shalt  }
0x83: {  	_ =	shalt  }
0x84: {  	_ =	shalt  }
0x85: {  	_ =	shalt  }
0x86: {  	_ =	shalt  }
0x87: {  	_ =	shalt  }
.Lfunc_end0:
.L_simem_size_0:
called_computation_lowered:
.L_overlay_start_0:
0x88: {  	s2 =	sld [smem:$0x3FD9]  }
0x89: {  	s3 =	sld [smem:$0x3FFE];
	_ =	sdelay $0x1  }
0x8a: {  	s1 =	srdreg.scid  }
0x8b: {  	s0 =	sand.u32 $0x1, s1  }
0x8c: {  	s17 =	sshll.u32 s0, $0xA;
	s2 =	sadd.s32 s3, s2  }
0x8d: {  	s2 =	sadd.s32 s2, s17  }
0x8e: {  	[smem:$0x3FC0] =	sst s2  }
0x8f: {  	_ = 	snop  }
0x90: {  	s2 =	sld [smem:$0x3FD0];
	(tm) =	ssettm $0x1  }
0x91: {  	s18 =	sld [smem:$0x3FFB];
	_ =	sdelay $0x3  }
0x92: {  	_ =	strace s18  }
0x93: {  	s3 =	sld [smem:$0x3FFC];
	_ =	sdelay $0x3  }
0x94: {  	_ =	strace s3  }
0x95: {  	s3 =	sld [smem:$0x3FFD];
	_ =	sdelay $0x3  }
0x96: {  	_ =	strace s3  }
0x97: {  	_ =	strace $0x8FFFFFFF  }
0x98: {  	s19 =	sld [smem:$0x3FDB];
	_ =	sdelay $0x1  }
0x99: {  	s4 =	simm.s32 $_scs_section_size  }
0x9a: {  	s5 =	simm.s32 $_size__tile_overlayer_lowered;
	s6 =	simm.s32 $_tile_overlayer_lowered  }
0x9b: {  	s22 =	simm.s32 $0x1BFF;
	s21 =	sshll.u32 s6, $0x1;
	s3 =	sadd.s32 s4, s19  }
0x9c: {  	s7 =	simm.s32 $0x0;
	s20 =	sshll.u32 s5, $0x1;
	s5 =	sadd.s32 s21, s3  }
0x9d: {  	[timem:s7], [sflag:s22] =	dma.local [hbm:s5], s20  }
0x9e: {  	_ =	swait.ge [sflag:s22], s20  }
0x9f: {  	s4 =	ssub.s32 $0x0, s20;
	[sflag:s22] =	ssyncset.done $0x0  }
0xa0: {  	[sflag:s22] =	ssyncadd.s32 s4;
	_ =	sdelay $0x1  }
0xa1: {  	s23 =	simm.s32 $0x1B8B  }
0xa2: {  	_ =	swait.ge [sflag:s23], $0x1  }
0xa3: {  	[sflag:s23] =	ssyncset.done $0x0  }
0xa4: {  	s25 =	simm.s32 $0x1B8E;
	s24 =	sld [smem:$0x3FFE];
	[sflag:s23] =	ssyncadd.s32 $0xFFFFFFFF  }
0xa5: {  	s26 =	simm.s32 $execute0_lowered;
	[smem:$0x3FD2] =	sst s25  }
0xa6: {  	s5 =	sshll.u32 s26, $0x1;
	_ =	strace $0x80000046;
	[dreg:$0x1] =	wrdreg $0xFFFFFFFF  }
0xa7: {  	s28 =	simm.s32 $_size_execute0_lowered;
	s3 =	sadd.s32 s3, s5;
	[dreg:$0x0] =	wrdreg $0x0  }
0xa8: {  	s5 =	sshll.u32 s28, $0x1;
	[dreg:$0x2] =	wrdreg s3  }
0xa9: {  	[dreg:$0x3] =	wrdreg s5  }
0xaa: {  	[dreg:$0x4] =	wrdreg $0xC0  }
0xab: {  	_ =	task [dreg:s7], $0x5FFFF  }
0xac: {  	[dreg:$0x1] =	wrdreg $0xFFFFFFFF  }
0xad: {  	[dreg:$0x0] =	wrdreg $0x60  }
0xae: {  	[dreg:$0x2] =	wrdreg s24  }
0xaf: {  	[dreg:$0x3] =	wrdreg s2  }
0xb0: {  	[dreg:$0x4] =	wrdreg $0x70400  }
0xb1: {  	[dreg:$0x5] =	wrdreg $0x1B0400  }
0xb2: {  	[dreg:$0x6] =	wrdreg $0x9  }
0xb3: {  	_ =	task.clear_ibuf [dreg:s7], $0x7FFFF;
	_ =	strace $0x90000046  }
0xb4: {  	s29 =	simm.s32 $0x9;
	_ =	strace $0x80000048  }
0xb5: {  	_ =	swait.ge [sflag:s29], $0x1  }
0xb6: {  	[sflag:s29] =	ssyncadd.s32 $0xFFFFFFFF  }
0xb7: {  	_ =	strace $0x90000048  }
0xb8: {  	_ =	sfence  }
0xb9: {  	s30 =	sld [smem:$0x0];
	_ =	sdelay $0x2  }
0xba: {  	s31 =	sshll.u32 s1, $0xD;
	s1 =	sshrl.u32 s1, $0x2  }
0xbb: {  	s3 =	sand.u32 $0x4000, s31;
	s1 =	sadd.s32 s1, s30  }
0xbc: {  	s0 =	sor.u32 s3, s0;
	s1 =	sshll.u32 s1, $0x11  }
0xbd: {  	s0 =	sor.u32 s1, s0  }
0xbe: {  	s0 =	sadd.s32 $0x8F2B, s0  }
0xbf: {  	[sflag:s0] =	ssyncadd.remote.s32 $0x1  }
0xc0: {  	_ =	sfence.sel $0xFFFF  }
0xc1: {  	[dreg:$0x0] =	wrdreg $0xFFFFFFFF;
	(pc) =	sbr.abs _section_cstart, $3  }
0xc2: {  	[dreg:$0x1] =	wrdreg $0xFFFFFFFF  }
0xc3: {  	_ =	task.clear_ibuf [dreg:s7], $0x2FFFF;
	_ =	strace $0x9FFFFFFF  }
0xc4: {  	(tm) =	ssettm $0x7FFFFFFF  }
0xc5: {  	_ =	shalt  }
tec
execute0_lowered:
.L_overlay_start_1:
0x0: {  	(tag) =	ssettag $0x1  }
0x1: {  	s0 =	rddreg [dreg:$0x0]  }
0x2: {  	s23 =	rddreg [dreg:$0x1]  }
0x3: {  	s1 =	srdreg.scid;
	s13 =	rddreg [dreg:$0x2]  }
0x4: {  	s12 =	stileid.u32;
	s14 =	rddreg [dreg:$0x3];
	s5 =	simm.s32 $0x0  }
0x5: {  	s28 =	simm.s32 $0x5;
	s29 =	simm.s32 $0x7;
	s2 =	smul.u32 $0x14000, s12  }
0x6: {  	s30 =	simm.s32 $0x140;
	s31 =	simm.s32 $0x1;
	s4 =	smul.u32 $0x2800, s12  }
0x7: {  	s1 =	sand.u32 $0x1, s1;
	[smem:$0x7FF] =	sst s5;
	s11 =	smul.u32 $0x280, s12  }
0x8: {  	s6 =	sadd.s32 $0xAA00, s0;
	s7 =	sadd.s32 $0xC00, s0;
	s3 =	smul.u32 $0x140000, s1  }
0x9: {  	s8 =	smul.u32 $0x28000, s1;
	s10 =	ssub.s32 $0x2, s1;
	s1 =	sshll.u32 s1, $0x4  }
0xa: {  	_ =	strace $0x80000047;
	s19 =	sshrl.u32 s10, $0x1;
	s1 =	sor.u32 s12, s1  }
0xb: {  	s20 =	sor.u32 $0x50, s11;
	s15 =	sadd.s32 s2, s13;
	s21 =	sadd.s32 s4, s14  }
0xc: {  	s25 =	sadd.s32 $0xA0, s11;
	s16 =	sadd.s32 $0x140, s11;
	s3 =	sadd.s32 s2, s3  }
0xd: {  	s9 =	sadd.s32 s4, s8;
	s8 =	sadd.s32 $0x14800, s0;
	s1 =	smul.u32 $0x2710, s1  }
0xe: {  	s22 =	sshll.u32 s20, $0x7;
	s24 =	sshll.u32 s20, $0x4;
	s26 =	sshll.u32 s25, $0x7  }
0xf: {  	s4 =	sshll.u32 s25, $0x4;
	s17 =	sshll.u32 s16, $0x7;
	[dreg:$0x5] =	wrdreg s15  }
0x10: {  	[dreg:$0x6] =	wrdreg s21;
	s3 =	sshrl.u32 s3, $0x3;
	s9 =	sshrl.u32 s9, $0x3  }
0x11: {  	s2 =	sadd.s32 s22, s13;
	s4 =	sadd.s32 s4, s14;
	s3 =	sadd.s32 s3, s0  }
0x12: {  	s0 =	sadd.s32 s9, s0;
	s9 =	ssub.s32 s10, s19;
	[dreg:$0x7] =	wrdreg s2  }
0x13: {  	s2 =	sadd.s32 s24, s14;
	[dreg:$0xa] =	wrdreg s4;
	s10 =	sadd.s32 $0xF0, s11  }
0x14: {  	s19 =	sadd.s32 $0x190, s11;
	s24 =	sadd.s32 $0x1E0, s11;
	[dreg:$0x8] =	wrdreg s2  }
0x15: {  	s2 =	sadd.s32 s26, s13;
	s12 =	sshll.u32 s10, $0x7;
	s26 =	sadd.s32 $0x230, s11  }
0x16: {  	s0 =	sadd.s32 $0x19800, s0;
	[dreg:$0x9] =	wrdreg s2;
	s2 =	sshll.u32 s10, $0x4  }
0x17: {  	s4 =	sadd.s32 s12, s13;
	s11 =	sshll.u32 s26, $0x7;
	[dreg:$0x1e] =	wrdreg s0  }
0x18: {  	s12 =	sshll.u32 s26, $0x4;
	s26 =	smax.u32 s9, $0x1;
	[dreg:$0xb] =	wrdreg s4  }
0x19: {  	s18 =	sshll.u32 s16, $0x4;
	s2 =	sadd.s32 s2, s14;
	[dreg:$0x1f] =	wrdreg s26  }
0x1a: {  	s4 =	sshll.u32 s19, $0x4;
	[dreg:$0xc] =	wrdreg s2;
	s2 =	sadd.s32 s17, s13  }
0x1b: {  	s25 =	sshll.u32 s24, $0x7;
	s22 =	sadd.s32 s4, s14;
	[dreg:$0xd] =	wrdreg s2  }
0x1c: {  	s20 =	sshll.u32 s19, $0x7;
	s4 =	sadd.s32 s25, s13;
	[dreg:$0x10] =	wrdreg s22  }
0x1d: {  	s9 =	simm.s32 $0x8;
	s25 =	sadd.s32 $0x23800, s3;
	[dreg:$0x11] =	wrdreg s4  }
0x1e: {  	s10 =	simm.s32 $0x6AE0;
	s2 =	sadd.s32 s18, s14;
	[dreg:$0x1d] =	wrdreg s25  }
0x1f: {  	s26 =	simm.s32 $0x3;
	[dreg:$0xe] =	wrdreg s2;
	s2 =	sadd.s32 s20, s13  }
0x20: {  	[dreg:$0xf] =	wrdreg s2;
	s2 =	sshll.u32 s24, $0x4;
	s24 =	sadd.s32 $0xF0, s1  }
0x21: {  	s25 =	simm.s32 $0x10E0;
	s2 =	sadd.s32 s2, s14;
	[dreg:$0x1b] =	wrdreg s24  }
0x22: {  	s24 =	simm.s32 $0x6E0;
	[dreg:$0x12] =	wrdreg s2;
	s2 =	sadd.s32 s11, s13  }
0x23: {  	s13 =	sshrl.u32 s1, $0x3;
	s1 =	sadd.s32 $0x140, s1;
	s11 =	simm.s32 $0x9  }
0x24: {  	[dreg:$0x13] =	wrdreg s2;
	s2 =	sadd.s32 s12, s14;
	s16 =	sadd.s32 s6, s13  }
0x25: {  	s17 =	sadd.s32 $0xA, s13;
	s18 =	sadd.s32 s7, s13;
	[dreg:$0x1c] =	wrdreg s1  }
0x26: {  	s4 =	sadd.s32 $0x14, s13;
	s14 =	simm.s32 $0x15E0;
	[dreg:$0x14] =	wrdreg s2  }
0x27: {  	s12 =	simm.s32 $0x4;
	s13 =	simm.s32 $0x6;
	[dreg:$0x15] =	wrdreg s16  }
0x28: {  	v0 =	vlaneseq.u32;
	s1 =	simm.s32 $0x0;
	[dreg:$0x16] =	wrdreg s18;
	s19 =	sadd.s32 s6, s17  }
0x29: {  	v0 =	vmul.u32 $0x10, v0;
	s2 =	sadd.s32 s7, s17;
	s20 =	sadd.s32 s6, s4;
	[dreg:$0x17] =	wrdreg s19  }
0x2a: {  	v1 =	vimm.f32 $0.0e+00;
	s22 =	sadd.s32 s7, s4;
	s4 =	simm.s32 $0xB;
	[dreg:$0x18] =	wrdreg s2  }
0x2b: {  	v2 =	vor.u32 $0x1, v0;
	v3 =	vor.u32 $0x100, v0;
	v4 =	vor.u32 $0x101, v0;
	s16 =	simm.s32 $0x65E0;
	s18 =	simm.s32 $0x50;
	[dreg:$0x19] =	wrdreg s20  }
0x2c: {  	v5 =	vor.u32 $0x200, v0;
	v6 =	vor.u32 $0x201, v0;
	v7 =	vor.u32 $0x300, v0;
	s17 =	simm.s32 $0x3DE0;
	[dreg:$0x1a] =	wrdreg s22;
	s19 =	simm.s32 $0x1E0  }
0x2d: {  	v8 =	vor.u32 $0x301, v0;
	v9 =	vor.u32 $0x400, v0;
	v10 =	vor.u32 $0x401, v0;
	s20 =	simm.s32 $0xBE0;
	s22 =	simm.s32 $0x2;
	s2 =	simm.s32 $0xA  }
.LBB2_1:
0x2e: {  	s0 =	simm.s32 $0x1620  }
0x2f: {  	[tilespmem:s0+$0xFFFFFFD0] =	vst v1  }
0x30: {  	[tilespmem:s0+$0xFFFFFFE0] =	vst v1  }
0x31: {  	[tilespmem:s0+$0xFFFFFFF0] =	vst v1  }
0x32: {  	[tilespmem:s0+$0x0] =	vst v1  }
0x33: {  	[tilespmem:s0+$0x10] =	vst v1  }
0x34: {  	[tilespmem:s0+$0x20] =	vst v1  }
0x35: {  	[tilespmem:s0+$0x30] =	vst v1  }
0x36: {  	[smem:$0x7FD] =	sst s1;
	s3 =	simm.s32 $0x0;
	s1 =	simm.s32 $0x40;
	[tilespmem:s0+$0xFFFFFFC0] =	vst v1  }
.LBB2_2:
0x37: {  	p0 =	sne.s32 s1, $0x13C0;
	[tilespmem:s3+$0x65E0] =	vst v1;
	s0 =	sadd.s32 $0x80, s0  }
0x38: {  	[tilespmem:s0+$0xFFFFFFD0] =	vst v1  }
0x39: {  	[tilespmem:s0+$0xFFFFFFE0] =	vst v1  }
0x3a: {  	[tilespmem:s0+$0xFFFFFFF0] =	vst v1  }
.Ltmp0:
0x3b: {  	[tilespmem:s0+$0x0] =	vst v1;
	(pc) =	sbr.rel @p0 .LBB2_2-.Ltmp0, $4  }
0x3c: {  	[tilespmem:s0+$0x10] =	vst v1  }
0x3d: {  	[tilespmem:s0+$0x20] =	vst v1  }
0x3e: {  	[tilespmem:s0+$0x30] =	vst v1  }
0x3f: {  	s3 =	sshra.s32 s1, $0x2;
	s1 =	sadd.s32 $0x40, s1;
	[tilespmem:s0+$0xFFFFFFC0] =	vst v1  }
0x40: {  	[tilespmem:s3+$0x65E0] =	vst v1  }
0x41: {  	[spmem:s15] =	stream.linear.scatter [tilespmem:s14], [sflag:$0xB], $0x2800, $0x38;
	[tilespmem:$0x1D840] =	vst v63  }
0x42: {  	_ =	swait.ge [sflag:s4], $0x2800  }
0x43: {  	[sflag:s4] =	ssyncset.done $0x0  }
0x44: {  	[sflag:s4] =	ssyncadd.s32 $0xFFFFD800  }
0x45: {  	[spmem:s21] =	stream.linear.scatter [tilespmem:s16], [sflag:$0xB], $0x500, $0x38;
	[tilespmem:$0x1D840] =	vst v63  }
0x46: {  	_ =	swait.ge [sflag:s4], $0x500  }
0x47: {  	[sflag:s4] =	ssyncset.done $0x0  }
0x48: {  	s0 =	rddreg [dreg:$0x7];
	[sflag:s4] =	ssyncadd.s32 $0xFFFFFB00  }
0x49: {  	[spmem:s0] =	stream.linear.scatter [tilespmem:s14], [sflag:$0xB], $0x2800, $0x38;
	[tilespmem:$0x1D840] =	vst v63  }
0x4a: {  	_ =	swait.ge [sflag:s4], $0x2800  }
0x4b: {  	[sflag:s4] =	ssyncset.done $0x0  }
0x4c: {  	s21 =	rddreg [dreg:$0x8];
	[sflag:s4] =	ssyncadd.s32 $0xFFFFD800  }
0x4d: {  	[spmem:s21] =	stream.linear.scatter [tilespmem:s16], [sflag:$0xB], $0x500, $0x38;
	[tilespmem:$0x1D840] =	vst v63  }
0x4e: {  	_ =	swait.ge [sflag:s4], $0x500  }
0x4f: {  	[sflag:s4] =	ssyncset.done $0x0  }
0x50: {  	s1 =	rddreg [dreg:$0x9];
	[sflag:s4] =	ssyncadd.s32 $0xFFFFFB00  }
0x51: {  	[spmem:s1] =	stream.linear.scatter [tilespmem:s14], [sflag:$0xB], $0x2800, $0x38;
	[tilespmem:$0x1D840] =	vst v63  }
0x52: {  	_ =	swait.ge [sflag:s4], $0x2800  }
0x53: {  	[sflag:s4] =	ssyncset.done $0x0  }
0x54: {  	s3 =	rddreg [dreg:$0xa];
	[sflag:s4] =	ssyncadd.s32 $0xFFFFD800  }
0x55: {  	[spmem:s3] =	stream.linear.scatter [tilespmem:s16], [sflag:$0xB], $0x500, $0x38;
	[tilespmem:$0x1D840] =	vst v63  }
0x56: {  	_ =	swait.ge [sflag:s4], $0x500  }
0x57: {  	[sflag:s4] =	ssyncset.done $0x0  }
0x58: {  	s15 =	rddreg [dreg:$0xb];
	[sflag:s4] =	ssyncadd.s32 $0xFFFFFB00  }
0x59: {  	[spmem:s15] =	stream.linear.scatter [tilespmem:s14], [sflag:$0xB], $0x2800, $0x38;
	[tilespmem:$0x1D840] =	vst v63  }
0x5a: {  	_ =	swait.ge [sflag:s4], $0x2800  }
0x5b: {  	[sflag:s4] =	ssyncset.done $0x0  }
0x5c: {  	s21 =	rddreg [dreg:$0xc];
	[sflag:s4] =	ssyncadd.s32 $0xFFFFD800  }
0x5d: {  	[spmem:s21] =	stream.linear.scatter [tilespmem:s16], [sflag:$0xB], $0x500, $0x38;
	[tilespmem:$0x1D840] =	vst v63  }
0x5e: {  	_ =	swait.ge [sflag:s4], $0x500  }
0x5f: {  	[sflag:s4] =	ssyncset.done $0x0  }
0x60: {  	s1 =	rddreg [dreg:$0xd];
	[sflag:s4] =	ssyncadd.s32 $0xFFFFFB00  }
0x61: {  	[spmem:s1] =	stream.linear.scatter [tilespmem:s14], [sflag:$0xB], $0x2800, $0x38;
	[tilespmem:$0x1D840] =	vst v63  }
0x62: {  	_ =	swait.ge [sflag:s4], $0x2800  }
0x63: {  	[sflag:s4] =	ssyncset.done $0x0  }
0x64: {  	s3 =	rddreg [dreg:$0xe];
	[sflag:s4] =	ssyncadd.s32 $0xFFFFD800  }
0x65: {  	[spmem:s3] =	stream.linear.scatter [tilespmem:s16], [sflag:$0xB], $0x500, $0x38;
	[tilespmem:$0x1D840] =	vst v63  }
0x66: {  	_ =	swait.ge [sflag:s4], $0x500  }
0x67: {  	[sflag:s4] =	ssyncset.done $0x0  }
0x68: {  	s15 =	rddreg [dreg:$0xf];
	[sflag:s4] =	ssyncadd.s32 $0xFFFFFB00  }
0x69: {  	[spmem:s15] =	stream.linear.scatter [tilespmem:s14], [sflag:$0xB], $0x2800, $0x38;
	[tilespmem:$0x1D840] =	vst v63  }
0x6a: {  	_ =	swait.ge [sflag:s4], $0x2800  }
0x6b: {  	[sflag:s4] =	ssyncset.done $0x0  }
0x6c: {  	s21 =	rddreg [dreg:$0x10];
	[sflag:s4] =	ssyncadd.s32 $0xFFFFD800  }
0x6d: {  	[spmem:s21] =	stream.linear.scatter [tilespmem:s16], [sflag:$0xB], $0x500, $0x38;
	[tilespmem:$0x1D840] =	vst v63  }
0x6e: {  	_ =	swait.ge [sflag:s4], $0x500  }
0x6f: {  	[sflag:s4] =	ssyncset.done $0x0  }
0x70: {  	s1 =	rddreg [dreg:$0x11];
	[sflag:s4] =	ssyncadd.s32 $0xFFFFFB00  }
0x71: {  	[spmem:s1] =	stream.linear.scatter [tilespmem:s14], [sflag:$0xB], $0x2800, $0x38;
	[tilespmem:$0x1D840] =	vst v63  }
0x72: {  	_ =	swait.ge [sflag:s4], $0x2800  }
0x73: {  	[sflag:s4] =	ssyncset.done $0x0  }
0x74: {  	s3 =	rddreg [dreg:$0x12];
	[sflag:s4] =	ssyncadd.s32 $0xFFFFD800  }
0x75: {  	[spmem:s3] =	stream.linear.scatter [tilespmem:s16], [sflag:$0xB], $0x500, $0x38;
	[tilespmem:$0x1D840] =	vst v63  }
0x76: {  	_ =	swait.ge [sflag:s4], $0x500  }
0x77: {  	[sflag:s4] =	ssyncset.done $0x0  }
0x78: {  	s15 =	rddreg [dreg:$0x13];
	[sflag:s4] =	ssyncadd.s32 $0xFFFFFB00  }
0x79: {  	[spmem:s15] =	stream.linear.scatter [tilespmem:s14], [sflag:$0xB], $0x2800, $0x38;
	[tilespmem:$0x1D840] =	vst v63  }
0x7a: {  	_ =	swait.ge [sflag:s4], $0x2800  }
0x7b: {  	[sflag:s4] =	ssyncset.done $0x0  }
0x7c: {  	s21 =	rddreg [dreg:$0x14];
	[sflag:s4] =	ssyncadd.s32 $0xFFFFD800  }
0x7d: {  	[spmem:s21] =	stream.linear.scatter [tilespmem:s16], [sflag:$0xB], $0x500, $0x38;
	[tilespmem:$0x1D840] =	vst v63  }
0x7e: {  	_ =	swait.ge [sflag:s4], $0x500  }
0x7f: {  	[sflag:s4] =	ssyncset.done $0x0  }
0x80: {  	[sflag:s4] =	ssyncadd.s32 $0xFFFFFB00  }
0x81: {  	[bflag:$0x0] =	sbarrier.arrive $0xFFFF  }
0x82: {  	s1 =	rddreg [dreg:$0x15]  }
0x83: {  	[tilespmem:s5], [sflag:$0xB] =	stream.linear.gather [hbm4b:s1+s5], $0x50, $0x38;
	[tilespmem:$0x1D840] =	vst v63  }
0x84: {  	_ =	swait.ge [sflag:s4], $0x50  }
0x85: {  	[sflag:s4] =	ssyncset.done $0x0  }
0x86: {  	s21 =	simm.s32 $0xA0;
	s3 =	rddreg [dreg:$0x16];
	[sflag:s4] =	ssyncadd.s32 $0xFFFFFFB0  }
0x87: {  	[tilespmem:s21], [sflag:$0xB] =	stream.linear.gather [hbm4b:s3+s5], $0x50, $0x38;
	[tilespmem:$0x1D840] =	vst v63  }
0x88: {  	_ =	swait.ge [sflag:s4], $0x50  }
0x89: {  	[sflag:s4] =	ssyncset.done $0x0  }
0x8a: {  	[sflag:s4] =	ssyncadd.s32 $0xFFFFFFB0  }
0x8b: {  	[tilespmem:s14], [sflag:$0x3] =	stream.indirect.gather [hbm4b:s23+s18], $0x80, s5, s18, $0xb8;
	[tilespmem:$0x1D840] =	vst v63  }
0x8c: {  	_ = 	snop  }
0x8d: {  	[tilespmem:s19], [sflag:$0x5] =	stream.indirect.gather [hbm4b:s8+s18], $0x10, s5, s18, $0xb8;
	[tilespmem:$0x1D840] =	vst v63  }
0x8e: {  	_ = 	snop  }
0x8f: {  	[tilespmem:s20], [sflag:$0x7] =	stream.indirect.gather [hbm4b:s8+s18], $0x10, s21, s18, $0xb8;
	[tilespmem:$0x1D840] =	vst v63  }
0x90: {  	s4 =	rddreg [dreg:$0x17]  }
0x91: {  	[tilespmem:s18], [sflag:$0x2] =	stream.linear.gather [hbm4b:s4+s5], $0x50, $0x38;
	[tilespmem:$0x1D840] =	vst v63  }
0x92: {  	s1 =	simm.s32 $0xF0;
	s15 =	rddreg [dreg:$0x18]  }
0x93: {  	[tilespmem:s1], [sflag:$0x2] =	stream.linear.gather [hbm4b:s15+s5], $0x50, $0x38;
	[tilespmem:$0x1D840] =	vst v63  }
0x94: {  	_ =	swait.ge [sflag:s22], $0x50  }
0x95: {  	[sflag:s22] =	ssyncset.done $0x0  }
0x96: {  	[sflag:s22] =	ssyncadd.s32 $0xFFFFFFB0  }
0x97: {  	_ =	swait.ge [sflag:s22], $0x50  }
0x98: {  	[sflag:s22] =	ssyncset.done $0x0  }
0x99: {  	[sflag:s22] =	ssyncadd.s32 $0xFFFFFFB0  }
0x9a: {  	[tilespmem:s17], [sflag:$0x4] =	stream.indirect.gather [hbm4b:s23+s18], $0x80, s18, s18, $0xb8;
	[tilespmem:$0x1D840] =	vst v63  }
0x9b: {  	_ = 	snop  }
0x9c: {  	[tilespmem:s24], [sflag:$0x6] =	stream.indirect.gather [hbm4b:s8+s18], $0x10, s18, s18, $0xb8;
	[tilespmem:$0x1D840] =	vst v63  }
0x9d: {  	_ = 	snop  }
0x9e: {  	[tilespmem:s25], [sflag:$0x8] =	stream.indirect.gather [hbm4b:s8+s18], $0x10, s1, s18, $0xb8;
	[tilespmem:$0x1D840] =	vst v63  }
0x9f: {  	_ =	swait.ge [sflag:s26], $0x2800  }
0xa0: {  	[sflag:s26] =	ssyncset.done $0x0  }
0xa1: {  	[sflag:s26] =	ssyncadd.s32 $0xFFFFD800  }
0xa2: {  	_ =	swait.ge [sflag:s28], $0x500  }
0xa3: {  	[sflag:s28] =	ssyncset.done $0x0  }
0xa4: {  	[sflag:s28] =	ssyncadd.s32 $0xFFFFFB00  }
0xa5: {  	_ =	swait.ge [sflag:s29], $0x500  }
0xa6: {  	[sflag:s29] =	ssyncset.done $0x0  }
0xa7: {  	[sflag:s29] =	ssyncadd.s32 $0xFFFFFB00  }
0xa8: {  	v11 =	vld.idx.msk [tilespmem:v0+s19+$0x0], $0xffff  }
0xa9: {  	v12 =	vld.idx.msk [tilespmem:v2+s20+$0x0], $0xffff;
	_ =	sdelay $0x4  }
0xaa: {  	v11 =	vadd.f32 v12, v11;
	_ =	sdelay $0x1  }
0xab: {  	v12 =	vmul.f32 $2.000000030e-01, v11  }
0xac: {  	vm0 =	vge.f32 v11, $0.0e+00  }
0xad: {  	v11 =	vsel vm0, v11, v12  }
0xae: {  	v11 =	vmul.f32 $1.442695020e+00, v11;
	_ =	sdelay $0x1  }
0xaf: {  	(erf) = vpow2.f32 v11;
	_ =	sdelay $0x8  }
0xb0: {  	v11 =	vpop (erf)  }
0xb1: {  	[tilespmem:$0x6FE0] =	vst v11  }
0xb2: {  	[tilespmem:v0+s16+$0x0] =	vst.idx.msk $0xffff, v11  }
0xb3: {  	v11 =	vld [tilespmem:$0xA0];
	_ =	sdelay $0x4  }
0xb4: {  	[tilespmem:$0x140] =	vst v11  }
0xb5: {  	v11 =	vld.idx.msk [tilespmem:v3+s19+$0x0], $0xffff  }
0xb6: {  	v12 =	vld.idx.msk [tilespmem:v4+s20+$0x0], $0xffff;
	_ =	sdelay $0x4  }
0xb7: {  	v11 =	vadd.f32 v12, v11;
	_ =	sdelay $0x1  }
0xb8: {  	v12 =	vmul.f32 $2.000000030e-01, v11  }
0xb9: {  	vm12 =	vge.f32 v11, $0.0e+00  }
0xba: {  	v11 =	vsel vm12, v11, v12  }
0xbb: {  	v11 =	vmul.f32 $1.442695020e+00, v11;
	_ =	sdelay $0x1  }
0xbc: {  	(erf) = vpow2.f32 v11;
	_ =	sdelay $0x8  }
0xbd: {  	v11 =	vpop (erf)  }
0xbe: {  	[tilespmem:$0x6FF0] =	vst v11  }
0xbf: {  	[tilespmem:v3+s16+$0x0] =	vst.idx.msk $0xffff, v11  }
0xc0: {  	v11 =	vld [tilespmem:$0xB0];
	_ =	sdelay $0x4  }
0xc1: {  	[tilespmem:$0x150] =	vst v11  }
0xc2: {  	v11 =	vld.idx.msk [tilespmem:v5+s19+$0x0], $0xffff  }
0xc3: {  	v12 =	vld.idx.msk [tilespmem:v6+s20+$0x0], $0xffff;
	_ =	sdelay $0x4  }
0xc4: {  	v11 =	vadd.f32 v12, v11;
	_ =	sdelay $0x1  }
0xc5: {  	v12 =	vmul.f32 $2.000000030e-01, v11  }
0xc6: {  	vm13 =	vge.f32 v11, $0.0e+00  }
0xc7: {  	v11 =	vsel vm13, v11, v12  }
0xc8: {  	v11 =	vmul.f32 $1.442695020e+00, v11;
	_ =	sdelay $0x1  }
0xc9: {  	(erf) = vpow2.f32 v11;
	_ =	sdelay $0x8  }
0xca: {  	v11 =	vpop (erf)  }
0xcb: {  	[tilespmem:$0x7000] =	vst v11  }
0xcc: {  	[tilespmem:v5+s16+$0x0] =	vst.idx.msk $0xffff, v11  }
0xcd: {  	v11 =	vld [tilespmem:$0xC0];
	_ =	sdelay $0x4  }
0xce: {  	[tilespmem:$0x160] =	vst v11  }
0xcf: {  	v11 =	vld.idx.msk [tilespmem:v7+s19+$0x0], $0xffff  }
0xd0: {  	v12 =	vld.idx.msk [tilespmem:v8+s20+$0x0], $0xffff;
	_ =	sdelay $0x4  }
0xd1: {  	v11 =	vadd.f32 v12, v11;
	_ =	sdelay $0x1  }
0xd2: {  	v12 =	vmul.f32 $2.000000030e-01, v11  }
0xd3: {  	vm14 =	vge.f32 v11, $0.0e+00  }
0xd4: {  	v11 =	vsel vm14, v11, v12  }
0xd5: {  	v11 =	vmul.f32 $1.442695020e+00, v11;
	_ =	sdelay $0x1  }
0xd6: {  	(erf) = vpow2.f32 v11;
	_ =	sdelay $0x8  }
0xd7: {  	v11 =	vpop (erf)  }
0xd8: {  	[tilespmem:$0x7010] =	vst v11  }
0xd9: {  	[tilespmem:v7+s16+$0x0] =	vst.idx.msk $0xffff, v11  }
0xda: {  	v11 =	vld [tilespmem:$0xD0];
	_ =	sdelay $0x4  }
0xdb: {  	[tilespmem:$0x170] =	vst v11  }
0xdc: {  	v11 =	vld.idx.msk [tilespmem:v9+s19+$0x0], $0xffff  }
0xdd: {  	v12 =	vld.idx.msk [tilespmem:v10+s20+$0x0], $0xffff;
	_ =	sdelay $0x4  }
0xde: {  	v11 =	vadd.f32 v12, v11;
	_ =	sdelay $0x1  }
0xdf: {  	v12 =	vmul.f32 $2.000000030e-01, v11  }
0xe0: {  	vm15 =	vge.f32 v11, $0.0e+00  }
0xe1: {  	v11 =	vsel vm15, v11, v12  }
0xe2: {  	v11 =	vmul.f32 $1.442695020e+00, v11;
	_ =	sdelay $0x1  }
0xe3: {  	(erf) = vpow2.f32 v11;
	_ =	sdelay $0x8  }
0xe4: {  	v11 =	vpop (erf)  }
0xe5: {  	[tilespmem:$0x7020] =	vst v11  }
0xe6: {  	[tilespmem:v9+s16+$0x0] =	vst.idx.msk $0xffff, v11  }
0xe7: {  	v11 =	vld [tilespmem:$0xE0];
	_ =	sdelay $0x4  }
0xe8: {  	s17 =	simm.s32 $0x6FE2;
	[tilespmem:$0x180] =	vst v11  }
0xe9: {  	s0 =	simm.s32 $0x16E0;
	v11 =	vld.msk [tilespmem:s17+$0x1 ss:$0x0], $0xffff  }
0xea: {  	v13 =	vld [tilespmem:s0+$0xF0]  }
0xeb: {  	v12 =	vld.msk [tilespmem:s17+$0xFFFFFFFE ss:$0x0], $0xffff  }
0xec: {  	v14 =	vld.msk [tilespmem:s17+$0xFFFFFFFF ss:$0x0], $0xffff  }
0xed: {  	v15 =	vld [tilespmem:s0+$0xFFFFFF10]  }
0xee: {  	v16 =	vld [tilespmem:s0+$0xFFFFFF20]  }
0xef: {  	v20 =	vld [tilespmem:s0+$0xFFFFFF60]  }
0xf0: {  	v21 =	vld [tilespmem:s0+$0xFFFFFF70]  }
0xf1: {  	v17 =	vld [tilespmem:s0+$0xFFFFFF30]  }
0xf2: {  	v18 =	vld [tilespmem:s0+$0xFFFFFF40];
	v13 =	vmul.f32 v13, v11  }
0xf3: {  	v19 =	vld [tilespmem:s0+$0xFFFFFF50];
	v15 =	vmul.f32 v15, v12  }
0xf4: {  	v22 =	vld [tilespmem:s0+$0xFFFFFF80];
	v20 =	vmul.f32 v20, v12;
	[tilespmem:s0+$0xF0] =	vst v13  }
0xf5: {  	v60 =	vld [tilespmem:s0+$0xFFFFFFD0];
	v21 =	vmul.f32 v21, v12;
	[tilespmem:s0+$0xFFFFFF10] =	vst v15  }
0xf6: {  	v13 =	vmul.f32 v16, v12;
	v16 =	vld [tilespmem:s0+$0xFFFFFF90];
	[tilespmem:s0+$0xFFFFFF60] =	vst v20  }
0xf7: {  	v15 =	vmul.f32 v17, v12;
	v17 =	vld [tilespmem:s0+$0xFFFFFFA0];
	[tilespmem:s0+$0xFFFFFF70] =	vst v21  }
0xf8: {  	[tilespmem:s0+$0xFFFFFF20] =	vst v13;
	v13 =	vmul.f32 v18, v12;
	v18 =	vld [tilespmem:s0+$0xFFFFFFB0]  }
0xf9: {  	[tilespmem:s0+$0xFFFFFF30] =	vst v15;
	v15 =	vmul.f32 v19, v12;
	v19 =	vld [tilespmem:s0+$0xFFFFFFC0]  }
0xfa: {  	v61 =	vld [tilespmem:s0+$0x0];
	[tilespmem:s0+$0xFFFFFF40] =	vst v13;
	v13 =	vmul.f32 v14, v22  }
0xfb: {  	[tilespmem:s0+$0xFFFFFF50] =	vst v15;
	v15 =	vld [tilespmem:s0+$0xFFFFFFE0];
	v16 =	vmul.f32 v16, v14  }
0xfc: {  	v20 =	vld [tilespmem:s0+$0xFFFFFFF0];
	v17 =	vmul.f32 v17, v14;
	[tilespmem:s0+$0xFFFFFF80] =	vst v13  }
0xfd: {  	v13 =	vld.msk [tilespmem:s17+$0x0 ss:$0x0], $0xffff;
	[tilespmem:s0+$0xFFFFFF90] =	vst v16;
	v16 =	vmul.f32 v18, v14  }
0xfe: {  	v18 =	vld [tilespmem:s0+$0x10];
	[tilespmem:s0+$0xFFFFFFA0] =	vst v17;
	v17 =	vmul.f32 v19, v14  }
0xff: {  	v19 =	vld [tilespmem:s0+$0x20];
	[tilespmem:s0+$0xFFFFFFB0] =	vst v16;
	v16 =	vmul.f32 v60, v14  }
0x100: {  	v62 =	vld [tilespmem:s0+$0x30];
	[tilespmem:s0+$0xFFFFFFC0] =	vst v17;
	v15 =	vmul.f32 v15, v14  }
0x101: {  	v17 =	vld [tilespmem:s0+$0x40];
	v14 =	vmul.f32 v20, v14;
	[tilespmem:s0+$0xFFFFFFD0] =	vst v16  }
0x102: {  	v63 =	vld [tilespmem:s0+$0x50];
	v16 =	vmul.f32 v13, v61;
	[tilespmem:s0+$0xFFFFFFE0] =	vst v15  }
0x103: {  	v15 =	vld [tilespmem:s0+$0x60];
	[tilespmem:s0+$0xFFFFFFF0] =	vst v14;
	v18 =	vmul.f32 v18, v13  }
0x104: {  	v14 =	vmul.f32 v19, v13;
	[tilespmem:s0+$0x0] =	vst v16;
	v16 =	vld [tilespmem:s0+$0x70]  }
0x105: {  	v19 =	vld [tilespmem:s0+$0x80];
	[tilespmem:s0+$0x10] =	vst v18;
	v18 =	vmul.f32 v62, v13  }
0x106: {  	[tilespmem:s0+$0x20] =	vst v14;
	v14 =	vmul.f32 v17, v13;
	v17 =	vld [tilespmem:s0+$0x90]  }
0x107: {  	v20 =	vld [tilespmem:s0+$0xA0];
	[tilespmem:s0+$0x30] =	vst v18;
	v18 =	vmul.f32 v63, v13  }
0x108: {  	[tilespmem:s0+$0x40] =	vst v14;
	v15 =	vmul.f32 v15, v13;
	v14 =	vld [tilespmem:s0+$0xB0]  }
0x109: {  	[tilespmem:s0+$0x50] =	vst v18;
	v16 =	vmul.f32 v16, v13;
	v13 =	vld [tilespmem:s0+$0xC0]  }
0x10a: {  	v19 =	vmul.f32 v11, v19;
	[tilespmem:s0+$0x60] =	vst v15;
	v15 =	vld [tilespmem:s0+$0xD0]  }
0x10b: {  	v18 =	vmul.f32 v17, v11;
	[tilespmem:s0+$0x70] =	vst v16;
	v16 =	vld [tilespmem:s0+$0xE0]  }
0x10c: {  	s3 =	simm.s32 $0x6FE6;
	s4 =	simm.s32 $0x16E0;
	s1 =	simm.s32 $0x0;
	v17 =	vld [tilespmem:s0+$0xFFFFFF00];
	[tilespmem:s0+$0x80] =	vst v19;
	v19 =	vmul.f32 v20, v11  }
.LBB2_4:
0x10d: {  	v20 =	vld.msk [tilespmem:s3+$0x1 ss:$0x0], $0xffff;
	s1 =	sadd.s32 $0x4, s1;
	[tilespmem:s0+$0x90] =	vst v18;
	v14 =	vmul.f32 v14, v11;
	s4 =	sadd.s32 $0x200, s4  }
0x10e: {  	v18 =	vld [tilespmem:s4+$0xF0];
	p0 =	slt.u32 s1, $0x4C;
	[tilespmem:s0+$0xA0] =	vst v19;
	v13 =	vmul.f32 v13, v11  }
0x10f: {  	v19 =	vld.msk [tilespmem:s3+$0xFFFFFFFE ss:$0x0], $0xffff;
	[tilespmem:s0+$0xB0] =	vst v14;
	v14 =	vmul.f32 v15, v11  }
0x110: {  	v15 =	vld.msk [tilespmem:s3+$0xFFFFFFFF ss:$0x0], $0xffff;
	[tilespmem:s0+$0xC0] =	vst v13;
	v21 =	vmul.f32 v16, v11  }
0x111: {  	v13 =	vld.msk [tilespmem:s3+$0x0 ss:$0x0], $0xffff;
	v12 =	vmul.f32 v12, v17;
	[tilespmem:s0+$0xD0] =	vst v14  }
0x112: {  	v14 =	vld [tilespmem:s4+$0xFFFFFF10];
	[tilespmem:s0+$0xE0] =	vst v21  }
0x113: {  	v11 =	vmov v20;
	v16 =	vld [tilespmem:s4+$0xFFFFFF20];
	v17 =	vmul.f32 v18, v20;
	[tilespmem:s0+$0xFFFFFF00] =	vst v12;
	s0 =	smov.u32 s4  }
0x114: {  	v18 =	vld [tilespmem:s4+$0xFFFFFF30]  }
0x115: {  	v20 =	vld [tilespmem:s4+$0xFFFFFF40];
	[tilespmem:s4+$0xF0] =	vst v17;
	v12 =	vmov v19  }
0x116: {  	v17 =	vld [tilespmem:s4+$0xFFFFFF50]  }
0x117: {  	v14 =	vmul.f32 v14, v12;
	v19 =	vld [tilespmem:s4+$0xFFFFFF60]  }
0x118: {  	v16 =	vmul.f32 v16, v12;
	v21 =	vld [tilespmem:s4+$0xFFFFFF70]  }
0x119: {  	[tilespmem:s4+$0xFFFFFF10] =	vst v14;
	v14 =	vmul.f32 v18, v12;
	v18 =	vld [tilespmem:s4+$0xFFFFFF80]  }
0x11a: {  	[tilespmem:s4+$0xFFFFFF20] =	vst v16;
	v16 =	vmul.f32 v20, v12;
	v20 =	vld [tilespmem:s4+$0xFFFFFF90]  }
0x11b: {  	[tilespmem:s4+$0xFFFFFF30] =	vst v14;
	v14 =	vmul.f32 v17, v12;
	v17 =	vld [tilespmem:s4+$0xFFFFFFA0]  }
0x11c: {  	[tilespmem:s4+$0xFFFFFF40] =	vst v16;
	v16 =	vmul.f32 v19, v12;
	v19 =	vld [tilespmem:s4+$0xFFFFFFB0]  }
0x11d: {  	[tilespmem:s4+$0xFFFFFF50] =	vst v14;
	v14 =	vmul.f32 v21, v12;
	v21 =	vld [tilespmem:s4+$0xFFFFFFC0]  }
0x11e: {  	[tilespmem:s4+$0xFFFFFF60] =	vst v16;
	v16 =	vmul.f32 v15, v18;
	v18 =	vld [tilespmem:s4+$0xFFFFFFD0]  }
0x11f: {  	[tilespmem:s4+$0xFFFFFF70] =	vst v14;
	v14 =	vmul.f32 v20, v15;
	v20 =	vld [tilespmem:s4+$0xFFFFFFE0]  }
0x120: {  	[tilespmem:s4+$0xFFFFFF80] =	vst v16;
	v16 =	vmul.f32 v17, v15;
	v17 =	vld [tilespmem:s4+$0xFFFFFFF0]  }
0x121: {  	[tilespmem:s4+$0xFFFFFF90] =	vst v14;
	v14 =	vmul.f32 v19, v15;
	v19 =	vld [tilespmem:s4+$0x0]  }
0x122: {  	[tilespmem:s4+$0xFFFFFFA0] =	vst v16;
	v16 =	vmul.f32 v21, v15;
	v21 =	vld [tilespmem:s4+$0x10]  }
0x123: {  	[tilespmem:s4+$0xFFFFFFB0] =	vst v14;
	v14 =	vmul.f32 v18, v15;
	v18 =	vld [tilespmem:s4+$0x20]  }
0x124: {  	[tilespmem:s4+$0xFFFFFFC0] =	vst v16;
	v16 =	vmul.f32 v20, v15;
	v20 =	vld [tilespmem:s4+$0x30]  }
0x125: {  	[tilespmem:s4+$0xFFFFFFD0] =	vst v14;
	v14 =	vmul.f32 v17, v15;
	v15 =	vld [tilespmem:s4+$0x40]  }
0x126: {  	[tilespmem:s4+$0xFFFFFFE0] =	vst v16;
	v16 =	vmul.f32 v13, v19;
	v17 =	vld [tilespmem:s4+$0x50]  }
0x127: {  	[tilespmem:s4+$0xFFFFFFF0] =	vst v14;
	v14 =	vmul.f32 v21, v13;
	v19 =	vld [tilespmem:s4+$0x60]  }
0x128: {  	[tilespmem:s4+$0x0] =	vst v16;
	v16 =	vmul.f32 v18, v13;
	v18 =	vld [tilespmem:s4+$0x70]  }
0x129: {  	[tilespmem:s4+$0x10] =	vst v14;
	v14 =	vmul.f32 v20, v13;
	v20 =	vld [tilespmem:s4+$0x80]  }
0x12a: {  	[tilespmem:s4+$0x20] =	vst v16;
	v15 =	vmul.f32 v15, v13;
	v16 =	vld [tilespmem:s4+$0x90]  }
0x12b: {  	[tilespmem:s4+$0x30] =	vst v14;
	v17 =	vmul.f32 v17, v13;
	v21 =	vld [tilespmem:s4+$0xA0]  }
.Ltmp1:
0x12c: {  	[tilespmem:s4+$0x40] =	vst v15;
	v15 =	vmul.f32 v19, v13;
	v14 =	vld [tilespmem:s4+$0xB0];
	(pc) =	sbr.rel @p0 .LBB2_4-.Ltmp1, $4  }
0x12d: {  	[tilespmem:s4+$0x50] =	vst v17;
	v17 =	vmul.f32 v18, v13;
	v13 =	vld [tilespmem:s4+$0xC0]  }
0x12e: {  	[tilespmem:s4+$0x60] =	vst v15;
	v19 =	vmul.f32 v11, v20;
	v15 =	vld [tilespmem:s4+$0xD0]  }
0x12f: {  	[tilespmem:s4+$0x70] =	vst v17;
	v18 =	vmul.f32 v16, v11;
	v16 =	vld [tilespmem:s4+$0xE0]  }
0x130: {  	s3 =	sadd.s32 $0x4, s3;
	v17 =	vld [tilespmem:s4+$0xFFFFFF00];
	[tilespmem:s4+$0x80] =	vst v19;
	v19 =	vmul.f32 v21, v11  }
0x131: {  	[tilespmem:s0+$0x90] =	vst v18;
	v14 =	vmul.f32 v14, v11  }
0x132: {  	[tilespmem:s0+$0xA0] =	vst v19;
	v13 =	vmul.f32 v13, v11  }
0x133: {  	[tilespmem:s0+$0xB0] =	vst v14;
	v63 =	vmul.f32 v15, v11  }
0x134: {  	[tilespmem:s0+$0xC0] =	vst v13;
	v11 =	vmul.f32 v16, v11  }
0x135: {  	v12 =	vmul.f32 v12, v17;
	[tilespmem:s0+$0xD0] =	vst v63  }
0x136: {  	[tilespmem:s0+$0xE0] =	vst v11  }
0x137: {  	s4 =	rddreg [dreg:$0x3];
	[tilespmem:s0+$0xFFFFFF00] =	vst v12  }
0x138: {  	[spmem:s4] =	stream.indirect.scatter.add.f32 [tilespmem:s16], [sflag:$0x9], $0x10, s30, s18, $0xb8;
	[tilespmem:$0x1D840] =	vst v63  }
0x139: {  	s15 =	rddreg [dreg:$0x2]  }
0x13a: {  	[spmem:s15] =	stream.indirect.scatter.add.f32 [tilespmem:s14], [sflag:$0x9], $0x80, s30, s18, $0xb8;
	[tilespmem:$0x1D840] =	vst v63  }
0x13b: {  	s0 =	simm.s32 $0x0;
	s1 =	rddreg [dreg:$0x19]  }
0x13c: {  	[tilespmem:s0], [sflag:$0x1] =	stream.linear.gather [hbm4b:s1+s0], $0x50, $0x38;
	[tilespmem:$0x1D840] =	vst v63  }
0x13d: {  	s17 =	rddreg [dreg:$0x1a]  }
0x13e: {  	[tilespmem:s21], [sflag:$0x1] =	stream.linear.gather [hbm4b:s17+s0], $0x50, $0x38;
	[tilespmem:$0x1D840] =	vst v63  }
.LBB2_6:
0x13f: {  	_ =	swait.ge [sflag:s31], $0x50  }
0x140: {  	[sflag:s31] =	ssyncset.done $0x0  }
0x141: {  	[sflag:s31] =	ssyncadd.s32 $0xFFFFFFB0  }
0x142: {  	_ =	swait.ge [sflag:s31], $0x50  }
0x143: {  	[sflag:s31] =	ssyncset.done $0x0  }
0x144: {  	[sflag:s31] =	ssyncadd.s32 $0xFFFFFFB0  }
0x145: {  	_ =	swait.ge [sflag:s11], $0x500  }
0x146: {  	[sflag:s11] =	ssyncset.done $0x0  }
0x147: {  	[sflag:s11] =	ssyncadd.s32 $0xFFFFFB00  }
0x148: {  	_ =	swait.ge [sflag:s11], $0x2800  }
0x149: {  	[sflag:s11] =	ssyncset.done $0x0  }
0x14a: {  	[sflag:s11] =	ssyncadd.s32 $0xFFFFD800  }
0x14b: {  	[tilespmem:s14], [sflag:$0x3] =	stream.indirect.gather [hbm4b:s23+s18], $0x80, s5, s18, $0xb8;
	[tilespmem:$0x1D840] =	vst v63  }
0x14c: {  	_ = 	snop  }
0x14d: {  	[tilespmem:s19], [sflag:$0x5] =	stream.indirect.gather [hbm4b:s8+s18], $0x10, s5, s18, $0xb8;
	[tilespmem:$0x1D840] =	vst v63  }
0x14e: {  	_ = 	snop  }
0x14f: {  	[tilespmem:s20], [sflag:$0x7] =	stream.indirect.gather [hbm4b:s8+s18], $0x10, s21, s18, $0xb8;
	[tilespmem:$0x1D840] =	vst v63  }
0x150: {  	_ =	swait.ge [sflag:s12], $0x2800  }
0x151: {  	[sflag:s12] =	ssyncset.done $0x0  }
0x152: {  	[sflag:s12] =	ssyncadd.s32 $0xFFFFD800  }
0x153: {  	_ =	swait.ge [sflag:s13], $0x500  }
0x154: {  	[sflag:s13] =	ssyncset.done $0x0  }
0x155: {  	[sflag:s13] =	ssyncadd.s32 $0xFFFFFB00  }
0x156: {  	_ =	swait.ge [sflag:s9], $0x500  }
0x157: {  	[sflag:s9] =	ssyncset.done $0x0  }
0x158: {  	[sflag:s9] =	ssyncadd.s32 $0xFFFFFB00  }
0x159: {  	v11 =	vld.idx.msk [tilespmem:v0+s24+$0x0], $0xffff  }
0x15a: {  	v12 =	vld.idx.msk [tilespmem:v2+s25+$0x0], $0xffff;
	_ =	sdelay $0x4  }
0x15b: {  	v11 =	vadd.f32 v12, v11;
	_ =	sdelay $0x1  }
0x15c: {  	v12 =	vmul.f32 $2.000000030e-01, v11  }
0x15d: {  	vm0 =	vge.f32 v11, $0.0e+00  }
0x15e: {  	v11 =	vsel vm0, v11, v12  }
0x15f: {  	v11 =	vmul.f32 $1.442695020e+00, v11;
	_ =	sdelay $0x1  }
0x160: {  	(erf) = vpow2.f32 v11;
	_ =	sdelay $0x8  }
0x161: {  	v11 =	vpop (erf)  }
0x162: {  	[tilespmem:$0x6FE0] =	vst v11  }
0x163: {  	[tilespmem:v0+s10+$0x0] =	vst.idx.msk $0xffff, v11  }
0x164: {  	v11 =	vld [tilespmem:$0xF0];
	_ =	sdelay $0x4  }
0x165: {  	[tilespmem:$0x190] =	vst v11  }
0x166: {  	v11 =	vld.idx.msk [tilespmem:v3+s24+$0x0], $0xffff  }
0x167: {  	v12 =	vld.idx.msk [tilespmem:v4+s25+$0x0], $0xffff;
	_ =	sdelay $0x4  }
0x168: {  	v11 =	vadd.f32 v12, v11;
	_ =	sdelay $0x1  }
0x169: {  	v12 =	vmul.f32 $2.000000030e-01, v11  }
0x16a: {  	vm12 =	vge.f32 v11, $0.0e+00  }
0x16b: {  	v11 =	vsel vm12, v11, v12  }
0x16c: {  	v11 =	vmul.f32 $1.442695020e+00, v11;
	_ =	sdelay $0x1  }
0x16d: {  	(erf) = vpow2.f32 v11;
	_ =	sdelay $0x8  }
0x16e: {  	v11 =	vpop (erf)  }
0x16f: {  	[tilespmem:$0x6FF0] =	vst v11  }
0x170: {  	[tilespmem:v3+s10+$0x0] =	vst.idx.msk $0xffff, v11  }
0x171: {  	v11 =	vld [tilespmem:$0x100];
	_ =	sdelay $0x4  }
0x172: {  	[tilespmem:$0x1A0] =	vst v11  }
0x173: {  	v11 =	vld.idx.msk [tilespmem:v5+s24+$0x0], $0xffff  }
0x174: {  	v12 =	vld.idx.msk [tilespmem:v6+s25+$0x0], $0xffff;
	_ =	sdelay $0x4  }
0x175: {  	v11 =	vadd.f32 v12, v11;
	_ =	sdelay $0x1  }
0x176: {  	v12 =	vmul.f32 $2.000000030e-01, v11  }
0x177: {  	vm13 =	vge.f32 v11, $0.0e+00  }
0x178: {  	v11 =	vsel vm13, v11, v12  }
0x179: {  	v11 =	vmul.f32 $1.442695020e+00, v11;
	_ =	sdelay $0x1  }
0x17a: {  	(erf) = vpow2.f32 v11;
	_ =	sdelay $0x8  }
0x17b: {  	v11 =	vpop (erf)  }
0x17c: {  	[tilespmem:$0x7000] =	vst v11  }
0x17d: {  	[tilespmem:v5+s10+$0x0] =	vst.idx.msk $0xffff, v11  }
0x17e: {  	v11 =	vld [tilespmem:$0x110];
	_ =	sdelay $0x4  }
0x17f: {  	[tilespmem:$0x1B0] =	vst v11  }
0x180: {  	v11 =	vld.idx.msk [tilespmem:v7+s24+$0x0], $0xffff  }
0x181: {  	v12 =	vld.idx.msk [tilespmem:v8+s25+$0x0], $0xffff;
	_ =	sdelay $0x4  }
0x182: {  	v11 =	vadd.f32 v12, v11;
	_ =	sdelay $0x1  }
0x183: {  	v12 =	vmul.f32 $2.000000030e-01, v11  }
0x184: {  	vm14 =	vge.f32 v11, $0.0e+00  }
0x185: {  	v11 =	vsel vm14, v11, v12  }
0x186: {  	v11 =	vmul.f32 $1.442695020e+00, v11;
	_ =	sdelay $0x1  }
0x187: {  	(erf) = vpow2.f32 v11;
	_ =	sdelay $0x8  }
0x188: {  	v11 =	vpop (erf)  }
0x189: {  	[tilespmem:$0x7010] =	vst v11  }
0x18a: {  	[tilespmem:v7+s10+$0x0] =	vst.idx.msk $0xffff, v11  }
0x18b: {  	v11 =	vld [tilespmem:$0x120];
	_ =	sdelay $0x4  }
0x18c: {  	[tilespmem:$0x1C0] =	vst v11  }
0x18d: {  	v11 =	vld.idx.msk [tilespmem:v9+s24+$0x0], $0xffff  }
0x18e: {  	v12 =	vld.idx.msk [tilespmem:v10+s25+$0x0], $0xffff;
	_ =	sdelay $0x4  }
0x18f: {  	v11 =	vadd.f32 v12, v11;
	_ =	sdelay $0x1  }
0x190: {  	v12 =	vmul.f32 $2.000000030e-01, v11  }
0x191: {  	vm15 =	vge.f32 v11, $0.0e+00  }
0x192: {  	v11 =	vsel vm15, v11, v12  }
0x193: {  	v11 =	vmul.f32 $1.442695020e+00, v11;
	_ =	sdelay $0x1  }
0x194: {  	(erf) = vpow2.f32 v11;
	_ =	sdelay $0x8  }
0x195: {  	v11 =	vpop (erf)  }
0x196: {  	[tilespmem:$0x7020] =	vst v11  }
0x197: {  	[tilespmem:v9+s10+$0x0] =	vst.idx.msk $0xffff, v11  }
0x198: {  	v11 =	vld [tilespmem:$0x130];
	_ =	sdelay $0x4  }
0x199: {  	s3 =	simm.s32 $0x6FE2;
	[tilespmem:$0x1D0] =	vst v11  }
0x19a: {  	s1 =	simm.s32 $0x3EE0;
	v11 =	vld.msk [tilespmem:s3+$0x1 ss:$0x0], $0xffff  }
0x19b: {  	v13 =	vld [tilespmem:s1+$0xF0]  }
0x19c: {  	v12 =	vld.msk [tilespmem:s3+$0xFFFFFFFE ss:$0x0], $0xffff  }
0x19d: {  	v14 =	vld.msk [tilespmem:s3+$0xFFFFFFFF ss:$0x0], $0xffff  }
0x19e: {  	v15 =	vld [tilespmem:s1+$0xFFFFFF10]  }
0x19f: {  	v16 =	vld [tilespmem:s1+$0xFFFFFF20]  }
0x1a0: {  	v20 =	vld [tilespmem:s1+$0xFFFFFF60]  }
0x1a1: {  	v21 =	vld [tilespmem:s1+$0xFFFFFF70]  }
0x1a2: {  	v17 =	vld [tilespmem:s1+$0xFFFFFF30]  }
0x1a3: {  	v18 =	vld [tilespmem:s1+$0xFFFFFF40];
	v13 =	vmul.f32 v13, v11  }
0x1a4: {  	v19 =	vld [tilespmem:s1+$0xFFFFFF50];
	v15 =	vmul.f32 v15, v12  }
0x1a5: {  	v22 =	vld [tilespmem:s1+$0xFFFFFF80];
	v20 =	vmul.f32 v20, v12;
	[tilespmem:s1+$0xF0] =	vst v13  }
0x1a6: {  	v60 =	vld [tilespmem:s1+$0xFFFFFFD0];
	v21 =	vmul.f32 v21, v12;
	[tilespmem:s1+$0xFFFFFF10] =	vst v15  }
0x1a7: {  	v13 =	vmul.f32 v16, v12;
	v16 =	vld [tilespmem:s1+$0xFFFFFF90];
	[tilespmem:s1+$0xFFFFFF60] =	vst v20  }
0x1a8: {  	v15 =	vmul.f32 v17, v12;
	v17 =	vld [tilespmem:s1+$0xFFFFFFA0];
	[tilespmem:s1+$0xFFFFFF70] =	vst v21  }
0x1a9: {  	[tilespmem:s1+$0xFFFFFF20] =	vst v13;
	v13 =	vmul.f32 v18, v12;
	v18 =	vld [tilespmem:s1+$0xFFFFFFB0]  }
0x1aa: {  	[tilespmem:s1+$0xFFFFFF30] =	vst v15;
	v15 =	vmul.f32 v19, v12;
	v19 =	vld [tilespmem:s1+$0xFFFFFFC0]  }
0x1ab: {  	v61 =	vld [tilespmem:s1+$0x0];
	[tilespmem:s1+$0xFFFFFF40] =	vst v13;
	v13 =	vmul.f32 v14, v22  }
0x1ac: {  	[tilespmem:s1+$0xFFFFFF50] =	vst v15;
	v15 =	vld [tilespmem:s1+$0xFFFFFFE0];
	v16 =	vmul.f32 v16, v14  }
0x1ad: {  	v20 =	vld [tilespmem:s1+$0xFFFFFFF0];
	v17 =	vmul.f32 v17, v14;
	[tilespmem:s1+$0xFFFFFF80] =	vst v13  }
0x1ae: {  	v13 =	vld.msk [tilespmem:s3+$0x0 ss:$0x0], $0xffff;
	[tilespmem:s1+$0xFFFFFF90] =	vst v16;
	v16 =	vmul.f32 v18, v14  }
0x1af: {  	v18 =	vld [tilespmem:s1+$0x10];
	[tilespmem:s1+$0xFFFFFFA0] =	vst v17;
	v17 =	vmul.f32 v19, v14  }
0x1b0: {  	v19 =	vld [tilespmem:s1+$0x20];
	[tilespmem:s1+$0xFFFFFFB0] =	vst v16;
	v16 =	vmul.f32 v60, v14  }
0x1b1: {  	v62 =	vld [tilespmem:s1+$0x30];
	[tilespmem:s1+$0xFFFFFFC0] =	vst v17;
	v15 =	vmul.f32 v15, v14  }
0x1b2: {  	v17 =	vld [tilespmem:s1+$0x40];
	v14 =	vmul.f32 v20, v14;
	[tilespmem:s1+$0xFFFFFFD0] =	vst v16  }
0x1b3: {  	v63 =	vld [tilespmem:s1+$0x50];
	v16 =	vmul.f32 v13, v61;
	[tilespmem:s1+$0xFFFFFFE0] =	vst v15  }
0x1b4: {  	v15 =	vld [tilespmem:s1+$0x60];
	[tilespmem:s1+$0xFFFFFFF0] =	vst v14;
	v18 =	vmul.f32 v18, v13  }
0x1b5: {  	v14 =	vmul.f32 v19, v13;
	[tilespmem:s1+$0x0] =	vst v16;
	v16 =	vld [tilespmem:s1+$0x70]  }
0x1b6: {  	v19 =	vld [tilespmem:s1+$0x80];
	[tilespmem:s1+$0x10] =	vst v18;
	v18 =	vmul.f32 v62, v13  }
0x1b7: {  	[tilespmem:s1+$0x20] =	vst v14;
	v14 =	vmul.f32 v17, v13;
	v17 =	vld [tilespmem:s1+$0x90]  }
0x1b8: {  	v20 =	vld [tilespmem:s1+$0xA0];
	[tilespmem:s1+$0x30] =	vst v18;
	v18 =	vmul.f32 v63, v13  }
0x1b9: {  	[tilespmem:s1+$0x40] =	vst v14;
	v15 =	vmul.f32 v15, v13;
	v14 =	vld [tilespmem:s1+$0xB0]  }
0x1ba: {  	[tilespmem:s1+$0x50] =	vst v18;
	v16 =	vmul.f32 v16, v13;
	v13 =	vld [tilespmem:s1+$0xC0]  }
0x1bb: {  	v19 =	vmul.f32 v11, v19;
	[tilespmem:s1+$0x60] =	vst v15;
	v15 =	vld [tilespmem:s1+$0xD0]  }
0x1bc: {  	v18 =	vmul.f32 v17, v11;
	[tilespmem:s1+$0x70] =	vst v16;
	v16 =	vld [tilespmem:s1+$0xE0]  }
0x1bd: {  	s4 =	simm.s32 $0x6FE6;
	s21 =	simm.s32 $0x3EE0;
	s3 =	simm.s32 $0x0;
	v17 =	vld [tilespmem:s1+$0xFFFFFF00];
	[tilespmem:s1+$0x80] =	vst v19;
	v19 =	vmul.f32 v20, v11  }
.LBB2_7:
0x1be: {  	v20 =	vld.msk [tilespmem:s4+$0x1 ss:$0x0], $0xffff;
	s3 =	sadd.s32 $0x4, s3;
	[tilespmem:s1+$0x90] =	vst v18;
	v14 =	vmul.f32 v14, v11;
	s21 =	sadd.s32 $0x200, s21  }
0x1bf: {  	v18 =	vld [tilespmem:s21+$0xF0];
	p0 =	slt.u32 s3, $0x4C;
	[tilespmem:s1+$0xA0] =	vst v19;
	v13 =	vmul.f32 v13, v11  }
0x1c0: {  	v19 =	vld.msk [tilespmem:s4+$0xFFFFFFFE ss:$0x0], $0xffff;
	[tilespmem:s1+$0xB0] =	vst v14;
	v14 =	vmul.f32 v15, v11  }
0x1c1: {  	v15 =	vld.msk [tilespmem:s4+$0xFFFFFFFF ss:$0x0], $0xffff;
	[tilespmem:s1+$0xC0] =	vst v13;
	v21 =	vmul.f32 v16, v11  }
0x1c2: {  	v13 =	vld.msk [tilespmem:s4+$0x0 ss:$0x0], $0xffff;
	v12 =	vmul.f32 v12, v17;
	[tilespmem:s1+$0xD0] =	vst v14  }
0x1c3: {  	v14 =	vld [tilespmem:s21+$0xFFFFFF10];
	[tilespmem:s1+$0xE0] =	vst v21  }
0x1c4: {  	v11 =	vmov v20;
	v16 =	vld [tilespmem:s21+$0xFFFFFF20];
	v17 =	vmul.f32 v18, v20;
	[tilespmem:s1+$0xFFFFFF00] =	vst v12;
	s1 =	smov.u32 s21  }
0x1c5: {  	v18 =	vld [tilespmem:s21+$0xFFFFFF30]  }
0x1c6: {  	v20 =	vld [tilespmem:s21+$0xFFFFFF40];
	[tilespmem:s21+$0xF0] =	vst v17;
	v12 =	vmov v19  }
0x1c7: {  	v17 =	vld [tilespmem:s21+$0xFFFFFF50]  }
0x1c8: {  	v14 =	vmul.f32 v14, v12;
	v19 =	vld [tilespmem:s21+$0xFFFFFF60]  }
0x1c9: {  	v16 =	vmul.f32 v16, v12;
	v21 =	vld [tilespmem:s21+$0xFFFFFF70]  }
0x1ca: {  	[tilespmem:s21+$0xFFFFFF10] =	vst v14;
	v14 =	vmul.f32 v18, v12;
	v18 =	vld [tilespmem:s21+$0xFFFFFF80]  }
0x1cb: {  	[tilespmem:s21+$0xFFFFFF20] =	vst v16;
	v16 =	vmul.f32 v20, v12;
	v20 =	vld [tilespmem:s21+$0xFFFFFF90]  }
0x1cc: {  	[tilespmem:s21+$0xFFFFFF30] =	vst v14;
	v14 =	vmul.f32 v17, v12;
	v17 =	vld [tilespmem:s21+$0xFFFFFFA0]  }
0x1cd: {  	[tilespmem:s21+$0xFFFFFF40] =	vst v16;
	v16 =	vmul.f32 v19, v12;
	v19 =	vld [tilespmem:s21+$0xFFFFFFB0]  }
0x1ce: {  	[tilespmem:s21+$0xFFFFFF50] =	vst v14;
	v14 =	vmul.f32 v21, v12;
	v21 =	vld [tilespmem:s21+$0xFFFFFFC0]  }
0x1cf: {  	[tilespmem:s21+$0xFFFFFF60] =	vst v16;
	v16 =	vmul.f32 v15, v18;
	v18 =	vld [tilespmem:s21+$0xFFFFFFD0]  }
0x1d0: {  	[tilespmem:s21+$0xFFFFFF70] =	vst v14;
	v14 =	vmul.f32 v20, v15;
	v20 =	vld [tilespmem:s21+$0xFFFFFFE0]  }
0x1d1: {  	[tilespmem:s21+$0xFFFFFF80] =	vst v16;
	v16 =	vmul.f32 v17, v15;
	v17 =	vld [tilespmem:s21+$0xFFFFFFF0]  }
0x1d2: {  	[tilespmem:s21+$0xFFFFFF90] =	vst v14;
	v14 =	vmul.f32 v19, v15;
	v19 =	vld [tilespmem:s21+$0x0]  }
0x1d3: {  	[tilespmem:s21+$0xFFFFFFA0] =	vst v16;
	v16 =	vmul.f32 v21, v15;
	v21 =	vld [tilespmem:s21+$0x10]  }
0x1d4: {  	[tilespmem:s21+$0xFFFFFFB0] =	vst v14;
	v14 =	vmul.f32 v18, v15;
	v18 =	vld [tilespmem:s21+$0x20]  }
0x1d5: {  	[tilespmem:s21+$0xFFFFFFC0] =	vst v16;
	v16 =	vmul.f32 v20, v15;
	v20 =	vld [tilespmem:s21+$0x30]  }
0x1d6: {  	[tilespmem:s21+$0xFFFFFFD0] =	vst v14;
	v14 =	vmul.f32 v17, v15;
	v15 =	vld [tilespmem:s21+$0x40]  }
0x1d7: {  	[tilespmem:s21+$0xFFFFFFE0] =	vst v16;
	v16 =	vmul.f32 v13, v19;
	v17 =	vld [tilespmem:s21+$0x50]  }
0x1d8: {  	[tilespmem:s21+$0xFFFFFFF0] =	vst v14;
	v14 =	vmul.f32 v21, v13;
	v19 =	vld [tilespmem:s21+$0x60]  }
0x1d9: {  	[tilespmem:s21+$0x0] =	vst v16;
	v16 =	vmul.f32 v18, v13;
	v18 =	vld [tilespmem:s21+$0x70]  }
0x1da: {  	[tilespmem:s21+$0x10] =	vst v14;
	v14 =	vmul.f32 v20, v13;
	v20 =	vld [tilespmem:s21+$0x80]  }
0x1db: {  	[tilespmem:s21+$0x20] =	vst v16;
	v15 =	vmul.f32 v15, v13;
	v16 =	vld [tilespmem:s21+$0x90]  }
0x1dc: {  	[tilespmem:s21+$0x30] =	vst v14;
	v17 =	vmul.f32 v17, v13;
	v21 =	vld [tilespmem:s21+$0xA0]  }
.Ltmp2:
0x1dd: {  	[tilespmem:s21+$0x40] =	vst v15;
	v15 =	vmul.f32 v19, v13;
	v14 =	vld [tilespmem:s21+$0xB0];
	(pc) =	sbr.rel @p0 .LBB2_7-.Ltmp2, $4  }
0x1de: {  	[tilespmem:s21+$0x50] =	vst v17;
	v17 =	vmul.f32 v18, v13;
	v13 =	vld [tilespmem:s21+$0xC0]  }
0x1df: {  	[tilespmem:s21+$0x60] =	vst v15;
	v19 =	vmul.f32 v11, v20;
	v15 =	vld [tilespmem:s21+$0xD0]  }
0x1e0: {  	[tilespmem:s21+$0x70] =	vst v17;
	v18 =	vmul.f32 v16, v11;
	v16 =	vld [tilespmem:s21+$0xE0]  }
0x1e1: {  	s4 =	sadd.s32 $0x4, s4;
	v17 =	vld [tilespmem:s21+$0xFFFFFF00];
	[tilespmem:s21+$0x80] =	vst v19;
	v19 =	vmul.f32 v21, v11  }
0x1e2: {  	[tilespmem:s1+$0x90] =	vst v18;
	v14 =	vmul.f32 v14, v11  }
0x1e3: {  	[tilespmem:s1+$0xA0] =	vst v19;
	v13 =	vmul.f32 v13, v11  }
0x1e4: {  	[tilespmem:s1+$0xB0] =	vst v14;
	v14 =	vmul.f32 v15, v11  }
0x1e5: {  	[tilespmem:s1+$0xC0] =	vst v13;
	v11 =	vmul.f32 v16, v11  }
0x1e6: {  	v12 =	vmul.f32 v12, v17;
	[tilespmem:s1+$0xD0] =	vst v14  }
0x1e7: {  	[tilespmem:s1+$0xE0] =	vst v11  }
0x1e8: {  	s3 =	rddreg [dreg:$0x3];
	s4 =	simm.s32 $0x190;
	[tilespmem:s1+$0xFFFFFF00] =	vst v12  }
0x1e9: {  	[spmem:s3] =	stream.indirect.scatter.add.f32 [tilespmem:s10], [sflag:$0xA], $0x10, s4, s18, $0xb8;
	[tilespmem:$0x1D840] =	vst v63  }
0x1ea: {  	s3 =	rddreg [dreg:$0x2]  }
0x1eb: {  	s21 =	simm.s32 $0x3DE0;
	s1 =	smul.u32 $0xA0, s0;
	s15 =	rddreg [dreg:$0x1b]  }
0x1ec: {  	[spmem:s3] =	stream.indirect.scatter.add.f32 [tilespmem:s21], [sflag:$0xA], $0x80, s4, s18, $0xb8;
	[tilespmem:$0x1D840] =	vst v63  }
0x1ed: {  	s3 =	sadd.s32 s1, s15  }
0x1ee: {  	s3 =	sshrl.u32 s3, $0x3  }
0x1ef: {  	s17 =	sadd.s32 s6, s3  }
0x1f0: {  	[tilespmem:s18], [sflag:$0x2] =	stream.linear.gather [hbm4b:s17+s5], $0x50, $0x38;
	[tilespmem:$0x1D840] =	vst v63  }
0x1f1: {  	s4 =	simm.s32 $0xF0;
	s3 =	sadd.s32 s7, s3  }
0x1f2: {  	[tilespmem:s4], [sflag:$0x2] =	stream.linear.gather [hbm4b:s3+s5], $0x50, $0x38;
	[tilespmem:$0x1D840] =	vst v63  }
0x1f3: {  	_ =	swait.ge [sflag:s22], $0x50  }
0x1f4: {  	[sflag:s22] =	ssyncset.done $0x0  }
0x1f5: {  	[sflag:s22] =	ssyncadd.s32 $0xFFFFFFB0  }
0x1f6: {  	_ =	swait.ge [sflag:s22], $0x50  }
0x1f7: {  	[sflag:s22] =	ssyncset.done $0x0  }
0x1f8: {  	[sflag:s22] =	ssyncadd.s32 $0xFFFFFFB0  }
0x1f9: {  	_ =	swait.ge [sflag:s2], $0x500  }
0x1fa: {  	[sflag:s2] =	ssyncset.done $0x0  }
0x1fb: {  	[sflag:s2] =	ssyncadd.s32 $0xFFFFFB00  }
0x1fc: {  	_ =	swait.ge [sflag:s2], $0x2800  }
0x1fd: {  	[sflag:s2] =	ssyncset.done $0x0  }
0x1fe: {  	[sflag:s2] =	ssyncadd.s32 $0xFFFFD800  }
0x1ff: {  	[tilespmem:s21], [sflag:$0x4] =	stream.indirect.gather [hbm4b:s23+s18], $0x80, s18, s18, $0xb8;
	[tilespmem:$0x1D840] =	vst v63  }
0x200: {  	_ = 	snop  }
0x201: {  	[tilespmem:s24], [sflag:$0x6] =	stream.indirect.gather [hbm4b:s8+s18], $0x10, s18, s18, $0xb8;
	[tilespmem:$0x1D840] =	vst v63  }
0x202: {  	_ = 	snop  }
0x203: {  	[tilespmem:s25], [sflag:$0x8] =	stream.indirect.gather [hbm4b:s8+s18], $0x10, s4, s18, $0xb8;
	[tilespmem:$0x1D840] =	vst v63  }
0x204: {  	_ =	swait.ge [sflag:s26], $0x2800  }
0x205: {  	[sflag:s26] =	ssyncset.done $0x0  }
0x206: {  	[sflag:s26] =	ssyncadd.s32 $0xFFFFD800  }
0x207: {  	_ =	swait.ge [sflag:s28], $0x500  }
0x208: {  	[sflag:s28] =	ssyncset.done $0x0  }
0x209: {  	[sflag:s28] =	ssyncadd.s32 $0xFFFFFB00  }
0x20a: {  	_ =	swait.ge [sflag:s29], $0x500  }
0x20b: {  	[sflag:s29] =	ssyncset.done $0x0  }
0x20c: {  	[sflag:s29] =	ssyncadd.s32 $0xFFFFFB00  }
0x20d: {  	v11 =	vld.idx.msk [tilespmem:v0+s19+$0x0], $0xffff  }
0x20e: {  	v12 =	vld.idx.msk [tilespmem:v2+s20+$0x0], $0xffff;
	_ =	sdelay $0x4  }
0x20f: {  	v11 =	vadd.f32 v12, v11;
	_ =	sdelay $0x1  }
0x210: {  	v12 =	vmul.f32 $2.000000030e-01, v11  }
0x211: {  	vm0 =	vge.f32 v11, $0.0e+00  }
0x212: {  	v11 =	vsel vm0, v11, v12  }
0x213: {  	v11 =	vmul.f32 $1.442695020e+00, v11;
	_ =	sdelay $0x1  }
0x214: {  	(erf) = vpow2.f32 v11;
	_ =	sdelay $0x8  }
0x215: {  	v11 =	vpop (erf)  }
0x216: {  	[tilespmem:$0x6FE0] =	vst v11  }
0x217: {  	[tilespmem:v0+s16+$0x0] =	vst.idx.msk $0xffff, v11  }
0x218: {  	v11 =	vld [tilespmem:$0xA0];
	_ =	sdelay $0x4  }
0x219: {  	[tilespmem:$0x140] =	vst v11  }
0x21a: {  	v11 =	vld.idx.msk [tilespmem:v3+s19+$0x0], $0xffff  }
0x21b: {  	v12 =	vld.idx.msk [tilespmem:v4+s20+$0x0], $0xffff;
	_ =	sdelay $0x4  }
0x21c: {  	v11 =	vadd.f32 v12, v11;
	_ =	sdelay $0x1  }
0x21d: {  	v12 =	vmul.f32 $2.000000030e-01, v11  }
0x21e: {  	vm12 =	vge.f32 v11, $0.0e+00  }
0x21f: {  	v11 =	vsel vm12, v11, v12  }
0x220: {  	v11 =	vmul.f32 $1.442695020e+00, v11;
	_ =	sdelay $0x1  }
0x221: {  	(erf) = vpow2.f32 v11;
	_ =	sdelay $0x8  }
0x222: {  	v11 =	vpop (erf)  }
0x223: {  	[tilespmem:$0x6FF0] =	vst v11  }
0x224: {  	[tilespmem:v3+s16+$0x0] =	vst.idx.msk $0xffff, v11  }
0x225: {  	v11 =	vld [tilespmem:$0xB0];
	_ =	sdelay $0x4  }
0x226: {  	[tilespmem:$0x150] =	vst v11  }
0x227: {  	v11 =	vld.idx.msk [tilespmem:v5+s19+$0x0], $0xffff  }
0x228: {  	v12 =	vld.idx.msk [tilespmem:v6+s20+$0x0], $0xffff;
	_ =	sdelay $0x4  }
0x229: {  	v11 =	vadd.f32 v12, v11;
	_ =	sdelay $0x1  }
0x22a: {  	v12 =	vmul.f32 $2.000000030e-01, v11  }
0x22b: {  	vm13 =	vge.f32 v11, $0.0e+00  }
0x22c: {  	v11 =	vsel vm13, v11, v12  }
0x22d: {  	v11 =	vmul.f32 $1.442695020e+00, v11;
	_ =	sdelay $0x1  }
0x22e: {  	(erf) = vpow2.f32 v11;
	_ =	sdelay $0x8  }
0x22f: {  	v11 =	vpop (erf)  }
0x230: {  	[tilespmem:$0x7000] =	vst v11  }
0x231: {  	[tilespmem:v5+s16+$0x0] =	vst.idx.msk $0xffff, v11  }
0x232: {  	v11 =	vld [tilespmem:$0xC0];
	_ =	sdelay $0x4  }
0x233: {  	[tilespmem:$0x160] =	vst v11  }
0x234: {  	v11 =	vld.idx.msk [tilespmem:v7+s19+$0x0], $0xffff  }
0x235: {  	v12 =	vld.idx.msk [tilespmem:v8+s20+$0x0], $0xffff;
	_ =	sdelay $0x4  }
0x236: {  	v11 =	vadd.f32 v12, v11;
	_ =	sdelay $0x1  }
0x237: {  	v12 =	vmul.f32 $2.000000030e-01, v11  }
0x238: {  	vm14 =	vge.f32 v11, $0.0e+00  }
0x239: {  	v11 =	vsel vm14, v11, v12  }
0x23a: {  	v11 =	vmul.f32 $1.442695020e+00, v11;
	_ =	sdelay $0x1  }
0x23b: {  	(erf) = vpow2.f32 v11;
	_ =	sdelay $0x8  }
0x23c: {  	v11 =	vpop (erf)  }
0x23d: {  	[tilespmem:$0x7010] =	vst v11  }
0x23e: {  	[tilespmem:v7+s16+$0x0] =	vst.idx.msk $0xffff, v11  }
0x23f: {  	v11 =	vld [tilespmem:$0xD0];
	_ =	sdelay $0x4  }
0x240: {  	[tilespmem:$0x170] =	vst v11  }
0x241: {  	v11 =	vld.idx.msk [tilespmem:v9+s19+$0x0], $0xffff  }
0x242: {  	v12 =	vld.idx.msk [tilespmem:v10+s20+$0x0], $0xffff;
	_ =	sdelay $0x4  }
0x243: {  	v11 =	vadd.f32 v12, v11;
	_ =	sdelay $0x1  }
0x244: {  	v12 =	vmul.f32 $2.000000030e-01, v11  }
0x245: {  	vm15 =	vge.f32 v11, $0.0e+00  }
0x246: {  	v11 =	vsel vm15, v11, v12  }
0x247: {  	v11 =	vmul.f32 $1.442695020e+00, v11;
	_ =	sdelay $0x1  }
0x248: {  	(erf) = vpow2.f32 v11;
	_ =	sdelay $0x8  }
0x249: {  	v11 =	vpop (erf)  }
0x24a: {  	[tilespmem:$0x7020] =	vst v11  }
0x24b: {  	[tilespmem:v9+s16+$0x0] =	vst.idx.msk $0xffff, v11  }
0x24c: {  	v11 =	vld [tilespmem:$0xE0];
	_ =	sdelay $0x4  }
0x24d: {  	s15 =	smov.u32 s23;
	s23 =	simm.s32 $0x6FE2;
	[tilespmem:$0x180] =	vst v11  }
0x24e: {  	s3 =	simm.s32 $0x16E0;
	v11 =	vld.msk [tilespmem:s23+$0x1 ss:$0x0], $0xffff  }
0x24f: {  	v13 =	vld [tilespmem:s3+$0xF0]  }
0x250: {  	v12 =	vld.msk [tilespmem:s23+$0xFFFFFFFE ss:$0x0], $0xffff  }
0x251: {  	v14 =	vld.msk [tilespmem:s23+$0xFFFFFFFF ss:$0x0], $0xffff  }
0x252: {  	v15 =	vld [tilespmem:s3+$0xFFFFFF10]  }
0x253: {  	v16 =	vld [tilespmem:s3+$0xFFFFFF20]  }
0x254: {  	v20 =	vld [tilespmem:s3+$0xFFFFFF60]  }
0x255: {  	v21 =	vld [tilespmem:s3+$0xFFFFFF70]  }
0x256: {  	v17 =	vld [tilespmem:s3+$0xFFFFFF30]  }
0x257: {  	v18 =	vld [tilespmem:s3+$0xFFFFFF40];
	v13 =	vmul.f32 v13, v11  }
0x258: {  	v19 =	vld [tilespmem:s3+$0xFFFFFF50];
	v15 =	vmul.f32 v15, v12  }
0x259: {  	v22 =	vld [tilespmem:s3+$0xFFFFFF80];
	v20 =	vmul.f32 v20, v12;
	[tilespmem:s3+$0xF0] =	vst v13  }
0x25a: {  	v60 =	vld [tilespmem:s3+$0xFFFFFFD0];
	v21 =	vmul.f32 v21, v12;
	[tilespmem:s3+$0xFFFFFF10] =	vst v15  }
0x25b: {  	v13 =	vmul.f32 v16, v12;
	v16 =	vld [tilespmem:s3+$0xFFFFFF90];
	[tilespmem:s3+$0xFFFFFF60] =	vst v20  }
0x25c: {  	v15 =	vmul.f32 v17, v12;
	v17 =	vld [tilespmem:s3+$0xFFFFFFA0];
	[tilespmem:s3+$0xFFFFFF70] =	vst v21  }
0x25d: {  	[tilespmem:s3+$0xFFFFFF20] =	vst v13;
	v13 =	vmul.f32 v18, v12;
	v18 =	vld [tilespmem:s3+$0xFFFFFFB0]  }
0x25e: {  	[tilespmem:s3+$0xFFFFFF30] =	vst v15;
	v15 =	vmul.f32 v19, v12;
	v19 =	vld [tilespmem:s3+$0xFFFFFFC0]  }
0x25f: {  	v61 =	vld [tilespmem:s3+$0x0];
	[tilespmem:s3+$0xFFFFFF40] =	vst v13;
	v13 =	vmul.f32 v14, v22  }
0x260: {  	[tilespmem:s3+$0xFFFFFF50] =	vst v15;
	v15 =	vld [tilespmem:s3+$0xFFFFFFE0];
	v16 =	vmul.f32 v16, v14  }
0x261: {  	v20 =	vld [tilespmem:s3+$0xFFFFFFF0];
	v17 =	vmul.f32 v17, v14;
	[tilespmem:s3+$0xFFFFFF80] =	vst v13  }
0x262: {  	v13 =	vld.msk [tilespmem:s23+$0x0 ss:$0x0], $0xffff;
	[tilespmem:s3+$0xFFFFFF90] =	vst v16;
	v16 =	vmul.f32 v18, v14  }
0x263: {  	v18 =	vld [tilespmem:s3+$0x10];
	[tilespmem:s3+$0xFFFFFFA0] =	vst v17;
	v17 =	vmul.f32 v19, v14  }
0x264: {  	v19 =	vld [tilespmem:s3+$0x20];
	[tilespmem:s3+$0xFFFFFFB0] =	vst v16;
	v16 =	vmul.f32 v60, v14  }
0x265: {  	v62 =	vld [tilespmem:s3+$0x30];
	[tilespmem:s3+$0xFFFFFFC0] =	vst v17;
	v15 =	vmul.f32 v15, v14  }
0x266: {  	v17 =	vld [tilespmem:s3+$0x40];
	v14 =	vmul.f32 v20, v14;
	[tilespmem:s3+$0xFFFFFFD0] =	vst v16  }
0x267: {  	v63 =	vld [tilespmem:s3+$0x50];
	v16 =	vmul.f32 v13, v61;
	[tilespmem:s3+$0xFFFFFFE0] =	vst v15  }
0x268: {  	v15 =	vld [tilespmem:s3+$0x60];
	[tilespmem:s3+$0xFFFFFFF0] =	vst v14;
	v18 =	vmul.f32 v18, v13  }
0x269: {  	v14 =	vmul.f32 v19, v13;
	[tilespmem:s3+$0x0] =	vst v16;
	v16 =	vld [tilespmem:s3+$0x70]  }
0x26a: {  	v19 =	vld [tilespmem:s3+$0x80];
	[tilespmem:s3+$0x10] =	vst v18;
	v18 =	vmul.f32 v62, v13  }
0x26b: {  	[tilespmem:s3+$0x20] =	vst v14;
	v14 =	vmul.f32 v17, v13;
	v17 =	vld [tilespmem:s3+$0x90]  }
0x26c: {  	v20 =	vld [tilespmem:s3+$0xA0];
	[tilespmem:s3+$0x30] =	vst v18;
	v18 =	vmul.f32 v63, v13  }
0x26d: {  	[tilespmem:s3+$0x40] =	vst v14;
	v15 =	vmul.f32 v15, v13;
	v14 =	vld [tilespmem:s3+$0xB0]  }
0x26e: {  	[tilespmem:s3+$0x50] =	vst v18;
	v16 =	vmul.f32 v16, v13;
	v13 =	vld [tilespmem:s3+$0xC0]  }
0x26f: {  	v19 =	vmul.f32 v11, v19;
	[tilespmem:s3+$0x60] =	vst v15;
	v15 =	vld [tilespmem:s3+$0xD0]  }
0x270: {  	s17 =	simm.s32 $0x3DE0;
	v18 =	vmul.f32 v17, v11;
	[tilespmem:s3+$0x70] =	vst v16;
	v16 =	vld [tilespmem:s3+$0xE0]  }
0x271: {  	s21 =	simm.s32 $0x6FE6;
	s4 =	simm.s32 $0x0;
	s23 =	simm.s32 $0x16E0;
	v17 =	vld [tilespmem:s3+$0xFFFFFF00];
	[tilespmem:s3+$0x80] =	vst v19;
	v19 =	vmul.f32 v20, v11  }
.LBB2_9:
0x272: {  	v20 =	vld.msk [tilespmem:s21+$0x1 ss:$0x0], $0xffff;
	s4 =	sadd.s32 $0x4, s4;
	[tilespmem:s3+$0x90] =	vst v18;
	v14 =	vmul.f32 v14, v11;
	s23 =	sadd.s32 $0x200, s23  }
0x273: {  	v18 =	vld [tilespmem:s23+$0xF0];
	p0 =	slt.u32 s4, $0x4C;
	[tilespmem:s3+$0xA0] =	vst v19;
	v13 =	vmul.f32 v13, v11  }
0x274: {  	v19 =	vld.msk [tilespmem:s21+$0xFFFFFFFE ss:$0x0], $0xffff;
	[tilespmem:s3+$0xB0] =	vst v14;
	v14 =	vmul.f32 v15, v11  }
0x275: {  	v15 =	vld.msk [tilespmem:s21+$0xFFFFFFFF ss:$0x0], $0xffff;
	[tilespmem:s3+$0xC0] =	vst v13;
	v21 =	vmul.f32 v16, v11  }
0x276: {  	v13 =	vld.msk [tilespmem:s21+$0x0 ss:$0x0], $0xffff;
	v12 =	vmul.f32 v12, v17;
	[tilespmem:s3+$0xD0] =	vst v14  }
0x277: {  	v14 =	vld [tilespmem:s23+$0xFFFFFF10];
	[tilespmem:s3+$0xE0] =	vst v21  }
0x278: {  	v11 =	vmov v20;
	v16 =	vld [tilespmem:s23+$0xFFFFFF20];
	v17 =	vmul.f32 v18, v20;
	[tilespmem:s3+$0xFFFFFF00] =	vst v12;
	s3 =	smov.u32 s23  }
0x279: {  	v18 =	vld [tilespmem:s23+$0xFFFFFF30]  }
0x27a: {  	v20 =	vld [tilespmem:s23+$0xFFFFFF40];
	[tilespmem:s23+$0xF0] =	vst v17;
	v12 =	vmov v19  }
0x27b: {  	v17 =	vld [tilespmem:s23+$0xFFFFFF50]  }
0x27c: {  	v14 =	vmul.f32 v14, v12;
	v19 =	vld [tilespmem:s23+$0xFFFFFF60]  }
0x27d: {  	v16 =	vmul.f32 v16, v12;
	v21 =	vld [tilespmem:s23+$0xFFFFFF70]  }
0x27e: {  	[tilespmem:s23+$0xFFFFFF10] =	vst v14;
	v14 =	vmul.f32 v18, v12;
	v18 =	vld [tilespmem:s23+$0xFFFFFF80]  }
0x27f: {  	[tilespmem:s23+$0xFFFFFF20] =	vst v16;
	v16 =	vmul.f32 v20, v12;
	v20 =	vld [tilespmem:s23+$0xFFFFFF90]  }
0x280: {  	[tilespmem:s23+$0xFFFFFF30] =	vst v14;
	v14 =	vmul.f32 v17, v12;
	v17 =	vld [tilespmem:s23+$0xFFFFFFA0]  }
0x281: {  	[tilespmem:s23+$0xFFFFFF40] =	vst v16;
	v16 =	vmul.f32 v19, v12;
	v19 =	vld [tilespmem:s23+$0xFFFFFFB0]  }
0x282: {  	[tilespmem:s23+$0xFFFFFF50] =	vst v14;
	v14 =	vmul.f32 v21, v12;
	v21 =	vld [tilespmem:s23+$0xFFFFFFC0]  }
0x283: {  	[tilespmem:s23+$0xFFFFFF60] =	vst v16;
	v16 =	vmul.f32 v15, v18;
	v18 =	vld [tilespmem:s23+$0xFFFFFFD0]  }
0x284: {  	[tilespmem:s23+$0xFFFFFF70] =	vst v14;
	v14 =	vmul.f32 v20, v15;
	v20 =	vld [tilespmem:s23+$0xFFFFFFE0]  }
0x285: {  	[tilespmem:s23+$0xFFFFFF80] =	vst v16;
	v16 =	vmul.f32 v17, v15;
	v17 =	vld [tilespmem:s23+$0xFFFFFFF0]  }
0x286: {  	[tilespmem:s23+$0xFFFFFF90] =	vst v14;
	v14 =	vmul.f32 v19, v15;
	v19 =	vld [tilespmem:s23+$0x0]  }
0x287: {  	[tilespmem:s23+$0xFFFFFFA0] =	vst v16;
	v16 =	vmul.f32 v21, v15;
	v21 =	vld [tilespmem:s23+$0x10]  }
0x288: {  	[tilespmem:s23+$0xFFFFFFB0] =	vst v14;
	v14 =	vmul.f32 v18, v15;
	v18 =	vld [tilespmem:s23+$0x20]  }
0x289: {  	[tilespmem:s23+$0xFFFFFFC0] =	vst v16;
	v16 =	vmul.f32 v20, v15;
	v20 =	vld [tilespmem:s23+$0x30]  }
0x28a: {  	[tilespmem:s23+$0xFFFFFFD0] =	vst v14;
	v14 =	vmul.f32 v17, v15;
	v15 =	vld [tilespmem:s23+$0x40]  }
0x28b: {  	[tilespmem:s23+$0xFFFFFFE0] =	vst v16;
	v16 =	vmul.f32 v13, v19;
	v17 =	vld [tilespmem:s23+$0x50]  }
0x28c: {  	[tilespmem:s23+$0xFFFFFFF0] =	vst v14;
	v14 =	vmul.f32 v21, v13;
	v19 =	vld [tilespmem:s23+$0x60]  }
0x28d: {  	[tilespmem:s23+$0x0] =	vst v16;
	v16 =	vmul.f32 v18, v13;
	v18 =	vld [tilespmem:s23+$0x70]  }
0x28e: {  	[tilespmem:s23+$0x10] =	vst v14;
	v14 =	vmul.f32 v20, v13;
	v20 =	vld [tilespmem:s23+$0x80]  }
0x28f: {  	[tilespmem:s23+$0x20] =	vst v16;
	v15 =	vmul.f32 v15, v13;
	v16 =	vld [tilespmem:s23+$0x90]  }
0x290: {  	[tilespmem:s23+$0x30] =	vst v14;
	v17 =	vmul.f32 v17, v13;
	v21 =	vld [tilespmem:s23+$0xA0]  }
.Ltmp3:
0x291: {  	[tilespmem:s23+$0x40] =	vst v15;
	v15 =	vmul.f32 v19, v13;
	v14 =	vld [tilespmem:s23+$0xB0];
	(pc) =	sbr.rel @p0 .LBB2_9-.Ltmp3, $4  }
0x292: {  	[tilespmem:s23+$0x50] =	vst v17;
	v17 =	vmul.f32 v18, v13;
	v13 =	vld [tilespmem:s23+$0xC0]  }
0x293: {  	[tilespmem:s23+$0x60] =	vst v15;
	v19 =	vmul.f32 v11, v20;
	v15 =	vld [tilespmem:s23+$0xD0]  }
0x294: {  	[tilespmem:s23+$0x70] =	vst v17;
	v18 =	vmul.f32 v16, v11;
	v16 =	vld [tilespmem:s23+$0xE0]  }
0x295: {  	s21 =	sadd.s32 $0x4, s21;
	v17 =	vld [tilespmem:s23+$0xFFFFFF00];
	[tilespmem:s23+$0x80] =	vst v19;
	v19 =	vmul.f32 v21, v11  }
0x296: {  	[tilespmem:s3+$0x90] =	vst v18;
	v14 =	vmul.f32 v14, v11  }
0x297: {  	[tilespmem:s3+$0xA0] =	vst v19;
	v13 =	vmul.f32 v13, v11  }
0x298: {  	[tilespmem:s3+$0xB0] =	vst v14;
	v63 =	vmul.f32 v15, v11  }
0x299: {  	[tilespmem:s3+$0xC0] =	vst v13;
	v11 =	vmul.f32 v16, v11  }
0x29a: {  	v12 =	vmul.f32 v12, v17;
	[tilespmem:s3+$0xD0] =	vst v63  }
0x29b: {  	[tilespmem:s3+$0xE0] =	vst v11  }
0x29c: {  	s23 =	rddreg [dreg:$0x3];
	[tilespmem:s3+$0xFFFFFF00] =	vst v12  }
0x29d: {  	[spmem:s23] =	stream.indirect.scatter.add.f32 [tilespmem:s16], [sflag:$0x9], $0x10, s30, s18, $0xb8;
	[tilespmem:$0x1D840] =	vst v63  }
0x29e: {  	s0 =	sadd.s32 $0x1, s0;
	s21 =	rddreg [dreg:$0x1c]  }
0x29f: {  	s4 =	rddreg [dreg:$0x2];
	p0 =	sne.s32 s0, $0x3D;
	s1 =	sadd.s32 s1, s21  }
0x2a0: {  	[spmem:s4] =	stream.indirect.scatter.add.f32 [tilespmem:s14], [sflag:$0x9], $0x80, s30, s18, $0xb8;
	[tilespmem:$0x1D840] =	vst v63  }
.Ltmp4:
0x2a1: {  	s1 =	sshrl.u32 s1, $0x3;
	(pc) =	sbr.rel @p0 .LBB2_6-.Ltmp4, $4  }
0x2a2: {  	s23 =	sadd.s32 s6, s1  }
0x2a3: {  	[tilespmem:s5], [sflag:$0x1] =	stream.linear.gather [hbm4b:s23+s5], $0x50, $0x38;
	[tilespmem:$0x1D840] =	vst v63  }
0x2a4: {  	s21 =	simm.s32 $0xA0;
	s1 =	sadd.s32 s7, s1;
	s23 =	smov.u32 s15  }
0x2a5: {  	[tilespmem:s21], [sflag:$0x1] =	stream.linear.gather [hbm4b:s1+s5], $0x50, $0x38;
	[tilespmem:$0x1D840] =	vst v63  }
0x2a6: {  	_ =	swait.ge [sflag:s31], $0x50  }
0x2a7: {  	[sflag:s31] =	ssyncset.done $0x0  }
0x2a8: {  	[sflag:s31] =	ssyncadd.s32 $0xFFFFFFB0  }
0x2a9: {  	_ =	swait.ge [sflag:s31], $0x50  }
0x2aa: {  	[sflag:s31] =	ssyncset.done $0x0  }
0x2ab: {  	[sflag:s31] =	ssyncadd.s32 $0xFFFFFFB0  }
0x2ac: {  	_ =	swait.ge [sflag:s11], $0x500  }
0x2ad: {  	[sflag:s11] =	ssyncset.done $0x0  }
0x2ae: {  	[sflag:s11] =	ssyncadd.s32 $0xFFFFFB00  }
0x2af: {  	_ =	swait.ge [sflag:s11], $0x2800  }
0x2b0: {  	[sflag:s11] =	ssyncset.done $0x0  }
0x2b1: {  	[sflag:s11] =	ssyncadd.s32 $0xFFFFD800  }
0x2b2: {  	[tilespmem:s14], [sflag:$0x3] =	stream.indirect.gather [hbm4b:s23+s18], $0x80, s5, s18, $0xb8;
	[tilespmem:$0x1D840] =	vst v63  }
0x2b3: {  	_ = 	snop  }
0x2b4: {  	[tilespmem:s19], [sflag:$0x5] =	stream.indirect.gather [hbm4b:s8+s18], $0x10, s5, s18, $0xb8;
	[tilespmem:$0x1D840] =	vst v63  }
0x2b5: {  	_ = 	snop  }
0x2b6: {  	[tilespmem:s20], [sflag:$0x7] =	stream.indirect.gather [hbm4b:s8+s18], $0x10, s21, s18, $0xb8;
	[tilespmem:$0x1D840] =	vst v63  }
0x2b7: {  	_ =	swait.ge [sflag:s12], $0x2800  }
0x2b8: {  	[sflag:s12] =	ssyncset.done $0x0  }
0x2b9: {  	[sflag:s12] =	ssyncadd.s32 $0xFFFFD800  }
0x2ba: {  	_ =	swait.ge [sflag:s13], $0x500  }
0x2bb: {  	[sflag:s13] =	ssyncset.done $0x0  }
0x2bc: {  	[sflag:s13] =	ssyncadd.s32 $0xFFFFFB00  }
0x2bd: {  	_ =	swait.ge [sflag:s9], $0x500  }
0x2be: {  	[sflag:s9] =	ssyncset.done $0x0  }
0x2bf: {  	[sflag:s9] =	ssyncadd.s32 $0xFFFFFB00  }
0x2c0: {  	v11 =	vld.idx.msk [tilespmem:v0+s24+$0x0], $0xffff  }
0x2c1: {  	v12 =	vld.idx.msk [tilespmem:v2+s25+$0x0], $0xffff;
	_ =	sdelay $0x4  }
0x2c2: {  	v11 =	vadd.f32 v12, v11;
	_ =	sdelay $0x1  }
0x2c3: {  	v12 =	vmul.f32 $2.000000030e-01, v11  }
0x2c4: {  	vm0 =	vge.f32 v11, $0.0e+00  }
0x2c5: {  	v11 =	vsel vm0, v11, v12  }
0x2c6: {  	v11 =	vmul.f32 $1.442695020e+00, v11;
	_ =	sdelay $0x1  }
0x2c7: {  	(erf) = vpow2.f32 v11;
	_ =	sdelay $0x8  }
0x2c8: {  	v11 =	vpop (erf)  }
0x2c9: {  	[tilespmem:$0x6FE0] =	vst v11  }
0x2ca: {  	[tilespmem:v0+s10+$0x0] =	vst.idx.msk $0xffff, v11  }
0x2cb: {  	v11 =	vld [tilespmem:$0xF0];
	_ =	sdelay $0x4  }
0x2cc: {  	[tilespmem:$0x190] =	vst v11  }
0x2cd: {  	v11 =	vld.idx.msk [tilespmem:v3+s24+$0x0], $0xffff  }
0x2ce: {  	v12 =	vld.idx.msk [tilespmem:v4+s25+$0x0], $0xffff;
	_ =	sdelay $0x4  }
0x2cf: {  	v11 =	vadd.f32 v12, v11;
	_ =	sdelay $0x1  }
0x2d0: {  	v12 =	vmul.f32 $2.000000030e-01, v11  }
0x2d1: {  	vm12 =	vge.f32 v11, $0.0e+00  }
0x2d2: {  	v11 =	vsel vm12, v11, v12  }
0x2d3: {  	v11 =	vmul.f32 $1.442695020e+00, v11;
	_ =	sdelay $0x1  }
0x2d4: {  	(erf) = vpow2.f32 v11;
	_ =	sdelay $0x8  }
0x2d5: {  	v11 =	vpop (erf)  }
0x2d6: {  	[tilespmem:$0x6FF0] =	vst v11  }
0x2d7: {  	[tilespmem:v3+s10+$0x0] =	vst.idx.msk $0xffff, v11  }
0x2d8: {  	v11 =	vld [tilespmem:$0x100];
	_ =	sdelay $0x4  }
0x2d9: {  	[tilespmem:$0x1A0] =	vst v11  }
0x2da: {  	v11 =	vld.idx.msk [tilespmem:v5+s24+$0x0], $0xffff  }
0x2db: {  	v12 =	vld.idx.msk [tilespmem:v6+s25+$0x0], $0xffff;
	_ =	sdelay $0x4  }
0x2dc: {  	v11 =	vadd.f32 v12, v11;
	_ =	sdelay $0x1  }
0x2dd: {  	v12 =	vmul.f32 $2.000000030e-01, v11  }
0x2de: {  	vm13 =	vge.f32 v11, $0.0e+00  }
0x2df: {  	v11 =	vsel vm13, v11, v12  }
0x2e0: {  	v11 =	vmul.f32 $1.442695020e+00, v11;
	_ =	sdelay $0x1  }
0x2e1: {  	(erf) = vpow2.f32 v11;
	_ =	sdelay $0x8  }
0x2e2: {  	v11 =	vpop (erf)  }
0x2e3: {  	[tilespmem:$0x7000] =	vst v11  }
0x2e4: {  	[tilespmem:v5+s10+$0x0] =	vst.idx.msk $0xffff, v11  }
0x2e5: {  	v11 =	vld [tilespmem:$0x110];
	_ =	sdelay $0x4  }
0x2e6: {  	[tilespmem:$0x1B0] =	vst v11  }
0x2e7: {  	v11 =	vld.idx.msk [tilespmem:v7+s24+$0x0], $0xffff  }
0x2e8: {  	v12 =	vld.idx.msk [tilespmem:v8+s25+$0x0], $0xffff;
	_ =	sdelay $0x4  }
0x2e9: {  	v11 =	vadd.f32 v12, v11;
	_ =	sdelay $0x1  }
0x2ea: {  	v12 =	vmul.f32 $2.000000030e-01, v11  }
0x2eb: {  	vm14 =	vge.f32 v11, $0.0e+00  }
0x2ec: {  	v11 =	vsel vm14, v11, v12  }
0x2ed: {  	v11 =	vmul.f32 $1.442695020e+00, v11;
	_ =	sdelay $0x1  }
0x2ee: {  	(erf) = vpow2.f32 v11;
	_ =	sdelay $0x8  }
0x2ef: {  	v11 =	vpop (erf)  }
0x2f0: {  	[tilespmem:$0x7010] =	vst v11  }
0x2f1: {  	[tilespmem:v7+s10+$0x0] =	vst.idx.msk $0xffff, v11  }
0x2f2: {  	v11 =	vld [tilespmem:$0x120];
	_ =	sdelay $0x4  }
0x2f3: {  	[tilespmem:$0x1C0] =	vst v11  }
0x2f4: {  	v11 =	vld.idx.msk [tilespmem:v9+s24+$0x0], $0xffff  }
0x2f5: {  	v12 =	vld.idx.msk [tilespmem:v10+s25+$0x0], $0xffff;
	_ =	sdelay $0x4  }
0x2f6: {  	v11 =	vadd.f32 v12, v11;
	_ =	sdelay $0x1  }
0x2f7: {  	v12 =	vmul.f32 $2.000000030e-01, v11  }
0x2f8: {  	vm15 =	vge.f32 v11, $0.0e+00  }
0x2f9: {  	v11 =	vsel vm15, v11, v12  }
0x2fa: {  	v11 =	vmul.f32 $1.442695020e+00, v11;
	_ =	sdelay $0x1  }
0x2fb: {  	(erf) = vpow2.f32 v11;
	_ =	sdelay $0x8  }
0x2fc: {  	v11 =	vpop (erf)  }
0x2fd: {  	[tilespmem:$0x7020] =	vst v11  }
0x2fe: {  	[tilespmem:v9+s10+$0x0] =	vst.idx.msk $0xffff, v11  }
0x2ff: {  	v11 =	vld [tilespmem:$0x130];
	_ =	sdelay $0x4  }
0x300: {  	s1 =	simm.s32 $0x6FE2;
	[tilespmem:$0x1D0] =	vst v11  }
0x301: {  	s0 =	simm.s32 $0x3EE0;
	v11 =	vld.msk [tilespmem:s1+$0x1 ss:$0x0], $0xffff  }
0x302: {  	v13 =	vld [tilespmem:s0+$0xF0]  }
0x303: {  	v12 =	vld.msk [tilespmem:s1+$0xFFFFFFFE ss:$0x0], $0xffff  }
0x304: {  	v14 =	vld.msk [tilespmem:s1+$0xFFFFFFFF ss:$0x0], $0xffff  }
0x305: {  	v15 =	vld [tilespmem:s0+$0xFFFFFF10]  }
0x306: {  	v16 =	vld [tilespmem:s0+$0xFFFFFF20]  }
0x307: {  	v20 =	vld [tilespmem:s0+$0xFFFFFF60]  }
0x308: {  	v21 =	vld [tilespmem:s0+$0xFFFFFF70]  }
0x309: {  	v17 =	vld [tilespmem:s0+$0xFFFFFF30]  }
0x30a: {  	v18 =	vld [tilespmem:s0+$0xFFFFFF40];
	v13 =	vmul.f32 v13, v11  }
0x30b: {  	v19 =	vld [tilespmem:s0+$0xFFFFFF50];
	v15 =	vmul.f32 v15, v12  }
0x30c: {  	v22 =	vld [tilespmem:s0+$0xFFFFFF80];
	v20 =	vmul.f32 v20, v12;
	[tilespmem:s0+$0xF0] =	vst v13  }
0x30d: {  	v60 =	vld [tilespmem:s0+$0xFFFFFFD0];
	v21 =	vmul.f32 v21, v12;
	[tilespmem:s0+$0xFFFFFF10] =	vst v15  }
0x30e: {  	v13 =	vmul.f32 v16, v12;
	v16 =	vld [tilespmem:s0+$0xFFFFFF90];
	[tilespmem:s0+$0xFFFFFF60] =	vst v20  }
0x30f: {  	v15 =	vmul.f32 v17, v12;
	v17 =	vld [tilespmem:s0+$0xFFFFFFA0];
	[tilespmem:s0+$0xFFFFFF70] =	vst v21  }
0x310: {  	[tilespmem:s0+$0xFFFFFF20] =	vst v13;
	v13 =	vmul.f32 v18, v12;
	v18 =	vld [tilespmem:s0+$0xFFFFFFB0]  }
0x311: {  	[tilespmem:s0+$0xFFFFFF30] =	vst v15;
	v15 =	vmul.f32 v19, v12;
	v19 =	vld [tilespmem:s0+$0xFFFFFFC0]  }
0x312: {  	v61 =	vld [tilespmem:s0+$0x0];
	[tilespmem:s0+$0xFFFFFF40] =	vst v13;
	v13 =	vmul.f32 v14, v22  }
0x313: {  	[tilespmem:s0+$0xFFFFFF50] =	vst v15;
	v15 =	vld [tilespmem:s0+$0xFFFFFFE0];
	v16 =	vmul.f32 v16, v14  }
0x314: {  	v20 =	vld [tilespmem:s0+$0xFFFFFFF0];
	v17 =	vmul.f32 v17, v14;
	[tilespmem:s0+$0xFFFFFF80] =	vst v13  }
0x315: {  	v13 =	vld.msk [tilespmem:s1+$0x0 ss:$0x0], $0xffff;
	[tilespmem:s0+$0xFFFFFF90] =	vst v16;
	v16 =	vmul.f32 v18, v14  }
0x316: {  	v18 =	vld [tilespmem:s0+$0x10];
	[tilespmem:s0+$0xFFFFFFA0] =	vst v17;
	v17 =	vmul.f32 v19, v14  }
0x317: {  	v19 =	vld [tilespmem:s0+$0x20];
	[tilespmem:s0+$0xFFFFFFB0] =	vst v16;
	v16 =	vmul.f32 v60, v14  }
0x318: {  	v62 =	vld [tilespmem:s0+$0x30];
	[tilespmem:s0+$0xFFFFFFC0] =	vst v17;
	v15 =	vmul.f32 v15, v14  }
0x319: {  	v17 =	vld [tilespmem:s0+$0x40];
	v14 =	vmul.f32 v20, v14;
	[tilespmem:s0+$0xFFFFFFD0] =	vst v16  }
0x31a: {  	v63 =	vld [tilespmem:s0+$0x50];
	v16 =	vmul.f32 v13, v61;
	[tilespmem:s0+$0xFFFFFFE0] =	vst v15  }
0x31b: {  	v15 =	vld [tilespmem:s0+$0x60];
	[tilespmem:s0+$0xFFFFFFF0] =	vst v14;
	v18 =	vmul.f32 v18, v13  }
0x31c: {  	v14 =	vmul.f32 v19, v13;
	[tilespmem:s0+$0x0] =	vst v16;
	v16 =	vld [tilespmem:s0+$0x70]  }
0x31d: {  	v19 =	vld [tilespmem:s0+$0x80];
	[tilespmem:s0+$0x10] =	vst v18;
	v18 =	vmul.f32 v62, v13  }
0x31e: {  	[tilespmem:s0+$0x20] =	vst v14;
	v14 =	vmul.f32 v17, v13;
	v17 =	vld [tilespmem:s0+$0x90]  }
0x31f: {  	v20 =	vld [tilespmem:s0+$0xA0];
	[tilespmem:s0+$0x30] =	vst v18;
	v18 =	vmul.f32 v63, v13  }
0x320: {  	[tilespmem:s0+$0x40] =	vst v14;
	v15 =	vmul.f32 v15, v13;
	v14 =	vld [tilespmem:s0+$0xB0]  }
0x321: {  	[tilespmem:s0+$0x50] =	vst v18;
	v16 =	vmul.f32 v16, v13;
	v13 =	vld [tilespmem:s0+$0xC0]  }
0x322: {  	v19 =	vmul.f32 v11, v19;
	[tilespmem:s0+$0x60] =	vst v15;
	v15 =	vld [tilespmem:s0+$0xD0]  }
0x323: {  	v18 =	vmul.f32 v17, v11;
	[tilespmem:s0+$0x70] =	vst v16;
	v16 =	vld [tilespmem:s0+$0xE0]  }
0x324: {  	s3 =	simm.s32 $0x6FE6;
	s4 =	simm.s32 $0x3EE0;
	s1 =	simm.s32 $0x0;
	v17 =	vld [tilespmem:s0+$0xFFFFFF00];
	[tilespmem:s0+$0x80] =	vst v19;
	v19 =	vmul.f32 v20, v11  }
.LBB2_12:
0x325: {  	v20 =	vld.msk [tilespmem:s3+$0x1 ss:$0x0], $0xffff;
	s1 =	sadd.s32 $0x4, s1;
	[tilespmem:s0+$0x90] =	vst v18;
	v14 =	vmul.f32 v14, v11;
	s4 =	sadd.s32 $0x200, s4  }
0x326: {  	v18 =	vld [tilespmem:s4+$0xF0];
	p0 =	slt.u32 s1, $0x4C;
	[tilespmem:s0+$0xA0] =	vst v19;
	v13 =	vmul.f32 v13, v11  }
0x327: {  	v19 =	vld.msk [tilespmem:s3+$0xFFFFFFFE ss:$0x0], $0xffff;
	[tilespmem:s0+$0xB0] =	vst v14;
	v14 =	vmul.f32 v15, v11  }
0x328: {  	v15 =	vld.msk [tilespmem:s3+$0xFFFFFFFF ss:$0x0], $0xffff;
	[tilespmem:s0+$0xC0] =	vst v13;
	v21 =	vmul.f32 v16, v11  }
0x329: {  	v13 =	vld.msk [tilespmem:s3+$0x0 ss:$0x0], $0xffff;
	v12 =	vmul.f32 v12, v17;
	[tilespmem:s0+$0xD0] =	vst v14  }
0x32a: {  	v14 =	vld [tilespmem:s4+$0xFFFFFF10];
	[tilespmem:s0+$0xE0] =	vst v21  }
0x32b: {  	v11 =	vmov v20;
	v16 =	vld [tilespmem:s4+$0xFFFFFF20];
	v17 =	vmul.f32 v18, v20;
	[tilespmem:s0+$0xFFFFFF00] =	vst v12;
	s0 =	smov.u32 s4  }
0x32c: {  	v18 =	vld [tilespmem:s4+$0xFFFFFF30]  }
0x32d: {  	v20 =	vld [tilespmem:s4+$0xFFFFFF40];
	[tilespmem:s4+$0xF0] =	vst v17;
	v12 =	vmov v19  }
0x32e: {  	v17 =	vld [tilespmem:s4+$0xFFFFFF50]  }
0x32f: {  	v14 =	vmul.f32 v14, v12;
	v19 =	vld [tilespmem:s4+$0xFFFFFF60]  }
0x330: {  	v16 =	vmul.f32 v16, v12;
	v21 =	vld [tilespmem:s4+$0xFFFFFF70]  }
0x331: {  	[tilespmem:s4+$0xFFFFFF10] =	vst v14;
	v14 =	vmul.f32 v18, v12;
	v18 =	vld [tilespmem:s4+$0xFFFFFF80]  }
0x332: {  	[tilespmem:s4+$0xFFFFFF20] =	vst v16;
	v16 =	vmul.f32 v20, v12;
	v20 =	vld [tilespmem:s4+$0xFFFFFF90]  }
0x333: {  	[tilespmem:s4+$0xFFFFFF30] =	vst v14;
	v14 =	vmul.f32 v17, v12;
	v17 =	vld [tilespmem:s4+$0xFFFFFFA0]  }
0x334: {  	[tilespmem:s4+$0xFFFFFF40] =	vst v16;
	v16 =	vmul.f32 v19, v12;
	v19 =	vld [tilespmem:s4+$0xFFFFFFB0]  }
0x335: {  	[tilespmem:s4+$0xFFFFFF50] =	vst v14;
	v14 =	vmul.f32 v21, v12;
	v21 =	vld [tilespmem:s4+$0xFFFFFFC0]  }
0x336: {  	[tilespmem:s4+$0xFFFFFF60] =	vst v16;
	v16 =	vmul.f32 v15, v18;
	v18 =	vld [tilespmem:s4+$0xFFFFFFD0]  }
0x337: {  	[tilespmem:s4+$0xFFFFFF70] =	vst v14;
	v14 =	vmul.f32 v20, v15;
	v20 =	vld [tilespmem:s4+$0xFFFFFFE0]  }
0x338: {  	[tilespmem:s4+$0xFFFFFF80] =	vst v16;
	v16 =	vmul.f32 v17, v15;
	v17 =	vld [tilespmem:s4+$0xFFFFFFF0]  }
0x339: {  	[tilespmem:s4+$0xFFFFFF90] =	vst v14;
	v14 =	vmul.f32 v19, v15;
	v19 =	vld [tilespmem:s4+$0x0]  }
0x33a: {  	[tilespmem:s4+$0xFFFFFFA0] =	vst v16;
	v16 =	vmul.f32 v21, v15;
	v21 =	vld [tilespmem:s4+$0x10]  }
0x33b: {  	[tilespmem:s4+$0xFFFFFFB0] =	vst v14;
	v14 =	vmul.f32 v18, v15;
	v18 =	vld [tilespmem:s4+$0x20]  }
0x33c: {  	[tilespmem:s4+$0xFFFFFFC0] =	vst v16;
	v16 =	vmul.f32 v20, v15;
	v20 =	vld [tilespmem:s4+$0x30]  }
0x33d: {  	[tilespmem:s4+$0xFFFFFFD0] =	vst v14;
	v14 =	vmul.f32 v17, v15;
	v15 =	vld [tilespmem:s4+$0x40]  }
0x33e: {  	[tilespmem:s4+$0xFFFFFFE0] =	vst v16;
	v16 =	vmul.f32 v13, v19;
	v17 =	vld [tilespmem:s4+$0x50]  }
0x33f: {  	[tilespmem:s4+$0xFFFFFFF0] =	vst v14;
	v14 =	vmul.f32 v21, v13;
	v19 =	vld [tilespmem:s4+$0x60]  }
0x340: {  	[tilespmem:s4+$0x0] =	vst v16;
	v16 =	vmul.f32 v18, v13;
	v18 =	vld [tilespmem:s4+$0x70]  }
0x341: {  	[tilespmem:s4+$0x10] =	vst v14;
	v14 =	vmul.f32 v20, v13;
	v20 =	vld [tilespmem:s4+$0x80]  }
0x342: {  	[tilespmem:s4+$0x20] =	vst v16;
	v15 =	vmul.f32 v15, v13;
	v16 =	vld [tilespmem:s4+$0x90]  }
0x343: {  	[tilespmem:s4+$0x30] =	vst v14;
	v17 =	vmul.f32 v17, v13;
	v21 =	vld [tilespmem:s4+$0xA0]  }
.Ltmp5:
0x344: {  	[tilespmem:s4+$0x40] =	vst v15;
	v15 =	vmul.f32 v19, v13;
	v14 =	vld [tilespmem:s4+$0xB0];
	(pc) =	sbr.rel @p0 .LBB2_12-.Ltmp5, $4  }
0x345: {  	[tilespmem:s4+$0x50] =	vst v17;
	v17 =	vmul.f32 v18, v13;
	v13 =	vld [tilespmem:s4+$0xC0]  }
0x346: {  	[tilespmem:s4+$0x60] =	vst v15;
	v19 =	vmul.f32 v11, v20;
	v15 =	vld [tilespmem:s4+$0xD0]  }
0x347: {  	[tilespmem:s4+$0x70] =	vst v17;
	v18 =	vmul.f32 v16, v11;
	v16 =	vld [tilespmem:s4+$0xE0]  }
0x348: {  	s3 =	sadd.s32 $0x4, s3;
	v17 =	vld [tilespmem:s4+$0xFFFFFF00];
	[tilespmem:s4+$0x80] =	vst v19;
	v19 =	vmul.f32 v21, v11  }
0x349: {  	[tilespmem:s0+$0x90] =	vst v18;
	v14 =	vmul.f32 v14, v11  }
0x34a: {  	[tilespmem:s0+$0xA0] =	vst v19;
	v13 =	vmul.f32 v13, v11  }
0x34b: {  	[tilespmem:s0+$0xB0] =	vst v14;
	v14 =	vmul.f32 v15, v11  }
0x34c: {  	[tilespmem:s0+$0xC0] =	vst v13;
	v11 =	vmul.f32 v16, v11  }
0x34d: {  	v12 =	vmul.f32 v12, v17;
	[tilespmem:s0+$0xD0] =	vst v14  }
0x34e: {  	[tilespmem:s0+$0xE0] =	vst v11  }
0x34f: {  	s4 =	rddreg [dreg:$0x3];
	s1 =	simm.s32 $0x190;
	[tilespmem:s0+$0xFFFFFF00] =	vst v12  }
0x350: {  	[spmem:s4] =	stream.indirect.scatter.add.f32 [tilespmem:s10], [sflag:$0xA], $0x10, s1, s18, $0xb8;
	[tilespmem:$0x1D840] =	vst v63  }
0x351: {  	s15 =	rddreg [dreg:$0x2]  }
0x352: {  	[spmem:s15] =	stream.indirect.scatter.add.f32 [tilespmem:s17], [sflag:$0xA], $0x80, s1, s18, $0xb8;
	[tilespmem:$0x1D840] =	vst v63  }
0x353: {  	_ =	swait.ge [sflag:s26], $0x2800  }
0x354: {  	[sflag:s26] =	ssyncset.done $0x0  }
0x355: {  	[sflag:s26] =	ssyncadd.s32 $0xFFFFD800  }
0x356: {  	_ =	swait.ge [sflag:s28], $0x500  }
0x357: {  	[sflag:s28] =	ssyncset.done $0x0  }
0x358: {  	[sflag:s28] =	ssyncadd.s32 $0xFFFFFB00  }
0x359: {  	_ =	swait.ge [sflag:s29], $0x500  }
0x35a: {  	[sflag:s29] =	ssyncset.done $0x0  }
0x35b: {  	[sflag:s29] =	ssyncadd.s32 $0xFFFFFB00  }
0x35c: {  	v11 =	vld.idx.msk [tilespmem:v0+s19+$0x0], $0xffff  }
0x35d: {  	v12 =	vld.idx.msk [tilespmem:v2+s20+$0x0], $0xffff;
	_ =	sdelay $0x4  }
0x35e: {  	v11 =	vadd.f32 v12, v11;
	_ =	sdelay $0x1  }
0x35f: {  	v12 =	vmul.f32 $2.000000030e-01, v11  }
0x360: {  	vm0 =	vge.f32 v11, $0.0e+00  }
0x361: {  	v11 =	vsel vm0, v11, v12  }
0x362: {  	v11 =	vmul.f32 $1.442695020e+00, v11;
	_ =	sdelay $0x1  }
0x363: {  	(erf) = vpow2.f32 v11;
	_ =	sdelay $0x8  }
0x364: {  	v11 =	vpop (erf)  }
0x365: {  	[tilespmem:$0x6FE0] =	vst v11  }
0x366: {  	[tilespmem:v0+s16+$0x0] =	vst.idx.msk $0xffff, v11  }
0x367: {  	v11 =	vld [tilespmem:$0xA0];
	_ =	sdelay $0x4  }
0x368: {  	[tilespmem:$0x140] =	vst v11  }
0x369: {  	v11 =	vld.idx.msk [tilespmem:v3+s19+$0x0], $0xffff  }
0x36a: {  	v12 =	vld.idx.msk [tilespmem:v4+s20+$0x0], $0xffff;
	_ =	sdelay $0x4  }
0x36b: {  	v11 =	vadd.f32 v12, v11;
	_ =	sdelay $0x1  }
0x36c: {  	v12 =	vmul.f32 $2.000000030e-01, v11  }
0x36d: {  	vm12 =	vge.f32 v11, $0.0e+00  }
0x36e: {  	v11 =	vsel vm12, v11, v12  }
0x36f: {  	v11 =	vmul.f32 $1.442695020e+00, v11;
	_ =	sdelay $0x1  }
0x370: {  	(erf) = vpow2.f32 v11;
	_ =	sdelay $0x8  }
0x371: {  	v11 =	vpop (erf)  }
0x372: {  	[tilespmem:$0x6FF0] =	vst v11  }
0x373: {  	[tilespmem:v3+s16+$0x0] =	vst.idx.msk $0xffff, v11  }
0x374: {  	v11 =	vld [tilespmem:$0xB0];
	_ =	sdelay $0x4  }
0x375: {  	[tilespmem:$0x150] =	vst v11  }
0x376: {  	v11 =	vld.idx.msk [tilespmem:v5+s19+$0x0], $0xffff  }
0x377: {  	v12 =	vld.idx.msk [tilespmem:v6+s20+$0x0], $0xffff;
	_ =	sdelay $0x4  }
0x378: {  	v11 =	vadd.f32 v12, v11;
	_ =	sdelay $0x1  }
0x379: {  	v12 =	vmul.f32 $2.000000030e-01, v11  }
0x37a: {  	vm13 =	vge.f32 v11, $0.0e+00  }
0x37b: {  	v11 =	vsel vm13, v11, v12  }
0x37c: {  	v11 =	vmul.f32 $1.442695020e+00, v11;
	_ =	sdelay $0x1  }
0x37d: {  	(erf) = vpow2.f32 v11;
	_ =	sdelay $0x8  }
0x37e: {  	v11 =	vpop (erf)  }
0x37f: {  	[tilespmem:$0x7000] =	vst v11  }
0x380: {  	[tilespmem:v5+s16+$0x0] =	vst.idx.msk $0xffff, v11  }
0x381: {  	v11 =	vld [tilespmem:$0xC0];
	_ =	sdelay $0x4  }
0x382: {  	[tilespmem:$0x160] =	vst v11  }
0x383: {  	v11 =	vld.idx.msk [tilespmem:v7+s19+$0x0], $0xffff  }
0x384: {  	v12 =	vld.idx.msk [tilespmem:v8+s20+$0x0], $0xffff;
	_ =	sdelay $0x4  }
0x385: {  	v11 =	vadd.f32 v12, v11;
	_ =	sdelay $0x1  }
0x386: {  	v12 =	vmul.f32 $2.000000030e-01, v11  }
0x387: {  	vm14 =	vge.f32 v11, $0.0e+00  }
0x388: {  	v11 =	vsel vm14, v11, v12  }
0x389: {  	v11 =	vmul.f32 $1.442695020e+00, v11;
	_ =	sdelay $0x1  }
0x38a: {  	(erf) = vpow2.f32 v11;
	_ =	sdelay $0x8  }
0x38b: {  	v11 =	vpop (erf)  }
0x38c: {  	[tilespmem:$0x7010] =	vst v11  }
0x38d: {  	[tilespmem:v7+s16+$0x0] =	vst.idx.msk $0xffff, v11  }
0x38e: {  	v11 =	vld [tilespmem:$0xD0];
	_ =	sdelay $0x4  }
0x38f: {  	[tilespmem:$0x170] =	vst v11  }
0x390: {  	v11 =	vld.idx.msk [tilespmem:v9+s19+$0x0], $0xffff  }
0x391: {  	v12 =	vld.idx.msk [tilespmem:v10+s20+$0x0], $0xffff;
	_ =	sdelay $0x4  }
0x392: {  	v11 =	vadd.f32 v12, v11;
	_ =	sdelay $0x1  }
0x393: {  	v12 =	vmul.f32 $2.000000030e-01, v11  }
0x394: {  	vm15 =	vge.f32 v11, $0.0e+00  }
0x395: {  	v11 =	vsel vm15, v11, v12  }
0x396: {  	v11 =	vmul.f32 $1.442695020e+00, v11;
	_ =	sdelay $0x1  }
0x397: {  	(erf) = vpow2.f32 v11;
	_ =	sdelay $0x8  }
0x398: {  	v11 =	vpop (erf)  }
0x399: {  	[tilespmem:$0x7020] =	vst v11  }
0x39a: {  	[tilespmem:v9+s16+$0x0] =	vst.idx.msk $0xffff, v11  }
0x39b: {  	v11 =	vld [tilespmem:$0xE0];
	_ =	sdelay $0x4  }
0x39c: {  	s21 =	simm.s32 $0x6FE2;
	[tilespmem:$0x180] =	vst v11  }
0x39d: {  	s0 =	simm.s32 $0x16E0;
	v11 =	vld.msk [tilespmem:s21+$0x1 ss:$0x0], $0xffff  }
0x39e: {  	v13 =	vld [tilespmem:s0+$0xF0]  }
0x39f: {  	v12 =	vld.msk [tilespmem:s21+$0xFFFFFFFE ss:$0x0], $0xffff  }
0x3a0: {  	v14 =	vld.msk [tilespmem:s21+$0xFFFFFFFF ss:$0x0], $0xffff  }
0x3a1: {  	v15 =	vld [tilespmem:s0+$0xFFFFFF10]  }
0x3a2: {  	v16 =	vld [tilespmem:s0+$0xFFFFFF20]  }
0x3a3: {  	v20 =	vld [tilespmem:s0+$0xFFFFFF60]  }
0x3a4: {  	v21 =	vld [tilespmem:s0+$0xFFFFFF70]  }
0x3a5: {  	v17 =	vld [tilespmem:s0+$0xFFFFFF30]  }
0x3a6: {  	v18 =	vld [tilespmem:s0+$0xFFFFFF40];
	v13 =	vmul.f32 v13, v11  }
0x3a7: {  	v19 =	vld [tilespmem:s0+$0xFFFFFF50];
	v15 =	vmul.f32 v15, v12  }
0x3a8: {  	v22 =	vld [tilespmem:s0+$0xFFFFFF80];
	v20 =	vmul.f32 v20, v12;
	[tilespmem:s0+$0xF0] =	vst v13  }
0x3a9: {  	v60 =	vld [tilespmem:s0+$0xFFFFFFD0];
	v21 =	vmul.f32 v21, v12;
	[tilespmem:s0+$0xFFFFFF10] =	vst v15  }
0x3aa: {  	v13 =	vmul.f32 v16, v12;
	v16 =	vld [tilespmem:s0+$0xFFFFFF90];
	[tilespmem:s0+$0xFFFFFF60] =	vst v20  }
0x3ab: {  	v15 =	vmul.f32 v17, v12;
	v17 =	vld [tilespmem:s0+$0xFFFFFFA0];
	[tilespmem:s0+$0xFFFFFF70] =	vst v21  }
0x3ac: {  	[tilespmem:s0+$0xFFFFFF20] =	vst v13;
	v13 =	vmul.f32 v18, v12;
	v18 =	vld [tilespmem:s0+$0xFFFFFFB0]  }
0x3ad: {  	[tilespmem:s0+$0xFFFFFF30] =	vst v15;
	v15 =	vmul.f32 v19, v12;
	v19 =	vld [tilespmem:s0+$0xFFFFFFC0]  }
0x3ae: {  	v61 =	vld [tilespmem:s0+$0x0];
	[tilespmem:s0+$0xFFFFFF40] =	vst v13;
	v13 =	vmul.f32 v14, v22  }
0x3af: {  	[tilespmem:s0+$0xFFFFFF50] =	vst v15;
	v15 =	vld [tilespmem:s0+$0xFFFFFFE0];
	v16 =	vmul.f32 v16, v14  }
0x3b0: {  	v20 =	vld [tilespmem:s0+$0xFFFFFFF0];
	v17 =	vmul.f32 v17, v14;
	[tilespmem:s0+$0xFFFFFF80] =	vst v13  }
0x3b1: {  	v13 =	vld.msk [tilespmem:s21+$0x0 ss:$0x0], $0xffff;
	[tilespmem:s0+$0xFFFFFF90] =	vst v16;
	v16 =	vmul.f32 v18, v14  }
0x3b2: {  	v18 =	vld [tilespmem:s0+$0x10];
	[tilespmem:s0+$0xFFFFFFA0] =	vst v17;
	v17 =	vmul.f32 v19, v14  }
0x3b3: {  	v19 =	vld [tilespmem:s0+$0x20];
	[tilespmem:s0+$0xFFFFFFB0] =	vst v16;
	v16 =	vmul.f32 v60, v14  }
0x3b4: {  	v62 =	vld [tilespmem:s0+$0x30];
	[tilespmem:s0+$0xFFFFFFC0] =	vst v17;
	v15 =	vmul.f32 v15, v14  }
0x3b5: {  	v17 =	vld [tilespmem:s0+$0x40];
	v14 =	vmul.f32 v20, v14;
	[tilespmem:s0+$0xFFFFFFD0] =	vst v16  }
0x3b6: {  	v63 =	vld [tilespmem:s0+$0x50];
	v16 =	vmul.f32 v13, v61;
	[tilespmem:s0+$0xFFFFFFE0] =	vst v15  }
0x3b7: {  	v15 =	vld [tilespmem:s0+$0x60];
	[tilespmem:s0+$0xFFFFFFF0] =	vst v14;
	v18 =	vmul.f32 v18, v13  }
0x3b8: {  	v14 =	vmul.f32 v19, v13;
	v19 =	vld [tilespmem:s0+$0x80];
	[tilespmem:s0+$0x0] =	vst v16  }
0x3b9: {  	v16 =	vld [tilespmem:s0+$0x70];
	[tilespmem:s0+$0x10] =	vst v18;
	v18 =	vmul.f32 v62, v13  }
0x3ba: {  	[tilespmem:s0+$0x20] =	vst v14;
	v14 =	vmul.f32 v17, v13  }
0x3bb: {  	[tilespmem:s0+$0x30] =	vst v18;
	v18 =	vmul.f32 v63, v13  }
0x3bc: {  	v17 =	vld [tilespmem:s0+$0x90];
	[tilespmem:s0+$0x40] =	vst v14;
	v15 =	vmul.f32 v15, v13  }
0x3bd: {  	v20 =	vld [tilespmem:s0+$0xA0];
	v19 =	vmul.f32 v11, v19;
	[tilespmem:s0+$0x50] =	vst v18  }
0x3be: {  	v14 =	vld [tilespmem:s0+$0xB0];
	v16 =	vmul.f32 v16, v13;
	[tilespmem:s0+$0x60] =	vst v15  }
0x3bf: {  	v13 =	vld [tilespmem:s0+$0xC0];
	[tilespmem:s0+$0x80] =	vst v19  }
0x3c0: {  	v15 =	vld [tilespmem:s0+$0xD0];
	[tilespmem:s0+$0x70] =	vst v16  }
0x3c1: {  	s3 =	simm.s32 $0x6FE6;
	v18 =	vmul.f32 v17, v11;
	v16 =	vld [tilespmem:s0+$0xE0];
	s15 =	rddreg [dreg:$0x5]  }
0x3c2: {  	s4 =	simm.s32 $0x16E0;
	s1 =	simm.s32 $0x0;
	v17 =	vld [tilespmem:s0+$0xFFFFFF00];
	v19 =	vmul.f32 v20, v11;
	s21 =	rddreg [dreg:$0x6]  }
.LBB2_14:
0x3c3: {  	v20 =	vld.msk [tilespmem:s3+$0x1 ss:$0x0], $0xffff;
	s1 =	sadd.s32 $0x4, s1;
	[tilespmem:s0+$0x90] =	vst v18;
	v14 =	vmul.f32 v14, v11;
	s4 =	sadd.s32 $0x200, s4  }
0x3c4: {  	v18 =	vld [tilespmem:s4+$0xF0];
	p0 =	slt.u32 s1, $0x4C;
	[tilespmem:s0+$0xA0] =	vst v19;
	v13 =	vmul.f32 v13, v11  }
0x3c5: {  	v19 =	vld.msk [tilespmem:s3+$0xFFFFFFFE ss:$0x0], $0xffff;
	[tilespmem:s0+$0xB0] =	vst v14;
	v14 =	vmul.f32 v15, v11  }
0x3c6: {  	v15 =	vld.msk [tilespmem:s3+$0xFFFFFFFF ss:$0x0], $0xffff;
	[tilespmem:s0+$0xC0] =	vst v13;
	v21 =	vmul.f32 v16, v11  }
0x3c7: {  	v13 =	vld.msk [tilespmem:s3+$0x0 ss:$0x0], $0xffff;
	v12 =	vmul.f32 v12, v17;
	[tilespmem:s0+$0xD0] =	vst v14  }
0x3c8: {  	v14 =	vld [tilespmem:s4+$0xFFFFFF10];
	[tilespmem:s0+$0xE0] =	vst v21  }
0x3c9: {  	v11 =	vmov v20;
	v16 =	vld [tilespmem:s4+$0xFFFFFF20];
	v17 =	vmul.f32 v18, v20;
	[tilespmem:s0+$0xFFFFFF00] =	vst v12;
	s0 =	smov.u32 s4  }
0x3ca: {  	v18 =	vld [tilespmem:s4+$0xFFFFFF30]  }
0x3cb: {  	v20 =	vld [tilespmem:s4+$0xFFFFFF40];
	[tilespmem:s4+$0xF0] =	vst v17;
	v12 =	vmov v19  }
0x3cc: {  	v17 =	vld [tilespmem:s4+$0xFFFFFF50]  }
0x3cd: {  	v14 =	vmul.f32 v14, v12;
	v19 =	vld [tilespmem:s4+$0xFFFFFF60]  }
0x3ce: {  	v16 =	vmul.f32 v16, v12;
	v21 =	vld [tilespmem:s4+$0xFFFFFF70]  }
0x3cf: {  	[tilespmem:s4+$0xFFFFFF10] =	vst v14;
	v14 =	vmul.f32 v18, v12;
	v18 =	vld [tilespmem:s4+$0xFFFFFF80]  }
0x3d0: {  	[tilespmem:s4+$0xFFFFFF20] =	vst v16;
	v16 =	vmul.f32 v20, v12;
	v20 =	vld [tilespmem:s4+$0xFFFFFF90]  }
0x3d1: {  	[tilespmem:s4+$0xFFFFFF30] =	vst v14;
	v14 =	vmul.f32 v17, v12;
	v17 =	vld [tilespmem:s4+$0xFFFFFFA0]  }
0x3d2: {  	[tilespmem:s4+$0xFFFFFF40] =	vst v16;
	v16 =	vmul.f32 v19, v12;
	v19 =	vld [tilespmem:s4+$0xFFFFFFB0]  }
0x3d3: {  	[tilespmem:s4+$0xFFFFFF50] =	vst v14;
	v14 =	vmul.f32 v21, v12;
	v21 =	vld [tilespmem:s4+$0xFFFFFFC0]  }
0x3d4: {  	[tilespmem:s4+$0xFFFFFF60] =	vst v16;
	v16 =	vmul.f32 v15, v18;
	v18 =	vld [tilespmem:s4+$0xFFFFFFD0]  }
0x3d5: {  	[tilespmem:s4+$0xFFFFFF70] =	vst v14;
	v14 =	vmul.f32 v20, v15;
	v20 =	vld [tilespmem:s4+$0xFFFFFFE0]  }
0x3d6: {  	[tilespmem:s4+$0xFFFFFF80] =	vst v16;
	v16 =	vmul.f32 v17, v15;
	v17 =	vld [tilespmem:s4+$0xFFFFFFF0]  }
0x3d7: {  	[tilespmem:s4+$0xFFFFFF90] =	vst v14;
	v14 =	vmul.f32 v19, v15;
	v19 =	vld [tilespmem:s4+$0x0]  }
0x3d8: {  	[tilespmem:s4+$0xFFFFFFA0] =	vst v16;
	v16 =	vmul.f32 v21, v15;
	v21 =	vld [tilespmem:s4+$0x10]  }
0x3d9: {  	[tilespmem:s4+$0xFFFFFFB0] =	vst v14;
	v14 =	vmul.f32 v18, v15;
	v18 =	vld [tilespmem:s4+$0x20]  }
0x3da: {  	[tilespmem:s4+$0xFFFFFFC0] =	vst v16;
	v16 =	vmul.f32 v20, v15;
	v20 =	vld [tilespmem:s4+$0x30]  }
0x3db: {  	[tilespmem:s4+$0xFFFFFFD0] =	vst v14;
	v14 =	vmul.f32 v17, v15;
	v15 =	vld [tilespmem:s4+$0x40]  }
0x3dc: {  	[tilespmem:s4+$0xFFFFFFE0] =	vst v16;
	v16 =	vmul.f32 v13, v19;
	v17 =	vld [tilespmem:s4+$0x50]  }
0x3dd: {  	[tilespmem:s4+$0xFFFFFFF0] =	vst v14;
	v14 =	vmul.f32 v21, v13;
	v19 =	vld [tilespmem:s4+$0x60]  }
0x3de: {  	[tilespmem:s4+$0x0] =	vst v16;
	v16 =	vmul.f32 v18, v13;
	v18 =	vld [tilespmem:s4+$0x70]  }
0x3df: {  	[tilespmem:s4+$0x10] =	vst v14;
	v14 =	vmul.f32 v20, v13;
	v20 =	vld [tilespmem:s4+$0x80]  }
0x3e0: {  	[tilespmem:s4+$0x20] =	vst v16;
	v15 =	vmul.f32 v15, v13;
	v16 =	vld [tilespmem:s4+$0x90]  }
0x3e1: {  	[tilespmem:s4+$0x30] =	vst v14;
	v17 =	vmul.f32 v17, v13;
	v21 =	vld [tilespmem:s4+$0xA0]  }
.Ltmp6:
0x3e2: {  	[tilespmem:s4+$0x40] =	vst v15;
	v15 =	vmul.f32 v19, v13;
	v14 =	vld [tilespmem:s4+$0xB0];
	(pc) =	sbr.rel @p0 .LBB2_14-.Ltmp6, $4  }
0x3e3: {  	[tilespmem:s4+$0x50] =	vst v17;
	v17 =	vmul.f32 v18, v13;
	v13 =	vld [tilespmem:s4+$0xC0]  }
0x3e4: {  	[tilespmem:s4+$0x60] =	vst v15;
	v19 =	vmul.f32 v11, v20;
	v15 =	vld [tilespmem:s4+$0xD0]  }
0x3e5: {  	[tilespmem:s4+$0x70] =	vst v17;
	v18 =	vmul.f32 v16, v11;
	v16 =	vld [tilespmem:s4+$0xE0]  }
0x3e6: {  	s3 =	sadd.s32 $0x4, s3;
	v17 =	vld [tilespmem:s4+$0xFFFFFF00];
	[tilespmem:s4+$0x80] =	vst v19;
	v19 =	vmul.f32 v21, v11  }
0x3e7: {  	[tilespmem:s0+$0x90] =	vst v18;
	v14 =	vmul.f32 v14, v11  }
0x3e8: {  	[tilespmem:s0+$0xA0] =	vst v19;
	v13 =	vmul.f32 v13, v11  }
0x3e9: {  	[tilespmem:s0+$0xB0] =	vst v14;
	v63 =	vmul.f32 v15, v11  }
0x3ea: {  	[tilespmem:s0+$0xC0] =	vst v13;
	v11 =	vmul.f32 v16, v11  }
0x3eb: {  	v12 =	vmul.f32 v12, v17;
	[tilespmem:s0+$0xD0] =	vst v63  }
0x3ec: {  	[tilespmem:s0+$0xE0] =	vst v11  }
0x3ed: {  	s1 =	rddreg [dreg:$0x3];
	[tilespmem:s0+$0xFFFFFF00] =	vst v12  }
0x3ee: {  	[spmem:s1] =	stream.indirect.scatter.add.f32 [tilespmem:s16], [sflag:$0x9], $0x10, s30, s18, $0xb8;
	[tilespmem:$0x1D840] =	vst v63  }
0x3ef: {  	s3 =	rddreg [dreg:$0x2]  }
0x3f0: {  	[spmem:s3] =	stream.indirect.scatter.add.f32 [tilespmem:s14], [sflag:$0x9], $0x80, s30, s18, $0xb8;
	[tilespmem:$0x1D840] =	vst v63  }
0x3f1: {  	_ =	swait.ge [sflag:s2], $0x500  }
0x3f2: {  	[sflag:s2] =	ssyncset.done $0x0  }
0x3f3: {  	[sflag:s2] =	ssyncadd.s32 $0xFFFFFB00  }
0x3f4: {  	_ =	swait.ge [sflag:s2], $0x2800  }
0x3f5: {  	[sflag:s2] =	ssyncset.done $0x0  }
0x3f6: {  	[sflag:s2] =	ssyncadd.s32 $0xFFFFD800  }
0x3f7: {  	_ =	swait.ge [sflag:s11], $0x500  }
0x3f8: {  	[sflag:s11] =	ssyncset.done $0x0  }
0x3f9: {  	[sflag:s11] =	ssyncadd.s32 $0xFFFFFB00  }
0x3fa: {  	_ =	swait.ge [sflag:s11], $0x2800  }
0x3fb: {  	[sflag:s11] =	ssyncset.done $0x0  }
0x3fc: {  	s4 =	stileid.u32;
	[sflag:s11] =	ssyncadd.s32 $0xFFFFD800  }
0x3fd: {  	s0 =	sshll.u32 s4, $0x6;
	s4 =	simm.s32 $0xB;
	[bflag:$0x0] =	sbarrier.arrive $0xFFFF  }
0x3fe: {  	s0 =	sor.u32 $0x1C0B, s0;
	s1 =	sshrl.u32 s15, $0x3;
	s3 =	rddreg [dreg:$0x1d]  }
0x3ff: {  	[hbm:s3], [sflag:s0] =	dma.local [spmem:s1], $0x2800  }
0x400: {  	_ =	swait.ge [sflag:s4], $0x2800  }
0x401: {  	[sflag:s4] =	ssyncset.done $0x0  }
0x402: {  	s1 =	sshrl.u32 s21, $0x3;
	s3 =	rddreg [dreg:$0x1e];
	[sflag:s4] =	ssyncadd.s32 $0xFFFFD800  }
0x403: {  	[hbm:s3], [sflag:s0] =	dma.local [spmem:s1], $0x500  }
0x404: {  	_ =	swait.ge [sflag:s4], $0x500  }
0x405: {  	s0 =	sld [smem:$0x7FD];
	_ =	sdelay $0x2  }
0x406: {  	s3 =	rddreg [dreg:$0x1f];
	s1 =	sadd.s32 $0x1, s0  }
0x407: {  	p0 =	sne.s32 s1, s3  }
.Ltmp7:
0x408: {  	_ = 	snop;
	(pc) =	sbr.rel @p0 .LBB2_1-.Ltmp7, $3  }
0x409: {  	_ =	sdelay $0x1  }
0x40a: {  	[sflag:s4] =	ssyncset.done $0x0  }
0x40b: {  	[sflag:s4] =	ssyncadd.s32 $0xFFFFFB00  }
0x40c: {  	_ =	sfence.sel $0x180000  }
0x40d: {  	[bflag:$0x0] =	sbarrier.arrive $0xFFFF  }
0x40e: {  	_ =	strace $0x90000047  }
0x40f: {  	s0 =	stileid.u32;
	[bflag:$0x2] =	sbarrier.arrive $0xFFFF  }
0x410: {  	p0 =	sne.s32 s0, $0x0;
	s0 =	rddreg [dreg:$0x4]  }
0x411: {  	s0 =	sadd.s32 @!p0 $0x100000, s0  }
0x412: {  	[sflag:s0] =	ssyncadd.tile.s32 @!p0 $0x1;
	_ =	shalt  }
.Lfunc_end2:
_tile_overlayer_lowered:
.L_overlay_start_2:
0x413: {  	(tag) =	ssettag $0x2  }
0x414: {  	s0 =	rddreg [dreg:$0x0];
	s2 =	stileid.u32  }
0x415: {  	s1 =	rddreg [dreg:$0x1];
	p0 =	sne.s32 s2, $0x0  }
0x416: {  	s3 =	rddreg [dreg:$0x2];
	[bflag:$0x3] =	sbarrier.arrive $0xFFFF;
	s2 =	simm.s32 @!p0 $0x1C0B  }
0x417: {  	[timem:s3], [sflag:s2] =	dma.local @!p0 [hbm:s0], s1  }
0x418: {  	s0 =	simm.s32 @!p0 $0xB  }
0x419: {  	_ =	swait.ge @!p0 [sflag:s0], s1  }
0x41a: {  	s1 =	ssub.s32 @!p0 $0x0, s1;
	[sflag:s0] =	ssyncset.done @!p0 $0x0  }
0x41b: {  	[sflag:s0] =	ssyncadd.s32 @!p0 s1  }
0x41c: {  	[bflag:$0x3] =	sbarrier.arrive $0xFFFF  }
0x41d: {  	_ =	shalt  }

</sc_bundles>
